<compile_context>
chip_gen: v7x
topology: tpu7x:2x2x1
jax: 0.10.2.dev20260603
libtpu: 0.0.44.dev20260713+nightly
codegen_flags: <defaults>
</compile_context>

<pallas_src>
import jax
import jax.numpy as jnp
from jax import lax
from jax.experimental import pallas as pl
from jax.experimental.pallas import tpu as pltpu
from jax.experimental.pallas import tpu_sc as plsc

N_NODES = 10000
N_EDGES = 320000
D = 128

NC = 2
NS = 16
L = 16
NW = NC * NS

NPAD = 10240
EPW = N_EDGES // NW
CH = 80
NCH = EPW // CH
SB = 5
SCH = NCH // SB

_i32 = jnp.int32
_f32 = jnp.float32


def _s1_body(zr_ref, dst_ref, ew_ref, deg_ref, deg1, dst2, ew2):
    c = lax.axis_index("c")
    s = lax.axis_index("s")
    wid = s * NC + c

    pltpu.sync_copy(zr_ref, deg1.at[pl.ds(s * 640, 640)])

    pltpu.sync_copy(dst_ref.at[wid], dst2)
    pltpu.sync_copy(ew_ref.at[wid], ew2)
    plsc.subcore_barrier()

    @pl.loop(0, NCH)
    def _(j):
        pltpu.sync_copy(ew2.at[j], deg1.at[dst2.at[j]], add=True)

    plsc.subcore_barrier()

    pltpu.sync_copy(deg1.at[pl.ds(s * 640, 640)],
                    deg_ref.at[pl.ds(c * NPAD + s * 640, 640)])


def _make_s1():
    mesh = plsc.VectorSubcoreMesh(core_axis_name="c", subcore_axis_name="s",
                                  num_cores=NC, num_subcores=NS)
    return pl.kernel(
        _s1_body,
        out_type=jax.ShapeDtypeStruct((NC * NPAD,), _f32),
        mesh=mesh,
        compiler_params=pltpu.CompilerParams(needs_layout_passes=False),
        scratch_types=[
            pltpu.VMEM_SHARED((NPAD,), _f32),
            pltpu.VMEM((NCH, CH), _i32),
            pltpu.VMEM((NCH, CH), _f32),
        ],
    )


def _t0_body(deg_ref, dinv_ref):
    deg = deg_ref[pl.ds(0, NPAD)] + deg_ref[pl.ds(NPAD, NPAD)]
    dinv_ref[...] = jnp.where(deg > 0.0, lax.rsqrt(deg), 0.0)


def _t0(deg):
    return pl.pallas_call(
        _t0_body,
        out_shape=jax.ShapeDtypeStruct((NPAD,), _f32),
    )(deg)


def _s2_body(zr_ref, y_ref, src_ref, dst_ref, ew_ref, acc_ref,
             acc_s, src2, dst2, c2, cbuf,
             rows0, rows1, rows2, g0, g1, g2, s0, s1, s2):
    c = lax.axis_index("c")
    s = lax.axis_index("s")
    wid = s * NC + c
    bufs = (rows0, rows1, rows2)
    gsems = (g0, g1, g2)
    ssems = (s0, s1, s2)

    pltpu.sync_copy(zr_ref, acc_s.at[pl.ds(s * 640, 640)])
    plsc.subcore_barrier()

    zeros_i = jnp.zeros((L,), _i32)

    H = CH // 2

    def gstart(j, b):
        pltpu.async_copy(y_ref.at[src2.at[j, pl.ds(0, H)]],
                         bufs[b].at[pl.ds(0, H)], gsems[b])
        pltpu.async_copy(y_ref.at[src2.at[j, pl.ds(H, H)]],
                         bufs[b].at[pl.ds(H, H)], gsems[b], priority=1)

    def gwait(b):
        pltpu.make_async_copy(y_ref.at[src2.at[0, pl.ds(0, H)]],
                              bufs[b].at[pl.ds(0, H)], gsems[b]).wait()
        pltpu.make_async_copy(y_ref.at[src2.at[0, pl.ds(H, H)]],
                              bufs[b].at[pl.ds(H, H)], gsems[b]).wait()

    def sstart(j, b):
        pltpu.async_copy(bufs[b], acc_s.at[dst2.at[j]], ssems[b], add=True,
                         priority=1)

    def swait(b):
        pltpu.make_async_copy(bufs[b], acc_s.at[dst2.at[0]], ssems[b]).wait()

    def scale(j, b):
        buf = bufs[b]
        for m in range(CH // L):
            sl = pl.ds(m * L, L)
            cbuf[sl] = c2[j, sl]

        @plsc.parallel_loop(0, CH, unroll=2)
        def _(e):
            cv = plsc.load_gather(cbuf, [zeros_i + e])
            for f in range(D // L):
                sl = pl.ds(f * L, L)
                buf[e, sl] = buf[e, sl] * cv

    @pl.loop(0, SB)
    def _(sb):
        pltpu.sync_copy(src_ref.at[wid, sb], src2)
        pltpu.sync_copy(dst_ref.at[wid, sb], dst2)
        pltpu.sync_copy(ew_ref.at[wid, sb], c2)

        gstart(0, 0)

        @pl.loop(0, (SCH - 1) // 3)
        def _(i):
            for p in range(3):
                j = 3 * i + p
                b1 = (p + 1) % 3
                if p < 2:
                    @pl.when(i > 0)
                    def _():
                        swait(b1)
                else:
                    swait(b1)
                gstart(j + 1, b1)
                gwait(p)
                scale(j, p)
                sstart(j, p)

        gwait(0)
        scale(SCH - 1, 0)
        sstart(SCH - 1, 0)
        swait(1)
        swait(2)
        swait(0)

    plsc.subcore_barrier()

    pltpu.sync_copy(acc_s.at[pl.ds(s * 640, 640)],
                    acc_ref.at[c, pl.ds(s * 640, 640)])


def _make_s2():
    mesh = plsc.VectorSubcoreMesh(core_axis_name="c", subcore_axis_name="s",
                                  num_cores=NC, num_subcores=NS)
    return pl.kernel(
        _s2_body,
        out_type=jax.ShapeDtypeStruct((NC, NPAD, D), _f32),
        mesh=mesh,
        compiler_params=pltpu.CompilerParams(needs_layout_passes=False),
        scratch_types=[
            pltpu.VMEM_SHARED((NPAD, D), _f32),
            pltpu.VMEM((SCH, CH), _i32),
            pltpu.VMEM((SCH, CH), _i32),
            pltpu.VMEM((SCH, CH), _f32),
            pltpu.VMEM((CH,), _f32),
            pltpu.VMEM((CH, D), _f32),
            pltpu.VMEM((CH, D), _f32),
            pltpu.VMEM((CH, D), _f32),
            pltpu.SemaphoreType.DMA,
            pltpu.SemaphoreType.DMA,
            pltpu.SemaphoreType.DMA,
            pltpu.SemaphoreType.DMA,
            pltpu.SemaphoreType.DMA,
            pltpu.SemaphoreType.DMA,
        ],
    )


_BLK = 1000


def _t1_body(x_ref, w_ref, dv_ref, y_ref):
    y_ref[...] = (
        jnp.dot(x_ref[...], w_ref[...], preferred_element_type=_f32)
        * dv_ref[...]
    )


def _t1(x, w, dv2):
    return pl.pallas_call(
        _t1_body,
        grid=(N_NODES // _BLK,),
        in_specs=[
            pl.BlockSpec((_BLK, D), lambda i: (i, 0)),
            pl.BlockSpec((D, D), lambda i: (0, 0)),
            pl.BlockSpec((_BLK, 1), lambda i: (i, 0)),
        ],
        out_specs=pl.BlockSpec((_BLK, D), lambda i: (i, 0)),
        out_shape=jax.ShapeDtypeStruct((N_NODES, D), _f32),
    )(x, w, dv2)


def _t2_body(acc_ref, b_ref, w_ref, dv_ref, y_ref):
    h = jnp.maximum((acc_ref[0] + acc_ref[1]) * dv_ref[...] + b_ref[...], 0.0)
    y_ref[...] = (
        jnp.dot(h, w_ref[...], preferred_element_type=_f32) * dv_ref[...]
    )


def _t2(acc, b, w, dv2):
    return pl.pallas_call(
        _t2_body,
        grid=(N_NODES // _BLK,),
        in_specs=[
            pl.BlockSpec((NC, _BLK, D), lambda i: (0, i, 0)),
            pl.BlockSpec((1, D), lambda i: (0, 0)),
            pl.BlockSpec((D, D), lambda i: (0, 0)),
            pl.BlockSpec((_BLK, 1), lambda i: (i, 0)),
        ],
        out_specs=pl.BlockSpec((_BLK, D), lambda i: (i, 0)),
        out_shape=jax.ShapeDtypeStruct((N_NODES, D), _f32),
    )(acc, b.reshape(1, D), w, dv2)


def _t3_body(acc_ref, b_ref, dv_ref, y_ref):
    y_ref[...] = (acc_ref[0] + acc_ref[1]) * dv_ref[...] + b_ref[...]


def _t3(acc, b, dv2):
    return pl.pallas_call(
        _t3_body,
        grid=(N_NODES // _BLK,),
        in_specs=[
            pl.BlockSpec((NC, _BLK, D), lambda i: (0, i, 0)),
            pl.BlockSpec((1, D), lambda i: (0, 0)),
            pl.BlockSpec((_BLK, 1), lambda i: (i, 0)),
        ],
        out_specs=pl.BlockSpec((_BLK, D), lambda i: (i, 0)),
        out_shape=jax.ShapeDtypeStruct((N_NODES, D), _f32),
    )(acc, b.reshape(1, D), dv2)


@jax.jit
def kernel(x, edge_index, edge_weight, W1, b1, W2, b2):
    ei = edge_index.astype(_i32)
    src = ei[0]
    dst = ei[1]
    ew = edge_weight.astype(_f32)

    dst_r = dst.reshape(NW, NCH, CH)
    ew_r = ew.reshape(NW, NCH, CH)
    src_r4 = src.reshape(NW, SB, SCH, CH)
    dst_r4 = dst.reshape(NW, SB, SCH, CH)
    ew_r4 = ew.reshape(NW, SB, SCH, CH)

    s1 = _make_s1()
    s2 = _make_s2()

    zr1 = jnp.zeros((640,), _f32)
    zr2 = jnp.zeros((640, D), _f32)

    dinv = _t0(s1(zr1, dst_r, ew_r))
    dv2 = dinv[:, None]
    y1 = _t1(x, W1, dv2)
    acc1 = s2(zr2, y1, src_r4, dst_r4, ew_r4)
    y2 = _t2(acc1, b1, W2, dv2)
    acc2 = s2(zr2, y2, src_r4, dst_r4, ew_r4)
    return _t3(acc2, b2, dv2)

# --- scband reference (transcript-rebuilt; emitter-appended) ---
"""Pipeline reference for scband-gcnencoder-15771119911601 (READ-ONLY COPY).

The authoritative reference and input builder live on the scoring server;
editing this copy changes nothing except your own understanding.
"""

import jax, jax.numpy as jnp
import numpy as np

N_NODES = 10000
N_EDGES = 320000
D_IN = 128
D_HID = 128
D_OUT = 128


def setup_inputs(seed: int = 0) -> dict:
    key = jax.random.key(seed)
    k1, k2, k3, k4, k5, k6 = jax.random.split(key, 6)
    x = jax.random.normal(k1, (N_NODES, D_IN), dtype=jnp.float32)
    edge_index = jax.random.randint(k2, (2, N_EDGES), 0, N_NODES, dtype=jnp.int64)
    edge_weight = jax.random.uniform(k3, (N_EDGES,), dtype=jnp.float32)
    # learned params (Glorot-ish init)
    W1 = jax.random.normal(k4, (D_IN, D_HID), dtype=jnp.float32) * (1.0 / np.sqrt(D_IN))
    b1 = jnp.zeros((D_HID,), dtype=jnp.float32)
    W2 = jax.random.normal(k5, (D_HID, D_OUT), dtype=jnp.float32) * (1.0 / np.sqrt(D_HID))
    b2 = jnp.zeros((D_OUT,), dtype=jnp.float32)
    return {"x": x, "edge_index": edge_index, "edge_weight": edge_weight,
            "W1": W1, "b1": b1, "W2": W2, "b2": b2}


def _gcn_conv(x, src, dst, edge_weight, W, b, n_nodes):
    # gcn_norm with add_self_loops=False:
    # deg computed by scatter-add of edge_weight onto dst nodes
    deg = jnp.zeros((n_nodes,), dtype=x.dtype).at[dst].add(edge_weight)
    deg_inv_sqrt = jnp.where(deg > 0, deg ** -0.5, 0.0)
    norm = deg_inv_sqrt[src] * edge_weight * deg_inv_sqrt[dst]
    # linear transform then message passing (gather from src, scatter-add to dst)
    xw = x @ W
    msg = xw[src] * norm[:, None]
    out = jnp.zeros((n_nodes, W.shape[1]), dtype=x.dtype).at[dst].add(msg)
    return out + b


def reference(x, edge_index, edge_weight, W1, b1, W2, b2):
    # eval mode: dropout(p=0.5, training=False) is identity
    src = edge_index[0]
    dst = edge_index[1]
    h = _gcn_conv(x, src, dst, edge_weight, W1, b1, N_NODES)
    h = jax.nn.relu(h)
    out = _gcn_conv(h, src, dst, edge_weight, W2, b2, N_NODES)
    return out

if __name__ == "__main__":
    import jax
    _d = setup_inputs()
    print(jax.jit(kernel)(*tuple(_d.values())))

</pallas_src>

<mosaic_0001>
#map = affine_map<(d0, d1) -> (0, 0)>
#map1 = affine_map<(d0, d1) -> (0, 0, 0, 0)>
#map2 = affine_map<(d0, d1) -> (0, 0, 0)>
module attributes {stable_mosaic.version = 14 : i64} {
  func.func @_s2_body(%arg0: i32, %arg1: i32, %arg2: memref<640x128xf32, #tpu.memory_space<hbm>>, %arg3: memref<10000x128xf32, #tpu.memory_space<hbm>>, %arg4: memref<32x5x25x80xi32, #tpu.memory_space<hbm>>, %arg5: memref<32x5x25x80xi32, #tpu.memory_space<hbm>>, %arg6: memref<32x5x25x80xf32, #tpu.memory_space<hbm>>, %arg7: memref<2x10240x128xf32, #tpu.memory_space<hbm>>, %arg8: memref<10240x128xf32, #tpu.memory_space<vmem_shared>>, %arg9: memref<25x80xi32, #tpu.memory_space<vmem>>, %arg10: memref<25x80xi32, #tpu.memory_space<vmem>>, %arg11: memref<25x80xf32, #tpu.memory_space<vmem>>, %arg12: memref<80xf32, #tpu.memory_space<vmem>>, %arg13: memref<80x128xf32, #tpu.memory_space<vmem>>, %arg14: memref<80x128xf32, #tpu.memory_space<vmem>>, %arg15: memref<80x128xf32, #tpu.memory_space<vmem>>, %arg16: memref<!tpu.dma_semaphore, #tpu.memory_space<semaphore_mem>>, %arg17: memref<!tpu.dma_semaphore, #tpu.memory_space<semaphore_mem>>, %arg18: memref<!tpu.dma_semaphore, #tpu.memory_space<semaphore_mem>>, %arg19: memref<!tpu.dma_semaphore, #tpu.memory_space<semaphore_mem>>, %arg20: memref<!tpu.dma_semaphore, #tpu.memory_space<semaphore_mem>>, %arg21: memref<!tpu.dma_semaphore, #tpu.memory_space<semaphore_mem>>) attributes {dimension_semantics = [#tpu.dimension_semantics<core_parallel>, #tpu.dimension_semantics<subcore_parallel>], iteration_bounds = array<i64: 2, 16>, scalar_prefetch = 0 : i64, scratch_operands = 14 : i64, tpu.core_type = #tpu.core_type<sc_vector_subcore>, window_params = [{transform_indices = #map}, {transform_indices = #map}, {transform_indices = #map1}, {transform_indices = #map1}, {transform_indices = #map1}, {transform_indices = #map2}]} {
    %mul3A = arith.constant 2 : i32
    %mul3A_0 = arith.muli %arg1, %mul3A : i32
    %add3A = arith.addi %mul3A_0, %arg0 : i32
    %mul3A_1 = arith.constant 640 : i32
    %mul3A_2 = arith.muli %arg1, %mul3A_1 : i32
    "tpu.region"() ({
      %run_scoped3A = tpu.sem_alloc : memref<!tpu.dma_semaphore, #tpu.memory_space<semaphore_mem>>
      %dma_start3A = arith.constant 0 : i32
      %dma_start3A_13 = tpu.memref_slice %arg8[%mul3A_2, %dma_start3A] : memref<10240x128xf32, #tpu.memory_space<vmem_shared>> -> memref<640x128xf32, #tpu.memory_space<vmem_shared>>
      tpu.enqueue_dma source(%arg2 : memref<640x128xf32, #tpu.memory_space<hbm>>) target(%dma_start3A_13 : memref<640x128xf32, #tpu.memory_space<vmem_shared>>) target_semaphore(%run_scoped3A : memref<!tpu.dma_semaphore, #tpu.memory_space<semaphore_mem>>)
      %dma_wait3A = arith.constant 0 : i32
      %dma_wait3A_14 = tpu.memref_slice %arg8[%mul3A_2, %dma_wait3A] : memref<10240x128xf32, #tpu.memory_space<vmem_shared>> -> memref<640x128xf32, #tpu.memory_space<vmem_shared>>
      tpu.wait_dma2 semaphore(%run_scoped3A : memref<!tpu.dma_semaphore, #tpu.memory_space<semaphore_mem>>) src(%arg2 : memref<640x128xf32, #tpu.memory_space<hbm>>) dst(%dma_wait3A_14 : memref<640x128xf32, #tpu.memory_space<vmem_shared>>)
      tpu.yield
    }) : () -> ()
    %barrier3A = arith.constant 0 : index
    tpu.barrier barrier_id(%barrier3A)
    %broadcast_in_dim3A = arith.constant 0 : i32
    %broadcast_in_dim3A_3 = vector.broadcast %broadcast_in_dim3A : i32 to vector<16xi32>
    %scan3A = arith.constant 0 : i32
    %scan3A_4 = arith.constant 5 : i32
    %scan3A_5 = arith.addi %scan3A, %scan3A_4 : i32
    %scan3A_6 = arith.constant 1 : i32
    scf.for %scan3A_13 = %scan3A to %scan3A_5 step %scan3A_6  : i32 {
      %mul3A_14 = arith.constant 1 : i32
      %mul3A_15 = arith.muli %scan3A_13, %mul3A_14 : i32
      %add3A_16 = arith.constant 0 : i32
      %add3A_17 = arith.addi %add3A_16, %mul3A_15 : i32
      "tpu.region"() ({
        %run_scoped3A = tpu.sem_alloc : memref<!tpu.dma_semaphore, #tpu.memory_space<semaphore_mem>>
        %dma_start3A_119 = arith.constant 0 : i32
        %dma_start3A_120 = arith.constant 0 : i32
        %dma_start3A_121 = tpu.memref_slice %arg4[%add3A, %add3A_17, %dma_start3A_119, %dma_start3A_120] : memref<32x5x25x80xi32, #tpu.memory_space<hbm>> -> memref<1x1x25x80xi32, #tpu.memory_space<hbm>>
        %dma_start3A_122 = tpu.memref_squeeze %dma_start3A_121 : memref<1x1x25x80xi32, #tpu.memory_space<hbm>> -> memref<25x80xi32, #tpu.memory_space<hbm>>
        %dma_start3A_123 = arith.constant 0 : i32
        %dma_start3A_124 = arith.constant 0 : i32
        %dma_start3A_125 = tpu.memref_slice %arg4[%add3A, %add3A_17, %dma_start3A_123, %dma_start3A_124] : memref<32x5x25x80xi32, #tpu.memory_space<hbm>> -> memref<1x1x25x80xi32, #tpu.memory_space<hbm>>
        %dma_start3A_126 = tpu.memref_squeeze %dma_start3A_125 : memref<1x1x25x80xi32, #tpu.memory_space<hbm>> -> memref<25x80xi32, #tpu.memory_space<hbm>>
        tpu.enqueue_dma source(%dma_start3A_126 : memref<25x80xi32, #tpu.memory_space<hbm>>) target(%arg9 : memref<25x80xi32, #tpu.memory_space<vmem>>) target_semaphore(%run_scoped3A : memref<!tpu.dma_semaphore, #tpu.memory_space<semaphore_mem>>)
        %dma_wait3A_127 = arith.constant 0 : i32
        %dma_wait3A_128 = arith.constant 0 : i32
        %dma_wait3A_129 = tpu.memref_slice %arg4[%add3A, %add3A_17, %dma_wait3A_127, %dma_wait3A_128] : memref<32x5x25x80xi32, #tpu.memory_space<hbm>> -> memref<1x1x25x80xi32, #tpu.memory_space<hbm>>
        %dma_wait3A_130 = tpu.memref_squeeze %dma_wait3A_129 : memref<1x1x25x80xi32, #tpu.memory_space<hbm>> -> memref<25x80xi32, #tpu.memory_space<hbm>>
        %dma_wait3A_131 = arith.constant 0 : i32
        %dma_wait3A_132 = arith.constant 0 : i32
        %dma_wait3A_133 = tpu.memref_slice %arg4[%add3A, %add3A_17, %dma_wait3A_131, %dma_wait3A_132] : memref<32x5x25x80xi32, #tpu.memory_space<hbm>> -> memref<1x1x25x80xi32, #tpu.memory_space<hbm>>
        %dma_wait3A_134 = tpu.memref_squeeze %dma_wait3A_133 : memref<1x1x25x80xi32, #tpu.memory_space<hbm>> -> memref<25x80xi32, #tpu.memory_space<hbm>>
        tpu.wait_dma2 semaphore(%run_scoped3A : memref<!tpu.dma_semaphore, #tpu.memory_space<semaphore_mem>>) src(%dma_wait3A_134 : memref<25x80xi32, #tpu.memory_space<hbm>>) dst(%arg9 : memref<25x80xi32, #tpu.memory_space<vmem>>)
        tpu.yield
      }) : () -> ()
      "tpu.region"() ({
        %run_scoped3A = tpu.sem_alloc : memref<!tpu.dma_semaphore, #tpu.memory_space<semaphore_mem>>
        %dma_start3A_119 = arith.constant 0 : i32
        %dma_start3A_120 = arith.constant 0 : i32
        %dma_start3A_121 = tpu.memref_slice %arg5[%add3A, %add3A_17, %dma_start3A_119, %dma_start3A_120] : memref<32x5x25x80xi32, #tpu.memory_space<hbm>> -> memref<1x1x25x80xi32, #tpu.memory_space<hbm>>
        %dma_start3A_122 = tpu.memref_squeeze %dma_start3A_121 : memref<1x1x25x80xi32, #tpu.memory_space<hbm>> -> memref<25x80xi32, #tpu.memory_space<hbm>>
        %dma_start3A_123 = arith.constant 0 : i32
        %dma_start3A_124 = arith.constant 0 : i32
        %dma_start3A_125 = tpu.memref_slice %arg5[%add3A, %add3A_17, %dma_start3A_123, %dma_start3A_124] : memref<32x5x25x80xi32, #tpu.memory_space<hbm>> -> memref<1x1x25x80xi32, #tpu.memory_space<hbm>>
        %dma_start3A_126 = tpu.memref_squeeze %dma_start3A_125 : memref<1x1x25x80xi32, #tpu.memory_space<hbm>> -> memref<25x80xi32, #tpu.memory_space<hbm>>
        tpu.enqueue_dma source(%dma_start3A_126 : memref<25x80xi32, #tpu.memory_space<hbm>>) target(%arg10 : memref<25x80xi32, #tpu.memory_space<vmem>>) target_semaphore(%run_scoped3A : memref<!tpu.dma_semaphore, #tpu.memory_space<semaphore_mem>>)
        %dma_wait3A_127 = arith.constant 0 : i32
        %dma_wait3A_128 = arith.constant 0 : i32
        %dma_wait3A_129 = tpu.memref_slice %arg5[%add3A, %add3A_17, %dma_wait3A_127, %dma_wait3A_128] : memref<32x5x25x80xi32, #tpu.memory_space<hbm>> -> memref<1x1x25x80xi32, #tpu.memory_space<hbm>>
        %dma_wait3A_130 = tpu.memref_squeeze %dma_wait3A_129 : memref<1x1x25x80xi32, #tpu.memory_space<hbm>> -> memref<25x80xi32, #tpu.memory_space<hbm>>
        %dma_wait3A_131 = arith.constant 0 : i32
        %dma_wait3A_132 = arith.constant 0 : i32
        %dma_wait3A_133 = tpu.memref_slice %arg5[%add3A, %add3A_17, %dma_wait3A_131, %dma_wait3A_132] : memref<32x5x25x80xi32, #tpu.memory_space<hbm>> -> memref<1x1x25x80xi32, #tpu.memory_space<hbm>>
        %dma_wait3A_134 = tpu.memref_squeeze %dma_wait3A_133 : memref<1x1x25x80xi32, #tpu.memory_space<hbm>> -> memref<25x80xi32, #tpu.memory_space<hbm>>
        tpu.wait_dma2 semaphore(%run_scoped3A : memref<!tpu.dma_semaphore, #tpu.memory_space<semaphore_mem>>) src(%dma_wait3A_134 : memref<25x80xi32, #tpu.memory_space<hbm>>) dst(%arg10 : memref<25x80xi32, #tpu.memory_space<vmem>>)
        tpu.yield
      }) : () -> ()
      "tpu.region"() ({
        %run_scoped3A = tpu.sem_alloc : memref<!tpu.dma_semaphore, #tpu.memory_space<semaphore_mem>>
        %dma_start3A_119 = arith.constant 0 : i32
        %dma_start3A_120 = arith.constant 0 : i32
        %dma_start3A_121 = tpu.memref_slice %arg6[%add3A, %add3A_17, %dma_start3A_119, %dma_start3A_120] : memref<32x5x25x80xf32, #tpu.memory_space<hbm>> -> memref<1x1x25x80xf32, #tpu.memory_space<hbm>>
        %dma_start3A_122 = tpu.memref_squeeze %dma_start3A_121 : memref<1x1x25x80xf32, #tpu.memory_space<hbm>> -> memref<25x80xf32, #tpu.memory_space<hbm>>
        %dma_start3A_123 = arith.constant 0 : i32
        %dma_start3A_124 = arith.constant 0 : i32
        %dma_start3A_125 = tpu.memref_slice %arg6[%add3A, %add3A_17, %dma_start3A_123, %dma_start3A_124] : memref<32x5x25x80xf32, #tpu.memory_space<hbm>> -> memref<1x1x25x80xf32, #tpu.memory_space<hbm>>
        %dma_start3A_126 = tpu.memref_squeeze %dma_start3A_125 : memref<1x1x25x80xf32, #tpu.memory_space<hbm>> -> memref<25x80xf32, #tpu.memory_space<hbm>>
        tpu.enqueue_dma source(%dma_start3A_126 : memref<25x80xf32, #tpu.memory_space<hbm>>) target(%arg11 : memref<25x80xf32, #tpu.memory_space<vmem>>) target_semaphore(%run_scoped3A : memref<!tpu.dma_semaphore, #tpu.memory_space<semaphore_mem>>)
        %dma_wait3A_127 = arith.constant 0 : i32
        %dma_wait3A_128 = arith.constant 0 : i32
        %dma_wait3A_129 = tpu.memref_slice %arg6[%add3A, %add3A_17, %dma_wait3A_127, %dma_wait3A_128] : memref<32x5x25x80xf32, #tpu.memory_space<hbm>> -> memref<1x1x25x80xf32, #tpu.memory_space<hbm>>
        %dma_wait3A_130 = tpu.memref_squeeze %dma_wait3A_129 : memref<1x1x25x80xf32, #tpu.memory_space<hbm>> -> memref<25x80xf32, #tpu.memory_space<hbm>>
        %dma_wait3A_131 = arith.constant 0 : i32
        %dma_wait3A_132 = arith.constant 0 : i32
        %dma_wait3A_133 = tpu.memref_slice %arg6[%add3A, %add3A_17, %dma_wait3A_131, %dma_wait3A_132] : memref<32x5x25x80xf32, #tpu.memory_space<hbm>> -> memref<1x1x25x80xf32, #tpu.memory_space<hbm>>
        %dma_wait3A_134 = tpu.memref_squeeze %dma_wait3A_133 : memref<1x1x25x80xf32, #tpu.memory_space<hbm>> -> memref<25x80xf32, #tpu.memory_space<hbm>>
        tpu.wait_dma2 semaphore(%run_scoped3A : memref<!tpu.dma_semaphore, #tpu.memory_space<semaphore_mem>>) src(%dma_wait3A_134 : memref<25x80xf32, #tpu.memory_space<hbm>>) dst(%arg11 : memref<25x80xf32, #tpu.memory_space<vmem>>)
        tpu.yield
      }) : () -> ()
      %dma_start3A = arith.constant 0 : i32
      %dma_start3A_18 = arith.constant 0 : i32
      %dma_start3A_19 = arith.constant 0 : i32
      %dma_start3A_20 = tpu.memref_slice %arg13[%dma_start3A_18, %dma_start3A_19] : memref<80x128xf32, #tpu.memory_space<vmem>> -> memref<40x128xf32, #tpu.memory_space<vmem>>
      %dma_start3A_21 = arith.constant 0 : i32
      %dma_start3A_22 = tpu.memref_slice %arg9[%dma_start3A, %dma_start3A_21] : memref<25x80xi32, #tpu.memory_space<vmem>> -> memref<1x40xi32, #tpu.memory_space<vmem>>
      %dma_start3A_23 = tpu.memref_squeeze %dma_start3A_22 : memref<1x40xi32, #tpu.memory_space<vmem>> -> memref<40xi32, #tpu.memory_space<vmem>>
      %dma_start3A_24 = arith.constant 0 : i32
      %dma_start3A_25 = arith.constant 0 : i32
      %dma_start3A_26 = tpu.memref_slice %arg3[%dma_start3A_24, %dma_start3A_25] : memref<10000x128xf32, #tpu.memory_space<hbm>> -> memref<10000x128xf32, #tpu.memory_space<hbm>>
      tpu.enqueue_indirect_dma source(%dma_start3A_26 : memref<10000x128xf32, #tpu.memory_space<hbm>>) target(%dma_start3A_20 : memref<40x128xf32, #tpu.memory_space<vmem>>) offsets(%dma_start3A_23 : memref<40xi32, #tpu.memory_space<vmem>>) semaphore(%arg16 : memref<!tpu.dma_semaphore, #tpu.memory_space<semaphore_mem>>)
      %dma_start3A_27 = arith.constant 0 : i32
      %dma_start3A_28 = arith.constant 40 : i32
      %dma_start3A_29 = arith.constant 0 : i32
      %dma_start3A_30 = tpu.memref_slice %arg13[%dma_start3A_28, %dma_start3A_29] : memref<80x128xf32, #tpu.memory_space<vmem>> -> memref<40x128xf32, #tpu.memory_space<vmem>>
      %dma_start3A_31 = arith.constant 40 : i32
      %dma_start3A_32 = tpu.memref_slice %arg9[%dma_start3A_27, %dma_start3A_31] : memref<25x80xi32, #tpu.memory_space<vmem>> -> memref<1x40xi32, #tpu.memory_space<vmem>>
      %dma_start3A_33 = tpu.memref_squeeze %dma_start3A_32 : memref<1x40xi32, #tpu.memory_space<vmem>> -> memref<40xi32, #tpu.memory_space<vmem>>
      %dma_start3A_34 = arith.constant 0 : i32
      %dma_start3A_35 = arith.constant 0 : i32
      %dma_start3A_36 = tpu.memref_slice %arg3[%dma_start3A_34, %dma_start3A_35] : memref<10000x128xf32, #tpu.memory_space<hbm>> -> memref<10000x128xf32, #tpu.memory_space<hbm>>
      tpu.enqueue_indirect_dma source(%dma_start3A_36 : memref<10000x128xf32, #tpu.memory_space<hbm>>) target(%dma_start3A_30 : memref<40x128xf32, #tpu.memory_space<vmem>>) offsets(%dma_start3A_33 : memref<40xi32, #tpu.memory_space<vmem>>) semaphore(%arg16 : memref<!tpu.dma_semaphore, #tpu.memory_space<semaphore_mem>>)
      %scan3A_37 = arith.constant 0 : i32
      %scan3A_38 = arith.constant 8 : i32
      %scan3A_39 = arith.addi %scan3A_37, %scan3A_38 : i32
      %scan3A_40 = arith.constant 1 : i32
      scf.for %scan3A_119 = %scan3A_37 to %scan3A_39 step %scan3A_40  : i32 {
        %mul3A_120 = arith.constant 1 : i32
        %mul3A_121 = arith.muli %scan3A_119, %mul3A_120 : i32
        %add3A_122 = arith.constant 0 : i32
        %add3A_123 = arith.addi %add3A_122, %mul3A_121 : i32
        %mul3A_124 = arith.constant 3 : i32
        %mul3A_125 = arith.muli %mul3A_124, %add3A_123 : i32
        %add3A_126 = arith.constant 0 : i32
        %add3A_127 = arith.addi %mul3A_125, %add3A_126 : i32
        %gt3A = arith.constant 0 : i32
        %gt3A_128 = arith.cmpi sgt, %add3A_123, %gt3A : i32
        %convert_element_type3A = arith.extui %gt3A_128 : i1 to i32
        %cond3A = arith.constant 0 : i32
        %cond3A_129 = arith.cmpi ne, %convert_element_type3A, %cond3A : i32
        scf.if %cond3A_129 {
          %dma_wait3A_372 = arith.constant 0 : i32
          %dma_wait3A_373 = arith.constant 0 : i32
          %dma_wait3A_374 = tpu.memref_slice %arg10[%dma_wait3A_372, %dma_wait3A_373] : memref<25x80xi32, #tpu.memory_space<vmem>> -> memref<1x80xi32, #tpu.memory_space<vmem>>
          %dma_wait3A_375 = tpu.memref_squeeze %dma_wait3A_374 : memref<1x80xi32, #tpu.memory_space<vmem>> -> memref<80xi32, #tpu.memory_space<vmem>>
          %dma_wait3A_376 = arith.constant 0 : i32
          %dma_wait3A_377 = arith.constant 0 : i32
          %dma_wait3A_378 = tpu.memref_slice %arg8[%dma_wait3A_376, %dma_wait3A_377] : memref<10240x128xf32, #tpu.memory_space<vmem_shared>> -> memref<10240x128xf32, #tpu.memory_space<vmem_shared>>
          tpu.wait_indirect_dma semaphore(%arg20 : memref<!tpu.dma_semaphore, #tpu.memory_space<semaphore_mem>>) src(%arg14 : memref<80x128xf32, #tpu.memory_space<vmem>>) dst(%dma_wait3A_378 : memref<10240x128xf32, #tpu.memory_space<vmem_shared>>)
        } else {
        }
        %add3A_130 = arith.constant 1 : i32
        %add3A_131 = arith.addi %add3A_127, %add3A_130 : i32
        %dma_start3A_132 = arith.constant 0 : i32
        %dma_start3A_133 = arith.constant 0 : i32
        %dma_start3A_134 = tpu.memref_slice %arg14[%dma_start3A_132, %dma_start3A_133] : memref<80x128xf32, #tpu.memory_space<vmem>> -> memref<40x128xf32, #tpu.memory_space<vmem>>
        %dma_start3A_135 = arith.constant 0 : i32
        %dma_start3A_136 = tpu.memref_slice %arg9[%add3A_131, %dma_start3A_135] : memref<25x80xi32, #tpu.memory_space<vmem>> -> memref<1x40xi32, #tpu.memory_space<vmem>>
        %dma_start3A_137 = tpu.memref_squeeze %dma_start3A_136 : memref<1x40xi32, #tpu.memory_space<vmem>> -> memref<40xi32, #tpu.memory_space<vmem>>
        %dma_start3A_138 = arith.constant 0 : i32
        %dma_start3A_139 = arith.constant 0 : i32
        %dma_start3A_140 = tpu.memref_slice %arg3[%dma_start3A_138, %dma_start3A_139] : memref<10000x128xf32, #tpu.memory_space<hbm>> -> memref<10000x128xf32, #tpu.memory_space<hbm>>
        tpu.enqueue_indirect_dma source(%dma_start3A_140 : memref<10000x128xf32, #tpu.memory_space<hbm>>) target(%dma_start3A_134 : memref<40x128xf32, #tpu.memory_space<vmem>>) offsets(%dma_start3A_137 : memref<40xi32, #tpu.memory_space<vmem>>) semaphore(%arg17 : memref<!tpu.dma_semaphore, #tpu.memory_space<semaphore_mem>>)
        %dma_start3A_141 = arith.constant 40 : i32
        %dma_start3A_142 = arith.constant 0 : i32
        %dma_start3A_143 = tpu.memref_slice %arg14[%dma_start3A_141, %dma_start3A_142] : memref<80x128xf32, #tpu.memory_space<vmem>> -> memref<40x128xf32, #tpu.memory_space<vmem>>
        %dma_start3A_144 = arith.constant 40 : i32
        %dma_start3A_145 = tpu.memref_slice %arg9[%add3A_131, %dma_start3A_144] : memref<25x80xi32, #tpu.memory_space<vmem>> -> memref<1x40xi32, #tpu.memory_space<vmem>>
        %dma_start3A_146 = tpu.memref_squeeze %dma_start3A_145 : memref<1x40xi32, #tpu.memory_space<vmem>> -> memref<40xi32, #tpu.memory_space<vmem>>
        %dma_start3A_147 = arith.constant 0 : i32
        %dma_start3A_148 = arith.constant 0 : i32
        %dma_start3A_149 = tpu.memref_slice %arg3[%dma_start3A_147, %dma_start3A_148] : memref<10000x128xf32, #tpu.memory_space<hbm>> -> memref<10000x128xf32, #tpu.memory_space<hbm>>
        tpu.enqueue_indirect_dma source(%dma_start3A_149 : memref<10000x128xf32, #tpu.memory_space<hbm>>) target(%dma_start3A_143 : memref<40x128xf32, #tpu.memory_space<vmem>>) offsets(%dma_start3A_146 : memref<40xi32, #tpu.memory_space<vmem>>) semaphore(%arg17 : memref<!tpu.dma_semaphore, #tpu.memory_space<semaphore_mem>>)
        %dma_wait3A_150 = arith.constant 0 : i32
        %dma_wait3A_151 = arith.constant 0 : i32
        %dma_wait3A_152 = arith.constant 0 : i32
        %dma_wait3A_153 = tpu.memref_slice %arg13[%dma_wait3A_151, %dma_wait3A_152] : memref<80x128xf32, #tpu.memory_space<vmem>> -> memref<40x128xf32, #tpu.memory_space<vmem>>
        %dma_wait3A_154 = arith.constant 0 : i32
        %dma_wait3A_155 = tpu.memref_slice %arg9[%dma_wait3A_150, %dma_wait3A_154] : memref<25x80xi32, #tpu.memory_space<vmem>> -> memref<1x40xi32, #tpu.memory_space<vmem>>
        %dma_wait3A_156 = tpu.memref_squeeze %dma_wait3A_155 : memref<1x40xi32, #tpu.memory_space<vmem>> -> memref<40xi32, #tpu.memory_space<vmem>>
        %dma_wait3A_157 = arith.constant 0 : i32
        %dma_wait3A_158 = arith.constant 0 : i32
        %dma_wait3A_159 = tpu.memref_slice %arg3[%dma_wait3A_157, %dma_wait3A_158] : memref<10000x128xf32, #tpu.memory_space<hbm>> -> memref<10000x128xf32, #tpu.memory_space<hbm>>
        tpu.wait_indirect_dma semaphore(%arg16 : memref<!tpu.dma_semaphore, #tpu.memory_space<semaphore_mem>>) src(%dma_wait3A_159 : memref<10000x128xf32, #tpu.memory_space<hbm>>) dst(%dma_wait3A_153 : memref<40x128xf32, #tpu.memory_space<vmem>>)
        %dma_wait3A_160 = arith.constant 0 : i32
        %dma_wait3A_161 = arith.constant 40 : i32
        %dma_wait3A_162 = arith.constant 0 : i32
        %dma_wait3A_163 = tpu.memref_slice %arg13[%dma_wait3A_161, %dma_wait3A_162] : memref<80x128xf32, #tpu.memory_space<vmem>> -> memref<40x128xf32, #tpu.memory_space<vmem>>
        %dma_wait3A_164 = arith.constant 40 : i32
        %dma_wait3A_165 = tpu.memref_slice %arg9[%dma_wait3A_160, %dma_wait3A_164] : memref<25x80xi32, #tpu.memory_space<vmem>> -> memref<1x40xi32, #tpu.memory_space<vmem>>
        %dma_wait3A_166 = tpu.memref_squeeze %dma_wait3A_165 : memref<1x40xi32, #tpu.memory_space<vmem>> -> memref<40xi32, #tpu.memory_space<vmem>>
        %dma_wait3A_167 = arith.constant 0 : i32
        %dma_wait3A_168 = arith.constant 0 : i32
        %dma_wait3A_169 = tpu.memref_slice %arg3[%dma_wait3A_167, %dma_wait3A_168] : memref<10000x128xf32, #tpu.memory_space<hbm>> -> memref<10000x128xf32, #tpu.memory_space<hbm>>
        tpu.wait_indirect_dma semaphore(%arg16 : memref<!tpu.dma_semaphore, #tpu.memory_space<semaphore_mem>>) src(%dma_wait3A_169 : memref<10000x128xf32, #tpu.memory_space<hbm>>) dst(%dma_wait3A_163 : memref<40x128xf32, #tpu.memory_space<vmem>>)
        %get3A_170 = arith.index_cast %add3A_127 : i32 to index
        %get3A_171 = arith.constant 0 : index
        %get3A_172 = tpu.vector_load %arg11[%get3A_170, %get3A_171] {strides = array<i32>} : memref<25x80xf32, #tpu.memory_space<vmem>>, vector<16xf32>,
        %swap3A_173 = arith.constant 0 : index
        %swap3A_174 = tpu.vector_load %arg12[%swap3A_173] {strides = array<i32>} : memref<80xf32, #tpu.memory_space<vmem>>, vector<16xf32>,
        tpu.vector_store %arg12[%swap3A_173], %get3A_172 {strides = array<i32>} : memref<80xf32, #tpu.memory_space<vmem>>, vector<16xf32>,
        %get3A_175 = arith.index_cast %add3A_127 : i32 to index
        %get3A_176 = arith.constant 16 : index
        %get3A_177 = tpu.vector_load %arg11[%get3A_175, %get3A_176] {strides = array<i32>} : memref<25x80xf32, #tpu.memory_space<vmem>>, vector<16xf32>,
        %swap3A_178 = arith.constant 16 : index
        %swap3A_179 = tpu.vector_load %arg12[%swap3A_178] {strides = array<i32>} : memref<80xf32, #tpu.memory_space<vmem>>, vector<16xf32>,
        tpu.vector_store %arg12[%swap3A_178], %get3A_177 {strides = array<i32>} : memref<80xf32, #tpu.memory_space<vmem>>, vector<16xf32>,
        %get3A_180 = arith.index_cast %add3A_127 : i32 to index
        %get3A_181 = arith.constant 32 : index
        %get3A_182 = tpu.vector_load %arg11[%get3A_180, %get3A_181] {strides = array<i32>} : memref<25x80xf32, #tpu.memory_space<vmem>>, vector<16xf32>,
        %swap3A_183 = arith.constant 32 : index
        %swap3A_184 = tpu.vector_load %arg12[%swap3A_183] {strides = array<i32>} : memref<80xf32, #tpu.memory_space<vmem>>, vector<16xf32>,
        tpu.vector_store %arg12[%swap3A_183], %get3A_182 {strides = array<i32>} : memref<80xf32, #tpu.memory_space<vmem>>, vector<16xf32>,
        %get3A_185 = arith.index_cast %add3A_127 : i32 to index
        %get3A_186 = arith.constant 48 : index
        %get3A_187 = tpu.vector_load %arg11[%get3A_185, %get3A_186] {strides = array<i32>} : memref<25x80xf32, #tpu.memory_space<vmem>>, vector<16xf32>,
        %swap3A_188 = arith.constant 48 : index
        %swap3A_189 = tpu.vector_load %arg12[%swap3A_188] {strides = array<i32>} : memref<80xf32, #tpu.memory_space<vmem>>, vector<16xf32>,
        tpu.vector_store %arg12[%swap3A_188], %get3A_187 {strides = array<i32>} : memref<80xf32, #tpu.memory_space<vmem>>, vector<16xf32>,
        %get3A_190 = arith.index_cast %add3A_127 : i32 to index
        %get3A_191 = arith.constant 64 : index
        %get3A_192 = tpu.vector_load %arg11[%get3A_190, %get3A_191] {strides = array<i32>} : memref<25x80xf32, #tpu.memory_space<vmem>>, vector<16xf32>,
        %swap3A_193 = arith.constant 64 : index
        %swap3A_194 = tpu.vector_load %arg12[%swap3A_193] {strides = array<i32>} : memref<80xf32, #tpu.memory_space<vmem>>, vector<16xf32>,
        tpu.vector_store %arg12[%swap3A_193], %get3A_192 {strides = array<i32>} : memref<80xf32, #tpu.memory_space<vmem>>, vector<16xf32>,
        %parallel_loop3A_195 = arith.constant 0 : i32
        %parallel_loop3A_196 = arith.constant 80 : i32
        %parallel_loop3A_197 = arith.constant 1 : i32
        scf.for %parallel_loop3A_372 = %parallel_loop3A_195 to %parallel_loop3A_196 step %parallel_loop3A_197  : i32 {
          %parallel_loop3A_373 = vector.broadcast %parallel_loop3A_372 : i32 to vector<16xi32>
          %parallel_loop3A_374 = arith.addi %broadcast_in_dim3A_3, %parallel_loop3A_373 : vector<16xi32>
          %parallel_loop3A_375 = tpu.vector_load_idx %arg12[%parallel_loop3A_374] : memref<80xf32, #tpu.memory_space<vmem>>[vector<16xi32>], vector<16xf32>,
          %parallel_loop3A_376 = arith.index_cast %parallel_loop3A_372 : i32 to index
          %parallel_loop3A_377 = arith.constant 0 : index
          %parallel_loop3A_378 = tpu.vector_load %arg13[%parallel_loop3A_376, %parallel_loop3A_377] {strides = array<i32>} : memref<80x128xf32, #tpu.memory_space<vmem>>, vector<16xf32>,
          %parallel_loop3A_379 = arith.mulf %parallel_loop3A_378, %parallel_loop3A_375 : vector<16xf32>
          %parallel_loop3A_380 = arith.index_cast %parallel_loop3A_372 : i32 to index
          %parallel_loop3A_381 = arith.constant 0 : index
          %parallel_loop3A_382 = tpu.vector_load %arg13[%parallel_loop3A_380, %parallel_loop3A_381] {strides = array<i32>} : memref<80x128xf32, #tpu.memory_space<vmem>>, vector<16xf32>,
          tpu.vector_store %arg13[%parallel_loop3A_380, %parallel_loop3A_381], %parallel_loop3A_379 {strides = array<i32>} : memref<80x128xf32, #tpu.memory_space<vmem>>, vector<16xf32>,
          %parallel_loop3A_383 = arith.index_cast %parallel_loop3A_372 : i32 to index
          %parallel_loop3A_384 = arith.constant 16 : index
          %parallel_loop3A_385 = tpu.vector_load %arg13[%parallel_loop3A_383, %parallel_loop3A_384] {strides = array<i32>} : memref<80x128xf32, #tpu.memory_space<vmem>>, vector<16xf32>,
          %parallel_loop3A_386 = arith.mulf %parallel_loop3A_385, %parallel_loop3A_375 : vector<16xf32>
          %parallel_loop3A_387 = arith.index_cast %parallel_loop3A_372 : i32 to index
          %parallel_loop3A_388 = arith.constant 16 : index
          %parallel_loop3A_389 = tpu.vector_load %arg13[%parallel_loop3A_387, %parallel_loop3A_388] {strides = array<i32>} : memref<80x128xf32, #tpu.memory_space<vmem>>, vector<16xf32>,
          tpu.vector_store %arg13[%parallel_loop3A_387, %parallel_loop3A_388], %parallel_loop3A_386 {strides = array<i32>} : memref<80x128xf32, #tpu.memory_space<vmem>>, vector<16xf32>,
          %parallel_loop3A_390 = arith.index_cast %parallel_loop3A_372 : i32 to index
          %parallel_loop3A_391 = arith.constant 32 : index
          %parallel_loop3A_392 = tpu.vector_load %arg13[%parallel_loop3A_390, %parallel_loop3A_391] {strides = array<i32>} : memref<80x128xf32, #tpu.memory_space<vmem>>, vector<16xf32>,
          %parallel_loop3A_393 = arith.mulf %parallel_loop3A_392, %parallel_loop3A_375 : vector<16xf32>
          %parallel_loop3A_394 = arith.index_cast %parallel_loop3A_372 : i32 to index
          %parallel_loop3A_395 = arith.constant 32 : index
          %parallel_loop3A_396 = tpu.vector_load %arg13[%parallel_loop3A_394, %parallel_loop3A_395] {strides = array<i32>} : memref<80x128xf32, #tpu.memory_space<vmem>>, vector<16xf32>,
          tpu.vector_store %arg13[%parallel_loop3A_394, %parallel_loop3A_395], %parallel_loop3A_393 {strides = array<i32>} : memref<80x128xf32, #tpu.memory_space<vmem>>, vector<16xf32>,
          %parallel_loop3A_397 = arith.index_cast %parallel_loop3A_372 : i32 to index
          %parallel_loop3A_398 = arith.constant 48 : index
          %parallel_loop3A_399 = tpu.vector_load %arg13[%parallel_loop3A_397, %parallel_loop3A_398] {strides = array<i32>} : memref<80x128xf32, #tpu.memory_space<vmem>>, vector<16xf32>,
          %parallel_loop3A_400 = arith.mulf %parallel_loop3A_399, %parallel_loop3A_375 : vector<16xf32>
          %parallel_loop3A_401 = arith.index_cast %parallel_loop3A_372 : i32 to index
          %parallel_loop3A_402 = arith.constant 48 : index
          %parallel_loop3A_403 = tpu.vector_load %arg13[%parallel_loop3A_401, %parallel_loop3A_402] {strides = array<i32>} : memref<80x128xf32, #tpu.memory_space<vmem>>, vector<16xf32>,
          tpu.vector_store %arg13[%parallel_loop3A_401, %parallel_loop3A_402], %parallel_loop3A_400 {strides = array<i32>} : memref<80x128xf32, #tpu.memory_space<vmem>>, vector<16xf32>,
          %parallel_loop3A_404 = arith.index_cast %parallel_loop3A_372 : i32 to index
          %parallel_loop3A_405 = arith.constant 64 : index
          %parallel_loop3A_406 = tpu.vector_load %arg13[%parallel_loop3A_404, %parallel_loop3A_405] {strides = array<i32>} : memref<80x128xf32, #tpu.memory_space<vmem>>, vector<16xf32>,
          %parallel_loop3A_407 = arith.mulf %parallel_loop3A_406, %parallel_loop3A_375 : vector<16xf32>
          %parallel_loop3A_408 = arith.index_cast %parallel_loop3A_372 : i32 to index
          %parallel_loop3A_409 = arith.constant 64 : index
          %parallel_loop3A_410 = tpu.vector_load %arg13[%parallel_loop3A_408, %parallel_loop3A_409] {strides = array<i32>} : memref<80x128xf32, #tpu.memory_space<vmem>>, vector<16xf32>,
          tpu.vector_store %arg13[%parallel_loop3A_408, %parallel_loop3A_409], %parallel_loop3A_407 {strides = array<i32>} : memref<80x128xf32, #tpu.memory_space<vmem>>, vector<16xf32>,
          %parallel_loop3A_411 = arith.index_cast %parallel_loop3A_372 : i32 to index
          %parallel_loop3A_412 = arith.constant 80 : index
          %parallel_loop3A_413 = tpu.vector_load %arg13[%parallel_loop3A_411, %parallel_loop3A_412] {strides = array<i32>} : memref<80x128xf32, #tpu.memory_space<vmem>>, vector<16xf32>,
          %parallel_loop3A_414 = arith.mulf %parallel_loop3A_413, %parallel_loop3A_375 : vector<16xf32>
          %parallel_loop3A_415 = arith.index_cast %parallel_loop3A_372 : i32 to index
          %parallel_loop3A_416 = arith.constant 80 : index
          %parallel_loop3A_417 = tpu.vector_load %arg13[%parallel_loop3A_415, %parallel_loop3A_416] {strides = array<i32>} : memref<80x128xf32, #tpu.memory_space<vmem>>, vector<16xf32>,
          tpu.vector_store %arg13[%parallel_loop3A_415, %parallel_loop3A_416], %parallel_loop3A_414 {strides = array<i32>} : memref<80x128xf32, #tpu.memory_space<vmem>>, vector<16xf32>,
          %parallel_loop3A_418 = arith.index_cast %parallel_loop3A_372 : i32 to index
          %parallel_loop3A_419 = arith.constant 96 : index
          %parallel_loop3A_420 = tpu.vector_load %arg13[%parallel_loop3A_418, %parallel_loop3A_419] {strides = array<i32>} : memref<80x128xf32, #tpu.memory_space<vmem>>, vector<16xf32>,
          %parallel_loop3A_421 = arith.mulf %parallel_loop3A_420, %parallel_loop3A_375 : vector<16xf32>
          %parallel_loop3A_422 = arith.index_cast %parallel_loop3A_372 : i32 to index
          %parallel_loop3A_423 = arith.constant 96 : index
          %parallel_loop3A_424 = tpu.vector_load %arg13[%parallel_loop3A_422, %parallel_loop3A_423] {strides = array<i32>} : memref<80x128xf32, #tpu.memory_space<vmem>>, vector<16xf32>,
          tpu.vector_store %arg13[%parallel_loop3A_422, %parallel_loop3A_423], %parallel_loop3A_421 {strides = array<i32>} : memref<80x128xf32, #tpu.memory_space<vmem>>, vector<16xf32>,
          %parallel_loop3A_425 = arith.index_cast %parallel_loop3A_372 : i32 to index
          %parallel_loop3A_426 = arith.constant 112 : index
          %parallel_loop3A_427 = tpu.vector_load %arg13[%parallel_loop3A_425, %parallel_loop3A_426] {strides = array<i32>} : memref<80x128xf32, #tpu.memory_space<vmem>>, vector<16xf32>,
          %parallel_loop3A_428 = arith.mulf %parallel_loop3A_427, %parallel_loop3A_375 : vector<16xf32>
          %parallel_loop3A_429 = arith.index_cast %parallel_loop3A_372 : i32 to index
          %parallel_loop3A_430 = arith.constant 112 : index
          %parallel_loop3A_431 = tpu.vector_load %arg13[%parallel_loop3A_429, %parallel_loop3A_430] {strides = array<i32>} : memref<80x128xf32, #tpu.memory_space<vmem>>, vector<16xf32>,
          tpu.vector_store %arg13[%parallel_loop3A_429, %parallel_loop3A_430], %parallel_loop3A_428 {strides = array<i32>} : memref<80x128xf32, #tpu.memory_space<vmem>>, vector<16xf32>,
        } {sc.loop_unroll_factor = 2 : i64, sc.parallel_access}
        %dma_start3A_198 = arith.constant 0 : i32
        %dma_start3A_199 = tpu.memref_slice %arg10[%add3A_127, %dma_start3A_198] : memref<25x80xi32, #tpu.memory_space<vmem>> -> memref<1x80xi32, #tpu.memory_space<vmem>>
        %dma_start3A_200 = tpu.memref_squeeze %dma_start3A_199 : memref<1x80xi32, #tpu.memory_space<vmem>> -> memref<80xi32, #tpu.memory_space<vmem>>
        %dma_start3A_201 = arith.constant 0 : i32
        %dma_start3A_202 = arith.constant 0 : i32
        %dma_start3A_203 = tpu.memref_slice %arg8[%dma_start3A_201, %dma_start3A_202] : memref<10240x128xf32, #tpu.memory_space<vmem_shared>> -> memref<10240x128xf32, #tpu.memory_space<vmem_shared>>
        tpu.enqueue_indirect_dma source(%arg13 : memref<80x128xf32, #tpu.memory_space<vmem>>) target(%dma_start3A_203 : memref<10240x128xf32, #tpu.memory_space<vmem_shared>>) offsets(%dma_start3A_200 : memref<80xi32, #tpu.memory_space<vmem>>) semaphore(%arg19 : memref<!tpu.dma_semaphore, #tpu.memory_space<semaphore_mem>>) {add = true}
        %mul3A_204 = arith.constant 3 : i32
        %mul3A_205 = arith.muli %mul3A_204, %add3A_123 : i32
        %add3A_206 = arith.constant 1 : i32
        %add3A_207 = arith.addi %mul3A_205, %add3A_206 : i32
        %gt3A_208 = arith.constant 0 : i32
        %gt3A_209 = arith.cmpi sgt, %add3A_123, %gt3A_208 : i32
        %convert_element_type3A_210 = arith.extui %gt3A_209 : i1 to i32
        %cond3A_211 = arith.constant 0 : i32
        %cond3A_212 = arith.cmpi ne, %convert_element_type3A_210, %cond3A_211 : i32
        scf.if %cond3A_212 {
          %dma_wait3A_372 = arith.constant 0 : i32
          %dma_wait3A_373 = arith.constant 0 : i32
          %dma_wait3A_374 = tpu.memref_slice %arg10[%dma_wait3A_372, %dma_wait3A_373] : memref<25x80xi32, #tpu.memory_space<vmem>> -> memref<1x80xi32, #tpu.memory_space<vmem>>
          %dma_wait3A_375 = tpu.memref_squeeze %dma_wait3A_374 : memref<1x80xi32, #tpu.memory_space<vmem>> -> memref<80xi32, #tpu.memory_space<vmem>>
          %dma_wait3A_376 = arith.constant 0 : i32
          %dma_wait3A_377 = arith.constant 0 : i32
          %dma_wait3A_378 = tpu.memref_slice %arg8[%dma_wait3A_376, %dma_wait3A_377] : memref<10240x128xf32, #tpu.memory_space<vmem_shared>> -> memref<10240x128xf32, #tpu.memory_space<vmem_shared>>
          tpu.wait_indirect_dma semaphore(%arg21 : memref<!tpu.dma_semaphore, #tpu.memory_space<semaphore_mem>>) src(%arg15 : memref<80x128xf32, #tpu.memory_space<vmem>>) dst(%dma_wait3A_378 : memref<10240x128xf32, #tpu.memory_space<vmem_shared>>)
        } else {
        }
        %add3A_213 = arith.constant 1 : i32
        %add3A_214 = arith.addi %add3A_207, %add3A_213 : i32
        %dma_start3A_215 = arith.constant 0 : i32
        %dma_start3A_216 = arith.constant 0 : i32
        %dma_start3A_217 = tpu.memref_slice %arg15[%dma_start3A_215, %dma_start3A_216] : memref<80x128xf32, #tpu.memory_space<vmem>> -> memref<40x128xf32, #tpu.memory_space<vmem>>
        %dma_start3A_218 = arith.constant 0 : i32
        %dma_start3A_219 = tpu.memref_slice %arg9[%add3A_214, %dma_start3A_218] : memref<25x80xi32, #tpu.memory_space<vmem>> -> memref<1x40xi32, #tpu.memory_space<vmem>>
        %dma_start3A_220 = tpu.memref_squeeze %dma_start3A_219 : memref<1x40xi32, #tpu.memory_space<vmem>> -> memref<40xi32, #tpu.memory_space<vmem>>
        %dma_start3A_221 = arith.constant 0 : i32
        %dma_start3A_222 = arith.constant 0 : i32
        %dma_start3A_223 = tpu.memref_slice %arg3[%dma_start3A_221, %dma_start3A_222] : memref<10000x128xf32, #tpu.memory_space<hbm>> -> memref<10000x128xf32, #tpu.memory_space<hbm>>
        tpu.enqueue_indirect_dma source(%dma_start3A_223 : memref<10000x128xf32, #tpu.memory_space<hbm>>) target(%dma_start3A_217 : memref<40x128xf32, #tpu.memory_space<vmem>>) offsets(%dma_start3A_220 : memref<40xi32, #tpu.memory_space<vmem>>) semaphore(%arg18 : memref<!tpu.dma_semaphore, #tpu.memory_space<semaphore_mem>>)
        %dma_start3A_224 = arith.constant 40 : i32
        %dma_start3A_225 = arith.constant 0 : i32
        %dma_start3A_226 = tpu.memref_slice %arg15[%dma_start3A_224, %dma_start3A_225] : memref<80x128xf32, #tpu.memory_space<vmem>> -> memref<40x128xf32, #tpu.memory_space<vmem>>
        %dma_start3A_227 = arith.constant 40 : i32
        %dma_start3A_228 = tpu.memref_slice %arg9[%add3A_214, %dma_start3A_227] : memref<25x80xi32, #tpu.memory_space<vmem>> -> memref<1x40xi32, #tpu.memory_space<vmem>>
        %dma_start3A_229 = tpu.memref_squeeze %dma_start3A_228 : memref<1x40xi32, #tpu.memory_space<vmem>> -> memref<40xi32, #tpu.memory_space<vmem>>
        %dma_start3A_230 = arith.constant 0 : i32
        %dma_start3A_231 = arith.constant 0 : i32
        %dma_start3A_232 = tpu.memref_slice %arg3[%dma_start3A_230, %dma_start3A_231] : memref<10000x128xf32, #tpu.memory_space<hbm>> -> memref<10000x128xf32, #tpu.memory_space<hbm>>
        tpu.enqueue_indirect_dma source(%dma_start3A_232 : memref<10000x128xf32, #tpu.memory_space<hbm>>) target(%dma_start3A_226 : memref<40x128xf32, #tpu.memory_space<vmem>>) offsets(%dma_start3A_229 : memref<40xi32, #tpu.memory_space<vmem>>) semaphore(%arg18 : memref<!tpu.dma_semaphore, #tpu.memory_space<semaphore_mem>>)
        %dma_wait3A_233 = arith.constant 0 : i32
        %dma_wait3A_234 = arith.constant 0 : i32
        %dma_wait3A_235 = arith.constant 0 : i32
        %dma_wait3A_236 = tpu.memref_slice %arg14[%dma_wait3A_234, %dma_wait3A_235] : memref<80x128xf32, #tpu.memory_space<vmem>> -> memref<40x128xf32, #tpu.memory_space<vmem>>
        %dma_wait3A_237 = arith.constant 0 : i32
        %dma_wait3A_238 = tpu.memref_slice %arg9[%dma_wait3A_233, %dma_wait3A_237] : memref<25x80xi32, #tpu.memory_space<vmem>> -> memref<1x40xi32, #tpu.memory_space<vmem>>
        %dma_wait3A_239 = tpu.memref_squeeze %dma_wait3A_238 : memref<1x40xi32, #tpu.memory_space<vmem>> -> memref<40xi32, #tpu.memory_space<vmem>>
        %dma_wait3A_240 = arith.constant 0 : i32
        %dma_wait3A_241 = arith.constant 0 : i32
        %dma_wait3A_242 = tpu.memref_slice %arg3[%dma_wait3A_240, %dma_wait3A_241] : memref<10000x128xf32, #tpu.memory_space<hbm>> -> memref<10000x128xf32, #tpu.memory_space<hbm>>
        tpu.wait_indirect_dma semaphore(%arg17 : memref<!tpu.dma_semaphore, #tpu.memory_space<semaphore_mem>>) src(%dma_wait3A_242 : memref<10000x128xf32, #tpu.memory_space<hbm>>) dst(%dma_wait3A_236 : memref<40x128xf32, #tpu.memory_space<vmem>>)
        %dma_wait3A_243 = arith.constant 0 : i32
        %dma_wait3A_244 = arith.constant 40 : i32
        %dma_wait3A_245 = arith.constant 0 : i32
        %dma_wait3A_246 = tpu.memref_slice %arg14[%dma_wait3A_244, %dma_wait3A_245] : memref<80x128xf32, #tpu.memory_space<vmem>> -> memref<40x128xf32, #tpu.memory_space<vmem>>
        %dma_wait3A_247 = arith.constant 40 : i32
        %dma_wait3A_248 = tpu.memref_slice %arg9[%dma_wait3A_243, %dma_wait3A_247] : memref<25x80xi32, #tpu.memory_space<vmem>> -> memref<1x40xi32, #tpu.memory_space<vmem>>
        %dma_wait3A_249 = tpu.memref_squeeze %dma_wait3A_248 : memref<1x40xi32, #tpu.memory_space<vmem>> -> memref<40xi32, #tpu.memory_space<vmem>>
        %dma_wait3A_250 = arith.constant 0 : i32
        %dma_wait3A_251 = arith.constant 0 : i32
        %dma_wait3A_252 = tpu.memref_slice %arg3[%dma_wait3A_250, %dma_wait3A_251] : memref<10000x128xf32, #tpu.memory_space<hbm>> -> memref<10000x128xf32, #tpu.memory_space<hbm>>
        tpu.wait_indirect_dma semaphore(%arg17 : memref<!tpu.dma_semaphore, #tpu.memory_space<semaphore_mem>>) src(%dma_wait3A_252 : memref<10000x128xf32, #tpu.memory_space<hbm>>) dst(%dma_wait3A_246 : memref<40x128xf32, #tpu.memory_space<vmem>>)
        %get3A_253 = arith.index_cast %add3A_207 : i32 to index
        %get3A_254 = arith.constant 0 : index
        %get3A_255 = tpu.vector_load %arg11[%get3A_253, %get3A_254] {strides = array<i32>} : memref<25x80xf32, #tpu.memory_space<vmem>>, vector<16xf32>,
        %swap3A_256 = arith.constant 0 : index
        %swap3A_257 = tpu.vector_load %arg12[%swap3A_256] {strides = array<i32>} : memref<80xf32, #tpu.memory_space<vmem>>, vector<16xf32>,
        tpu.vector_store %arg12[%swap3A_256], %get3A_255 {strides = array<i32>} : memref<80xf32, #tpu.memory_space<vmem>>, vector<16xf32>,
        %get3A_258 = arith.index_cast %add3A_207 : i32 to index
        %get3A_259 = arith.constant 16 : index
        %get3A_260 = tpu.vector_load %arg11[%get3A_258, %get3A_259] {strides = array<i32>} : memref<25x80xf32, #tpu.memory_space<vmem>>, vector<16xf32>,
        %swap3A_261 = arith.constant 16 : index
        %swap3A_262 = tpu.vector_load %arg12[%swap3A_261] {strides = array<i32>} : memref<80xf32, #tpu.memory_space<vmem>>, vector<16xf32>,
        tpu.vector_store %arg12[%swap3A_261], %get3A_260 {strides = array<i32>} : memref<80xf32, #tpu.memory_space<vmem>>, vector<16xf32>,
        %get3A_263 = arith.index_cast %add3A_207 : i32 to index
        %get3A_264 = arith.constant 32 : index
        %get3A_265 = tpu.vector_load %arg11[%get3A_263, %get3A_264] {strides = array<i32>} : memref<25x80xf32, #tpu.memory_space<vmem>>, vector<16xf32>,
        %swap3A_266 = arith.constant 32 : index
        %swap3A_267 = tpu.vector_load %arg12[%swap3A_266] {strides = array<i32>} : memref<80xf32, #tpu.memory_space<vmem>>, vector<16xf32>,
        tpu.vector_store %arg12[%swap3A_266], %get3A_265 {strides = array<i32>} : memref<80xf32, #tpu.memory_space<vmem>>, vector<16xf32>,
        %get3A_268 = arith.index_cast %add3A_207 : i32 to index
        %get3A_269 = arith.constant 48 : index
        %get3A_270 = tpu.vector_load %arg11[%get3A_268, %get3A_269] {strides = array<i32>} : memref<25x80xf32, #tpu.memory_space<vmem>>, vector<16xf32>,
        %swap3A_271 = arith.constant 48 : index
        %swap3A_272 = tpu.vector_load %arg12[%swap3A_271] {strides = array<i32>} : memref<80xf32, #tpu.memory_space<vmem>>, vector<16xf32>,
        tpu.vector_store %arg12[%swap3A_271], %get3A_270 {strides = array<i32>} : memref<80xf32, #tpu.memory_space<vmem>>, vector<16xf32>,
        %get3A_273 = arith.index_cast %add3A_207 : i32 to index
        %get3A_274 = arith.constant 64 : index
        %get3A_275 = tpu.vector_load %arg11[%get3A_273, %get3A_274] {strides = array<i32>} : memref<25x80xf32, #tpu.memory_space<vmem>>, vector<16xf32>,
        %swap3A_276 = arith.constant 64 : index
        %swap3A_277 = tpu.vector_load %arg12[%swap3A_276] {strides = array<i32>} : memref<80xf32, #tpu.memory_space<vmem>>, vector<16xf32>,
        tpu.vector_store %arg12[%swap3A_276], %get3A_275 {strides = array<i32>} : memref<80xf32, #tpu.memory_space<vmem>>, vector<16xf32>,
        %parallel_loop3A_278 = arith.constant 0 : i32
        %parallel_loop3A_279 = arith.constant 80 : i32
        %parallel_loop3A_280 = arith.constant 1 : i32
        scf.for %parallel_loop3A_372 = %parallel_loop3A_278 to %parallel_loop3A_279 step %parallel_loop3A_280  : i32 {
          %parallel_loop3A_373 = vector.broadcast %parallel_loop3A_372 : i32 to vector<16xi32>
          %parallel_loop3A_374 = arith.addi %broadcast_in_dim3A_3, %parallel_loop3A_373 : vector<16xi32>
          %parallel_loop3A_375 = tpu.vector_load_idx %arg12[%parallel_loop3A_374] : memref<80xf32, #tpu.memory_space<vmem>>[vector<16xi32>], vector<16xf32>,
          %parallel_loop3A_376 = arith.index_cast %parallel_loop3A_372 : i32 to index
          %parallel_loop3A_377 = arith.constant 0 : index
          %parallel_loop3A_378 = tpu.vector_load %arg14[%parallel_loop3A_376, %parallel_loop3A_377] {strides = array<i32>} : memref<80x128xf32, #tpu.memory_space<vmem>>, vector<16xf32>,
          %parallel_loop3A_379 = arith.mulf %parallel_loop3A_378, %parallel_loop3A_375 : vector<16xf32>
          %parallel_loop3A_380 = arith.index_cast %parallel_loop3A_372 : i32 to index
          %parallel_loop3A_381 = arith.constant 0 : index
          %parallel_loop3A_382 = tpu.vector_load %arg14[%parallel_loop3A_380, %parallel_loop3A_381] {strides = array<i32>} : memref<80x128xf32, #tpu.memory_space<vmem>>, vector<16xf32>,
          tpu.vector_store %arg14[%parallel_loop3A_380, %parallel_loop3A_381], %parallel_loop3A_379 {strides = array<i32>} : memref<80x128xf32, #tpu.memory_space<vmem>>, vector<16xf32>,
          %parallel_loop3A_383 = arith.index_cast %parallel_loop3A_372 : i32 to index
          %parallel_loop3A_384 = arith.constant 16 : index
          %parallel_loop3A_385 = tpu.vector_load %arg14[%parallel_loop3A_383, %parallel_loop3A_384] {strides = array<i32>} : memref<80x128xf32, #tpu.memory_space<vmem>>, vector<16xf32>,
          %parallel_loop3A_386 = arith.mulf %parallel_loop3A_385, %parallel_loop3A_375 : vector<16xf32>
          %parallel_loop3A_387 = arith.index_cast %parallel_loop3A_372 : i32 to index
          %parallel_loop3A_388 = arith.constant 16 : index
          %parallel_loop3A_389 = tpu.vector_load %arg14[%parallel_loop3A_387, %parallel_loop3A_388] {strides = array<i32>} : memref<80x128xf32, #tpu.memory_space<vmem>>, vector<16xf32>,
          tpu.vector_store %arg14[%parallel_loop3A_387, %parallel_loop3A_388], %parallel_loop3A_386 {strides = array<i32>} : memref<80x128xf32, #tpu.memory_space<vmem>>, vector<16xf32>,
          %parallel_loop3A_390 = arith.index_cast %parallel_loop3A_372 : i32 to index
          %parallel_loop3A_391 = arith.constant 32 : index
          %parallel_loop3A_392 = tpu.vector_load %arg14[%parallel_loop3A_390, %parallel_loop3A_391] {strides = array<i32>} : memref<80x128xf32, #tpu.memory_space<vmem>>, vector<16xf32>,
          %parallel_loop3A_393 = arith.mulf %parallel_loop3A_392, %parallel_loop3A_375 : vector<16xf32>
          %parallel_loop3A_394 = arith.index_cast %parallel_loop3A_372 : i32 to index
          %parallel_loop3A_395 = arith.constant 32 : index
          %parallel_loop3A_396 = tpu.vector_load %arg14[%parallel_loop3A_394, %parallel_loop3A_395] {strides = array<i32>} : memref<80x128xf32, #tpu.memory_space<vmem>>, vector<16xf32>,
          tpu.vector_store %arg14[%parallel_loop3A_394, %parallel_loop3A_395], %parallel_loop3A_393 {strides = array<i32>} : memref<80x128xf32, #tpu.memory_space<vmem>>, vector<16xf32>,
          %parallel_loop3A_397 = arith.index_cast %parallel_loop3A_372 : i32 to index
          %parallel_loop3A_398 = arith.constant 48 : index
          %parallel_loop3A_399 = tpu.vector_load %arg14[%parallel_loop3A_397, %parallel_loop3A_398] {strides = array<i32>} : memref<80x128xf32, #tpu.memory_space<vmem>>, vector<16xf32>,
          %parallel_loop3A_400 = arith.mulf %parallel_loop3A_399, %parallel_loop3A_375 : vector<16xf32>
          %parallel_loop3A_401 = arith.index_cast %parallel_loop3A_372 : i32 to index
          %parallel_loop3A_402 = arith.constant 48 : index
          %parallel_loop3A_403 = tpu.vector_load %arg14[%parallel_loop3A_401, %parallel_loop3A_402] {strides = array<i32>} : memref<80x128xf32, #tpu.memory_space<vmem>>, vector<16xf32>,
          tpu.vector_store %arg14[%parallel_loop3A_401, %parallel_loop3A_402], %parallel_loop3A_400 {strides = array<i32>} : memref<80x128xf32, #tpu.memory_space<vmem>>, vector<16xf32>,
          %parallel_loop3A_404 = arith.index_cast %parallel_loop3A_372 : i32 to index
          %parallel_loop3A_405 = arith.constant 64 : index
          %parallel_loop3A_406 = tpu.vector_load %arg14[%parallel_loop3A_404, %parallel_loop3A_405] {strides = array<i32>} : memref<80x128xf32, #tpu.memory_space<vmem>>, vector<16xf32>,
          %parallel_loop3A_407 = arith.mulf %parallel_loop3A_406, %parallel_loop3A_375 : vector<16xf32>
          %parallel_loop3A_408 = arith.index_cast %parallel_loop3A_372 : i32 to index
          %parallel_loop3A_409 = arith.constant 64 : index
          %parallel_loop3A_410 = tpu.vector_load %arg14[%parallel_loop3A_408, %parallel_loop3A_409] {strides = array<i32>} : memref<80x128xf32, #tpu.memory_space<vmem>>, vector<16xf32>,
          tpu.vector_store %arg14[%parallel_loop3A_408, %parallel_loop3A_409], %parallel_loop3A_407 {strides = array<i32>} : memref<80x128xf32, #tpu.memory_space<vmem>>, vector<16xf32>,
          %parallel_loop3A_411 = arith.index_cast %parallel_loop3A_372 : i32 to index
          %parallel_loop3A_412 = arith.constant 80 : index
          %parallel_loop3A_413 = tpu.vector_load %arg14[%parallel_loop3A_411, %parallel_loop3A_412] {strides = array<i32>} : memref<80x128xf32, #tpu.memory_space<vmem>>, vector<16xf32>,
          %parallel_loop3A_414 = arith.mulf %parallel_loop3A_413, %parallel_loop3A_375 : vector<16xf32>
          %parallel_loop3A_415 = arith.index_cast %parallel_loop3A_372 : i32 to index
          %parallel_loop3A_416 = arith.constant 80 : index
          %parallel_loop3A_417 = tpu.vector_load %arg14[%parallel_loop3A_415, %parallel_loop3A_416] {strides = array<i32>} : memref<80x128xf32, #tpu.memory_space<vmem>>, vector<16xf32>,
          tpu.vector_store %arg14[%parallel_loop3A_415, %parallel_loop3A_416], %parallel_loop3A_414 {strides = array<i32>} : memref<80x128xf32, #tpu.memory_space<vmem>>, vector<16xf32>,
          %parallel_loop3A_418 = arith.index_cast %parallel_loop3A_372 : i32 to index
          %parallel_loop3A_419 = arith.constant 96 : index
          %parallel_loop3A_420 = tpu.vector_load %arg14[%parallel_loop3A_418, %parallel_loop3A_419] {strides = array<i32>} : memref<80x128xf32, #tpu.memory_space<vmem>>, vector<16xf32>,
          %parallel_loop3A_421 = arith.mulf %parallel_loop3A_420, %parallel_loop3A_375 : vector<16xf32>
          %parallel_loop3A_422 = arith.index_cast %parallel_loop3A_372 : i32 to index
          %parallel_loop3A_423 = arith.constant 96 : index
          %parallel_loop3A_424 = tpu.vector_load %arg14[%parallel_loop3A_422, %parallel_loop3A_423] {strides = array<i32>} : memref<80x128xf32, #tpu.memory_space<vmem>>, vector<16xf32>,
          tpu.vector_store %arg14[%parallel_loop3A_422, %parallel_loop3A_423], %parallel_loop3A_421 {strides = array<i32>} : memref<80x128xf32, #tpu.memory_space<vmem>>, vector<16xf32>,
          %parallel_loop3A_425 = arith.index_cast %parallel_loop3A_372 : i32 to index
          %parallel_loop3A_426 = arith.constant 112 : index
          %parallel_loop3A_427 = tpu.vector_load %arg14[%parallel_loop3A_425, %parallel_loop3A_426] {strides = array<i32>} : memref<80x128xf32, #tpu.memory_space<vmem>>, vector<16xf32>,
          %parallel_loop3A_428 = arith.mulf %parallel_loop3A_427, %parallel_loop3A_375 : vector<16xf32>
          %parallel_loop3A_429 = arith.index_cast %parallel_loop3A_372 : i32 to index
          %parallel_loop3A_430 = arith.constant 112 : index
          %parallel_loop3A_431 = tpu.vector_load %arg14[%parallel_loop3A_429, %parallel_loop3A_430] {strides = array<i32>} : memref<80x128xf32, #tpu.memory_space<vmem>>, vector<16xf32>,
          tpu.vector_store %arg14[%parallel_loop3A_429, %parallel_loop3A_430], %parallel_loop3A_428 {strides = array<i32>} : memref<80x128xf32, #tpu.memory_space<vmem>>, vector<16xf32>,
        } {sc.loop_unroll_factor = 2 : i64, sc.parallel_access}
        %dma_start3A_281 = arith.constant 0 : i32
        %dma_start3A_282 = tpu.memref_slice %arg10[%add3A_207, %dma_start3A_281] : memref<25x80xi32, #tpu.memory_space<vmem>> -> memref<1x80xi32, #tpu.memory_space<vmem>>
        %dma_start3A_283 = tpu.memref_squeeze %dma_start3A_282 : memref<1x80xi32, #tpu.memory_space<vmem>> -> memref<80xi32, #tpu.memory_space<vmem>>
        %dma_start3A_284 = arith.constant 0 : i32
        %dma_start3A_285 = arith.constant 0 : i32
        %dma_start3A_286 = tpu.memref_slice %arg8[%dma_start3A_284, %dma_start3A_285] : memref<10240x128xf32, #tpu.memory_space<vmem_shared>> -> memref<10240x128xf32, #tpu.memory_space<vmem_shared>>
        tpu.enqueue_indirect_dma source(%arg14 : memref<80x128xf32, #tpu.memory_space<vmem>>) target(%dma_start3A_286 : memref<10240x128xf32, #tpu.memory_space<vmem_shared>>) offsets(%dma_start3A_283 : memref<80xi32, #tpu.memory_space<vmem>>) semaphore(%arg20 : memref<!tpu.dma_semaphore, #tpu.memory_space<semaphore_mem>>) {add = true}
        %mul3A_287 = arith.constant 3 : i32
        %mul3A_288 = arith.muli %mul3A_287, %add3A_123 : i32
        %add3A_289 = arith.constant 2 : i32
        %add3A_290 = arith.addi %mul3A_288, %add3A_289 : i32
        %dma_wait3A_291 = arith.constant 0 : i32
        %dma_wait3A_292 = arith.constant 0 : i32
        %dma_wait3A_293 = tpu.memref_slice %arg10[%dma_wait3A_291, %dma_wait3A_292] : memref<25x80xi32, #tpu.memory_space<vmem>> -> memref<1x80xi32, #tpu.memory_space<vmem>>
        %dma_wait3A_294 = tpu.memref_squeeze %dma_wait3A_293 : memref<1x80xi32, #tpu.memory_space<vmem>> -> memref<80xi32, #tpu.memory_space<vmem>>
        %dma_wait3A_295 = arith.constant 0 : i32
        %dma_wait3A_296 = arith.constant 0 : i32
        %dma_wait3A_297 = tpu.memref_slice %arg8[%dma_wait3A_295, %dma_wait3A_296] : memref<10240x128xf32, #tpu.memory_space<vmem_shared>> -> memref<10240x128xf32, #tpu.memory_space<vmem_shared>>
        tpu.wait_indirect_dma semaphore(%arg19 : memref<!tpu.dma_semaphore, #tpu.memory_space<semaphore_mem>>) src(%arg13 : memref<80x128xf32, #tpu.memory_space<vmem>>) dst(%dma_wait3A_297 : memref<10240x128xf32, #tpu.memory_space<vmem_shared>>)
        %add3A_298 = arith.constant 1 : i32
        %add3A_299 = arith.addi %add3A_290, %add3A_298 : i32
        %dma_start3A_300 = arith.constant 0 : i32
        %dma_start3A_301 = arith.constant 0 : i32
        %dma_start3A_302 = tpu.memref_slice %arg13[%dma_start3A_300, %dma_start3A_301] : memref<80x128xf32, #tpu.memory_space<vmem>> -> memref<40x128xf32, #tpu.memory_space<vmem>>
        %dma_start3A_303 = arith.constant 0 : i32
        %dma_start3A_304 = tpu.memref_slice %arg9[%add3A_299, %dma_start3A_303] : memref<25x80xi32, #tpu.memory_space<vmem>> -> memref<1x40xi32, #tpu.memory_space<vmem>>
        %dma_start3A_305 = tpu.memref_squeeze %dma_start3A_304 : memref<1x40xi32, #tpu.memory_space<vmem>> -> memref<40xi32, #tpu.memory_space<vmem>>
        %dma_start3A_306 = arith.constant 0 : i32
        %dma_start3A_307 = arith.constant 0 : i32
        %dma_start3A_308 = tpu.memref_slice %arg3[%dma_start3A_306, %dma_start3A_307] : memref<10000x128xf32, #tpu.memory_space<hbm>> -> memref<10000x128xf32, #tpu.memory_space<hbm>>
        tpu.enqueue_indirect_dma source(%dma_start3A_308 : memref<10000x128xf32, #tpu.memory_space<hbm>>) target(%dma_start3A_302 : memref<40x128xf32, #tpu.memory_space<vmem>>) offsets(%dma_start3A_305 : memref<40xi32, #tpu.memory_space<vmem>>) semaphore(%arg16 : memref<!tpu.dma_semaphore, #tpu.memory_space<semaphore_mem>>)
        %dma_start3A_309 = arith.constant 40 : i32
        %dma_start3A_310 = arith.constant 0 : i32
        %dma_start3A_311 = tpu.memref_slice %arg13[%dma_start3A_309, %dma_start3A_310] : memref<80x128xf32, #tpu.memory_space<vmem>> -> memref<40x128xf32, #tpu.memory_space<vmem>>
        %dma_start3A_312 = arith.constant 40 : i32
        %dma_start3A_313 = tpu.memref_slice %arg9[%add3A_299, %dma_start3A_312] : memref<25x80xi32, #tpu.memory_space<vmem>> -> memref<1x40xi32, #tpu.memory_space<vmem>>
        %dma_start3A_314 = tpu.memref_squeeze %dma_start3A_313 : memref<1x40xi32, #tpu.memory_space<vmem>> -> memref<40xi32, #tpu.memory_space<vmem>>
        %dma_start3A_315 = arith.constant 0 : i32
        %dma_start3A_316 = arith.constant 0 : i32
        %dma_start3A_317 = tpu.memref_slice %arg3[%dma_start3A_315, %dma_start3A_316] : memref<10000x128xf32, #tpu.memory_space<hbm>> -> memref<10000x128xf32, #tpu.memory_space<hbm>>
        tpu.enqueue_indirect_dma source(%dma_start3A_317 : memref<10000x128xf32, #tpu.memory_space<hbm>>) target(%dma_start3A_311 : memref<40x128xf32, #tpu.memory_space<vmem>>) offsets(%dma_start3A_314 : memref<40xi32, #tpu.memory_space<vmem>>) semaphore(%arg16 : memref<!tpu.dma_semaphore, #tpu.memory_space<semaphore_mem>>)
        %dma_wait3A_318 = arith.constant 0 : i32
        %dma_wait3A_319 = arith.constant 0 : i32
        %dma_wait3A_320 = arith.constant 0 : i32
        %dma_wait3A_321 = tpu.memref_slice %arg15[%dma_wait3A_319, %dma_wait3A_320] : memref<80x128xf32, #tpu.memory_space<vmem>> -> memref<40x128xf32, #tpu.memory_space<vmem>>
        %dma_wait3A_322 = arith.constant 0 : i32
        %dma_wait3A_323 = tpu.memref_slice %arg9[%dma_wait3A_318, %dma_wait3A_322] : memref<25x80xi32, #tpu.memory_space<vmem>> -> memref<1x40xi32, #tpu.memory_space<vmem>>
        %dma_wait3A_324 = tpu.memref_squeeze %dma_wait3A_323 : memref<1x40xi32, #tpu.memory_space<vmem>> -> memref<40xi32, #tpu.memory_space<vmem>>
        %dma_wait3A_325 = arith.constant 0 : i32
        %dma_wait3A_326 = arith.constant 0 : i32
        %dma_wait3A_327 = tpu.memref_slice %arg3[%dma_wait3A_325, %dma_wait3A_326] : memref<10000x128xf32, #tpu.memory_space<hbm>> -> memref<10000x128xf32, #tpu.memory_space<hbm>>
        tpu.wait_indirect_dma semaphore(%arg18 : memref<!tpu.dma_semaphore, #tpu.memory_space<semaphore_mem>>) src(%dma_wait3A_327 : memref<10000x128xf32, #tpu.memory_space<hbm>>) dst(%dma_wait3A_321 : memref<40x128xf32, #tpu.memory_space<vmem>>)
        %dma_wait3A_328 = arith.constant 0 : i32
        %dma_wait3A_329 = arith.constant 40 : i32
        %dma_wait3A_330 = arith.constant 0 : i32
        %dma_wait3A_331 = tpu.memref_slice %arg15[%dma_wait3A_329, %dma_wait3A_330] : memref<80x128xf32, #tpu.memory_space<vmem>> -> memref<40x128xf32, #tpu.memory_space<vmem>>
        %dma_wait3A_332 = arith.constant 40 : i32
        %dma_wait3A_333 = tpu.memref_slice %arg9[%dma_wait3A_328, %dma_wait3A_332] : memref<25x80xi32, #tpu.memory_space<vmem>> -> memref<1x40xi32, #tpu.memory_space<vmem>>
        %dma_wait3A_334 = tpu.memref_squeeze %dma_wait3A_333 : memref<1x40xi32, #tpu.memory_space<vmem>> -> memref<40xi32, #tpu.memory_space<vmem>>
        %dma_wait3A_335 = arith.constant 0 : i32
        %dma_wait3A_336 = arith.constant 0 : i32
        %dma_wait3A_337 = tpu.memref_slice %arg3[%dma_wait3A_335, %dma_wait3A_336] : memref<10000x128xf32, #tpu.memory_space<hbm>> -> memref<10000x128xf32, #tpu.memory_space<hbm>>
        tpu.wait_indirect_dma semaphore(%arg18 : memref<!tpu.dma_semaphore, #tpu.memory_space<semaphore_mem>>) src(%dma_wait3A_337 : memref<10000x128xf32, #tpu.memory_space<hbm>>) dst(%dma_wait3A_331 : memref<40x128xf32, #tpu.memory_space<vmem>>)
        %get3A_338 = arith.index_cast %add3A_290 : i32 to index
        %get3A_339 = arith.constant 0 : index
        %get3A_340 = tpu.vector_load %arg11[%get3A_338, %get3A_339] {strides = array<i32>} : memref<25x80xf32, #tpu.memory_space<vmem>>, vector<16xf32>,
        %swap3A_341 = arith.constant 0 : index
        %swap3A_342 = tpu.vector_load %arg12[%swap3A_341] {strides = array<i32>} : memref<80xf32, #tpu.memory_space<vmem>>, vector<16xf32>,
        tpu.vector_store %arg12[%swap3A_341], %get3A_340 {strides = array<i32>} : memref<80xf32, #tpu.memory_space<vmem>>, vector<16xf32>,
        %get3A_343 = arith.index_cast %add3A_290 : i32 to index
        %get3A_344 = arith.constant 16 : index
        %get3A_345 = tpu.vector_load %arg11[%get3A_343, %get3A_344] {strides = array<i32>} : memref<25x80xf32, #tpu.memory_space<vmem>>, vector<16xf32>,
        %swap3A_346 = arith.constant 16 : index
        %swap3A_347 = tpu.vector_load %arg12[%swap3A_346] {strides = array<i32>} : memref<80xf32, #tpu.memory_space<vmem>>, vector<16xf32>,
        tpu.vector_store %arg12[%swap3A_346], %get3A_345 {strides = array<i32>} : memref<80xf32, #tpu.memory_space<vmem>>, vector<16xf32>,
        %get3A_348 = arith.index_cast %add3A_290 : i32 to index
        %get3A_349 = arith.constant 32 : index
        %get3A_350 = tpu.vector_load %arg11[%get3A_348, %get3A_349] {strides = array<i32>} : memref<25x80xf32, #tpu.memory_space<vmem>>, vector<16xf32>,
        %swap3A_351 = arith.constant 32 : index
        %swap3A_352 = tpu.vector_load %arg12[%swap3A_351] {strides = array<i32>} : memref<80xf32, #tpu.memory_space<vmem>>, vector<16xf32>,
        tpu.vector_store %arg12[%swap3A_351], %get3A_350 {strides = array<i32>} : memref<80xf32, #tpu.memory_space<vmem>>, vector<16xf32>,
        %get3A_353 = arith.index_cast %add3A_290 : i32 to index
        %get3A_354 = arith.constant 48 : index
        %get3A_355 = tpu.vector_load %arg11[%get3A_353, %get3A_354] {strides = array<i32>} : memref<25x80xf32, #tpu.memory_space<vmem>>, vector<16xf32>,
        %swap3A_356 = arith.constant 48 : index
        %swap3A_357 = tpu.vector_load %arg12[%swap3A_356] {strides = array<i32>} : memref<80xf32, #tpu.memory_space<vmem>>, vector<16xf32>,
        tpu.vector_store %arg12[%swap3A_356], %get3A_355 {strides = array<i32>} : memref<80xf32, #tpu.memory_space<vmem>>, vector<16xf32>,
        %get3A_358 = arith.index_cast %add3A_290 : i32 to index
        %get3A_359 = arith.constant 64 : index
        %get3A_360 = tpu.vector_load %arg11[%get3A_358, %get3A_359] {strides = array<i32>} : memref<25x80xf32, #tpu.memory_space<vmem>>, vector<16xf32>,
        %swap3A_361 = arith.constant 64 : index
        %swap3A_362 = tpu.vector_load %arg12[%swap3A_361] {strides = array<i32>} : memref<80xf32, #tpu.memory_space<vmem>>, vector<16xf32>,
        tpu.vector_store %arg12[%swap3A_361], %get3A_360 {strides = array<i32>} : memref<80xf32, #tpu.memory_space<vmem>>, vector<16xf32>,
        %parallel_loop3A_363 = arith.constant 0 : i32
        %parallel_loop3A_364 = arith.constant 80 : i32
        %parallel_loop3A_365 = arith.constant 1 : i32
        scf.for %parallel_loop3A_372 = %parallel_loop3A_363 to %parallel_loop3A_364 step %parallel_loop3A_365  : i32 {
          %parallel_loop3A_373 = vector.broadcast %parallel_loop3A_372 : i32 to vector<16xi32>
          %parallel_loop3A_374 = arith.addi %broadcast_in_dim3A_3, %parallel_loop3A_373 : vector<16xi32>
          %parallel_loop3A_375 = tpu.vector_load_idx %arg12[%parallel_loop3A_374] : memref<80xf32, #tpu.memory_space<vmem>>[vector<16xi32>], vector<16xf32>,
          %parallel_loop3A_376 = arith.index_cast %parallel_loop3A_372 : i32 to index
          %parallel_loop3A_377 = arith.constant 0 : index
          %parallel_loop3A_378 = tpu.vector_load %arg15[%parallel_loop3A_376, %parallel_loop3A_377] {strides = array<i32>} : memref<80x128xf32, #tpu.memory_space<vmem>>, vector<16xf32>,
          %parallel_loop3A_379 = arith.mulf %parallel_loop3A_378, %parallel_loop3A_375 : vector<16xf32>
          %parallel_loop3A_380 = arith.index_cast %parallel_loop3A_372 : i32 to index
          %parallel_loop3A_381 = arith.constant 0 : index
          %parallel_loop3A_382 = tpu.vector_load %arg15[%parallel_loop3A_380, %parallel_loop3A_381] {strides = array<i32>} : memref<80x128xf32, #tpu.memory_space<vmem>>, vector<16xf32>,
          tpu.vector_store %arg15[%parallel_loop3A_380, %parallel_loop3A_381], %parallel_loop3A_379 {strides = array<i32>} : memref<80x128xf32, #tpu.memory_space<vmem>>, vector<16xf32>,
          %parallel_loop3A_383 = arith.index_cast %parallel_loop3A_372 : i32 to index
          %parallel_loop3A_384 = arith.constant 16 : index
          %parallel_loop3A_385 = tpu.vector_load %arg15[%parallel_loop3A_383, %parallel_loop3A_384] {strides = array<i32>} : memref<80x128xf32, #tpu.memory_space<vmem>>, vector<16xf32>,
          %parallel_loop3A_386 = arith.mulf %parallel_loop3A_385, %parallel_loop3A_375 : vector<16xf32>
          %parallel_loop3A_387 = arith.index_cast %parallel_loop3A_372 : i32 to index
          %parallel_loop3A_388 = arith.constant 16 : index
          %parallel_loop3A_389 = tpu.vector_load %arg15[%parallel_loop3A_387, %parallel_loop3A_388] {strides = array<i32>} : memref<80x128xf32, #tpu.memory_space<vmem>>, vector<16xf32>,
          tpu.vector_store %arg15[%parallel_loop3A_387, %parallel_loop3A_388], %parallel_loop3A_386 {strides = array<i32>} : memref<80x128xf32, #tpu.memory_space<vmem>>, vector<16xf32>,
          %parallel_loop3A_390 = arith.index_cast %parallel_loop3A_372 : i32 to index
          %parallel_loop3A_391 = arith.constant 32 : index
          %parallel_loop3A_392 = tpu.vector_load %arg15[%parallel_loop3A_390, %parallel_loop3A_391] {strides = array<i32>} : memref<80x128xf32, #tpu.memory_space<vmem>>, vector<16xf32>,
          %parallel_loop3A_393 = arith.mulf %parallel_loop3A_392, %parallel_loop3A_375 : vector<16xf32>
          %parallel_loop3A_394 = arith.index_cast %parallel_loop3A_372 : i32 to index
          %parallel_loop3A_395 = arith.constant 32 : index
          %parallel_loop3A_396 = tpu.vector_load %arg15[%parallel_loop3A_394, %parallel_loop3A_395] {strides = array<i32>} : memref<80x128xf32, #tpu.memory_space<vmem>>, vector<16xf32>,
          tpu.vector_store %arg15[%parallel_loop3A_394, %parallel_loop3A_395], %parallel_loop3A_393 {strides = array<i32>} : memref<80x128xf32, #tpu.memory_space<vmem>>, vector<16xf32>,
          %parallel_loop3A_397 = arith.index_cast %parallel_loop3A_372 : i32 to index
          %parallel_loop3A_398 = arith.constant 48 : index
          %parallel_loop3A_399 = tpu.vector_load %arg15[%parallel_loop3A_397, %parallel_loop3A_398] {strides = array<i32>} : memref<80x128xf32, #tpu.memory_space<vmem>>, vector<16xf32>,
          %parallel_loop3A_400 = arith.mulf %parallel_loop3A_399, %parallel_loop3A_375 : vector<16xf32>
          %parallel_loop3A_401 = arith.index_cast %parallel_loop3A_372 : i32 to index
          %parallel_loop3A_402 = arith.constant 48 : index
          %parallel_loop3A_403 = tpu.vector_load %arg15[%parallel_loop3A_401, %parallel_loop3A_402] {strides = array<i32>} : memref<80x128xf32, #tpu.memory_space<vmem>>, vector<16xf32>,
          tpu.vector_store %arg15[%parallel_loop3A_401, %parallel_loop3A_402], %parallel_loop3A_400 {strides = array<i32>} : memref<80x128xf32, #tpu.memory_space<vmem>>, vector<16xf32>,
          %parallel_loop3A_404 = arith.index_cast %parallel_loop3A_372 : i32 to index
          %parallel_loop3A_405 = arith.constant 64 : index
          %parallel_loop3A_406 = tpu.vector_load %arg15[%parallel_loop3A_404, %parallel_loop3A_405] {strides = array<i32>} : memref<80x128xf32, #tpu.memory_space<vmem>>, vector<16xf32>,
          %parallel_loop3A_407 = arith.mulf %parallel_loop3A_406, %parallel_loop3A_375 : vector<16xf32>
          %parallel_loop3A_408 = arith.index_cast %parallel_loop3A_372 : i32 to index
          %parallel_loop3A_409 = arith.constant 64 : index
          %parallel_loop3A_410 = tpu.vector_load %arg15[%parallel_loop3A_408, %parallel_loop3A_409] {strides = array<i32>} : memref<80x128xf32, #tpu.memory_space<vmem>>, vector<16xf32>,
          tpu.vector_store %arg15[%parallel_loop3A_408, %parallel_loop3A_409], %parallel_loop3A_407 {strides = array<i32>} : memref<80x128xf32, #tpu.memory_space<vmem>>, vector<16xf32>,
          %parallel_loop3A_411 = arith.index_cast %parallel_loop3A_372 : i32 to index
          %parallel_loop3A_412 = arith.constant 80 : index
          %parallel_loop3A_413 = tpu.vector_load %arg15[%parallel_loop3A_411, %parallel_loop3A_412] {strides = array<i32>} : memref<80x128xf32, #tpu.memory_space<vmem>>, vector<16xf32>,
          %parallel_loop3A_414 = arith.mulf %parallel_loop3A_413, %parallel_loop3A_375 : vector<16xf32>
          %parallel_loop3A_415 = arith.index_cast %parallel_loop3A_372 : i32 to index
          %parallel_loop3A_416 = arith.constant 80 : index
          %parallel_loop3A_417 = tpu.vector_load %arg15[%parallel_loop3A_415, %parallel_loop3A_416] {strides = array<i32>} : memref<80x128xf32, #tpu.memory_space<vmem>>, vector<16xf32>,
          tpu.vector_store %arg15[%parallel_loop3A_415, %parallel_loop3A_416], %parallel_loop3A_414 {strides = array<i32>} : memref<80x128xf32, #tpu.memory_space<vmem>>, vector<16xf32>,
          %parallel_loop3A_418 = arith.index_cast %parallel_loop3A_372 : i32 to index
          %parallel_loop3A_419 = arith.constant 96 : index
          %parallel_loop3A_420 = tpu.vector_load %arg15[%parallel_loop3A_418, %parallel_loop3A_419] {strides = array<i32>} : memref<80x128xf32, #tpu.memory_space<vmem>>, vector<16xf32>,
          %parallel_loop3A_421 = arith.mulf %parallel_loop3A_420, %parallel_loop3A_375 : vector<16xf32>
          %parallel_loop3A_422 = arith.index_cast %parallel_loop3A_372 : i32 to index
          %parallel_loop3A_423 = arith.constant 96 : index
          %parallel_loop3A_424 = tpu.vector_load %arg15[%parallel_loop3A_422, %parallel_loop3A_423] {strides = array<i32>} : memref<80x128xf32, #tpu.memory_space<vmem>>, vector<16xf32>,
          tpu.vector_store %arg15[%parallel_loop3A_422, %parallel_loop3A_423], %parallel_loop3A_421 {strides = array<i32>} : memref<80x128xf32, #tpu.memory_space<vmem>>, vector<16xf32>,
          %parallel_loop3A_425 = arith.index_cast %parallel_loop3A_372 : i32 to index
          %parallel_loop3A_426 = arith.constant 112 : index
          %parallel_loop3A_427 = tpu.vector_load %arg15[%parallel_loop3A_425, %parallel_loop3A_426] {strides = array<i32>} : memref<80x128xf32, #tpu.memory_space<vmem>>, vector<16xf32>,
          %parallel_loop3A_428 = arith.mulf %parallel_loop3A_427, %parallel_loop3A_375 : vector<16xf32>
          %parallel_loop3A_429 = arith.index_cast %parallel_loop3A_372 : i32 to index
          %parallel_loop3A_430 = arith.constant 112 : index
          %parallel_loop3A_431 = tpu.vector_load %arg15[%parallel_loop3A_429, %parallel_loop3A_430] {strides = array<i32>} : memref<80x128xf32, #tpu.memory_space<vmem>>, vector<16xf32>,
          tpu.vector_store %arg15[%parallel_loop3A_429, %parallel_loop3A_430], %parallel_loop3A_428 {strides = array<i32>} : memref<80x128xf32, #tpu.memory_space<vmem>>, vector<16xf32>,
        } {sc.loop_unroll_factor = 2 : i64, sc.parallel_access}
        %dma_start3A_366 = arith.constant 0 : i32
        %dma_start3A_367 = tpu.memref_slice %arg10[%add3A_290, %dma_start3A_366] : memref<25x80xi32, #tpu.memory_space<vmem>> -> memref<1x80xi32, #tpu.memory_space<vmem>>
        %dma_start3A_368 = tpu.memref_squeeze %dma_start3A_367 : memref<1x80xi32, #tpu.memory_space<vmem>> -> memref<80xi32, #tpu.memory_space<vmem>>
        %dma_start3A_369 = arith.constant 0 : i32
        %dma_start3A_370 = arith.constant 0 : i32
        %dma_start3A_371 = tpu.memref_slice %arg8[%dma_start3A_369, %dma_start3A_370] : memref<10240x128xf32, #tpu.memory_space<vmem_shared>> -> memref<10240x128xf32, #tpu.memory_space<vmem_shared>>
        tpu.enqueue_indirect_dma source(%arg15 : memref<80x128xf32, #tpu.memory_space<vmem>>) target(%dma_start3A_371 : memref<10240x128xf32, #tpu.memory_space<vmem_shared>>) offsets(%dma_start3A_368 : memref<80xi32, #tpu.memory_space<vmem>>) semaphore(%arg21 : memref<!tpu.dma_semaphore, #tpu.memory_space<semaphore_mem>>) {add = true}
      }
      %scan3A_41 = arith.constant 8 : i32
      %dma_wait3A = arith.constant 0 : i32
      %dma_wait3A_42 = arith.constant 0 : i32
      %dma_wait3A_43 = arith.constant 0 : i32
      %dma_wait3A_44 = tpu.memref_slice %arg13[%dma_wait3A_42, %dma_wait3A_43] : memref<80x128xf32, #tpu.memory_space<vmem>> -> memref<40x128xf32, #tpu.memory_space<vmem>>
      %dma_wait3A_45 = arith.constant 0 : i32
      %dma_wait3A_46 = tpu.memref_slice %arg9[%dma_wait3A, %dma_wait3A_45] : memref<25x80xi32, #tpu.memory_space<vmem>> -> memref<1x40xi32, #tpu.memory_space<vmem>>
      %dma_wait3A_47 = tpu.memref_squeeze %dma_wait3A_46 : memref<1x40xi32, #tpu.memory_space<vmem>> -> memref<40xi32, #tpu.memory_space<vmem>>
      %dma_wait3A_48 = arith.constant 0 : i32
      %dma_wait3A_49 = arith.constant 0 : i32
      %dma_wait3A_50 = tpu.memref_slice %arg3[%dma_wait3A_48, %dma_wait3A_49] : memref<10000x128xf32, #tpu.memory_space<hbm>> -> memref<10000x128xf32, #tpu.memory_space<hbm>>
      tpu.wait_indirect_dma semaphore(%arg16 : memref<!tpu.dma_semaphore, #tpu.memory_space<semaphore_mem>>) src(%dma_wait3A_50 : memref<10000x128xf32, #tpu.memory_space<hbm>>) dst(%dma_wait3A_44 : memref<40x128xf32, #tpu.memory_space<vmem>>)
      %dma_wait3A_51 = arith.constant 0 : i32
      %dma_wait3A_52 = arith.constant 40 : i32
      %dma_wait3A_53 = arith.constant 0 : i32
      %dma_wait3A_54 = tpu.memref_slice %arg13[%dma_wait3A_52, %dma_wait3A_53] : memref<80x128xf32, #tpu.memory_space<vmem>> -> memref<40x128xf32, #tpu.memory_space<vmem>>
      %dma_wait3A_55 = arith.constant 40 : i32
      %dma_wait3A_56 = tpu.memref_slice %arg9[%dma_wait3A_51, %dma_wait3A_55] : memref<25x80xi32, #tpu.memory_space<vmem>> -> memref<1x40xi32, #tpu.memory_space<vmem>>
      %dma_wait3A_57 = tpu.memref_squeeze %dma_wait3A_56 : memref<1x40xi32, #tpu.memory_space<vmem>> -> memref<40xi32, #tpu.memory_space<vmem>>
      %dma_wait3A_58 = arith.constant 0 : i32
      %dma_wait3A_59 = arith.constant 0 : i32
      %dma_wait3A_60 = tpu.memref_slice %arg3[%dma_wait3A_58, %dma_wait3A_59] : memref<10000x128xf32, #tpu.memory_space<hbm>> -> memref<10000x128xf32, #tpu.memory_space<hbm>>
      tpu.wait_indirect_dma semaphore(%arg16 : memref<!tpu.dma_semaphore, #tpu.memory_space<semaphore_mem>>) src(%dma_wait3A_60 : memref<10000x128xf32, #tpu.memory_space<hbm>>) dst(%dma_wait3A_54 : memref<40x128xf32, #tpu.memory_space<vmem>>)
      %get3A = arith.constant 24 : i32
      %get3A_61 = arith.index_cast %get3A : i32 to index
      %get3A_62 = arith.constant 0 : index
      %get3A_63 = tpu.vector_load %arg11[%get3A_61, %get3A_62] {strides = array<i32>} : memref<25x80xf32, #tpu.memory_space<vmem>>, vector<16xf32>,
      %swap3A = arith.constant 0 : index
      %swap3A_64 = tpu.vector_load %arg12[%swap3A] {strides = array<i32>} : memref<80xf32, #tpu.memory_space<vmem>>, vector<16xf32>,
      tpu.vector_store %arg12[%swap3A], %get3A_63 {strides = array<i32>} : memref<80xf32, #tpu.memory_space<vmem>>, vector<16xf32>,
      %get3A_65 = arith.constant 24 : i32
      %get3A_66 = arith.index_cast %get3A_65 : i32 to index
      %get3A_67 = arith.constant 16 : index
      %get3A_68 = tpu.vector_load %arg11[%get3A_66, %get3A_67] {strides = array<i32>} : memref<25x80xf32, #tpu.memory_space<vmem>>, vector<16xf32>,
      %swap3A_69 = arith.constant 16 : index
      %swap3A_70 = tpu.vector_load %arg12[%swap3A_69] {strides = array<i32>} : memref<80xf32, #tpu.memory_space<vmem>>, vector<16xf32>,
      tpu.vector_store %arg12[%swap3A_69], %get3A_68 {strides = array<i32>} : memref<80xf32, #tpu.memory_space<vmem>>, vector<16xf32>,
      %get3A_71 = arith.constant 24 : i32
      %get3A_72 = arith.index_cast %get3A_71 : i32 to index
      %get3A_73 = arith.constant 32 : index
      %get3A_74 = tpu.vector_load %arg11[%get3A_72, %get3A_73] {strides = array<i32>} : memref<25x80xf32, #tpu.memory_space<vmem>>, vector<16xf32>,
      %swap3A_75 = arith.constant 32 : index
      %swap3A_76 = tpu.vector_load %arg12[%swap3A_75] {strides = array<i32>} : memref<80xf32, #tpu.memory_space<vmem>>, vector<16xf32>,
      tpu.vector_store %arg12[%swap3A_75], %get3A_74 {strides = array<i32>} : memref<80xf32, #tpu.memory_space<vmem>>, vector<16xf32>,
      %get3A_77 = arith.constant 24 : i32
      %get3A_78 = arith.index_cast %get3A_77 : i32 to index
      %get3A_79 = arith.constant 48 : index
      %get3A_80 = tpu.vector_load %arg11[%get3A_78, %get3A_79] {strides = array<i32>} : memref<25x80xf32, #tpu.memory_space<vmem>>, vector<16xf32>,
      %swap3A_81 = arith.constant 48 : index
      %swap3A_82 = tpu.vector_load %arg12[%swap3A_81] {strides = array<i32>} : memref<80xf32, #tpu.memory_space<vmem>>, vector<16xf32>,
      tpu.vector_store %arg12[%swap3A_81], %get3A_80 {strides = array<i32>} : memref<80xf32, #tpu.memory_space<vmem>>, vector<16xf32>,
      %get3A_83 = arith.constant 24 : i32
      %get3A_84 = arith.index_cast %get3A_83 : i32 to index
      %get3A_85 = arith.constant 64 : index
      %get3A_86 = tpu.vector_load %arg11[%get3A_84, %get3A_85] {strides = array<i32>} : memref<25x80xf32, #tpu.memory_space<vmem>>, vector<16xf32>,
      %swap3A_87 = arith.constant 64 : index
      %swap3A_88 = tpu.vector_load %arg12[%swap3A_87] {strides = array<i32>} : memref<80xf32, #tpu.memory_space<vmem>>, vector<16xf32>,
      tpu.vector_store %arg12[%swap3A_87], %get3A_86 {strides = array<i32>} : memref<80xf32, #tpu.memory_space<vmem>>, vector<16xf32>,
      %parallel_loop3A = arith.constant 0 : i32
      %parallel_loop3A_89 = arith.constant 80 : i32
      %parallel_loop3A_90 = arith.constant 1 : i32
      scf.for %parallel_loop3A_119 = %parallel_loop3A to %parallel_loop3A_89 step %parallel_loop3A_90  : i32 {
        %parallel_loop3A_120 = vector.broadcast %parallel_loop3A_119 : i32 to vector<16xi32>
        %parallel_loop3A_121 = arith.addi %broadcast_in_dim3A_3, %parallel_loop3A_120 : vector<16xi32>
        %parallel_loop3A_122 = tpu.vector_load_idx %arg12[%parallel_loop3A_121] : memref<80xf32, #tpu.memory_space<vmem>>[vector<16xi32>], vector<16xf32>,
        %parallel_loop3A_123 = arith.index_cast %parallel_loop3A_119 : i32 to index
        %parallel_loop3A_124 = arith.constant 0 : index
        %parallel_loop3A_125 = tpu.vector_load %arg13[%parallel_loop3A_123, %parallel_loop3A_124] {strides = array<i32>} : memref<80x128xf32, #tpu.memory_space<vmem>>, vector<16xf32>,
        %parallel_loop3A_126 = arith.mulf %parallel_loop3A_125, %parallel_loop3A_122 : vector<16xf32>
        %parallel_loop3A_127 = arith.index_cast %parallel_loop3A_119 : i32 to index
        %parallel_loop3A_128 = arith.constant 0 : index
        %parallel_loop3A_129 = tpu.vector_load %arg13[%parallel_loop3A_127, %parallel_loop3A_128] {strides = array<i32>} : memref<80x128xf32, #tpu.memory_space<vmem>>, vector<16xf32>,
        tpu.vector_store %arg13[%parallel_loop3A_127, %parallel_loop3A_128], %parallel_loop3A_126 {strides = array<i32>} : memref<80x128xf32, #tpu.memory_space<vmem>>, vector<16xf32>,
        %parallel_loop3A_130 = arith.index_cast %parallel_loop3A_119 : i32 to index
        %parallel_loop3A_131 = arith.constant 16 : index
        %parallel_loop3A_132 = tpu.vector_load %arg13[%parallel_loop3A_130, %parallel_loop3A_131] {strides = array<i32>} : memref<80x128xf32, #tpu.memory_space<vmem>>, vector<16xf32>,
        %parallel_loop3A_133 = arith.mulf %parallel_loop3A_132, %parallel_loop3A_122 : vector<16xf32>
        %parallel_loop3A_134 = arith.index_cast %parallel_loop3A_119 : i32 to index
        %parallel_loop3A_135 = arith.constant 16 : index
        %parallel_loop3A_136 = tpu.vector_load %arg13[%parallel_loop3A_134, %parallel_loop3A_135] {strides = array<i32>} : memref<80x128xf32, #tpu.memory_space<vmem>>, vector<16xf32>,
        tpu.vector_store %arg13[%parallel_loop3A_134, %parallel_loop3A_135], %parallel_loop3A_133 {strides = array<i32>} : memref<80x128xf32, #tpu.memory_space<vmem>>, vector<16xf32>,
        %parallel_loop3A_137 = arith.index_cast %parallel_loop3A_119 : i32 to index
        %parallel_loop3A_138 = arith.constant 32 : index
        %parallel_loop3A_139 = tpu.vector_load %arg13[%parallel_loop3A_137, %parallel_loop3A_138] {strides = array<i32>} : memref<80x128xf32, #tpu.memory_space<vmem>>, vector<16xf32>,
        %parallel_loop3A_140 = arith.mulf %parallel_loop3A_139, %parallel_loop3A_122 : vector<16xf32>
        %parallel_loop3A_141 = arith.index_cast %parallel_loop3A_119 : i32 to index
        %parallel_loop3A_142 = arith.constant 32 : index
        %parallel_loop3A_143 = tpu.vector_load %arg13[%parallel_loop3A_141, %parallel_loop3A_142] {strides = array<i32>} : memref<80x128xf32, #tpu.memory_space<vmem>>, vector<16xf32>,
        tpu.vector_store %arg13[%parallel_loop3A_141, %parallel_loop3A_142], %parallel_loop3A_140 {strides = array<i32>} : memref<80x128xf32, #tpu.memory_space<vmem>>, vector<16xf32>,
        %parallel_loop3A_144 = arith.index_cast %parallel_loop3A_119 : i32 to index
        %parallel_loop3A_145 = arith.constant 48 : index
        %parallel_loop3A_146 = tpu.vector_load %arg13[%parallel_loop3A_144, %parallel_loop3A_145] {strides = array<i32>} : memref<80x128xf32, #tpu.memory_space<vmem>>, vector<16xf32>,
        %parallel_loop3A_147 = arith.mulf %parallel_loop3A_146, %parallel_loop3A_122 : vector<16xf32>
        %parallel_loop3A_148 = arith.index_cast %parallel_loop3A_119 : i32 to index
        %parallel_loop3A_149 = arith.constant 48 : index
        %parallel_loop3A_150 = tpu.vector_load %arg13[%parallel_loop3A_148, %parallel_loop3A_149] {strides = array<i32>} : memref<80x128xf32, #tpu.memory_space<vmem>>, vector<16xf32>,
        tpu.vector_store %arg13[%parallel_loop3A_148, %parallel_loop3A_149], %parallel_loop3A_147 {strides = array<i32>} : memref<80x128xf32, #tpu.memory_space<vmem>>, vector<16xf32>,
        %parallel_loop3A_151 = arith.index_cast %parallel_loop3A_119 : i32 to index
        %parallel_loop3A_152 = arith.constant 64 : index
        %parallel_loop3A_153 = tpu.vector_load %arg13[%parallel_loop3A_151, %parallel_loop3A_152] {strides = array<i32>} : memref<80x128xf32, #tpu.memory_space<vmem>>, vector<16xf32>,
        %parallel_loop3A_154 = arith.mulf %parallel_loop3A_153, %parallel_loop3A_122 : vector<16xf32>
        %parallel_loop3A_155 = arith.index_cast %parallel_loop3A_119 : i32 to index
        %parallel_loop3A_156 = arith.constant 64 : index
        %parallel_loop3A_157 = tpu.vector_load %arg13[%parallel_loop3A_155, %parallel_loop3A_156] {strides = array<i32>} : memref<80x128xf32, #tpu.memory_space<vmem>>, vector<16xf32>,
        tpu.vector_store %arg13[%parallel_loop3A_155, %parallel_loop3A_156], %parallel_loop3A_154 {strides = array<i32>} : memref<80x128xf32, #tpu.memory_space<vmem>>, vector<16xf32>,
        %parallel_loop3A_158 = arith.index_cast %parallel_loop3A_119 : i32 to index
        %parallel_loop3A_159 = arith.constant 80 : index
        %parallel_loop3A_160 = tpu.vector_load %arg13[%parallel_loop3A_158, %parallel_loop3A_159] {strides = array<i32>} : memref<80x128xf32, #tpu.memory_space<vmem>>, vector<16xf32>,
        %parallel_loop3A_161 = arith.mulf %parallel_loop3A_160, %parallel_loop3A_122 : vector<16xf32>
        %parallel_loop3A_162 = arith.index_cast %parallel_loop3A_119 : i32 to index
        %parallel_loop3A_163 = arith.constant 80 : index
        %parallel_loop3A_164 = tpu.vector_load %arg13[%parallel_loop3A_162, %parallel_loop3A_163] {strides = array<i32>} : memref<80x128xf32, #tpu.memory_space<vmem>>, vector<16xf32>,
        tpu.vector_store %arg13[%parallel_loop3A_162, %parallel_loop3A_163], %parallel_loop3A_161 {strides = array<i32>} : memref<80x128xf32, #tpu.memory_space<vmem>>, vector<16xf32>,
        %parallel_loop3A_165 = arith.index_cast %parallel_loop3A_119 : i32 to index
        %parallel_loop3A_166 = arith.constant 96 : index
        %parallel_loop3A_167 = tpu.vector_load %arg13[%parallel_loop3A_165, %parallel_loop3A_166] {strides = array<i32>} : memref<80x128xf32, #tpu.memory_space<vmem>>, vector<16xf32>,
        %parallel_loop3A_168 = arith.mulf %parallel_loop3A_167, %parallel_loop3A_122 : vector<16xf32>
        %parallel_loop3A_169 = arith.index_cast %parallel_loop3A_119 : i32 to index
        %parallel_loop3A_170 = arith.constant 96 : index
        %parallel_loop3A_171 = tpu.vector_load %arg13[%parallel_loop3A_169, %parallel_loop3A_170] {strides = array<i32>} : memref<80x128xf32, #tpu.memory_space<vmem>>, vector<16xf32>,
        tpu.vector_store %arg13[%parallel_loop3A_169, %parallel_loop3A_170], %parallel_loop3A_168 {strides = array<i32>} : memref<80x128xf32, #tpu.memory_space<vmem>>, vector<16xf32>,
        %parallel_loop3A_172 = arith.index_cast %parallel_loop3A_119 : i32 to index
        %parallel_loop3A_173 = arith.constant 112 : index
        %parallel_loop3A_174 = tpu.vector_load %arg13[%parallel_loop3A_172, %parallel_loop3A_173] {strides = array<i32>} : memref<80x128xf32, #tpu.memory_space<vmem>>, vector<16xf32>,
        %parallel_loop3A_175 = arith.mulf %parallel_loop3A_174, %parallel_loop3A_122 : vector<16xf32>
        %parallel_loop3A_176 = arith.index_cast %parallel_loop3A_119 : i32 to index
        %parallel_loop3A_177 = arith.constant 112 : index
        %parallel_loop3A_178 = tpu.vector_load %arg13[%parallel_loop3A_176, %parallel_loop3A_177] {strides = array<i32>} : memref<80x128xf32, #tpu.memory_space<vmem>>, vector<16xf32>,
        tpu.vector_store %arg13[%parallel_loop3A_176, %parallel_loop3A_177], %parallel_loop3A_175 {strides = array<i32>} : memref<80x128xf32, #tpu.memory_space<vmem>>, vector<16xf32>,
      } {sc.loop_unroll_factor = 2 : i64, sc.parallel_access}
      %dma_start3A_91 = arith.constant 24 : i32
      %dma_start3A_92 = arith.constant 0 : i32
      %dma_start3A_93 = tpu.memref_slice %arg10[%dma_start3A_91, %dma_start3A_92] : memref<25x80xi32, #tpu.memory_space<vmem>> -> memref<1x80xi32, #tpu.memory_space<vmem>>
      %dma_start3A_94 = tpu.memref_squeeze %dma_start3A_93 : memref<1x80xi32, #tpu.memory_space<vmem>> -> memref<80xi32, #tpu.memory_space<vmem>>
      %dma_start3A_95 = arith.constant 0 : i32
      %dma_start3A_96 = arith.constant 0 : i32
      %dma_start3A_97 = tpu.memref_slice %arg8[%dma_start3A_95, %dma_start3A_96] : memref<10240x128xf32, #tpu.memory_space<vmem_shared>> -> memref<10240x128xf32, #tpu.memory_space<vmem_shared>>
      tpu.enqueue_indirect_dma source(%arg13 : memref<80x128xf32, #tpu.memory_space<vmem>>) target(%dma_start3A_97 : memref<10240x128xf32, #tpu.memory_space<vmem_shared>>) offsets(%dma_start3A_94 : memref<80xi32, #tpu.memory_space<vmem>>) semaphore(%arg19 : memref<!tpu.dma_semaphore, #tpu.memory_space<semaphore_mem>>) {add = true}
      %dma_wait3A_98 = arith.constant 0 : i32
      %dma_wait3A_99 = arith.constant 0 : i32
      %dma_wait3A_100 = tpu.memref_slice %arg10[%dma_wait3A_98, %dma_wait3A_99] : memref<25x80xi32, #tpu.memory_space<vmem>> -> memref<1x80xi32, #tpu.memory_space<vmem>>
      %dma_wait3A_101 = tpu.memref_squeeze %dma_wait3A_100 : memref<1x80xi32, #tpu.memory_space<vmem>> -> memref<80xi32, #tpu.memory_space<vmem>>
      %dma_wait3A_102 = arith.constant 0 : i32
      %dma_wait3A_103 = arith.constant 0 : i32
      %dma_wait3A_104 = tpu.memref_slice %arg8[%dma_wait3A_102, %dma_wait3A_103] : memref<10240x128xf32, #tpu.memory_space<vmem_shared>> -> memref<10240x128xf32, #tpu.memory_space<vmem_shared>>
      tpu.wait_indirect_dma semaphore(%arg20 : memref<!tpu.dma_semaphore, #tpu.memory_space<semaphore_mem>>) src(%arg14 : memref<80x128xf32, #tpu.memory_space<vmem>>) dst(%dma_wait3A_104 : memref<10240x128xf32, #tpu.memory_space<vmem_shared>>)
      %dma_wait3A_105 = arith.constant 0 : i32
      %dma_wait3A_106 = arith.constant 0 : i32
      %dma_wait3A_107 = tpu.memref_slice %arg10[%dma_wait3A_105, %dma_wait3A_106] : memref<25x80xi32, #tpu.memory_space<vmem>> -> memref<1x80xi32, #tpu.memory_space<vmem>>
      %dma_wait3A_108 = tpu.memref_squeeze %dma_wait3A_107 : memref<1x80xi32, #tpu.memory_space<vmem>> -> memref<80xi32, #tpu.memory_space<vmem>>
      %dma_wait3A_109 = arith.constant 0 : i32
      %dma_wait3A_110 = arith.constant 0 : i32
      %dma_wait3A_111 = tpu.memref_slice %arg8[%dma_wait3A_109, %dma_wait3A_110] : memref<10240x128xf32, #tpu.memory_space<vmem_shared>> -> memref<10240x128xf32, #tpu.memory_space<vmem_shared>>
      tpu.wait_indirect_dma semaphore(%arg21 : memref<!tpu.dma_semaphore, #tpu.memory_space<semaphore_mem>>) src(%arg15 : memref<80x128xf32, #tpu.memory_space<vmem>>) dst(%dma_wait3A_111 : memref<10240x128xf32, #tpu.memory_space<vmem_shared>>)
      %dma_wait3A_112 = arith.constant 0 : i32
      %dma_wait3A_113 = arith.constant 0 : i32
      %dma_wait3A_114 = tpu.memref_slice %arg10[%dma_wait3A_112, %dma_wait3A_113] : memref<25x80xi32, #tpu.memory_space<vmem>> -> memref<1x80xi32, #tpu.memory_space<vmem>>
      %dma_wait3A_115 = tpu.memref_squeeze %dma_wait3A_114 : memref<1x80xi32, #tpu.memory_space<vmem>> -> memref<80xi32, #tpu.memory_space<vmem>>
      %dma_wait3A_116 = arith.constant 0 : i32
      %dma_wait3A_117 = arith.constant 0 : i32
      %dma_wait3A_118 = tpu.memref_slice %arg8[%dma_wait3A_116, %dma_wait3A_117] : memref<10240x128xf32, #tpu.memory_space<vmem_shared>> -> memref<10240x128xf32, #tpu.memory_space<vmem_shared>>
      tpu.wait_indirect_dma semaphore(%arg19 : memref<!tpu.dma_semaphore, #tpu.memory_space<semaphore_mem>>) src(%arg13 : memref<80x128xf32, #tpu.memory_space<vmem>>) dst(%dma_wait3A_118 : memref<10240x128xf32, #tpu.memory_space<vmem_shared>>)
    }
    %scan3A_7 = arith.constant 5 : i32
    %barrier3A_8 = arith.constant 0 : index
    tpu.barrier barrier_id(%barrier3A_8)
    %mul3A_9 = arith.constant 640 : i32
    %mul3A_10 = arith.muli %arg1, %mul3A_9 : i32
    %mul3A_11 = arith.constant 640 : i32
    %mul3A_12 = arith.muli %arg1, %mul3A_11 : i32
    "tpu.region"() ({
      %run_scoped3A = tpu.sem_alloc : memref<!tpu.dma_semaphore, #tpu.memory_space<semaphore_mem>>
      %dma_start3A = arith.constant 0 : i32
      %dma_start3A_13 = tpu.memref_slice %arg7[%arg0, %mul3A_12, %dma_start3A] : memref<2x10240x128xf32, #tpu.memory_space<hbm>> -> memref<1x640x128xf32, #tpu.memory_space<hbm>>
      %dma_start3A_14 = tpu.memref_squeeze %dma_start3A_13 : memref<1x640x128xf32, #tpu.memory_space<hbm>> -> memref<640x128xf32, #tpu.memory_space<hbm>>
      %dma_start3A_15 = arith.constant 0 : i32
      %dma_start3A_16 = tpu.memref_slice %arg8[%mul3A_10, %dma_start3A_15] : memref<10240x128xf32, #tpu.memory_space<vmem_shared>> -> memref<640x128xf32, #tpu.memory_space<vmem_shared>>
      tpu.enqueue_dma source(%dma_start3A_16 : memref<640x128xf32, #tpu.memory_space<vmem_shared>>) target(%dma_start3A_14 : memref<640x128xf32, #tpu.memory_space<hbm>>) target_semaphore(%run_scoped3A : memref<!tpu.dma_semaphore, #tpu.memory_space<semaphore_mem>>)
      %dma_wait3A = arith.constant 0 : i32
      %dma_wait3A_17 = tpu.memref_slice %arg7[%arg0, %mul3A_12, %dma_wait3A] : memref<2x10240x128xf32, #tpu.memory_space<hbm>> -> memref<1x640x128xf32, #tpu.memory_space<hbm>>
      %dma_wait3A_18 = tpu.memref_squeeze %dma_wait3A_17 : memref<1x640x128xf32, #tpu.memory_space<hbm>> -> memref<640x128xf32, #tpu.memory_space<hbm>>
      %dma_wait3A_19 = arith.constant 0 : i32
      %dma_wait3A_20 = tpu.memref_slice %arg8[%mul3A_10, %dma_wait3A_19] : memref<10240x128xf32, #tpu.memory_space<vmem_shared>> -> memref<640x128xf32, #tpu.memory_space<vmem_shared>>
      tpu.wait_dma2 semaphore(%run_scoped3A : memref<!tpu.dma_semaphore, #tpu.memory_space<semaphore_mem>>) src(%dma_wait3A_20 : memref<640x128xf32, #tpu.memory_space<vmem_shared>>) dst(%dma_wait3A_18 : memref<640x128xf32, #tpu.memory_space<hbm>>)
      tpu.yield
    }) : () -> ()
    return
  }
}

#map = affine_map<(d0, d1) -> (0, 0)>
#map1 = affine_map<(d0, d1) -> (0, 0, 0, 0)>
#map2 = affine_map<(d0, d1) -> (0, 0, 0)>
module attributes {stable_mosaic.version = 14 : i64} {
  func.func @_s2_body(%arg0: i32, %arg1: i32, %arg2: memref<640x128xf32, #tpu.memory_space<hbm>>, %arg3: memref<10000x128xf32, #tpu.memory_space<hbm>>, %arg4: memref<32x5x25x80xi32, #tpu.memory_space<hbm>>, %arg5: memref<32x5x25x80xi32, #tpu.memory_space<hbm>>, %arg6: memref<32x5x25x80xf32, #tpu.memory_space<hbm>>, %arg7: memref<2x10240x128xf32, #tpu.memory_space<hbm>>, %arg8: memref<10240x128xf32, #tpu.memory_space<vmem_shared>>, %arg9: memref<25x80xi32, #tpu.memory_space<vmem>>, %arg10: memref<25x80xi32, #tpu.memory_space<vmem>>, %arg11: memref<25x80xf32, #tpu.memory_space<vmem>>, %arg12: memref<80xf32, #tpu.memory_space<vmem>>, %arg13: memref<80x128xf32, #tpu.memory_space<vmem>>, %arg14: memref<80x128xf32, #tpu.memory_space<vmem>>, %arg15: memref<80x128xf32, #tpu.memory_space<vmem>>, %arg16: memref<!tpu.dma_semaphore, #tpu.memory_space<semaphore_mem>>, %arg17: memref<!tpu.dma_semaphore, #tpu.memory_space<semaphore_mem>>, %arg18: memref<!tpu.dma_semaphore, #tpu.memory_space<semaphore_mem>>, %arg19: memref<!tpu.dma_semaphore, #tpu.memory_space<semaphore_mem>>, %arg20: memref<!tpu.dma_semaphore, #tpu.memory_space<semaphore_mem>>, %arg21: memref<!tpu.dma_semaphore, #tpu.memory_space<semaphore_mem>>) attributes {dimension_semantics = [#tpu.dimension_semantics<core_parallel>, #tpu.dimension_semantics<subcore_parallel>], iteration_bounds = array<i64: 2, 16>, scalar_prefetch = 0 : i64, scratch_operands = 14 : i64, tpu.core_type = #tpu.core_type<sc_vector_subcore>, window_params = [{transform_indices = #map}, {transform_indices = #map}, {transform_indices = #map1}, {transform_indices = #map1}, {transform_indices = #map1}, {transform_indices = #map2}]} {
    %mul3A = arith.constant 2 : i32
    %mul3A_0 = arith.muli %arg1, %mul3A : i32
    %add3A = arith.addi %mul3A_0, %arg0 : i32
    %mul3A_1 = arith.constant 640 : i32
    %mul3A_2 = arith.muli %arg1, %mul3A_1 : i32
    "tpu.region"() ({
      %run_scoped3A = tpu.sem_alloc : memref<!tpu.dma_semaphore, #tpu.memory_space<semaphore_mem>>
      %dma_start3A = arith.constant 0 : i32
      %dma_start3A_13 = tpu.memref_slice %arg8[%mul3A_2, %dma_start3A] : memref<10240x128xf32, #tpu.memory_space<vmem_shared>> -> memref<640x128xf32, #tpu.memory_space<vmem_shared>>
      tpu.enqueue_dma source(%arg2 : memref<640x128xf32, #tpu.memory_space<hbm>>) target(%dma_start3A_13 : memref<640x128xf32, #tpu.memory_space<vmem_shared>>) target_semaphore(%run_scoped3A : memref<!tpu.dma_semaphore, #tpu.memory_space<semaphore_mem>>)
      %dma_wait3A = arith.constant 0 : i32
      %dma_wait3A_14 = tpu.memref_slice %arg8[%mul3A_2, %dma_wait3A] : memref<10240x128xf32, #tpu.memory_space<vmem_shared>> -> memref<640x128xf32, #tpu.memory_space<vmem_shared>>
      tpu.wait_dma2 semaphore(%run_scoped3A : memref<!tpu.dma_semaphore, #tpu.memory_space<semaphore_mem>>) src(%arg2 : memref<640x128xf32, #tpu.memory_space<hbm>>) dst(%dma_wait3A_14 : memref<640x128xf32, #tpu.memory_space<vmem_shared>>)
      tpu.yield
    }) : () -> ()
    %barrier3A = arith.constant 0 : index
    tpu.barrier barrier_id(%barrier3A)
    %broadcast_in_dim3A = arith.constant 0 : i32
    %broadcast_in_dim3A_3 = vector.broadcast %broadcast_in_dim3A : i32 to vector<16xi32>
    %scan3A = arith.constant 0 : i32
    %scan3A_4 = arith.constant 5 : i32
    %scan3A_5 = arith.addi %scan3A, %scan3A_4 : i32
    %scan3A_6 = arith.constant 1 : i32
    scf.for %scan3A_13 = %scan3A to %scan3A_5 step %scan3A_6  : i32 {
      %mul3A_14 = arith.constant 1 : i32
      %mul3A_15 = arith.muli %scan3A_13, %mul3A_14 : i32
      %add3A_16 = arith.constant 0 : i32
      %add3A_17 = arith.addi %add3A_16, %mul3A_15 : i32
      "tpu.region"() ({
        %run_scoped3A = tpu.sem_alloc : memref<!tpu.dma_semaphore, #tpu.memory_space<semaphore_mem>>
        %dma_start3A_119 = arith.constant 0 : i32
        %dma_start3A_120 = arith.constant 0 : i32
        %dma_start3A_121 = tpu.memref_slice %arg4[%add3A, %add3A_17, %dma_start3A_119, %dma_start3A_120] : memref<32x5x25x80xi32, #tpu.memory_space<hbm>> -> memref<1x1x25x80xi32, #tpu.memory_space<hbm>>
        %dma_start3A_122 = tpu.memref_squeeze %dma_start3A_121 : memref<1x1x25x80xi32, #tpu.memory_space<hbm>> -> memref<25x80xi32, #tpu.memory_space<hbm>>
        %dma_start3A_123 = arith.constant 0 : i32
        %dma_start3A_124 = arith.constant 0 : i32
        %dma_start3A_125 = tpu.memref_slice %arg4[%add3A, %add3A_17, %dma_start3A_123, %dma_start3A_124] : memref<32x5x25x80xi32, #tpu.memory_space<hbm>> -> memref<1x1x25x80xi32, #tpu.memory_space<hbm>>
        %dma_start3A_126 = tpu.memref_squeeze %dma_start3A_125 : memref<1x1x25x80xi32, #tpu.memory_space<hbm>> -> memref<25x80xi32, #tpu.memory_space<hbm>>
        tpu.enqueue_dma source(%dma_start3A_126 : memref<25x80xi32, #tpu.memory_space<hbm>>) target(%arg9 : memref<25x80xi32, #tpu.memory_space<vmem>>) target_semaphore(%run_scoped3A : memref<!tpu.dma_semaphore, #tpu.memory_space<semaphore_mem>>)
        %dma_wait3A_127 = arith.constant 0 : i32
        %dma_wait3A_128 = arith.constant 0 : i32
        %dma_wait3A_129 = tpu.memref_slice %arg4[%add3A, %add3A_17, %dma_wait3A_127, %dma_wait3A_128] : memref<32x5x25x80xi32, #tpu.memory_space<hbm>> -> memref<1x1x25x80xi32, #tpu.memory_space<hbm>>
        %dma_wait3A_130 = tpu.memref_squeeze %dma_wait3A_129 : memref<1x1x25x80xi32, #tpu.memory_space<hbm>> -> memref<25x80xi32, #tpu.memory_space<hbm>>
        %dma_wait3A_131 = arith.constant 0 : i32
        %dma_wait3A_132 = arith.constant 0 : i32
        %dma_wait3A_133 = tpu.memref_slice %arg4[%add3A, %add3A_17, %dma_wait3A_131, %dma_wait3A_132] : memref<32x5x25x80xi32, #tpu.memory_space<hbm>> -> memref<1x1x25x80xi32, #tpu.memory_space<hbm>>
        %dma_wait3A_134 = tpu.memref_squeeze %dma_wait3A_133 : memref<1x1x25x80xi32, #tpu.memory_space<hbm>> -> memref<25x80xi32, #tpu.memory_space<hbm>>
        tpu.wait_dma2 semaphore(%run_scoped3A : memref<!tpu.dma_semaphore, #tpu.memory_space<semaphore_mem>>) src(%dma_wait3A_134 : memref<25x80xi32, #tpu.memory_space<hbm>>) dst(%arg9 : memref<25x80xi32, #tpu.memory_space<vmem>>)
        tpu.yield
      }) : () -> ()
      "tpu.region"() ({
        %run_scoped3A = tpu.sem_alloc : memref<!tpu.dma_semaphore, #tpu.memory_space<semaphore_mem>>
        %dma_start3A_119 = arith.constant 0 : i32
        %dma_start3A_120 = arith.constant 0 : i32
        %dma_start3A_121 = tpu.memref_slice %arg5[%add3A, %add3A_17, %dma_start3A_119, %dma_start3A_120] : memref<32x5x25x80xi32, #tpu.memory_space<hbm>> -> memref<1x1x25x80xi32, #tpu.memory_space<hbm>>
        %dma_start3A_122 = tpu.memref_squeeze %dma_start3A_121 : memref<1x1x25x80xi32, #tpu.memory_space<hbm>> -> memref<25x80xi32, #tpu.memory_space<hbm>>
        %dma_start3A_123 = arith.constant 0 : i32
        %dma_start3A_124 = arith.constant 0 : i32
        %dma_start3A_125 = tpu.memref_slice %arg5[%add3A, %add3A_17, %dma_start3A_123, %dma_start3A_124] : memref<32x5x25x80xi32, #tpu.memory_space<hbm>> -> memref<1x1x25x80xi32, #tpu.memory_space<hbm>>
        %dma_start3A_126 = tpu.memref_squeeze %dma_start3A_125 : memref<1x1x25x80xi32, #tpu.memory_space<hbm>> -> memref<25x80xi32, #tpu.memory_space<hbm>>
        tpu.enqueue_dma source(%dma_start3A_126 : memref<25x80xi32, #tpu.memory_space<hbm>>) target(%arg10 : memref<25x80xi32, #tpu.memory_space<vmem>>) target_semaphore(%run_scoped3A : memref<!tpu.dma_semaphore, #tpu.memory_space<semaphore_mem>>)
        %dma_wait3A_127 = arith.constant 0 : i32
        %dma_wait3A_128 = arith.constant 0 : i32
        %dma_wait3A_129 = tpu.memref_slice %arg5[%add3A, %add3A_17, %dma_wait3A_127, %dma_wait3A_128] : memref<32x5x25x80xi32, #tpu.memory_space<hbm>> -> memref<1x1x25x80xi32, #tpu.memory_space<hbm>>
        %dma_wait3A_130 = tpu.memref_squeeze %dma_wait3A_129 : memref<1x1x25x80xi32, #tpu.memory_space<hbm>> -> memref<25x80xi32, #tpu.memory_space<hbm>>
        %dma_wait3A_131 = arith.constant 0 : i32
        %dma_wait3A_132 = arith.constant 0 : i32
        %dma_wait3A_133 = tpu.memref_slice %arg5[%add3A, %add3A_17, %dma_wait3A_131, %dma_wait3A_132] : memref<32x5x25x80xi32, #tpu.memory_space<hbm>> -> memref<1x1x25x80xi32, #tpu.memory_space<hbm>>
        %dma_wait3A_134 = tpu.memref_squeeze %dma_wait3A_133 : memref<1x1x25x80xi32, #tpu.memory_space<hbm>> -> memref<25x80xi32, #tpu.memory_space<hbm>>
        tpu.wait_dma2 semaphore(%run_scoped3A : memref<!tpu.dma_semaphore, #tpu.memory_space<semaphore_mem>>) src(%dma_wait3A_134 : memref<25x80xi32, #tpu.memory_space<hbm>>) dst(%arg10 : memref<25x80xi32, #tpu.memory_space<vmem>>)
        tpu.yield
      }) : () -> ()
      "tpu.region"() ({
        %run_scoped3A = tpu.sem_alloc : memref<!tpu.dma_semaphore, #tpu.memory_space<semaphore_mem>>
        %dma_start3A_119 = arith.constant 0 : i32
        %dma_start3A_120 = arith.constant 0 : i32
        %dma_start3A_121 = tpu.memref_slice %arg6[%add3A, %add3A_17, %dma_start3A_119, %dma_start3A_120] : memref<32x5x25x80xf32, #tpu.memory_space<hbm>> -> memref<1x1x25x80xf32, #tpu.memory_space<hbm>>
        %dma_start3A_122 = tpu.memref_squeeze %dma_start3A_121 : memref<1x1x25x80xf32, #tpu.memory_space<hbm>> -> memref<25x80xf32, #tpu.memory_space<hbm>>
        %dma_start3A_123 = arith.constant 0 : i32
        %dma_start3A_124 = arith.constant 0 : i32
        %dma_start3A_125 = tpu.memref_slice %arg6[%add3A, %add3A_17, %dma_start3A_123, %dma_start3A_124] : memref<32x5x25x80xf32, #tpu.memory_space<hbm>> -> memref<1x1x25x80xf32, #tpu.memory_space<hbm>>
        %dma_start3A_126 = tpu.memref_squeeze %dma_start3A_125 : memref<1x1x25x80xf32, #tpu.memory_space<hbm>> -> memref<25x80xf32, #tpu.memory_space<hbm>>
        tpu.enqueue_dma source(%dma_start3A_126 : memref<25x80xf32, #tpu.memory_space<hbm>>) target(%arg11 : memref<25x80xf32, #tpu.memory_space<vmem>>) target_semaphore(%run_scoped3A : memref<!tpu.dma_semaphore, #tpu.memory_space<semaphore_mem>>)
        %dma_wait3A_127 = arith.constant 0 : i32
        %dma_wait3A_128 = arith.constant 0 : i32
        %dma_wait3A_129 = tpu.memref_slice %arg6[%add3A, %add3A_17, %dma_wait3A_127, %dma_wait3A_128] : memref<32x5x25x80xf32, #tpu.memory_space<hbm>> -> memref<1x1x25x80xf32, #tpu.memory_space<hbm>>
        %dma_wait3A_130 = tpu.memref_squeeze %dma_wait3A_129 : memref<1x1x25x80xf32, #tpu.memory_space<hbm>> -> memref<25x80xf32, #tpu.memory_space<hbm>>
        %dma_wait3A_131 = arith.constant 0 : i32
        %dma_wait3A_132 = arith.constant 0 : i32
        %dma_wait3A_133 = tpu.memref_slice %arg6[%add3A, %add3A_17, %dma_wait3A_131, %dma_wait3A_132] : memref<32x5x25x80xf32, #tpu.memory_space<hbm>> -> memref<1x1x25x80xf32, #tpu.memory_space<hbm>>
        %dma_wait3A_134 = tpu.memref_squeeze %dma_wait3A_133 : memref<1x1x25x80xf32, #tpu.memory_space<hbm>> -> memref<25x80xf32, #tpu.memory_space<hbm>>
        tpu.wait_dma2 semaphore(%run_scoped3A : memref<!tpu.dma_semaphore, #tpu.memory_space<semaphore_mem>>) src(%dma_wait3A_134 : memref<25x80xf32, #tpu.memory_space<hbm>>) dst(%arg11 : memref<25x80xf32, #tpu.memory_space<vmem>>)
        tpu.yield
      }) : () -> ()
      %dma_start3A = arith.constant 0 : i32
      %dma_start3A_18 = arith.constant 0 : i32
      %dma_start3A_19 = arith.constant 0 : i32
      %dma_start3A_20 = tpu.memref_slice %arg13[%dma_start3A_18, %dma_start3A_19] : memref<80x128xf32, #tpu.memory_space<vmem>> -> memref<40x128xf32, #tpu.memory_space<vmem>>
      %dma_start3A_21 = arith.constant 0 : i32
      %dma_start3A_22 = tpu.memref_slice %arg9[%dma_start3A, %dma_start3A_21] : memref<25x80xi32, #tpu.memory_space<vmem>> -> memref<1x40xi32, #tpu.memory_space<vmem>>
      %dma_start3A_23 = tpu.memref_squeeze %dma_start3A_22 : memref<1x40xi32, #tpu.memory_space<vmem>> -> memref<40xi32, #tpu.memory_space<vmem>>
      %dma_start3A_24 = arith.constant 0 : i32
      %dma_start3A_25 = arith.constant 0 : i32
      %dma_start3A_26 = tpu.memref_slice %arg3[%dma_start3A_24, %dma_start3A_25] : memref<10000x128xf32, #tpu.memory_space<hbm>> -> memref<10000x128xf32, #tpu.memory_space<hbm>>
      tpu.enqueue_indirect_dma source(%dma_start3A_26 : memref<10000x128xf32, #tpu.memory_space<hbm>>) target(%dma_start3A_20 : memref<40x128xf32, #tpu.memory_space<vmem>>) offsets(%dma_start3A_23 : memref<40xi32, #tpu.memory_space<vmem>>) semaphore(%arg16 : memref<!tpu.dma_semaphore, #tpu.memory_space<semaphore_mem>>)
      %dma_start3A_27 = arith.constant 0 : i32
      %dma_start3A_28 = arith.constant 40 : i32
      %dma_start3A_29 = arith.constant 0 : i32
      %dma_start3A_30 = tpu.memref_slice %arg13[%dma_start3A_28, %dma_start3A_29] : memref<80x128xf32, #tpu.memory_space<vmem>> -> memref<40x128xf32, #tpu.memory_space<vmem>>
      %dma_start3A_31 = arith.constant 40 : i32
      %dma_start3A_32 = tpu.memref_slice %arg9[%dma_start3A_27, %dma_start3A_31] : memref<25x80xi32, #tpu.memory_space<vmem>> -> memref<1x40xi32, #tpu.memory_space<vmem>>
      %dma_start3A_33 = tpu.memref_squeeze %dma_start3A_32 : memref<1x40xi32, #tpu.memory_space<vmem>> -> memref<40xi32, #tpu.memory_space<vmem>>
      %dma_start3A_34 = arith.constant 0 : i32
      %dma_start3A_35 = arith.constant 0 : i32
      %dma_start3A_36 = tpu.memref_slice %arg3[%dma_start3A_34, %dma_start3A_35] : memref<10000x128xf32, #tpu.memory_space<hbm>> -> memref<10000x128xf32, #tpu.memory_space<hbm>>
      tpu.enqueue_indirect_dma source(%dma_start3A_36 : memref<10000x128xf32, #tpu.memory_space<hbm>>) target(%dma_start3A_30 : memref<40x128xf32, #tpu.memory_space<vmem>>) offsets(%dma_start3A_33 : memref<40xi32, #tpu.memory_space<vmem>>) semaphore(%arg16 : memref<!tpu.dma_semaphore, #tpu.memory_space<semaphore_mem>>)
      %scan3A_37 = arith.constant 0 : i32
      %scan3A_38 = arith.constant 8 : i32
      %scan3A_39 = arith.addi %scan3A_37, %scan3A_38 : i32
      %scan3A_40 = arith.constant 1 : i32
      scf.for %scan3A_119 = %scan3A_37 to %scan3A_39 step %scan3A_40  : i32 {
        %mul3A_120 = arith.constant 1 : i32
        %mul3A_121 = arith.muli %scan3A_119, %mul3A_120 : i32
        %add3A_122 = arith.constant 0 : i32
        %add3A_123 = arith.addi %add3A_122, %mul3A_121 : i32
        %mul3A_124 = arith.constant 3 : i32
        %mul3A_125 = arith.muli %mul3A_124, %add3A_123 : i32
        %add3A_126 = arith.constant 0 : i32
        %add3A_127 = arith.addi %mul3A_125, %add3A_126 : i32
        %gt3A = arith.constant 0 : i32
        %gt3A_128 = arith.cmpi sgt, %add3A_123, %gt3A : i32
        %convert_element_type3A = arith.extui %gt3A_128 : i1 to i32
        %cond3A = arith.constant 0 : i32
        %cond3A_129 = arith.cmpi ne, %convert_element_type3A, %cond3A : i32
        scf.if %cond3A_129 {
          %dma_wait3A_372 = arith.constant 0 : i32
          %dma_wait3A_373 = arith.constant 0 : i32
          %dma_wait3A_374 = tpu.memref_slice %arg10[%dma_wait3A_372, %dma_wait3A_373] : memref<25x80xi32, #tpu.memory_space<vmem>> -> memref<1x80xi32, #tpu.memory_space<vmem>>
          %dma_wait3A_375 = tpu.memref_squeeze %dma_wait3A_374 : memref<1x80xi32, #tpu.memory_space<vmem>> -> memref<80xi32, #tpu.memory_space<vmem>>
          %dma_wait3A_376 = arith.constant 0 : i32
          %dma_wait3A_377 = arith.constant 0 : i32
          %dma_wait3A_378 = tpu.memref_slice %arg8[%dma_wait3A_376, %dma_wait3A_377] : memref<10240x128xf32, #tpu.memory_space<vmem_shared>> -> memref<10240x128xf32, #tpu.memory_space<vmem_shared>>
          tpu.wait_indirect_dma semaphore(%arg20 : memref<!tpu.dma_semaphore, #tpu.memory_space<semaphore_mem>>) src(%arg14 : memref<80x128xf32, #tpu.memory_space<vmem>>) dst(%dma_wait3A_378 : memref<10240x128xf32, #tpu.memory_space<vmem_shared>>)
        } else {
        }
        %add3A_130 = arith.constant 1 : i32
        %add3A_131 = arith.addi %add3A_127, %add3A_130 : i32
        %dma_start3A_132 = arith.constant 0 : i32
        %dma_start3A_133 = arith.constant 0 : i32
        %dma_start3A_134 = tpu.memref_slice %arg14[%dma_start3A_132, %dma_start3A_133] : memref<80x128xf32, #tpu.memory_space<vmem>> -> memref<40x128xf32, #tpu.memory_space<vmem>>
        %dma_start3A_135 = arith.constant 0 : i32
        %dma_start3A_136 = tpu.memref_slice %arg9[%add3A_131, %dma_start3A_135] : memref<25x80xi32, #tpu.memory_space<vmem>> -> memref<1x40xi32, #tpu.memory_space<vmem>>
        %dma_start3A_137 = tpu.memref_squeeze %dma_start3A_136 : memref<1x40xi32, #tpu.memory_space<vmem>> -> memref<40xi32, #tpu.memory_space<vmem>>
        %dma_start3A_138 = arith.constant 0 : i32
        %dma_start3A_139 = arith.constant 0 : i32
        %dma_start3A_140 = tpu.memref_slice %arg3[%dma_start3A_138, %dma_start3A_139] : memref<10000x128xf32, #tpu.memory_space<hbm>> -> memref<10000x128xf32, #tpu.memory_space<hbm>>
        tpu.enqueue_indirect_dma source(%dma_start3A_140 : memref<10000x128xf32, #tpu.memory_space<hbm>>) target(%dma_start3A_134 : memref<40x128xf32, #tpu.memory_space<vmem>>) offsets(%dma_start3A_137 : memref<40xi32, #tpu.memory_space<vmem>>) semaphore(%arg17 : memref<!tpu.dma_semaphore, #tpu.memory_space<semaphore_mem>>)
        %dma_start3A_141 = arith.constant 40 : i32
        %dma_start3A_142 = arith.constant 0 : i32
        %dma_start3A_143 = tpu.memref_slice %arg14[%dma_start3A_141, %dma_start3A_142] : memref<80x128xf32, #tpu.memory_space<vmem>> -> memref<40x128xf32, #tpu.memory_space<vmem>>
        %dma_start3A_144 = arith.constant 40 : i32
        %dma_start3A_145 = tpu.memref_slice %arg9[%add3A_131, %dma_start3A_144] : memref<25x80xi32, #tpu.memory_space<vmem>> -> memref<1x40xi32, #tpu.memory_space<vmem>>
        %dma_start3A_146 = tpu.memref_squeeze %dma_start3A_145 : memref<1x40xi32, #tpu.memory_space<vmem>> -> memref<40xi32, #tpu.memory_space<vmem>>
        %dma_start3A_147 = arith.constant 0 : i32
        %dma_start3A_148 = arith.constant 0 : i32
        %dma_start3A_149 = tpu.memref_slice %arg3[%dma_start3A_147, %dma_start3A_148] : memref<10000x128xf32, #tpu.memory_space<hbm>> -> memref<10000x128xf32, #tpu.memory_space<hbm>>
        tpu.enqueue_indirect_dma source(%dma_start3A_149 : memref<10000x128xf32, #tpu.memory_space<hbm>>) target(%dma_start3A_143 : memref<40x128xf32, #tpu.memory_space<vmem>>) offsets(%dma_start3A_146 : memref<40xi32, #tpu.memory_space<vmem>>) semaphore(%arg17 : memref<!tpu.dma_semaphore, #tpu.memory_space<semaphore_mem>>)
        %dma_wait3A_150 = arith.constant 0 : i32
        %dma_wait3A_151 = arith.constant 0 : i32
        %dma_wait3A_152 = arith.constant 0 : i32
        %dma_wait3A_153 = tpu.memref_slice %arg13[%dma_wait3A_151, %dma_wait3A_152] : memref<80x128xf32, #tpu.memory_space<vmem>> -> memref<40x128xf32, #tpu.memory_space<vmem>>
        %dma_wait3A_154 = arith.constant 0 : i32
        %dma_wait3A_155 = tpu.memref_slice %arg9[%dma_wait3A_150, %dma_wait3A_154] : memref<25x80xi32, #tpu.memory_space<vmem>> -> memref<1x40xi32, #tpu.memory_space<vmem>>
        %dma_wait3A_156 = tpu.memref_squeeze %dma_wait3A_155 : memref<1x40xi32, #tpu.memory_space<vmem>> -> memref<40xi32, #tpu.memory_space<vmem>>
        %dma_wait3A_157 = arith.constant 0 : i32
        %dma_wait3A_158 = arith.constant 0 : i32
        %dma_wait3A_159 = tpu.memref_slice %arg3[%dma_wait3A_157, %dma_wait3A_158] : memref<10000x128xf32, #tpu.memory_space<hbm>> -> memref<10000x128xf32, #tpu.memory_space<hbm>>
        tpu.wait_indirect_dma semaphore(%arg16 : memref<!tpu.dma_semaphore, #tpu.memory_space<semaphore_mem>>) src(%dma_wait3A_159 : memref<10000x128xf32, #tpu.memory_space<hbm>>) dst(%dma_wait3A_153 : memref<40x128xf32, #tpu.memory_space<vmem>>)
        %dma_wait3A_160 = arith.constant 0 : i32
        %dma_wait3A_161 = arith.constant 40 : i32
        %dma_wait3A_162 = arith.constant 0 : i32
        %dma_wait3A_163 = tpu.memref_slice %arg13[%dma_wait3A_161, %dma_wait3A_162] : memref<80x128xf32, #tpu.memory_space<vmem>> -> memref<40x128xf32, #tpu.memory_space<vmem>>
        %dma_wait3A_164 = arith.constant 40 : i32
        %dma_wait3A_165 = tpu.memref_slice %arg9[%dma_wait3A_160, %dma_wait3A_164] : memref<25x80xi32, #tpu.memory_space<vmem>> -> memref<1x40xi32, #tpu.memory_space<vmem>>
        %dma_wait3A_166 = tpu.memref_squeeze %dma_wait3A_165 : memref<1x40xi32, #tpu.memory_space<vmem>> -> memref<40xi32, #tpu.memory_space<vmem>>
        %dma_wait3A_167 = arith.constant 0 : i32
        %dma_wait3A_168 = arith.constant 0 : i32
        %dma_wait3A_169 = tpu.memref_slice %arg3[%dma_wait3A_167, %dma_wait3A_168] : memref<10000x128xf32, #tpu.memory_space<hbm>> -> memref<10000x128xf32, #tpu.memory_space<hbm>>
        tpu.wait_indirect_dma semaphore(%arg16 : memref<!tpu.dma_semaphore, #tpu.memory_space<semaphore_mem>>) src(%dma_wait3A_169 : memref<10000x128xf32, #tpu.memory_space<hbm>>) dst(%dma_wait3A_163 : memref<40x128xf32, #tpu.memory_space<vmem>>)
        %get3A_170 = arith.index_cast %add3A_127 : i32 to index
        %get3A_171 = arith.constant 0 : index
        %get3A_172 = tpu.vector_load %arg11[%get3A_170, %get3A_171] {strides = array<i32>} : memref<25x80xf32, #tpu.memory_space<vmem>>, vector<16xf32>,
        %swap3A_173 = arith.constant 0 : index
        %swap3A_174 = tpu.vector_load %arg12[%swap3A_173] {strides = array<i32>} : memref<80xf32, #tpu.memory_space<vmem>>, vector<16xf32>,
        tpu.vector_store %arg12[%swap3A_173], %get3A_172 {strides = array<i32>} : memref<80xf32, #tpu.memory_space<vmem>>, vector<16xf32>,
        %get3A_175 = arith.index_cast %add3A_127 : i32 to index
        %get3A_176 = arith.constant 16 : index
        %get3A_177 = tpu.vector_load %arg11[%get3A_175, %get3A_176] {strides = array<i32>} : memref<25x80xf32, #tpu.memory_space<vmem>>, vector<16xf32>,
        %swap3A_178 = arith.constant 16 : index
        %swap3A_179 = tpu.vector_load %arg12[%swap3A_178] {strides = array<i32>} : memref<80xf32, #tpu.memory_space<vmem>>, vector<16xf32>,
        tpu.vector_store %arg12[%swap3A_178], %get3A_177 {strides = array<i32>} : memref<80xf32, #tpu.memory_space<vmem>>, vector<16xf32>,
        %get3A_180 = arith.index_cast %add3A_127 : i32 to index
        %get3A_181 = arith.constant 32 : index
        %get3A_182 = tpu.vector_load %arg11[%get3A_180, %get3A_181] {strides = array<i32>} : memref<25x80xf32, #tpu.memory_space<vmem>>, vector<16xf32>,
        %swap3A_183 = arith.constant 32 : index
        %swap3A_184 = tpu.vector_load %arg12[%swap3A_183] {strides = array<i32>} : memref<80xf32, #tpu.memory_space<vmem>>, vector<16xf32>,
        tpu.vector_store %arg12[%swap3A_183], %get3A_182 {strides = array<i32>} : memref<80xf32, #tpu.memory_space<vmem>>, vector<16xf32>,
        %get3A_185 = arith.index_cast %add3A_127 : i32 to index
        %get3A_186 = arith.constant 48 : index
        %get3A_187 = tpu.vector_load %arg11[%get3A_185, %get3A_186] {strides = array<i32>} : memref<25x80xf32, #tpu.memory_space<vmem>>, vector<16xf32>,
        %swap3A_188 = arith.constant 48 : index
        %swap3A_189 = tpu.vector_load %arg12[%swap3A_188] {strides = array<i32>} : memref<80xf32, #tpu.memory_space<vmem>>, vector<16xf32>,
        tpu.vector_store %arg12[%swap3A_188], %get3A_187 {strides = array<i32>} : memref<80xf32, #tpu.memory_space<vmem>>, vector<16xf32>,
        %get3A_190 = arith.index_cast %add3A_127 : i32 to index
        %get3A_191 = arith.constant 64 : index
        %get3A_192 = tpu.vector_load %arg11[%get3A_190, %get3A_191] {strides = array<i32>} : memref<25x80xf32, #tpu.memory_space<vmem>>, vector<16xf32>,
        %swap3A_193 = arith.constant 64 : index
        %swap3A_194 = tpu.vector_load %arg12[%swap3A_193] {strides = array<i32>} : memref<80xf32, #tpu.memory_space<vmem>>, vector<16xf32>,
        tpu.vector_store %arg12[%swap3A_193], %get3A_192 {strides = array<i32>} : memref<80xf32, #tpu.memory_space<vmem>>, vector<16xf32>,
        %parallel_loop3A_195 = arith.constant 0 : i32
        %parallel_loop3A_196 = arith.constant 80 : i32
        %parallel_loop3A_197 = arith.constant 1 : i32
        scf.for %parallel_loop3A_372 = %parallel_loop3A_195 to %parallel_loop3A_196 step %parallel_loop3A_197  : i32 {
          %parallel_loop3A_373 = vector.broadcast %parallel_loop3A_372 : i32 to vector<16xi32>
          %parallel_loop3A_374 = arith.addi %broadcast_in_dim3A_3, %parallel_loop3A_373 : vector<16xi32>
          %parallel_loop3A_375 = tpu.vector_load_idx %arg12[%parallel_loop3A_374] : memref<80xf32, #tpu.memory_space<vmem>>[vector<16xi32>], vector<16xf32>,
          %parallel_loop3A_376 = arith.index_cast %parallel_loop3A_372 : i32 to index
          %parallel_loop3A_377 = arith.constant 0 : index
          %parallel_loop3A_378 = tpu.vector_load %arg13[%parallel_loop3A_376, %parallel_loop3A_377] {strides = array<i32>} : memref<80x128xf32, #tpu.memory_space<vmem>>, vector<16xf32>,
          %parallel_loop3A_379 = arith.mulf %parallel_loop3A_378, %parallel_loop3A_375 : vector<16xf32>
          %parallel_loop3A_380 = arith.index_cast %parallel_loop3A_372 : i32 to index
          %parallel_loop3A_381 = arith.constant 0 : index
          %parallel_loop3A_382 = tpu.vector_load %arg13[%parallel_loop3A_380, %parallel_loop3A_381] {strides = array<i32>} : memref<80x128xf32, #tpu.memory_space<vmem>>, vector<16xf32>,
          tpu.vector_store %arg13[%parallel_loop3A_380, %parallel_loop3A_381], %parallel_loop3A_379 {strides = array<i32>} : memref<80x128xf32, #tpu.memory_space<vmem>>, vector<16xf32>,
          %parallel_loop3A_383 = arith.index_cast %parallel_loop3A_372 : i32 to index
          %parallel_loop3A_384 = arith.constant 16 : index
          %parallel_loop3A_385 = tpu.vector_load %arg13[%parallel_loop3A_383, %parallel_loop3A_384] {strides = array<i32>} : memref<80x128xf32, #tpu.memory_space<vmem>>, vector<16xf32>,
          %parallel_loop3A_386 = arith.mulf %parallel_loop3A_385, %parallel_loop3A_375 : vector<16xf32>
          %parallel_loop3A_387 = arith.index_cast %parallel_loop3A_372 : i32 to index
          %parallel_loop3A_388 = arith.constant 16 : index
          %parallel_loop3A_389 = tpu.vector_load %arg13[%parallel_loop3A_387, %parallel_loop3A_388] {strides = array<i32>} : memref<80x128xf32, #tpu.memory_space<vmem>>, vector<16xf32>,
          tpu.vector_store %arg13[%parallel_loop3A_387, %parallel_loop3A_388], %parallel_loop3A_386 {strides = array<i32>} : memref<80x128xf32, #tpu.memory_space<vmem>>, vector<16xf32>,
          %parallel_loop3A_390 = arith.index_cast %parallel_loop3A_372 : i32 to index
          %parallel_loop3A_391 = arith.constant 32 : index
          %parallel_loop3A_392 = tpu.vector_load %arg13[%parallel_loop3A_390, %parallel_loop3A_391] {strides = array<i32>} : memref<80x128xf32, #tpu.memory_space<vmem>>, vector<16xf32>,
          %parallel_loop3A_393 = arith.mulf %parallel_loop3A_392, %parallel_loop3A_375 : vector<16xf32>
          %parallel_loop3A_394 = arith.index_cast %parallel_loop3A_372 : i32 to index
          %parallel_loop3A_395 = arith.constant 32 : index
          %parallel_loop3A_396 = tpu.vector_load %arg13[%parallel_loop3A_394, %parallel_loop3A_395] {strides = array<i32>} : memref<80x128xf32, #tpu.memory_space<vmem>>, vector<16xf32>,
          tpu.vector_store %arg13[%parallel_loop3A_394, %parallel_loop3A_395], %parallel_loop3A_393 {strides = array<i32>} : memref<80x128xf32, #tpu.memory_space<vmem>>, vector<16xf32>,
          %parallel_loop3A_397 = arith.index_cast %parallel_loop3A_372 : i32 to index
          %parallel_loop3A_398 = arith.constant 48 : index
          %parallel_loop3A_399 = tpu.vector_load %arg13[%parallel_loop3A_397, %parallel_loop3A_398] {strides = array<i32>} : memref<80x128xf32, #tpu.memory_space<vmem>>, vector<16xf32>,
          %parallel_loop3A_400 = arith.mulf %parallel_loop3A_399, %parallel_loop3A_375 : vector<16xf32>
          %parallel_loop3A_401 = arith.index_cast %parallel_loop3A_372 : i32 to index
          %parallel_loop3A_402 = arith.constant 48 : index
          %parallel_loop3A_403 = tpu.vector_load %arg13[%parallel_loop3A_401, %parallel_loop3A_402] {strides = array<i32>} : memref<80x128xf32, #tpu.memory_space<vmem>>, vector<16xf32>,
          tpu.vector_store %arg13[%parallel_loop3A_401, %parallel_loop3A_402], %parallel_loop3A_400 {strides = array<i32>} : memref<80x128xf32, #tpu.memory_space<vmem>>, vector<16xf32>,
          %parallel_loop3A_404 = arith.index_cast %parallel_loop3A_372 : i32 to index
          %parallel_loop3A_405 = arith.constant 64 : index
          %parallel_loop3A_406 = tpu.vector_load %arg13[%parallel_loop3A_404, %parallel_loop3A_405] {strides = array<i32>} : memref<80x128xf32, #tpu.memory_space<vmem>>, vector<16xf32>,
          %parallel_loop3A_407 = arith.mulf %parallel_loop3A_406, %parallel_loop3A_375 : vector<16xf32>
          %parallel_loop3A_408 = arith.index_cast %parallel_loop3A_372 : i32 to index
          %parallel_loop3A_409 = arith.constant 64 : index
          %parallel_loop3A_410 = tpu.vector_load %arg13[%parallel_loop3A_408, %parallel_loop3A_409] {strides = array<i32>} : memref<80x128xf32, #tpu.memory_space<vmem>>, vector<16xf32>,
          tpu.vector_store %arg13[%parallel_loop3A_408, %parallel_loop3A_409], %parallel_loop3A_407 {strides = array<i32>} : memref<80x128xf32, #tpu.memory_space<vmem>>, vector<16xf32>,
          %parallel_loop3A_411 = arith.index_cast %parallel_loop3A_372 : i32 to index
          %parallel_loop3A_412 = arith.constant 80 : index
          %parallel_loop3A_413 = tpu.vector_load %arg13[%parallel_loop3A_411, %parallel_loop3A_412] {strides = array<i32>} : memref<80x128xf32, #tpu.memory_space<vmem>>, vector<16xf32>,
          %parallel_loop3A_414 = arith.mulf %parallel_loop3A_413, %parallel_loop3A_375 : vector<16xf32>
          %parallel_loop3A_415 = arith.index_cast %parallel_loop3A_372 : i32 to index
          %parallel_loop3A_416 = arith.constant 80 : index
          %parallel_loop3A_417 = tpu.vector_load %arg13[%parallel_loop3A_415, %parallel_loop3A_416] {strides = array<i32>} : memref<80x128xf32, #tpu.memory_space<vmem>>, vector<16xf32>,
          tpu.vector_store %arg13[%parallel_loop3A_415, %parallel_loop3A_416], %parallel_loop3A_414 {strides = array<i32>} : memref<80x128xf32, #tpu.memory_space<vmem>>, vector<16xf32>,
          %parallel_loop3A_418 = arith.index_cast %parallel_loop3A_372 : i32 to index
          %parallel_loop3A_419 = arith.constant 96 : index
          %parallel_loop3A_420 = tpu.vector_load %arg13[%parallel_loop3A_418, %parallel_loop3A_419] {strides = array<i32>} : memref<80x128xf32, #tpu.memory_space<vmem>>, vector<16xf32>,
          %parallel_loop3A_421 = arith.mulf %parallel_loop3A_420, %parallel_loop3A_375 : vector<16xf32>
          %parallel_loop3A_422 = arith.index_cast %parallel_loop3A_372 : i32 to index
          %parallel_loop3A_423 = arith.constant 96 : index
          %parallel_loop3A_424 = tpu.vector_load %arg13[%parallel_loop3A_422, %parallel_loop3A_423] {strides = array<i32>} : memref<80x128xf32, #tpu.memory_space<vmem>>, vector<16xf32>,
          tpu.vector_store %arg13[%parallel_loop3A_422, %parallel_loop3A_423], %parallel_loop3A_421 {strides = array<i32>} : memref<80x128xf32, #tpu.memory_space<vmem>>, vector<16xf32>,
          %parallel_loop3A_425 = arith.index_cast %parallel_loop3A_372 : i32 to index
          %parallel_loop3A_426 = arith.constant 112 : index
          %parallel_loop3A_427 = tpu.vector_load %arg13[%parallel_loop3A_425, %parallel_loop3A_426] {strides = array<i32>} : memref<80x128xf32, #tpu.memory_space<vmem>>, vector<16xf32>,
          %parallel_loop3A_428 = arith.mulf %parallel_loop3A_427, %parallel_loop3A_375 : vector<16xf32>
          %parallel_loop3A_429 = arith.index_cast %parallel_loop3A_372 : i32 to index
          %parallel_loop3A_430 = arith.constant 112 : index
          %parallel_loop3A_431 = tpu.vector_load %arg13[%parallel_loop3A_429, %parallel_loop3A_430] {strides = array<i32>} : memref<80x128xf32, #tpu.memory_space<vmem>>, vector<16xf32>,
          tpu.vector_store %arg13[%parallel_loop3A_429, %parallel_loop3A_430], %parallel_loop3A_428 {strides = array<i32>} : memref<80x128xf32, #tpu.memory_space<vmem>>, vector<16xf32>,
        } {sc.loop_unroll_factor = 2 : i64, sc.parallel_access}
        %dma_start3A_198 = arith.constant 0 : i32
        %dma_start3A_199 = tpu.memref_slice %arg10[%add3A_127, %dma_start3A_198] : memref<25x80xi32, #tpu.memory_space<vmem>> -> memref<1x80xi32, #tpu.memory_space<vmem>>
        %dma_start3A_200 = tpu.memref_squeeze %dma_start3A_199 : memref<1x80xi32, #tpu.memory_space<vmem>> -> memref<80xi32, #tpu.memory_space<vmem>>
        %dma_start3A_201 = arith.constant 0 : i32
        %dma_start3A_202 = arith.constant 0 : i32
        %dma_start3A_203 = tpu.memref_slice %arg8[%dma_start3A_201, %dma_start3A_202] : memref<10240x128xf32, #tpu.memory_space<vmem_shared>> -> memref<10240x128xf32, #tpu.memory_space<vmem_shared>>
        tpu.enqueue_indirect_dma source(%arg13 : memref<80x128xf32, #tpu.memory_space<vmem>>) target(%dma_start3A_203 : memref<10240x128xf32, #tpu.memory_space<vmem_shared>>) offsets(%dma_start3A_200 : memref<80xi32, #tpu.memory_space<vmem>>) semaphore(%arg19 : memref<!tpu.dma_semaphore, #tpu.memory_space<semaphore_mem>>) {add = true}
        %mul3A_204 = arith.constant 3 : i32
        %mul3A_205 = arith.muli %mul3A_204, %add3A_123 : i32
        %add3A_206 = arith.constant 1 : i32
        %add3A_207 = arith.addi %mul3A_205, %add3A_206 : i32
        %gt3A_208 = arith.constant 0 : i32
        %gt3A_209 = arith.cmpi sgt, %add3A_123, %gt3A_208 : i32
        %convert_element_type3A_210 = arith.extui %gt3A_209 : i1 to i32
        %cond3A_211 = arith.constant 0 : i32
        %cond3A_212 = arith.cmpi ne, %convert_element_type3A_210, %cond3A_211 : i32
        scf.if %cond3A_212 {
          %dma_wait3A_372 = arith.constant 0 : i32
          %dma_wait3A_373 = arith.constant 0 : i32
          %dma_wait3A_374 = tpu.memref_slice %arg10[%dma_wait3A_372, %dma_wait3A_373] : memref<25x80xi32, #tpu.memory_space<vmem>> -> memref<1x80xi32, #tpu.memory_space<vmem>>
          %dma_wait3A_375 = tpu.memref_squeeze %dma_wait3A_374 : memref<1x80xi32, #tpu.memory_space<vmem>> -> memref<80xi32, #tpu.memory_space<vmem>>
          %dma_wait3A_376 = arith.constant 0 : i32
          %dma_wait3A_377 = arith.constant 0 : i32
          %dma_wait3A_378 = tpu.memref_slice %arg8[%dma_wait3A_376, %dma_wait3A_377] : memref<10240x128xf32, #tpu.memory_space<vmem_shared>> -> memref<10240x128xf32, #tpu.memory_space<vmem_shared>>
          tpu.wait_indirect_dma semaphore(%arg21 : memref<!tpu.dma_semaphore, #tpu.memory_space<semaphore_mem>>) src(%arg15 : memref<80x128xf32, #tpu.memory_space<vmem>>) dst(%dma_wait3A_378 : memref<10240x128xf32, #tpu.memory_space<vmem_shared>>)
        } else {
        }
        %add3A_213 = arith.constant 1 : i32
        %add3A_214 = arith.addi %add3A_207, %add3A_213 : i32
        %dma_start3A_215 = arith.constant 0 : i32
        %dma_start3A_216 = arith.constant 0 : i32
        %dma_start3A_217 = tpu.memref_slice %arg15[%dma_start3A_215, %dma_start3A_216] : memref<80x128xf32, #tpu.memory_space<vmem>> -> memref<40x128xf32, #tpu.memory_space<vmem>>
        %dma_start3A_218 = arith.constant 0 : i32
        %dma_start3A_219 = tpu.memref_slice %arg9[%add3A_214, %dma_start3A_218] : memref<25x80xi32, #tpu.memory_space<vmem>> -> memref<1x40xi32, #tpu.memory_space<vmem>>
        %dma_start3A_220 = tpu.memref_squeeze %dma_start3A_219 : memref<1x40xi32, #tpu.memory_space<vmem>> -> memref<40xi32, #tpu.memory_space<vmem>>
        %dma_start3A_221 = arith.constant 0 : i32
        %dma_start3A_222 = arith.constant 0 : i32
        %dma_start3A_223 = tpu.memref_slice %arg3[%dma_start3A_221, %dma_start3A_222] : memref<10000x128xf32, #tpu.memory_space<hbm>> -> memref<10000x128xf32, #tpu.memory_space<hbm>>
        tpu.enqueue_indirect_dma source(%dma_start3A_223 : memref<10000x128xf32, #tpu.memory_space<hbm>>) target(%dma_start3A_217 : memref<40x128xf32, #tpu.memory_space<vmem>>) offsets(%dma_start3A_220 : memref<40xi32, #tpu.memory_space<vmem>>) semaphore(%arg18 : memref<!tpu.dma_semaphore, #tpu.memory_space<semaphore_mem>>)
        %dma_start3A_224 = arith.constant 40 : i32
        %dma_start3A_225 = arith.constant 0 : i32
        %dma_start3A_226 = tpu.memref_slice %arg15[%dma_start3A_224, %dma_start3A_225] : memref<80x128xf32, #tpu.memory_space<vmem>> -> memref<40x128xf32, #tpu.memory_space<vmem>>
        %dma_start3A_227 = arith.constant 40 : i32
        %dma_start3A_228 = tpu.memref_slice %arg9[%add3A_214, %dma_start3A_227] : memref<25x80xi32, #tpu.memory_space<vmem>> -> memref<1x40xi32, #tpu.memory_space<vmem>>
        %dma_start3A_229 = tpu.memref_squeeze %dma_start3A_228 : memref<1x40xi32, #tpu.memory_space<vmem>> -> memref<40xi32, #tpu.memory_space<vmem>>
        %dma_start3A_230 = arith.constant 0 : i32
        %dma_start3A_231 = arith.constant 0 : i32
        %dma_start3A_232 = tpu.memref_slice %arg3[%dma_start3A_230, %dma_start3A_231] : memref<10000x128xf32, #tpu.memory_space<hbm>> -> memref<10000x128xf32, #tpu.memory_space<hbm>>
        tpu.enqueue_indirect_dma source(%dma_start3A_232 : memref<10000x128xf32, #tpu.memory_space<hbm>>) target(%dma_start3A_226 : memref<40x128xf32, #tpu.memory_space<vmem>>) offsets(%dma_start3A_229 : memref<40xi32, #tpu.memory_space<vmem>>) semaphore(%arg18 : memref<!tpu.dma_semaphore, #tpu.memory_space<semaphore_mem>>)
        %dma_wait3A_233 = arith.constant 0 : i32
        %dma_wait3A_234 = arith.constant 0 : i32
        %dma_wait3A_235 = arith.constant 0 : i32
        %dma_wait3A_236 = tpu.memref_slice %arg14[%dma_wait3A_234, %dma_wait3A_235] : memref<80x128xf32, #tpu.memory_space<vmem>> -> memref<40x128xf32, #tpu.memory_space<vmem>>
        %dma_wait3A_237 = arith.constant 0 : i32
        %dma_wait3A_238 = tpu.memref_slice %arg9[%dma_wait3A_233, %dma_wait3A_237] : memref<25x80xi32, #tpu.memory_space<vmem>> -> memref<1x40xi32, #tpu.memory_space<vmem>>
        %dma_wait3A_239 = tpu.memref_squeeze %dma_wait3A_238 : memref<1x40xi32, #tpu.memory_space<vmem>> -> memref<40xi32, #tpu.memory_space<vmem>>
        %dma_wait3A_240 = arith.constant 0 : i32
        %dma_wait3A_241 = arith.constant 0 : i32
        %dma_wait3A_242 = tpu.memref_slice %arg3[%dma_wait3A_240, %dma_wait3A_241] : memref<10000x128xf32, #tpu.memory_space<hbm>> -> memref<10000x128xf32, #tpu.memory_space<hbm>>
        tpu.wait_indirect_dma semaphore(%arg17 : memref<!tpu.dma_semaphore, #tpu.memory_space<semaphore_mem>>) src(%dma_wait3A_242 : memref<10000x128xf32, #tpu.memory_space<hbm>>) dst(%dma_wait3A_236 : memref<40x128xf32, #tpu.memory_space<vmem>>)
        %dma_wait3A_243 = arith.constant 0 : i32
        %dma_wait3A_244 = arith.constant 40 : i32
        %dma_wait3A_245 = arith.constant 0 : i32
        %dma_wait3A_246 = tpu.memref_slice %arg14[%dma_wait3A_244, %dma_wait3A_245] : memref<80x128xf32, #tpu.memory_space<vmem>> -> memref<40x128xf32, #tpu.memory_space<vmem>>
        %dma_wait3A_247 = arith.constant 40 : i32
        %dma_wait3A_248 = tpu.memref_slice %arg9[%dma_wait3A_243, %dma_wait3A_247] : memref<25x80xi32, #tpu.memory_space<vmem>> -> memref<1x40xi32, #tpu.memory_space<vmem>>
        %dma_wait3A_249 = tpu.memref_squeeze %dma_wait3A_248 : memref<1x40xi32, #tpu.memory_space<vmem>> -> memref<40xi32, #tpu.memory_space<vmem>>
        %dma_wait3A_250 = arith.constant 0 : i32
        %dma_wait3A_251 = arith.constant 0 : i32
        %dma_wait3A_252 = tpu.memref_slice %arg3[%dma_wait3A_250, %dma_wait3A_251] : memref<10000x128xf32, #tpu.memory_space<hbm>> -> memref<10000x128xf32, #tpu.memory_space<hbm>>
        tpu.wait_indirect_dma semaphore(%arg17 : memref<!tpu.dma_semaphore, #tpu.memory_space<semaphore_mem>>) src(%dma_wait3A_252 : memref<10000x128xf32, #tpu.memory_space<hbm>>) dst(%dma_wait3A_246 : memref<40x128xf32, #tpu.memory_space<vmem>>)
        %get3A_253 = arith.index_cast %add3A_207 : i32 to index
        %get3A_254 = arith.constant 0 : index
        %get3A_255 = tpu.vector_load %arg11[%get3A_253, %get3A_254] {strides = array<i32>} : memref<25x80xf32, #tpu.memory_space<vmem>>, vector<16xf32>,
        %swap3A_256 = arith.constant 0 : index
        %swap3A_257 = tpu.vector_load %arg12[%swap3A_256] {strides = array<i32>} : memref<80xf32, #tpu.memory_space<vmem>>, vector<16xf32>,
        tpu.vector_store %arg12[%swap3A_256], %get3A_255 {strides = array<i32>} : memref<80xf32, #tpu.memory_space<vmem>>, vector<16xf32>,
        %get3A_258 = arith.index_cast %add3A_207 : i32 to index
        %get3A_259 = arith.constant 16 : index
        %get3A_260 = tpu.vector_load %arg11[%get3A_258, %get3A_259] {strides = array<i32>} : memref<25x80xf32, #tpu.memory_space<vmem>>, vector<16xf32>,
        %swap3A_261 = arith.constant 16 : index
        %swap3A_262 = tpu.vector_load %arg12[%swap3A_261] {strides = array<i32>} : memref<80xf32, #tpu.memory_space<vmem>>, vector<16xf32>,
        tpu.vector_store %arg12[%swap3A_261], %get3A_260 {strides = array<i32>} : memref<80xf32, #tpu.memory_space<vmem>>, vector<16xf32>,
        %get3A_263 = arith.index_cast %add3A_207 : i32 to index
        %get3A_264 = arith.constant 32 : index
        %get3A_265 = tpu.vector_load %arg11[%get3A_263, %get3A_264] {strides = array<i32>} : memref<25x80xf32, #tpu.memory_space<vmem>>, vector<16xf32>,
        %swap3A_266 = arith.constant 32 : index
        %swap3A_267 = tpu.vector_load %arg12[%swap3A_266] {strides = array<i32>} : memref<80xf32, #tpu.memory_space<vmem>>, vector<16xf32>,
        tpu.vector_store %arg12[%swap3A_266], %get3A_265 {strides = array<i32>} : memref<80xf32, #tpu.memory_space<vmem>>, vector<16xf32>,
        %get3A_268 = arith.index_cast %add3A_207 : i32 to index
        %get3A_269 = arith.constant 48 : index
        %get3A_270 = tpu.vector_load %arg11[%get3A_268, %get3A_269] {strides = array<i32>} : memref<25x80xf32, #tpu.memory_space<vmem>>, vector<16xf32>,
        %swap3A_271 = arith.constant 48 : index
        %swap3A_272 = tpu.vector_load %arg12[%swap3A_271] {strides = array<i32>} : memref<80xf32, #tpu.memory_space<vmem>>, vector<16xf32>,
        tpu.vector_store %arg12[%swap3A_271], %get3A_270 {strides = array<i32>} : memref<80xf32, #tpu.memory_space<vmem>>, vector<16xf32>,
        %get3A_273 = arith.index_cast %add3A_207 : i32 to index
        %get3A_274 = arith.constant 64 : index
        %get3A_275 = tpu.vector_load %arg11[%get3A_273, %get3A_274] {strides = array<i32>} : memref<25x80xf32, #tpu.memory_space<vmem>>, vector<16xf32>,
        %swap3A_276 = arith.constant 64 : index
        %swap3A_277 = tpu.vector_load %arg12[%swap3A_276] {strides = array<i32>} : memref<80xf32, #tpu.memory_space<vmem>>, vector<16xf32>,
        tpu.vector_store %arg12[%swap3A_276], %get3A_275 {strides = array<i32>} : memref<80xf32, #tpu.memory_space<vmem>>, vector<16xf32>,
        %parallel_loop3A_278 = arith.constant 0 : i32
        %parallel_loop3A_279 = arith.constant 80 : i32
        %parallel_loop3A_280 = arith.constant 1 : i32
        scf.for %parallel_loop3A_372 = %parallel_loop3A_278 to %parallel_loop3A_279 step %parallel_loop3A_280  : i32 {
          %parallel_loop3A_373 = vector.broadcast %parallel_loop3A_372 : i32 to vector<16xi32>
          %parallel_loop3A_374 = arith.addi %broadcast_in_dim3A_3, %parallel_loop3A_373 : vector<16xi32>
          %parallel_loop3A_375 = tpu.vector_load_idx %arg12[%parallel_loop3A_374] : memref<80xf32, #tpu.memory_space<vmem>>[vector<16xi32>], vector<16xf32>,
          %parallel_loop3A_376 = arith.index_cast %parallel_loop3A_372 : i32 to index
          %parallel_loop3A_377 = arith.constant 0 : index
          %parallel_loop3A_378 = tpu.vector_load %arg14[%parallel_loop3A_376, %parallel_loop3A_377] {strides = array<i32>} : memref<80x128xf32, #tpu.memory_space<vmem>>, vector<16xf32>,
          %parallel_loop3A_379 = arith.mulf %parallel_loop3A_378, %parallel_loop3A_375 : vector<16xf32>
          %parallel_loop3A_380 = arith.index_cast %parallel_loop3A_372 : i32 to index
          %parallel_loop3A_381 = arith.constant 0 : index
          %parallel_loop3A_382 = tpu.vector_load %arg14[%parallel_loop3A_380, %parallel_loop3A_381] {strides = array<i32>} : memref<80x128xf32, #tpu.memory_space<vmem>>, vector<16xf32>,
          tpu.vector_store %arg14[%parallel_loop3A_380, %parallel_loop3A_381], %parallel_loop3A_379 {strides = array<i32>} : memref<80x128xf32, #tpu.memory_space<vmem>>, vector<16xf32>,
          %parallel_loop3A_383 = arith.index_cast %parallel_loop3A_372 : i32 to index
          %parallel_loop3A_384 = arith.constant 16 : index
          %parallel_loop3A_385 = tpu.vector_load %arg14[%parallel_loop3A_383, %parallel_loop3A_384] {strides = array<i32>} : memref<80x128xf32, #tpu.memory_space<vmem>>, vector<16xf32>,
          %parallel_loop3A_386 = arith.mulf %parallel_loop3A_385, %parallel_loop3A_375 : vector<16xf32>
          %parallel_loop3A_387 = arith.index_cast %parallel_loop3A_372 : i32 to index
          %parallel_loop3A_388 = arith.constant 16 : index
          %parallel_loop3A_389 = tpu.vector_load %arg14[%parallel_loop3A_387, %parallel_loop3A_388] {strides = array<i32>} : memref<80x128xf32, #tpu.memory_space<vmem>>, vector<16xf32>,
          tpu.vector_store %arg14[%parallel_loop3A_387, %parallel_loop3A_388], %parallel_loop3A_386 {strides = array<i32>} : memref<80x128xf32, #tpu.memory_space<vmem>>, vector<16xf32>,
          %parallel_loop3A_390 = arith.index_cast %parallel_loop3A_372 : i32 to index
          %parallel_loop3A_391 = arith.constant 32 : index
          %parallel_loop3A_392 = tpu.vector_load %arg14[%parallel_loop3A_390, %parallel_loop3A_391] {strides = array<i32>} : memref<80x128xf32, #tpu.memory_space<vmem>>, vector<16xf32>,
          %parallel_loop3A_393 = arith.mulf %parallel_loop3A_392, %parallel_loop3A_375 : vector<16xf32>
          %parallel_loop3A_394 = arith.index_cast %parallel_loop3A_372 : i32 to index
          %parallel_loop3A_395 = arith.constant 32 : index
          %parallel_loop3A_396 = tpu.vector_load %arg14[%parallel_loop3A_394, %parallel_loop3A_395] {strides = array<i32>} : memref<80x128xf32, #tpu.memory_space<vmem>>, vector<16xf32>,
          tpu.vector_store %arg14[%parallel_loop3A_394, %parallel_loop3A_395], %parallel_loop3A_393 {strides = array<i32>} : memref<80x128xf32, #tpu.memory_space<vmem>>, vector<16xf32>,
          %parallel_loop3A_397 = arith.index_cast %parallel_loop3A_372 : i32 to index
          %parallel_loop3A_398 = arith.constant 48 : index
          %parallel_loop3A_399 = tpu.vector_load %arg14[%parallel_loop3A_397, %parallel_loop3A_398] {strides = array<i32>} : memref<80x128xf32, #tpu.memory_space<vmem>>, vector<16xf32>,
          %parallel_loop3A_400 = arith.mulf %parallel_loop3A_399, %parallel_loop3A_375 : vector<16xf32>
          %parallel_loop3A_401 = arith.index_cast %parallel_loop3A_372 : i32 to index
          %parallel_loop3A_402 = arith.constant 48 : index
          %parallel_loop3A_403 = tpu.vector_load %arg14[%parallel_loop3A_401, %parallel_loop3A_402] {strides = array<i32>} : memref<80x128xf32, #tpu.memory_space<vmem>>, vector<16xf32>,
          tpu.vector_store %arg14[%parallel_loop3A_401, %parallel_loop3A_402], %parallel_loop3A_400 {strides = array<i32>} : memref<80x128xf32, #tpu.memory_space<vmem>>, vector<16xf32>,
          %parallel_loop3A_404 = arith.index_cast %parallel_loop3A_372 : i32 to index
          %parallel_loop3A_405 = arith.constant 64 : index
          %parallel_loop3A_406 = tpu.vector_load %arg14[%parallel_loop3A_404, %parallel_loop3A_405] {strides = array<i32>} : memref<80x128xf32, #tpu.memory_space<vmem>>, vector<16xf32>,
          %parallel_loop3A_407 = arith.mulf %parallel_loop3A_406, %parallel_loop3A_375 : vector<16xf32>
          %parallel_loop3A_408 = arith.index_cast %parallel_loop3A_372 : i32 to index
          %parallel_loop3A_409 = arith.constant 64 : index
          %parallel_loop3A_410 = tpu.vector_load %arg14[%parallel_loop3A_408, %parallel_loop3A_409] {strides = array<i32>} : memref<80x128xf32, #tpu.memory_space<vmem>>, vector<16xf32>,
          tpu.vector_store %arg14[%parallel_loop3A_408, %parallel_loop3A_409], %parallel_loop3A_407 {strides = array<i32>} : memref<80x128xf32, #tpu.memory_space<vmem>>, vector<16xf32>,
          %parallel_loop3A_411 = arith.index_cast %parallel_loop3A_372 : i32 to index
          %parallel_loop3A_412 = arith.constant 80 : index
          %parallel_loop3A_413 = tpu.vector_load %arg14[%parallel_loop3A_411, %parallel_loop3A_412] {strides = array<i32>} : memref<80x128xf32, #tpu.memory_space<vmem>>, vector<16xf32>,
          %parallel_loop3A_414 = arith.mulf %parallel_loop3A_413, %parallel_loop3A_375 : vector<16xf32>
          %parallel_loop3A_415 = arith.index_cast %parallel_loop3A_372 : i32 to index
          %parallel_loop3A_416 = arith.constant 80 : index
          %parallel_loop3A_417 = tpu.vector_load %arg14[%parallel_loop3A_415, %parallel_loop3A_416] {strides = array<i32>} : memref<80x128xf32, #tpu.memory_space<vmem>>, vector<16xf32>,
          tpu.vector_store %arg14[%parallel_loop3A_415, %parallel_loop3A_416], %parallel_loop3A_414 {strides = array<i32>} : memref<80x128xf32, #tpu.memory_space<vmem>>, vector<16xf32>,
          %parallel_loop3A_418 = arith.index_cast %parallel_loop3A_372 : i32 to index
          %parallel_loop3A_419 = arith.constant 96 : index
          %parallel_loop3A_420 = tpu.vector_load %arg14[%parallel_loop3A_418, %parallel_loop3A_419] {strides = array<i32>} : memref<80x128xf32, #tpu.memory_space<vmem>>, vector<16xf32>,
          %parallel_loop3A_421 = arith.mulf %parallel_loop3A_420, %parallel_loop3A_375 : vector<16xf32>
          %parallel_loop3A_422 = arith.index_cast %parallel_loop3A_372 : i32 to index
          %parallel_loop3A_423 = arith.constant 96 : index
          %parallel_loop3A_424 = tpu.vector_load %arg14[%parallel_loop3A_422, %parallel_loop3A_423] {strides = array<i32>} : memref<80x128xf32, #tpu.memory_space<vmem>>, vector<16xf32>,
          tpu.vector_store %arg14[%parallel_loop3A_422, %parallel_loop3A_423], %parallel_loop3A_421 {strides = array<i32>} : memref<80x128xf32, #tpu.memory_space<vmem>>, vector<16xf32>,
          %parallel_loop3A_425 = arith.index_cast %parallel_loop3A_372 : i32 to index
          %parallel_loop3A_426 = arith.constant 112 : index
          %parallel_loop3A_427 = tpu.vector_load %arg14[%parallel_loop3A_425, %parallel_loop3A_426] {strides = array<i32>} : memref<80x128xf32, #tpu.memory_space<vmem>>, vector<16xf32>,
          %parallel_loop3A_428 = arith.mulf %parallel_loop3A_427, %parallel_loop3A_375 : vector<16xf32>
          %parallel_loop3A_429 = arith.index_cast %parallel_loop3A_372 : i32 to index
          %parallel_loop3A_430 = arith.constant 112 : index
          %parallel_loop3A_431 = tpu.vector_load %arg14[%parallel_loop3A_429, %parallel_loop3A_430] {strides = array<i32>} : memref<80x128xf32, #tpu.memory_space<vmem>>, vector<16xf32>,
          tpu.vector_store %arg14[%parallel_loop3A_429, %parallel_loop3A_430], %parallel_loop3A_428 {strides = array<i32>} : memref<80x128xf32, #tpu.memory_space<vmem>>, vector<16xf32>,
        } {sc.loop_unroll_factor = 2 : i64, sc.parallel_access}
        %dma_start3A_281 = arith.constant 0 : i32
        %dma_start3A_282 = tpu.memref_slice %arg10[%add3A_207, %dma_start3A_281] : memref<25x80xi32, #tpu.memory_space<vmem>> -> memref<1x80xi32, #tpu.memory_space<vmem>>
        %dma_start3A_283 = tpu.memref_squeeze %dma_start3A_282 : memref<1x80xi32, #tpu.memory_space<vmem>> -> memref<80xi32, #tpu.memory_space<vmem>>
        %dma_start3A_284 = arith.constant 0 : i32
        %dma_start3A_285 = arith.constant 0 : i32
        %dma_start3A_286 = tpu.memref_slice %arg8[%dma_start3A_284, %dma_start3A_285] : memref<10240x128xf32, #tpu.memory_space<vmem_shared>> -> memref<10240x128xf32, #tpu.memory_space<vmem_shared>>
        tpu.enqueue_indirect_dma source(%arg14 : memref<80x128xf32, #tpu.memory_space<vmem>>) target(%dma_start3A_286 : memref<10240x128xf32, #tpu.memory_space<vmem_shared>>) offsets(%dma_start3A_283 : memref<80xi32, #tpu.memory_space<vmem>>) semaphore(%arg20 : memref<!tpu.dma_semaphore, #tpu.memory_space<semaphore_mem>>) {add = true}
        %mul3A_287 = arith.constant 3 : i32
        %mul3A_288 = arith.muli %mul3A_287, %add3A_123 : i32
        %add3A_289 = arith.constant 2 : i32
        %add3A_290 = arith.addi %mul3A_288, %add3A_289 : i32
        %dma_wait3A_291 = arith.constant 0 : i32
        %dma_wait3A_292 = arith.constant 0 : i32
        %dma_wait3A_293 = tpu.memref_slice %arg10[%dma_wait3A_291, %dma_wait3A_292] : memref<25x80xi32, #tpu.memory_space<vmem>> -> memref<1x80xi32, #tpu.memory_space<vmem>>
        %dma_wait3A_294 = tpu.memref_squeeze %dma_wait3A_293 : memref<1x80xi32, #tpu.memory_space<vmem>> -> memref<80xi32, #tpu.memory_space<vmem>>
        %dma_wait3A_295 = arith.constant 0 : i32
        %dma_wait3A_296 = arith.constant 0 : i32
        %dma_wait3A_297 = tpu.memref_slice %arg8[%dma_wait3A_295, %dma_wait3A_296] : memref<10240x128xf32, #tpu.memory_space<vmem_shared>> -> memref<10240x128xf32, #tpu.memory_space<vmem_shared>>
        tpu.wait_indirect_dma semaphore(%arg19 : memref<!tpu.dma_semaphore, #tpu.memory_space<semaphore_mem>>) src(%arg13 : memref<80x128xf32, #tpu.memory_space<vmem>>) dst(%dma_wait3A_297 : memref<10240x128xf32, #tpu.memory_space<vmem_shared>>)
        %add3A_298 = arith.constant 1 : i32
        %add3A_299 = arith.addi %add3A_290, %add3A_298 : i32
        %dma_start3A_300 = arith.constant 0 : i32
        %dma_start3A_301 = arith.constant 0 : i32
        %dma_start3A_302 = tpu.memref_slice %arg13[%dma_start3A_300, %dma_start3A_301] : memref<80x128xf32, #tpu.memory_space<vmem>> -> memref<40x128xf32, #tpu.memory_space<vmem>>
        %dma_start3A_303 = arith.constant 0 : i32
        %dma_start3A_304 = tpu.memref_slice %arg9[%add3A_299, %dma_start3A_303] : memref<25x80xi32, #tpu.memory_space<vmem>> -> memref<1x40xi32, #tpu.memory_space<vmem>>
        %dma_start3A_305 = tpu.memref_squeeze %dma_start3A_304 : memref<1x40xi32, #tpu.memory_space<vmem>> -> memref<40xi32, #tpu.memory_space<vmem>>
        %dma_start3A_306 = arith.constant 0 : i32
        %dma_start3A_307 = arith.constant 0 : i32
        %dma_start3A_308 = tpu.memref_slice %arg3[%dma_start3A_306, %dma_start3A_307] : memref<10000x128xf32, #tpu.memory_space<hbm>> -> memref<10000x128xf32, #tpu.memory_space<hbm>>
        tpu.enqueue_indirect_dma source(%dma_start3A_308 : memref<10000x128xf32, #tpu.memory_space<hbm>>) target(%dma_start3A_302 : memref<40x128xf32, #tpu.memory_space<vmem>>) offsets(%dma_start3A_305 : memref<40xi32, #tpu.memory_space<vmem>>) semaphore(%arg16 : memref<!tpu.dma_semaphore, #tpu.memory_space<semaphore_mem>>)
        %dma_start3A_309 = arith.constant 40 : i32
        %dma_start3A_310 = arith.constant 0 : i32
        %dma_start3A_311 = tpu.memref_slice %arg13[%dma_start3A_309, %dma_start3A_310] : memref<80x128xf32, #tpu.memory_space<vmem>> -> memref<40x128xf32, #tpu.memory_space<vmem>>
        %dma_start3A_312 = arith.constant 40 : i32
        %dma_start3A_313 = tpu.memref_slice %arg9[%add3A_299, %dma_start3A_312] : memref<25x80xi32, #tpu.memory_space<vmem>> -> memref<1x40xi32, #tpu.memory_space<vmem>>
        %dma_start3A_314 = tpu.memref_squeeze %dma_start3A_313 : memref<1x40xi32, #tpu.memory_space<vmem>> -> memref<40xi32, #tpu.memory_space<vmem>>
        %dma_start3A_315 = arith.constant 0 : i32
        %dma_start3A_316 = arith.constant 0 : i32
        %dma_start3A_317 = tpu.memref_slice %arg3[%dma_start3A_315, %dma_start3A_316] : memref<10000x128xf32, #tpu.memory_space<hbm>> -> memref<10000x128xf32, #tpu.memory_space<hbm>>
        tpu.enqueue_indirect_dma source(%dma_start3A_317 : memref<10000x128xf32, #tpu.memory_space<hbm>>) target(%dma_start3A_311 : memref<40x128xf32, #tpu.memory_space<vmem>>) offsets(%dma_start3A_314 : memref<40xi32, #tpu.memory_space<vmem>>) semaphore(%arg16 : memref<!tpu.dma_semaphore, #tpu.memory_space<semaphore_mem>>)
        %dma_wait3A_318 = arith.constant 0 : i32
        %dma_wait3A_319 = arith.constant 0 : i32
        %dma_wait3A_320 = arith.constant 0 : i32
        %dma_wait3A_321 = tpu.memref_slice %arg15[%dma_wait3A_319, %dma_wait3A_320] : memref<80x128xf32, #tpu.memory_space<vmem>> -> memref<40x128xf32, #tpu.memory_space<vmem>>
        %dma_wait3A_322 = arith.constant 0 : i32
        %dma_wait3A_323 = tpu.memref_slice %arg9[%dma_wait3A_318, %dma_wait3A_322] : memref<25x80xi32, #tpu.memory_space<vmem>> -> memref<1x40xi32, #tpu.memory_space<vmem>>
        %dma_wait3A_324 = tpu.memref_squeeze %dma_wait3A_323 : memref<1x40xi32, #tpu.memory_space<vmem>> -> memref<40xi32, #tpu.memory_space<vmem>>
        %dma_wait3A_325 = arith.constant 0 : i32
        %dma_wait3A_326 = arith.constant 0 : i32
        %dma_wait3A_327 = tpu.memref_slice %arg3[%dma_wait3A_325, %dma_wait3A_326] : memref<10000x128xf32, #tpu.memory_space<hbm>> -> memref<10000x128xf32, #tpu.memory_space<hbm>>
        tpu.wait_indirect_dma semaphore(%arg18 : memref<!tpu.dma_semaphore, #tpu.memory_space<semaphore_mem>>) src(%dma_wait3A_327 : memref<10000x128xf32, #tpu.memory_space<hbm>>) dst(%dma_wait3A_321 : memref<40x128xf32, #tpu.memory_space<vmem>>)
        %dma_wait3A_328 = arith.constant 0 : i32
        %dma_wait3A_329 = arith.constant 40 : i32
        %dma_wait3A_330 = arith.constant 0 : i32
        %dma_wait3A_331 = tpu.memref_slice %arg15[%dma_wait3A_329, %dma_wait3A_330] : memref<80x128xf32, #tpu.memory_space<vmem>> -> memref<40x128xf32, #tpu.memory_space<vmem>>
        %dma_wait3A_332 = arith.constant 40 : i32
        %dma_wait3A_333 = tpu.memref_slice %arg9[%dma_wait3A_328, %dma_wait3A_332] : memref<25x80xi32, #tpu.memory_space<vmem>> -> memref<1x40xi32, #tpu.memory_space<vmem>>
        %dma_wait3A_334 = tpu.memref_squeeze %dma_wait3A_333 : memref<1x40xi32, #tpu.memory_space<vmem>> -> memref<40xi32, #tpu.memory_space<vmem>>
        %dma_wait3A_335 = arith.constant 0 : i32
        %dma_wait3A_336 = arith.constant 0 : i32
        %dma_wait3A_337 = tpu.memref_slice %arg3[%dma_wait3A_335, %dma_wait3A_336] : memref<10000x128xf32, #tpu.memory_space<hbm>> -> memref<10000x128xf32, #tpu.memory_space<hbm>>
        tpu.wait_indirect_dma semaphore(%arg18 : memref<!tpu.dma_semaphore, #tpu.memory_space<semaphore_mem>>) src(%dma_wait3A_337 : memref<10000x128xf32, #tpu.memory_space<hbm>>) dst(%dma_wait3A_331 : memref<40x128xf32, #tpu.memory_space<vmem>>)
        %get3A_338 = arith.index_cast %add3A_290 : i32 to index
        %get3A_339 = arith.constant 0 : index
        %get3A_340 = tpu.vector_load %arg11[%get3A_338, %get3A_339] {strides = array<i32>} : memref<25x80xf32, #tpu.memory_space<vmem>>, vector<16xf32>,
        %swap3A_341 = arith.constant 0 : index
        %swap3A_342 = tpu.vector_load %arg12[%swap3A_341] {strides = array<i32>} : memref<80xf32, #tpu.memory_space<vmem>>, vector<16xf32>,
        tpu.vector_store %arg12[%swap3A_341], %get3A_340 {strides = array<i32>} : memref<80xf32, #tpu.memory_space<vmem>>, vector<16xf32>,
        %get3A_343 = arith.index_cast %add3A_290 : i32 to index
        %get3A_344 = arith.constant 16 : index
        %get3A_345 = tpu.vector_load %arg11[%get3A_343, %get3A_344] {strides = array<i32>} : memref<25x80xf32, #tpu.memory_space<vmem>>, vector<16xf32>,
        %swap3A_346 = arith.constant 16 : index
        %swap3A_347 = tpu.vector_load %arg12[%swap3A_346] {strides = array<i32>} : memref<80xf32, #tpu.memory_space<vmem>>, vector<16xf32>,
        tpu.vector_store %arg12[%swap3A_346], %get3A_345 {strides = array<i32>} : memref<80xf32, #tpu.memory_space<vmem>>, vector<16xf32>,
        %get3A_348 = arith.index_cast %add3A_290 : i32 to index
        %get3A_349 = arith.constant 32 : index
        %get3A_350 = tpu.vector_load %arg11[%get3A_348, %get3A_349] {strides = array<i32>} : memref<25x80xf32, #tpu.memory_space<vmem>>, vector<16xf32>,
        %swap3A_351 = arith.constant 32 : index
        %swap3A_352 = tpu.vector_load %arg12[%swap3A_351] {strides = array<i32>} : memref<80xf32, #tpu.memory_space<vmem>>, vector<16xf32>,
        tpu.vector_store %arg12[%swap3A_351], %get3A_350 {strides = array<i32>} : memref<80xf32, #tpu.memory_space<vmem>>, vector<16xf32>,
        %get3A_353 = arith.index_cast %add3A_290 : i32 to index
        %get3A_354 = arith.constant 48 : index
        %get3A_355 = tpu.vector_load %arg11[%get3A_353, %get3A_354] {strides = array<i32>} : memref<25x80xf32, #tpu.memory_space<vmem>>, vector<16xf32>,
        %swap3A_356 = arith.constant 48 : index
        %swap3A_357 = tpu.vector_load %arg12[%swap3A_356] {strides = array<i32>} : memref<80xf32, #tpu.memory_space<vmem>>, vector<16xf32>,
        tpu.vector_store %arg12[%swap3A_356], %get3A_355 {strides = array<i32>} : memref<80xf32, #tpu.memory_space<vmem>>, vector<16xf32>,
        %get3A_358 = arith.index_cast %add3A_290 : i32 to index
        %get3A_359 = arith.constant 64 : index
        %get3A_360 = tpu.vector_load %arg11[%get3A_358, %get3A_359] {strides = array<i32>} : memref<25x80xf32, #tpu.memory_space<vmem>>, vector<16xf32>,
        %swap3A_361 = arith.constant 64 : index
        %swap3A_362 = tpu.vector_load %arg12[%swap3A_361] {strides = array<i32>} : memref<80xf32, #tpu.memory_space<vmem>>, vector<16xf32>,
        tpu.vector_store %arg12[%swap3A_361], %get3A_360 {strides = array<i32>} : memref<80xf32, #tpu.memory_space<vmem>>, vector<16xf32>,
        %parallel_loop3A_363 = arith.constant 0 : i32
        %parallel_loop3A_364 = arith.constant 80 : i32
        %parallel_loop3A_365 = arith.constant 1 : i32
        scf.for %parallel_loop3A_372 = %parallel_loop3A_363 to %parallel_loop3A_364 step %parallel_loop3A_365  : i32 {
          %parallel_loop3A_373 = vector.broadcast %parallel_loop3A_372 : i32 to vector<16xi32>
          %parallel_loop3A_374 = arith.addi %broadcast_in_dim3A_3, %parallel_loop3A_373 : vector<16xi32>
          %parallel_loop3A_375 = tpu.vector_load_idx %arg12[%parallel_loop3A_374] : memref<80xf32, #tpu.memory_space<vmem>>[vector<16xi32>], vector<16xf32>,
          %parallel_loop3A_376 = arith.index_cast %parallel_loop3A_372 : i32 to index
          %parallel_loop3A_377 = arith.constant 0 : index
          %parallel_loop3A_378 = tpu.vector_load %arg15[%parallel_loop3A_376, %parallel_loop3A_377] {strides = array<i32>} : memref<80x128xf32, #tpu.memory_space<vmem>>, vector<16xf32>,
          %parallel_loop3A_379 = arith.mulf %parallel_loop3A_378, %parallel_loop3A_375 : vector<16xf32>
          %parallel_loop3A_380 = arith.index_cast %parallel_loop3A_372 : i32 to index
          %parallel_loop3A_381 = arith.constant 0 : index
          %parallel_loop3A_382 = tpu.vector_load %arg15[%parallel_loop3A_380, %parallel_loop3A_381] {strides = array<i32>} : memref<80x128xf32, #tpu.memory_space<vmem>>, vector<16xf32>,
          tpu.vector_store %arg15[%parallel_loop3A_380, %parallel_loop3A_381], %parallel_loop3A_379 {strides = array<i32>} : memref<80x128xf32, #tpu.memory_space<vmem>>, vector<16xf32>,
          %parallel_loop3A_383 = arith.index_cast %parallel_loop3A_372 : i32 to index
          %parallel_loop3A_384 = arith.constant 16 : index
          %parallel_loop3A_385 = tpu.vector_load %arg15[%parallel_loop3A_383, %parallel_loop3A_384] {strides = array<i32>} : memref<80x128xf32, #tpu.memory_space<vmem>>, vector<16xf32>,
          %parallel_loop3A_386 = arith.mulf %parallel_loop3A_385, %parallel_loop3A_375 : vector<16xf32>
          %parallel_loop3A_387 = arith.index_cast %parallel_loop3A_372 : i32 to index
          %parallel_loop3A_388 = arith.constant 16 : index
          %parallel_loop3A_389 = tpu.vector_load %arg15[%parallel_loop3A_387, %parallel_loop3A_388] {strides = array<i32>} : memref<80x128xf32, #tpu.memory_space<vmem>>, vector<16xf32>,
          tpu.vector_store %arg15[%parallel_loop3A_387, %parallel_loop3A_388], %parallel_loop3A_386 {strides = array<i32>} : memref<80x128xf32, #tpu.memory_space<vmem>>, vector<16xf32>,
          %parallel_loop3A_390 = arith.index_cast %parallel_loop3A_372 : i32 to index
          %parallel_loop3A_391 = arith.constant 32 : index
          %parallel_loop3A_392 = tpu.vector_load %arg15[%parallel_loop3A_390, %parallel_loop3A_391] {strides = array<i32>} : memref<80x128xf32, #tpu.memory_space<vmem>>, vector<16xf32>,
          %parallel_loop3A_393 = arith.mulf %parallel_loop3A_392, %parallel_loop3A_375 : vector<16xf32>
          %parallel_loop3A_394 = arith.index_cast %parallel_loop3A_372 : i32 to index
          %parallel_loop3A_395 = arith.constant 32 : index
          %parallel_loop3A_396 = tpu.vector_load %arg15[%parallel_loop3A_394, %parallel_loop3A_395] {strides = array<i32>} : memref<80x128xf32, #tpu.memory_space<vmem>>, vector<16xf32>,
          tpu.vector_store %arg15[%parallel_loop3A_394, %parallel_loop3A_395], %parallel_loop3A_393 {strides = array<i32>} : memref<80x128xf32, #tpu.memory_space<vmem>>, vector<16xf32>,
          %parallel_loop3A_397 = arith.index_cast %parallel_loop3A_372 : i32 to index
          %parallel_loop3A_398 = arith.constant 48 : index
          %parallel_loop3A_399 = tpu.vector_load %arg15[%parallel_loop3A_397, %parallel_loop3A_398] {strides = array<i32>} : memref<80x128xf32, #tpu.memory_space<vmem>>, vector<16xf32>,
          %parallel_loop3A_400 = arith.mulf %parallel_loop3A_399, %parallel_loop3A_375 : vector<16xf32>
          %parallel_loop3A_401 = arith.index_cast %parallel_loop3A_372 : i32 to index
          %parallel_loop3A_402 = arith.constant 48 : index
          %parallel_loop3A_403 = tpu.vector_load %arg15[%parallel_loop3A_401, %parallel_loop3A_402] {strides = array<i32>} : memref<80x128xf32, #tpu.memory_space<vmem>>, vector<16xf32>,
          tpu.vector_store %arg15[%parallel_loop3A_401, %parallel_loop3A_402], %parallel_loop3A_400 {strides = array<i32>} : memref<80x128xf32, #tpu.memory_space<vmem>>, vector<16xf32>,
          %parallel_loop3A_404 = arith.index_cast %parallel_loop3A_372 : i32 to index
          %parallel_loop3A_405 = arith.constant 64 : index
          %parallel_loop3A_406 = tpu.vector_load %arg15[%parallel_loop3A_404, %parallel_loop3A_405] {strides = array<i32>} : memref<80x128xf32, #tpu.memory_space<vmem>>, vector<16xf32>,
          %parallel_loop3A_407 = arith.mulf %parallel_loop3A_406, %parallel_loop3A_375 : vector<16xf32>
          %parallel_loop3A_408 = arith.index_cast %parallel_loop3A_372 : i32 to index
          %parallel_loop3A_409 = arith.constant 64 : index
          %parallel_loop3A_410 = tpu.vector_load %arg15[%parallel_loop3A_408, %parallel_loop3A_409] {strides = array<i32>} : memref<80x128xf32, #tpu.memory_space<vmem>>, vector<16xf32>,
          tpu.vector_store %arg15[%parallel_loop3A_408, %parallel_loop3A_409], %parallel_loop3A_407 {strides = array<i32>} : memref<80x128xf32, #tpu.memory_space<vmem>>, vector<16xf32>,
          %parallel_loop3A_411 = arith.index_cast %parallel_loop3A_372 : i32 to index
          %parallel_loop3A_412 = arith.constant 80 : index
          %parallel_loop3A_413 = tpu.vector_load %arg15[%parallel_loop3A_411, %parallel_loop3A_412] {strides = array<i32>} : memref<80x128xf32, #tpu.memory_space<vmem>>, vector<16xf32>,
          %parallel_loop3A_414 = arith.mulf %parallel_loop3A_413, %parallel_loop3A_375 : vector<16xf32>
          %parallel_loop3A_415 = arith.index_cast %parallel_loop3A_372 : i32 to index
          %parallel_loop3A_416 = arith.constant 80 : index
          %parallel_loop3A_417 = tpu.vector_load %arg15[%parallel_loop3A_415, %parallel_loop3A_416] {strides = array<i32>} : memref<80x128xf32, #tpu.memory_space<vmem>>, vector<16xf32>,
          tpu.vector_store %arg15[%parallel_loop3A_415, %parallel_loop3A_416], %parallel_loop3A_414 {strides = array<i32>} : memref<80x128xf32, #tpu.memory_space<vmem>>, vector<16xf32>,
          %parallel_loop3A_418 = arith.index_cast %parallel_loop3A_372 : i32 to index
          %parallel_loop3A_419 = arith.constant 96 : index
          %parallel_loop3A_420 = tpu.vector_load %arg15[%parallel_loop3A_418, %parallel_loop3A_419] {strides = array<i32>} : memref<80x128xf32, #tpu.memory_space<vmem>>, vector<16xf32>,
          %parallel_loop3A_421 = arith.mulf %parallel_loop3A_420, %parallel_loop3A_375 : vector<16xf32>
          %parallel_loop3A_422 = arith.index_cast %parallel_loop3A_372 : i32 to index
          %parallel_loop3A_423 = arith.constant 96 : index
          %parallel_loop3A_424 = tpu.vector_load %arg15[%parallel_loop3A_422, %parallel_loop3A_423] {strides = array<i32>} : memref<80x128xf32, #tpu.memory_space<vmem>>, vector<16xf32>,
          tpu.vector_store %arg15[%parallel_loop3A_422, %parallel_loop3A_423], %parallel_loop3A_421 {strides = array<i32>} : memref<80x128xf32, #tpu.memory_space<vmem>>, vector<16xf32>,
          %parallel_loop3A_425 = arith.index_cast %parallel_loop3A_372 : i32 to index
          %parallel_loop3A_426 = arith.constant 112 : index
          %parallel_loop3A_427 = tpu.vector_load %arg15[%parallel_loop3A_425, %parallel_loop3A_426] {strides = array<i32>} : memref<80x128xf32, #tpu.memory_space<vmem>>, vector<16xf32>,
          %parallel_loop3A_428 = arith.mulf %parallel_loop3A_427, %parallel_loop3A_375 : vector<16xf32>
          %parallel_loop3A_429 = arith.index_cast %parallel_loop3A_372 : i32 to index
          %parallel_loop3A_430 = arith.constant 112 : index
          %parallel_loop3A_431 = tpu.vector_load %arg15[%parallel_loop3A_429, %parallel_loop3A_430] {strides = array<i32>} : memref<80x128xf32, #tpu.memory_space<vmem>>, vector<16xf32>,
          tpu.vector_store %arg15[%parallel_loop3A_429, %parallel_loop3A_430], %parallel_loop3A_428 {strides = array<i32>} : memref<80x128xf32, #tpu.memory_space<vmem>>, vector<16xf32>,
        } {sc.loop_unroll_factor = 2 : i64, sc.parallel_access}
        %dma_start3A_366 = arith.constant 0 : i32
        %dma_start3A_367 = tpu.memref_slice %arg10[%add3A_290, %dma_start3A_366] : memref<25x80xi32, #tpu.memory_space<vmem>> -> memref<1x80xi32, #tpu.memory_space<vmem>>
        %dma_start3A_368 = tpu.memref_squeeze %dma_start3A_367 : memref<1x80xi32, #tpu.memory_space<vmem>> -> memref<80xi32, #tpu.memory_space<vmem>>
        %dma_start3A_369 = arith.constant 0 : i32
        %dma_start3A_370 = arith.constant 0 : i32
        %dma_start3A_371 = tpu.memref_slice %arg8[%dma_start3A_369, %dma_start3A_370] : memref<10240x128xf32, #tpu.memory_space<vmem_shared>> -> memref<10240x128xf32, #tpu.memory_space<vmem_shared>>
        tpu.enqueue_indirect_dma source(%arg15 : memref<80x128xf32, #tpu.memory_space<vmem>>) target(%dma_start3A_371 : memref<10240x128xf32, #tpu.memory_space<vmem_shared>>) offsets(%dma_start3A_368 : memref<80xi32, #tpu.memory_space<vmem>>) semaphore(%arg21 : memref<!tpu.dma_semaphore, #tpu.memory_space<semaphore_mem>>) {add = true}
      }
      %scan3A_41 = arith.constant 8 : i32
      %dma_wait3A = arith.constant 0 : i32
      %dma_wait3A_42 = arith.constant 0 : i32
      %dma_wait3A_43 = arith.constant 0 : i32
      %dma_wait3A_44 = tpu.memref_slice %arg13[%dma_wait3A_42, %dma_wait3A_43] : memref<80x128xf32, #tpu.memory_space<vmem>> -> memref<40x128xf32, #tpu.memory_space<vmem>>
      %dma_wait3A_45 = arith.constant 0 : i32
      %dma_wait3A_46 = tpu.memref_slice %arg9[%dma_wait3A, %dma_wait3A_45] : memref<25x80xi32, #tpu.memory_space<vmem>> -> memref<1x40xi32, #tpu.memory_space<vmem>>
      %dma_wait3A_47 = tpu.memref_squeeze %dma_wait3A_46 : memref<1x40xi32, #tpu.memory_space<vmem>> -> memref<40xi32, #tpu.memory_space<vmem>>
      %dma_wait3A_48 = arith.constant 0 : i32
      %dma_wait3A_49 = arith.constant 0 : i32
      %dma_wait3A_50 = tpu.memref_slice %arg3[%dma_wait3A_48, %dma_wait3A_49] : memref<10000x128xf32, #tpu.memory_space<hbm>> -> memref<10000x128xf32, #tpu.memory_space<hbm>>
      tpu.wait_indirect_dma semaphore(%arg16 : memref<!tpu.dma_semaphore, #tpu.memory_space<semaphore_mem>>) src(%dma_wait3A_50 : memref<10000x128xf32, #tpu.memory_space<hbm>>) dst(%dma_wait3A_44 : memref<40x128xf32, #tpu.memory_space<vmem>>)
      %dma_wait3A_51 = arith.constant 0 : i32
      %dma_wait3A_52 = arith.constant 40 : i32
      %dma_wait3A_53 = arith.constant 0 : i32
      %dma_wait3A_54 = tpu.memref_slice %arg13[%dma_wait3A_52, %dma_wait3A_53] : memref<80x128xf32, #tpu.memory_space<vmem>> -> memref<40x128xf32, #tpu.memory_space<vmem>>
      %dma_wait3A_55 = arith.constant 40 : i32
      %dma_wait3A_56 = tpu.memref_slice %arg9[%dma_wait3A_51, %dma_wait3A_55] : memref<25x80xi32, #tpu.memory_space<vmem>> -> memref<1x40xi32, #tpu.memory_space<vmem>>
      %dma_wait3A_57 = tpu.memref_squeeze %dma_wait3A_56 : memref<1x40xi32, #tpu.memory_space<vmem>> -> memref<40xi32, #tpu.memory_space<vmem>>
      %dma_wait3A_58 = arith.constant 0 : i32
      %dma_wait3A_59 = arith.constant 0 : i32
      %dma_wait3A_60 = tpu.memref_slice %arg3[%dma_wait3A_58, %dma_wait3A_59] : memref<10000x128xf32, #tpu.memory_space<hbm>> -> memref<10000x128xf32, #tpu.memory_space<hbm>>
      tpu.wait_indirect_dma semaphore(%arg16 : memref<!tpu.dma_semaphore, #tpu.memory_space<semaphore_mem>>) src(%dma_wait3A_60 : memref<10000x128xf32, #tpu.memory_space<hbm>>) dst(%dma_wait3A_54 : memref<40x128xf32, #tpu.memory_space<vmem>>)
      %get3A = arith.constant 24 : i32
      %get3A_61 = arith.index_cast %get3A : i32 to index
      %get3A_62 = arith.constant 0 : index
      %get3A_63 = tpu.vector_load %arg11[%get3A_61, %get3A_62] {strides = array<i32>} : memref<25x80xf32, #tpu.memory_space<vmem>>, vector<16xf32>,
      %swap3A = arith.constant 0 : index
      %swap3A_64 = tpu.vector_load %arg12[%swap3A] {strides = array<i32>} : memref<80xf32, #tpu.memory_space<vmem>>, vector<16xf32>,
      tpu.vector_store %arg12[%swap3A], %get3A_63 {strides = array<i32>} : memref<80xf32, #tpu.memory_space<vmem>>, vector<16xf32>,
      %get3A_65 = arith.constant 24 : i32
      %get3A_66 = arith.index_cast %get3A_65 : i32 to index
      %get3A_67 = arith.constant 16 : index
      %get3A_68 = tpu.vector_load %arg11[%get3A_66, %get3A_67] {strides = array<i32>} : memref<25x80xf32, #tpu.memory_space<vmem>>, vector<16xf32>,
      %swap3A_69 = arith.constant 16 : index
      %swap3A_70 = tpu.vector_load %arg12[%swap3A_69] {strides = array<i32>} : memref<80xf32, #tpu.memory_space<vmem>>, vector<16xf32>,
      tpu.vector_store %arg12[%swap3A_69], %get3A_68 {strides = array<i32>} : memref<80xf32, #tpu.memory_space<vmem>>, vector<16xf32>,
      %get3A_71 = arith.constant 24 : i32
      %get3A_72 = arith.index_cast %get3A_71 : i32 to index
      %get3A_73 = arith.constant 32 : index
      %get3A_74 = tpu.vector_load %arg11[%get3A_72, %get3A_73] {strides = array<i32>} : memref<25x80xf32, #tpu.memory_space<vmem>>, vector<16xf32>,
      %swap3A_75 = arith.constant 32 : index
      %swap3A_76 = tpu.vector_load %arg12[%swap3A_75] {strides = array<i32>} : memref<80xf32, #tpu.memory_space<vmem>>, vector<16xf32>,
      tpu.vector_store %arg12[%swap3A_75], %get3A_74 {strides = array<i32>} : memref<80xf32, #tpu.memory_space<vmem>>, vector<16xf32>,
      %get3A_77 = arith.constant 24 : i32
      %get3A_78 = arith.index_cast %get3A_77 : i32 to index
      %get3A_79 = arith.constant 48 : index
      %get3A_80 = tpu.vector_load %arg11[%get3A_78, %get3A_79] {strides = array<i32>} : memref<25x80xf32, #tpu.memory_space<vmem>>, vector<16xf32>,
      %swap3A_81 = arith.constant 48 : index
      %swap3A_82 = tpu.vector_load %arg12[%swap3A_81] {strides = array<i32>} : memref<80xf32, #tpu.memory_space<vmem>>, vector<16xf32>,
      tpu.vector_store %arg12[%swap3A_81], %get3A_80 {strides = array<i32>} : memref<80xf32, #tpu.memory_space<vmem>>, vector<16xf32>,
      %get3A_83 = arith.constant 24 : i32
      %get3A_84 = arith.index_cast %get3A_83 : i32 to index
      %get3A_85 = arith.constant 64 : index
      %get3A_86 = tpu.vector_load %arg11[%get3A_84, %get3A_85] {strides = array<i32>} : memref<25x80xf32, #tpu.memory_space<vmem>>, vector<16xf32>,
      %swap3A_87 = arith.constant 64 : index
      %swap3A_88 = tpu.vector_load %arg12[%swap3A_87] {strides = array<i32>} : memref<80xf32, #tpu.memory_space<vmem>>, vector<16xf32>,
      tpu.vector_store %arg12[%swap3A_87], %get3A_86 {strides = array<i32>} : memref<80xf32, #tpu.memory_space<vmem>>, vector<16xf32>,
      %parallel_loop3A = arith.constant 0 : i32
      %parallel_loop3A_89 = arith.constant 80 : i32
      %parallel_loop3A_90 = arith.constant 1 : i32
      scf.for %parallel_loop3A_119 = %parallel_loop3A to %parallel_loop3A_89 step %parallel_loop3A_90  : i32 {
        %parallel_loop3A_120 = vector.broadcast %parallel_loop3A_119 : i32 to vector<16xi32>
        %parallel_loop3A_121 = arith.addi %broadcast_in_dim3A_3, %parallel_loop3A_120 : vector<16xi32>
        %parallel_loop3A_122 = tpu.vector_load_idx %arg12[%parallel_loop3A_121] : memref<80xf32, #tpu.memory_space<vmem>>[vector<16xi32>], vector<16xf32>,
        %parallel_loop3A_123 = arith.index_cast %parallel_loop3A_119 : i32 to index
        %parallel_loop3A_124 = arith.constant 0 : index
        %parallel_loop3A_125 = tpu.vector_load %arg13[%parallel_loop3A_123, %parallel_loop3A_124] {strides = array<i32>} : memref<80x128xf32, #tpu.memory_space<vmem>>, vector<16xf32>,
        %parallel_loop3A_126 = arith.mulf %parallel_loop3A_125, %parallel_loop3A_122 : vector<16xf32>
        %parallel_loop3A_127 = arith.index_cast %parallel_loop3A_119 : i32 to index
        %parallel_loop3A_128 = arith.constant 0 : index
        %parallel_loop3A_129 = tpu.vector_load %arg13[%parallel_loop3A_127, %parallel_loop3A_128] {strides = array<i32>} : memref<80x128xf32, #tpu.memory_space<vmem>>, vector<16xf32>,
        tpu.vector_store %arg13[%parallel_loop3A_127, %parallel_loop3A_128], %parallel_loop3A_126 {strides = array<i32>} : memref<80x128xf32, #tpu.memory_space<vmem>>, vector<16xf32>,
        %parallel_loop3A_130 = arith.index_cast %parallel_loop3A_119 : i32 to index
        %parallel_loop3A_131 = arith.constant 16 : index
        %parallel_loop3A_132 = tpu.vector_load %arg13[%parallel_loop3A_130, %parallel_loop3A_131] {strides = array<i32>} : memref<80x128xf32, #tpu.memory_space<vmem>>, vector<16xf32>,
        %parallel_loop3A_133 = arith.mulf %parallel_loop3A_132, %parallel_loop3A_122 : vector<16xf32>
        %parallel_loop3A_134 = arith.index_cast %parallel_loop3A_119 : i32 to index
        %parallel_loop3A_135 = arith.constant 16 : index
        %parallel_loop3A_136 = tpu.vector_load %arg13[%parallel_loop3A_134, %parallel_loop3A_135] {strides = array<i32>} : memref<80x128xf32, #tpu.memory_space<vmem>>, vector<16xf32>,
        tpu.vector_store %arg13[%parallel_loop3A_134, %parallel_loop3A_135], %parallel_loop3A_133 {strides = array<i32>} : memref<80x128xf32, #tpu.memory_space<vmem>>, vector<16xf32>,
        %parallel_loop3A_137 = arith.index_cast %parallel_loop3A_119 : i32 to index
        %parallel_loop3A_138 = arith.constant 32 : index
        %parallel_loop3A_139 = tpu.vector_load %arg13[%parallel_loop3A_137, %parallel_loop3A_138] {strides = array<i32>} : memref<80x128xf32, #tpu.memory_space<vmem>>, vector<16xf32>,
        %parallel_loop3A_140 = arith.mulf %parallel_loop3A_139, %parallel_loop3A_122 : vector<16xf32>
        %parallel_loop3A_141 = arith.index_cast %parallel_loop3A_119 : i32 to index
        %parallel_loop3A_142 = arith.constant 32 : index
        %parallel_loop3A_143 = tpu.vector_load %arg13[%parallel_loop3A_141, %parallel_loop3A_142] {strides = array<i32>} : memref<80x128xf32, #tpu.memory_space<vmem>>, vector<16xf32>,
        tpu.vector_store %arg13[%parallel_loop3A_141, %parallel_loop3A_142], %parallel_loop3A_140 {strides = array<i32>} : memref<80x128xf32, #tpu.memory_space<vmem>>, vector<16xf32>,
        %parallel_loop3A_144 = arith.index_cast %parallel_loop3A_119 : i32 to index
        %parallel_loop3A_145 = arith.constant 48 : index
        %parallel_loop3A_146 = tpu.vector_load %arg13[%parallel_loop3A_144, %parallel_loop3A_145] {strides = array<i32>} : memref<80x128xf32, #tpu.memory_space<vmem>>, vector<16xf32>,
        %parallel_loop3A_147 = arith.mulf %parallel_loop3A_146, %parallel_loop3A_122 : vector<16xf32>
        %parallel_loop3A_148 = arith.index_cast %parallel_loop3A_119 : i32 to index
        %parallel_loop3A_149 = arith.constant 48 : index
        %parallel_loop3A_150 = tpu.vector_load %arg13[%parallel_loop3A_148, %parallel_loop3A_149] {strides = array<i32>} : memref<80x128xf32, #tpu.memory_space<vmem>>, vector<16xf32>,
        tpu.vector_store %arg13[%parallel_loop3A_148, %parallel_loop3A_149], %parallel_loop3A_147 {strides = array<i32>} : memref<80x128xf32, #tpu.memory_space<vmem>>, vector<16xf32>,
        %parallel_loop3A_151 = arith.index_cast %parallel_loop3A_119 : i32 to index
        %parallel_loop3A_152 = arith.constant 64 : index
        %parallel_loop3A_153 = tpu.vector_load %arg13[%parallel_loop3A_151, %parallel_loop3A_152] {strides = array<i32>} : memref<80x128xf32, #tpu.memory_space<vmem>>, vector<16xf32>,
        %parallel_loop3A_154 = arith.mulf %parallel_loop3A_153, %parallel_loop3A_122 : vector<16xf32>
        %parallel_loop3A_155 = arith.index_cast %parallel_loop3A_119 : i32 to index
        %parallel_loop3A_156 = arith.constant 64 : index
        %parallel_loop3A_157 = tpu.vector_load %arg13[%parallel_loop3A_155, %parallel_loop3A_156] {strides = array<i32>} : memref<80x128xf32, #tpu.memory_space<vmem>>, vector<16xf32>,
        tpu.vector_store %arg13[%parallel_loop3A_155, %parallel_loop3A_156], %parallel_loop3A_154 {strides = array<i32>} : memref<80x128xf32, #tpu.memory_space<vmem>>, vector<16xf32>,
        %parallel_loop3A_158 = arith.index_cast %parallel_loop3A_119 : i32 to index
        %parallel_loop3A_159 = arith.constant 80 : index
        %parallel_loop3A_160 = tpu.vector_load %arg13[%parallel_loop3A_158, %parallel_loop3A_159] {strides = array<i32>} : memref<80x128xf32, #tpu.memory_space<vmem>>, vector<16xf32>,
        %parallel_loop3A_161 = arith.mulf %parallel_loop3A_160, %parallel_loop3A_122 : vector<16xf32>
        %parallel_loop3A_162 = arith.index_cast %parallel_loop3A_119 : i32 to index
        %parallel_loop3A_163 = arith.constant 80 : index
        %parallel_loop3A_164 = tpu.vector_load %arg13[%parallel_loop3A_162, %parallel_loop3A_163] {strides = array<i32>} : memref<80x128xf32, #tpu.memory_space<vmem>>, vector<16xf32>,
        tpu.vector_store %arg13[%parallel_loop3A_162, %parallel_loop3A_163], %parallel_loop3A_161 {strides = array<i32>} : memref<80x128xf32, #tpu.memory_space<vmem>>, vector<16xf32>,
        %parallel_loop3A_165 = arith.index_cast %parallel_loop3A_119 : i32 to index
        %parallel_loop3A_166 = arith.constant 96 : index
        %parallel_loop3A_167 = tpu.vector_load %arg13[%parallel_loop3A_165, %parallel_loop3A_166] {strides = array<i32>} : memref<80x128xf32, #tpu.memory_space<vmem>>, vector<16xf32>,
        %parallel_loop3A_168 = arith.mulf %parallel_loop3A_167, %parallel_loop3A_122 : vector<16xf32>
        %parallel_loop3A_169 = arith.index_cast %parallel_loop3A_119 : i32 to index
        %parallel_loop3A_170 = arith.constant 96 : index
        %parallel_loop3A_171 = tpu.vector_load %arg13[%parallel_loop3A_169, %parallel_loop3A_170] {strides = array<i32>} : memref<80x128xf32, #tpu.memory_space<vmem>>, vector<16xf32>,
        tpu.vector_store %arg13[%parallel_loop3A_169, %parallel_loop3A_170], %parallel_loop3A_168 {strides = array<i32>} : memref<80x128xf32, #tpu.memory_space<vmem>>, vector<16xf32>,
        %parallel_loop3A_172 = arith.index_cast %parallel_loop3A_119 : i32 to index
        %parallel_loop3A_173 = arith.constant 112 : index
        %parallel_loop3A_174 = tpu.vector_load %arg13[%parallel_loop3A_172, %parallel_loop3A_173] {strides = array<i32>} : memref<80x128xf32, #tpu.memory_space<vmem>>, vector<16xf32>,
        %parallel_loop3A_175 = arith.mulf %parallel_loop3A_174, %parallel_loop3A_122 : vector<16xf32>
        %parallel_loop3A_176 = arith.index_cast %parallel_loop3A_119 : i32 to index
        %parallel_loop3A_177 = arith.constant 112 : index
        %parallel_loop3A_178 = tpu.vector_load %arg13[%parallel_loop3A_176, %parallel_loop3A_177] {strides = array<i32>} : memref<80x128xf32, #tpu.memory_space<vmem>>, vector<16xf32>,
        tpu.vector_store %arg13[%parallel_loop3A_176, %parallel_loop3A_177], %parallel_loop3A_175 {strides = array<i32>} : memref<80x128xf32, #tpu.memory_space<vmem>>, vector<16xf32>,
      } {sc.loop_unroll_factor = 2 : i64, sc.parallel_access}
      %dma_start3A_91 = arith.constant 24 : i32
      %dma_start3A_92 = arith.constant 0 : i32
      %dma_start3A_93 = tpu.memref_slice %arg10[%dma_start3A_91, %dma_start3A_92] : memref<25x80xi32, #tpu.memory_space<vmem>> -> memref<1x80xi32, #tpu.memory_space<vmem>>
      %dma_start3A_94 = tpu.memref_squeeze %dma_start3A_93 : memref<1x80xi32, #tpu.memory_space<vmem>> -> memref<80xi32, #tpu.memory_space<vmem>>
      %dma_start3A_95 = arith.constant 0 : i32
      %dma_start3A_96 = arith.constant 0 : i32
      %dma_start3A_97 = tpu.memref_slice %arg8[%dma_start3A_95, %dma_start3A_96] : memref<10240x128xf32, #tpu.memory_space<vmem_shared>> -> memref<10240x128xf32, #tpu.memory_space<vmem_shared>>
      tpu.enqueue_indirect_dma source(%arg13 : memref<80x128xf32, #tpu.memory_space<vmem>>) target(%dma_start3A_97 : memref<10240x128xf32, #tpu.memory_space<vmem_shared>>) offsets(%dma_start3A_94 : memref<80xi32, #tpu.memory_space<vmem>>) semaphore(%arg19 : memref<!tpu.dma_semaphore, #tpu.memory_space<semaphore_mem>>) {add = true}
      %dma_wait3A_98 = arith.constant 0 : i32
      %dma_wait3A_99 = arith.constant 0 : i32
      %dma_wait3A_100 = tpu.memref_slice %arg10[%dma_wait3A_98, %dma_wait3A_99] : memref<25x80xi32, #tpu.memory_space<vmem>> -> memref<1x80xi32, #tpu.memory_space<vmem>>
      %dma_wait3A_101 = tpu.memref_squeeze %dma_wait3A_100 : memref<1x80xi32, #tpu.memory_space<vmem>> -> memref<80xi32, #tpu.memory_space<vmem>>
      %dma_wait3A_102 = arith.constant 0 : i32
      %dma_wait3A_103 = arith.constant 0 : i32
      %dma_wait3A_104 = tpu.memref_slice %arg8[%dma_wait3A_102, %dma_wait3A_103] : memref<10240x128xf32, #tpu.memory_space<vmem_shared>> -> memref<10240x128xf32, #tpu.memory_space<vmem_shared>>
      tpu.wait_indirect_dma semaphore(%arg20 : memref<!tpu.dma_semaphore, #tpu.memory_space<semaphore_mem>>) src(%arg14 : memref<80x128xf32, #tpu.memory_space<vmem>>) dst(%dma_wait3A_104 : memref<10240x128xf32, #tpu.memory_space<vmem_shared>>)
      %dma_wait3A_105 = arith.constant 0 : i32
      %dma_wait3A_106 = arith.constant 0 : i32
      %dma_wait3A_107 = tpu.memref_slice %arg10[%dma_wait3A_105, %dma_wait3A_106] : memref<25x80xi32, #tpu.memory_space<vmem>> -> memref<1x80xi32, #tpu.memory_space<vmem>>
      %dma_wait3A_108 = tpu.memref_squeeze %dma_wait3A_107 : memref<1x80xi32, #tpu.memory_space<vmem>> -> memref<80xi32, #tpu.memory_space<vmem>>
      %dma_wait3A_109 = arith.constant 0 : i32
      %dma_wait3A_110 = arith.constant 0 : i32
      %dma_wait3A_111 = tpu.memref_slice %arg8[%dma_wait3A_109, %dma_wait3A_110] : memref<10240x128xf32, #tpu.memory_space<vmem_shared>> -> memref<10240x128xf32, #tpu.memory_space<vmem_shared>>
      tpu.wait_indirect_dma semaphore(%arg21 : memref<!tpu.dma_semaphore, #tpu.memory_space<semaphore_mem>>) src(%arg15 : memref<80x128xf32, #tpu.memory_space<vmem>>) dst(%dma_wait3A_111 : memref<10240x128xf32, #tpu.memory_space<vmem_shared>>)
      %dma_wait3A_112 = arith.constant 0 : i32
      %dma_wait3A_113 = arith.constant 0 : i32
      %dma_wait3A_114 = tpu.memref_slice %arg10[%dma_wait3A_112, %dma_wait3A_113] : memref<25x80xi32, #tpu.memory_space<vmem>> -> memref<1x80xi32, #tpu.memory_space<vmem>>
      %dma_wait3A_115 = tpu.memref_squeeze %dma_wait3A_114 : memref<1x80xi32, #tpu.memory_space<vmem>> -> memref<80xi32, #tpu.memory_space<vmem>>
      %dma_wait3A_116 = arith.constant 0 : i32
      %dma_wait3A_117 = arith.constant 0 : i32
      %dma_wait3A_118 = tpu.memref_slice %arg8[%dma_wait3A_116, %dma_wait3A_117] : memref<10240x128xf32, #tpu.memory_space<vmem_shared>> -> memref<10240x128xf32, #tpu.memory_space<vmem_shared>>
      tpu.wait_indirect_dma semaphore(%arg19 : memref<!tpu.dma_semaphore, #tpu.memory_space<semaphore_mem>>) src(%arg13 : memref<80x128xf32, #tpu.memory_space<vmem>>) dst(%dma_wait3A_118 : memref<10240x128xf32, #tpu.memory_space<vmem_shared>>)
    }
    %scan3A_7 = arith.constant 5 : i32
    %barrier3A_8 = arith.constant 0 : index
    tpu.barrier barrier_id(%barrier3A_8)
    %mul3A_9 = arith.constant 640 : i32
    %mul3A_10 = arith.muli %arg1, %mul3A_9 : i32
    %mul3A_11 = arith.constant 640 : i32
    %mul3A_12 = arith.muli %arg1, %mul3A_11 : i32
    "tpu.region"() ({
      %run_scoped3A = tpu.sem_alloc : memref<!tpu.dma_semaphore, #tpu.memory_space<semaphore_mem>>
      %dma_start3A = arith.constant 0 : i32
      %dma_start3A_13 = tpu.memref_slice %arg7[%arg0, %mul3A_12, %dma_start3A] : memref<2x10240x128xf32, #tpu.memory_space<hbm>> -> memref<1x640x128xf32, #tpu.memory_space<hbm>>
      %dma_start3A_14 = tpu.memref_squeeze %dma_start3A_13 : memref<1x640x128xf32, #tpu.memory_space<hbm>> -> memref<640x128xf32, #tpu.memory_space<hbm>>
      %dma_start3A_15 = arith.constant 0 : i32
      %dma_start3A_16 = tpu.memref_slice %arg8[%mul3A_10, %dma_start3A_15] : memref<10240x128xf32, #tpu.memory_space<vmem_shared>> -> memref<640x128xf32, #tpu.memory_space<vmem_shared>>
      tpu.enqueue_dma source(%dma_start3A_16 : memref<640x128xf32, #tpu.memory_space<vmem_shared>>) target(%dma_start3A_14 : memref<640x128xf32, #tpu.memory_space<hbm>>) target_semaphore(%run_scoped3A : memref<!tpu.dma_semaphore, #tpu.memory_space<semaphore_mem>>)
      %dma_wait3A = arith.constant 0 : i32
      %dma_wait3A_17 = tpu.memref_slice %arg7[%arg0, %mul3A_12, %dma_wait3A] : memref<2x10240x128xf32, #tpu.memory_space<hbm>> -> memref<1x640x128xf32, #tpu.memory_space<hbm>>
      %dma_wait3A_18 = tpu.memref_squeeze %dma_wait3A_17 : memref<1x640x128xf32, #tpu.memory_space<hbm>> -> memref<640x128xf32, #tpu.memory_space<hbm>>
      %dma_wait3A_19 = arith.constant 0 : i32
      %dma_wait3A_20 = tpu.memref_slice %arg8[%mul3A_10, %dma_wait3A_19] : memref<10240x128xf32, #tpu.memory_space<vmem_shared>> -> memref<640x128xf32, #tpu.memory_space<vmem_shared>>
      tpu.wait_dma2 semaphore(%run_scoped3A : memref<!tpu.dma_semaphore, #tpu.memory_space<semaphore_mem>>) src(%dma_wait3A_20 : memref<640x128xf32, #tpu.memory_space<vmem_shared>>) dst(%dma_wait3A_18 : memref<640x128xf32, #tpu.memory_space<hbm>>)
      tpu.yield
    }) : () -> ()
    return
  }
}

#map = affine_map<(d0, d1) -> (0)>
#map1 = affine_map<(d0, d1) -> (0, 0, 0)>
module attributes {stable_mosaic.version = 14 : i64} {
  func.func @_s1_body(%arg0: i32, %arg1: i32, %arg2: memref<640xf32, #tpu.memory_space<hbm>>, %arg3: memref<32x125x80xi32, #tpu.memory_space<hbm>>, %arg4: memref<32x125x80xf32, #tpu.memory_space<hbm>>, %arg5: memref<20480xf32, #tpu.memory_space<hbm>>, %arg6: memref<10240xf32, #tpu.memory_space<vmem_shared>>, %arg7: memref<125x80xi32, #tpu.memory_space<vmem>>, %arg8: memref<125x80xf32, #tpu.memory_space<vmem>>) attributes {dimension_semantics = [#tpu.dimension_semantics<core_parallel>, #tpu.dimension_semantics<subcore_parallel>], iteration_bounds = array<i64: 2, 16>, scalar_prefetch = 0 : i64, scratch_operands = 3 : i64, tpu.core_type = #tpu.core_type<sc_vector_subcore>, window_params = [{transform_indices = #map}, {transform_indices = #map1}, {transform_indices = #map1}, {transform_indices = #map}]} {
    %mul3A = arith.constant 2 : i32
    %mul3A_0 = arith.muli %arg1, %mul3A : i32
    %add3A = arith.addi %mul3A_0, %arg0 : i32
    %mul3A_1 = arith.constant 640 : i32
    %mul3A_2 = arith.muli %arg1, %mul3A_1 : i32
    "tpu.region"() ({
      %run_scoped3A = tpu.sem_alloc : memref<!tpu.dma_semaphore, #tpu.memory_space<semaphore_mem>>
      %dma_start3A = tpu.memref_slice %arg6[%mul3A_2] : memref<10240xf32, #tpu.memory_space<vmem_shared>> -> memref<640xf32, #tpu.memory_space<vmem_shared>>
      tpu.enqueue_dma source(%arg2 : memref<640xf32, #tpu.memory_space<hbm>>) target(%dma_start3A : memref<640xf32, #tpu.memory_space<vmem_shared>>) target_semaphore(%run_scoped3A : memref<!tpu.dma_semaphore, #tpu.memory_space<semaphore_mem>>)
      %dma_wait3A = tpu.memref_slice %arg6[%mul3A_2] : memref<10240xf32, #tpu.memory_space<vmem_shared>> -> memref<640xf32, #tpu.memory_space<vmem_shared>>
      tpu.wait_dma2 semaphore(%run_scoped3A : memref<!tpu.dma_semaphore, #tpu.memory_space<semaphore_mem>>) src(%arg2 : memref<640xf32, #tpu.memory_space<hbm>>) dst(%dma_wait3A : memref<640xf32, #tpu.memory_space<vmem_shared>>)
      tpu.yield
    }) : () -> ()
    "tpu.region"() ({
      %run_scoped3A = tpu.sem_alloc : memref<!tpu.dma_semaphore, #tpu.memory_space<semaphore_mem>>
      %dma_start3A = arith.constant 0 : i32
      %dma_start3A_15 = arith.constant 0 : i32
      %dma_start3A_16 = tpu.memref_slice %arg3[%add3A, %dma_start3A, %dma_start3A_15] : memref<32x125x80xi32, #tpu.memory_space<hbm>> -> memref<1x125x80xi32, #tpu.memory_space<hbm>>
      %dma_start3A_17 = tpu.memref_squeeze %dma_start3A_16 : memref<1x125x80xi32, #tpu.memory_space<hbm>> -> memref<125x80xi32, #tpu.memory_space<hbm>>
      %dma_start3A_18 = arith.constant 0 : i32
      %dma_start3A_19 = arith.constant 0 : i32
      %dma_start3A_20 = tpu.memref_slice %arg3[%add3A, %dma_start3A_18, %dma_start3A_19] : memref<32x125x80xi32, #tpu.memory_space<hbm>> -> memref<1x125x80xi32, #tpu.memory_space<hbm>>
      %dma_start3A_21 = tpu.memref_squeeze %dma_start3A_20 : memref<1x125x80xi32, #tpu.memory_space<hbm>> -> memref<125x80xi32, #tpu.memory_space<hbm>>
      tpu.enqueue_dma source(%dma_start3A_21 : memref<125x80xi32, #tpu.memory_space<hbm>>) target(%arg7 : memref<125x80xi32, #tpu.memory_space<vmem>>) target_semaphore(%run_scoped3A : memref<!tpu.dma_semaphore, #tpu.memory_space<semaphore_mem>>)
      %dma_wait3A = arith.constant 0 : i32
      %dma_wait3A_22 = arith.constant 0 : i32
      %dma_wait3A_23 = tpu.memref_slice %arg3[%add3A, %dma_wait3A, %dma_wait3A_22] : memref<32x125x80xi32, #tpu.memory_space<hbm>> -> memref<1x125x80xi32, #tpu.memory_space<hbm>>
      %dma_wait3A_24 = tpu.memref_squeeze %dma_wait3A_23 : memref<1x125x80xi32, #tpu.memory_space<hbm>> -> memref<125x80xi32, #tpu.memory_space<hbm>>
      %dma_wait3A_25 = arith.constant 0 : i32
      %dma_wait3A_26 = arith.constant 0 : i32
      %dma_wait3A_27 = tpu.memref_slice %arg3[%add3A, %dma_wait3A_25, %dma_wait3A_26] : memref<32x125x80xi32, #tpu.memory_space<hbm>> -> memref<1x125x80xi32, #tpu.memory_space<hbm>>
      %dma_wait3A_28 = tpu.memref_squeeze %dma_wait3A_27 : memref<1x125x80xi32, #tpu.memory_space<hbm>> -> memref<125x80xi32, #tpu.memory_space<hbm>>
      tpu.wait_dma2 semaphore(%run_scoped3A : memref<!tpu.dma_semaphore, #tpu.memory_space<semaphore_mem>>) src(%dma_wait3A_28 : memref<125x80xi32, #tpu.memory_space<hbm>>) dst(%arg7 : memref<125x80xi32, #tpu.memory_space<vmem>>)
      tpu.yield
    }) : () -> ()
    "tpu.region"() ({
      %run_scoped3A = tpu.sem_alloc : memref<!tpu.dma_semaphore, #tpu.memory_space<semaphore_mem>>
      %dma_start3A = arith.constant 0 : i32
      %dma_start3A_15 = arith.constant 0 : i32
      %dma_start3A_16 = tpu.memref_slice %arg4[%add3A, %dma_start3A, %dma_start3A_15] : memref<32x125x80xf32, #tpu.memory_space<hbm>> -> memref<1x125x80xf32, #tpu.memory_space<hbm>>
      %dma_start3A_17 = tpu.memref_squeeze %dma_start3A_16 : memref<1x125x80xf32, #tpu.memory_space<hbm>> -> memref<125x80xf32, #tpu.memory_space<hbm>>
      %dma_start3A_18 = arith.constant 0 : i32
      %dma_start3A_19 = arith.constant 0 : i32
      %dma_start3A_20 = tpu.memref_slice %arg4[%add3A, %dma_start3A_18, %dma_start3A_19] : memref<32x125x80xf32, #tpu.memory_space<hbm>> -> memref<1x125x80xf32, #tpu.memory_space<hbm>>
      %dma_start3A_21 = tpu.memref_squeeze %dma_start3A_20 : memref<1x125x80xf32, #tpu.memory_space<hbm>> -> memref<125x80xf32, #tpu.memory_space<hbm>>
      tpu.enqueue_dma source(%dma_start3A_21 : memref<125x80xf32, #tpu.memory_space<hbm>>) target(%arg8 : memref<125x80xf32, #tpu.memory_space<vmem>>) target_semaphore(%run_scoped3A : memref<!tpu.dma_semaphore, #tpu.memory_space<semaphore_mem>>)
      %dma_wait3A = arith.constant 0 : i32
      %dma_wait3A_22 = arith.constant 0 : i32
      %dma_wait3A_23 = tpu.memref_slice %arg4[%add3A, %dma_wait3A, %dma_wait3A_22] : memref<32x125x80xf32, #tpu.memory_space<hbm>> -> memref<1x125x80xf32, #tpu.memory_space<hbm>>
      %dma_wait3A_24 = tpu.memref_squeeze %dma_wait3A_23 : memref<1x125x80xf32, #tpu.memory_space<hbm>> -> memref<125x80xf32, #tpu.memory_space<hbm>>
      %dma_wait3A_25 = arith.constant 0 : i32
      %dma_wait3A_26 = arith.constant 0 : i32
      %dma_wait3A_27 = tpu.memref_slice %arg4[%add3A, %dma_wait3A_25, %dma_wait3A_26] : memref<32x125x80xf32, #tpu.memory_space<hbm>> -> memref<1x125x80xf32, #tpu.memory_space<hbm>>
      %dma_wait3A_28 = tpu.memref_squeeze %dma_wait3A_27 : memref<1x125x80xf32, #tpu.memory_space<hbm>> -> memref<125x80xf32, #tpu.memory_space<hbm>>
      tpu.wait_dma2 semaphore(%run_scoped3A : memref<!tpu.dma_semaphore, #tpu.memory_space<semaphore_mem>>) src(%dma_wait3A_28 : memref<125x80xf32, #tpu.memory_space<hbm>>) dst(%arg8 : memref<125x80xf32, #tpu.memory_space<vmem>>)
      tpu.yield
    }) : () -> ()
    %barrier3A = arith.constant 0 : index
    tpu.barrier barrier_id(%barrier3A)
    %scan3A = arith.constant 0 : i32
    %scan3A_3 = arith.constant 125 : i32
    %scan3A_4 = arith.addi %scan3A, %scan3A_3 : i32
    %scan3A_5 = arith.constant 1 : i32
    scf.for %scan3A_15 = %scan3A to %scan3A_4 step %scan3A_5  : i32 {
      %mul3A_16 = arith.constant 1 : i32
      %mul3A_17 = arith.muli %scan3A_15, %mul3A_16 : i32
      %add3A_18 = arith.constant 0 : i32
      %add3A_19 = arith.addi %add3A_18, %mul3A_17 : i32
      "tpu.region"() ({
        %run_scoped3A = tpu.sem_alloc : memref<!tpu.dma_semaphore, #tpu.memory_space<semaphore_mem>>
        %dma_start3A = arith.constant 0 : i32
        %dma_start3A_20 = tpu.memref_slice %arg8[%add3A_19, %dma_start3A] : memref<125x80xf32, #tpu.memory_space<vmem>> -> memref<1x80xf32, #tpu.memory_space<vmem>>
        %dma_start3A_21 = tpu.memref_squeeze %dma_start3A_20 : memref<1x80xf32, #tpu.memory_space<vmem>> -> memref<80xf32, #tpu.memory_space<vmem>>
        %dma_start3A_22 = arith.constant 0 : i32
        %dma_start3A_23 = tpu.memref_slice %arg7[%add3A_19, %dma_start3A_22] : memref<125x80xi32, #tpu.memory_space<vmem>> -> memref<1x80xi32, #tpu.memory_space<vmem>>
        %dma_start3A_24 = tpu.memref_squeeze %dma_start3A_23 : memref<1x80xi32, #tpu.memory_space<vmem>> -> memref<80xi32, #tpu.memory_space<vmem>>
        %dma_start3A_25 = arith.constant 0 : i32
        %dma_start3A_26 = tpu.memref_slice %arg6[%dma_start3A_25] : memref<10240xf32, #tpu.memory_space<vmem_shared>> -> memref<10240xf32, #tpu.memory_space<vmem_shared>>
        tpu.enqueue_indirect_dma source(%dma_start3A_21 : memref<80xf32, #tpu.memory_space<vmem>>) target(%dma_start3A_26 : memref<10240xf32, #tpu.memory_space<vmem_shared>>) offsets(%dma_start3A_24 : memref<80xi32, #tpu.memory_space<vmem>>) semaphore(%run_scoped3A : memref<!tpu.dma_semaphore, #tpu.memory_space<semaphore_mem>>) {add = true}
        %dma_wait3A = arith.constant 0 : i32
        %dma_wait3A_27 = tpu.memref_slice %arg8[%add3A_19, %dma_wait3A] : memref<125x80xf32, #tpu.memory_space<vmem>> -> memref<1x80xf32, #tpu.memory_space<vmem>>
        %dma_wait3A_28 = tpu.memref_squeeze %dma_wait3A_27 : memref<1x80xf32, #tpu.memory_space<vmem>> -> memref<80xf32, #tpu.memory_space<vmem>>
        %dma_wait3A_29 = arith.constant 0 : i32
        %dma_wait3A_30 = tpu.memref_slice %arg7[%add3A_19, %dma_wait3A_29] : memref<125x80xi32, #tpu.memory_space<vmem>> -> memref<1x80xi32, #tpu.memory_space<vmem>>
        %dma_wait3A_31 = tpu.memref_squeeze %dma_wait3A_30 : memref<1x80xi32, #tpu.memory_space<vmem>> -> memref<80xi32, #tpu.memory_space<vmem>>
        %dma_wait3A_32 = arith.constant 0 : i32
        %dma_wait3A_33 = tpu.memref_slice %arg6[%dma_wait3A_32] : memref<10240xf32, #tpu.memory_space<vmem_shared>> -> memref<10240xf32, #tpu.memory_space<vmem_shared>>
        tpu.wait_indirect_dma semaphore(%run_scoped3A : memref<!tpu.dma_semaphore, #tpu.memory_space<semaphore_mem>>) src(%dma_wait3A_28 : memref<80xf32, #tpu.memory_space<vmem>>) dst(%dma_wait3A_33 : memref<10240xf32, #tpu.memory_space<vmem_shared>>)
        tpu.yield
      }) : () -> ()
    }
    %scan3A_6 = arith.constant 125 : i32
    %barrier3A_7 = arith.constant 0 : index
    tpu.barrier barrier_id(%barrier3A_7)
    %mul3A_8 = arith.constant 640 : i32
    %mul3A_9 = arith.muli %arg1, %mul3A_8 : i32
    %mul3A_10 = arith.constant 10240 : i32
    %mul3A_11 = arith.muli %arg0, %mul3A_10 : i32
    %mul3A_12 = arith.constant 640 : i32
    %mul3A_13 = arith.muli %arg1, %mul3A_12 : i32
    %add3A_14 = arith.addi %mul3A_11, %mul3A_13 : i32
    "tpu.region"() ({
      %run_scoped3A = tpu.sem_alloc : memref<!tpu.dma_semaphore, #tpu.memory_space<semaphore_mem>>
      %dma_start3A = tpu.memref_slice %arg5[%add3A_14] : memref<20480xf32, #tpu.memory_space<hbm>> -> memref<640xf32, #tpu.memory_space<hbm>>
      %dma_start3A_15 = tpu.memref_slice %arg6[%mul3A_9] : memref<10240xf32, #tpu.memory_space<vmem_shared>> -> memref<640xf32, #tpu.memory_space<vmem_shared>>
      tpu.enqueue_dma source(%dma_start3A_15 : memref<640xf32, #tpu.memory_space<vmem_shared>>) target(%dma_start3A : memref<640xf32, #tpu.memory_space<hbm>>) target_semaphore(%run_scoped3A : memref<!tpu.dma_semaphore, #tpu.memory_space<semaphore_mem>>)
      %dma_wait3A = tpu.memref_slice %arg5[%add3A_14] : memref<20480xf32, #tpu.memory_space<hbm>> -> memref<640xf32, #tpu.memory_space<hbm>>
      %dma_wait3A_16 = tpu.memref_slice %arg6[%mul3A_9] : memref<10240xf32, #tpu.memory_space<vmem_shared>> -> memref<640xf32, #tpu.memory_space<vmem_shared>>
      tpu.wait_dma2 semaphore(%run_scoped3A : memref<!tpu.dma_semaphore, #tpu.memory_space<semaphore_mem>>) src(%dma_wait3A_16 : memref<640xf32, #tpu.memory_space<vmem_shared>>) dst(%dma_wait3A : memref<640xf32, #tpu.memory_space<hbm>>)
      tpu.yield
    }) : () -> ()
    return
  }
}

module attributes {stable_mosaic.version = 14 : i64} {
  func.func @_t0_body(%arg0: memref<20480xf32, #tpu.memory_space<vmem>>, %arg1: memref<10240xf32, #tpu.memory_space<vmem>>) attributes {dimension_semantics = [], scalar_prefetch = 0 : i64, scratch_operands = 0 : i64, tpu.core_type = #tpu.core_type<tc>} {
    %get3A = arith.constant 0 : index
    %get3A_0 = vector.load %arg0[%get3A] : memref<20480xf32, #tpu.memory_space<vmem>>, vector<10240xf32>
    %get3A_1 = arith.constant 10240 : index
    %get3A_2 = vector.load %arg0[%get3A_1] : memref<20480xf32, #tpu.memory_space<vmem>>, vector<10240xf32>
    %add3A = arith.addf %get3A_0, %get3A_2 : vector<10240xf32>
    %gt3A = arith.constant 0.000000e+00 : f32
    %gt3A_3 = vector.broadcast %gt3A : f32 to vector<10240xf32>
    %gt3A_4 = arith.cmpf ogt, %add3A, %gt3A_3 : vector<10240xf32>
    %rsqrt3A = math.rsqrt %add3A : vector<10240xf32>
    %jit3A = arith.constant 0.000000e+00 : f32
    %broadcast_in_dim3A = vector.broadcast %jit3A : f32 to vector<10240xf32>
    %select_n3A = arith.select %gt3A_4, %rsqrt3A, %broadcast_in_dim3A : vector<10240xi1>, vector<10240xf32>
    %swap3A = arith.constant 0 : index
    %swap3A_5 = vector.load %arg1[%swap3A] : memref<10240xf32, #tpu.memory_space<vmem>>, vector<10240xf32>
    tpu.vector_store %arg1[%swap3A], %select_n3A {strides = array<i32>} : memref<10240xf32, #tpu.memory_space<vmem>>, vector<10240xf32>,
    return
  }
}

module attributes {stable_mosaic.version = 14 : i64} {
  func.func @_t1_body(%arg0: i32, %arg1: memref<1000x128xf32, #tpu.memory_space<vmem>>, %arg2: memref<128x128xf32, #tpu.memory_space<vmem>>, %arg3: memref<1000x1xf32, #tpu.memory_space<vmem>>, %arg4: memref<1000x128xf32, #tpu.memory_space<vmem>>) attributes {dimension_semantics = [#tpu.dimension_semantics<arbitrary>], iteration_bounds = array<i64: 10>, scalar_prefetch = 0 : i64, scratch_operands = 0 : i64, tpu.core_type = #tpu.core_type<tc>, window_params = [{transform_indices = @transform_0, window_bounds = array<i64: 1000, 128>}, {pipeline_mode = #tpu.pipeline_mode<synchronous>, transform_indices = @transform_1, window_bounds = array<i64: 128, 128>}, {transform_indices = @transform_2, window_bounds = array<i64: 1000, 1>}, {transform_indices = @transform_3, window_bounds = array<i64: 1000, 128>}]} {
    %get3A = arith.constant 0 : index
    %get3A_0 = arith.constant 0 : index
    %get3A_1 = vector.load %arg1[%get3A, %get3A_0] : memref<1000x128xf32, #tpu.memory_space<vmem>>, vector<1000x128xf32>
    %get3A_2 = arith.constant 0 : index
    %get3A_3 = arith.constant 0 : index
    %get3A_4 = vector.load %arg2[%get3A_2, %get3A_3] : memref<128x128xf32, #tpu.memory_space<vmem>>, vector<128x128xf32>
    %dot_general3A = arith.constant dense<0.000000e+00> : vector<1000x128xf32>
    %dot_general3A_5 = tpu.matmul %get3A_1, %get3A_4, %dot_general3A {dimension_numbers = #tpu.dot_dimension_numbers<[1], [0], [0], [1], [0, 0, 1, 1], [], []>, transpose_lhs_hint = false} : vector<1000x128xf32>, vector<128x128xf32>, vector<1000x128xf32> -> vector<1000x128xf32>
    %get3A_6 = arith.constant 0 : index
    %get3A_7 = arith.constant 0 : index
    %get3A_8 = vector.load %arg3[%get3A_6, %get3A_7] : memref<1000x1xf32, #tpu.memory_space<vmem>>, vector<1000x1xf32>
    %mul3A = vector.broadcast %get3A_8 : vector<1000x1xf32> to vector<1000x128xf32>
    %mul3A_9 = arith.mulf %dot_general3A_5, %mul3A : vector<1000x128xf32>
    %swap3A = arith.constant 0 : index
    %swap3A_10 = arith.constant 0 : index
    %swap3A_11 = vector.load %arg4[%swap3A, %swap3A_10] : memref<1000x128xf32, #tpu.memory_space<vmem>>, vector<1000x128xf32>
    tpu.vector_store %arg4[%swap3A, %swap3A_10], %mul3A_9 {strides = array<i32>} : memref<1000x128xf32, #tpu.memory_space<vmem>>, vector<1000x128xf32>,
    return
  }
  func.func @transform_0(%arg0: i32) -> (i32, i32) {
    %c0_i32 = arith.constant 0 : i32
    %c0_i32_0 = arith.constant 0 : i32
    return %arg0, %c0_i32 : i32, i32
  }
  func.func @transform_1(%arg0: i32) -> (i32, i32) {
    %c0_i32 = arith.constant 0 : i32
    %c0_i32_0 = arith.constant 0 : i32
    %c0_i32_1 = arith.constant 0 : i32
    return %c0_i32, %c0_i32_0 : i32, i32
  }
  func.func @transform_2(%arg0: i32) -> (i32, i32) {
    %c0_i32 = arith.constant 0 : i32
    %c0_i32_0 = arith.constant 0 : i32
    return %arg0, %c0_i32 : i32, i32
  }
  func.func @transform_3(%arg0: i32) -> (i32, i32) {
    %c0_i32 = arith.constant 0 : i32
    %c0_i32_0 = arith.constant 0 : i32
    return %arg0, %c0_i32 : i32, i32
  }
}

module attributes {stable_mosaic.version = 14 : i64} {
  func.func @_t2_body(%arg0: i32, %arg1: memref<2x1000x128xf32, #tpu.memory_space<vmem>>, %arg2: memref<1x128xf32, #tpu.memory_space<vmem>>, %arg3: memref<128x128xf32, #tpu.memory_space<vmem>>, %arg4: memref<1000x1xf32, #tpu.memory_space<vmem>>, %arg5: memref<1000x128xf32, #tpu.memory_space<vmem>>) attributes {dimension_semantics = [#tpu.dimension_semantics<arbitrary>], iteration_bounds = array<i64: 10>, scalar_prefetch = 0 : i64, scratch_operands = 0 : i64, tpu.core_type = #tpu.core_type<tc>, window_params = [{transform_indices = @transform_0, window_bounds = array<i64: 2, 1000, 128>}, {pipeline_mode = #tpu.pipeline_mode<synchronous>, transform_indices = @transform_1, window_bounds = array<i64: 1, 128>}, {pipeline_mode = #tpu.pipeline_mode<synchronous>, transform_indices = @transform_2, window_bounds = array<i64: 128, 128>}, {transform_indices = @transform_3, window_bounds = array<i64: 1000, 1>}, {transform_indices = @transform_4, window_bounds = array<i64: 1000, 128>}]} {
    %get3A = arith.constant 0 : index
    %get3A_0 = arith.constant 0 : index
    %get3A_1 = arith.constant 0 : index
    %get3A_2 = vector.load %arg1[%get3A, %get3A_0, %get3A_1] : memref<2x1000x128xf32, #tpu.memory_space<vmem>>, vector<1x1000x128xf32>
    %get3A_3 = vector.shape_cast %get3A_2 : vector<1x1000x128xf32> to vector<1000x128xf32>
    %get3A_4 = arith.constant 1 : index
    %get3A_5 = arith.constant 0 : index
    %get3A_6 = arith.constant 0 : index
    %get3A_7 = vector.load %arg1[%get3A_4, %get3A_5, %get3A_6] : memref<2x1000x128xf32, #tpu.memory_space<vmem>>, vector<1x1000x128xf32>
    %get3A_8 = vector.shape_cast %get3A_7 : vector<1x1000x128xf32> to vector<1000x128xf32>
    %add3A = arith.addf %get3A_3, %get3A_8 : vector<1000x128xf32>
    %get3A_9 = arith.constant 0 : index
    %get3A_10 = arith.constant 0 : index
    %get3A_11 = vector.load %arg4[%get3A_9, %get3A_10] : memref<1000x1xf32, #tpu.memory_space<vmem>>, vector<1000x1xf32>
    %mul3A = vector.broadcast %get3A_11 : vector<1000x1xf32> to vector<1000x128xf32>
    %mul3A_12 = arith.mulf %add3A, %mul3A : vector<1000x128xf32>
    %get3A_13 = arith.constant 0 : index
    %get3A_14 = arith.constant 0 : index
    %get3A_15 = vector.load %arg2[%get3A_13, %get3A_14] : memref<1x128xf32, #tpu.memory_space<vmem>>, vector<1x128xf32>
    %add3A_16 = vector.broadcast %get3A_15 : vector<1x128xf32> to vector<1000x128xf32>
    %add3A_17 = arith.addf %mul3A_12, %add3A_16 : vector<1000x128xf32>
    %max3A = arith.constant 0.000000e+00 : f32
    %max3A_18 = vector.broadcast %max3A : f32 to vector<1000x128xf32>
    %max3A_19 = arith.maximumf %add3A_17, %max3A_18 : vector<1000x128xf32>
    %get3A_20 = arith.constant 0 : index
    %get3A_21 = arith.constant 0 : index
    %get3A_22 = vector.load %arg3[%get3A_20, %get3A_21] : memref<128x128xf32, #tpu.memory_space<vmem>>, vector<128x128xf32>
    %dot_general3A = arith.constant dense<0.000000e+00> : vector<1000x128xf32>
    %dot_general3A_23 = tpu.matmul %max3A_19, %get3A_22, %dot_general3A {dimension_numbers = #tpu.dot_dimension_numbers<[1], [0], [0], [1], [0, 0, 1, 1], [], []>, transpose_lhs_hint = false} : vector<1000x128xf32>, vector<128x128xf32>, vector<1000x128xf32> -> vector<1000x128xf32>
    %get3A_24 = arith.constant 0 : index
    %get3A_25 = arith.constant 0 : index
    %get3A_26 = vector.load %arg4[%get3A_24, %get3A_25] : memref<1000x1xf32, #tpu.memory_space<vmem>>, vector<1000x1xf32>
    %mul3A_27 = vector.broadcast %get3A_26 : vector<1000x1xf32> to vector<1000x128xf32>
    %mul3A_28 = arith.mulf %dot_general3A_23, %mul3A_27 : vector<1000x128xf32>
    %swap3A = arith.constant 0 : index
    %swap3A_29 = arith.constant 0 : index
    %swap3A_30 = vector.load %arg5[%swap3A, %swap3A_29] : memref<1000x128xf32, #tpu.memory_space<vmem>>, vector<1000x128xf32>
    tpu.vector_store %arg5[%swap3A, %swap3A_29], %mul3A_28 {strides = array<i32>} : memref<1000x128xf32, #tpu.memory_space<vmem>>, vector<1000x128xf32>,
    return
  }
  func.func @transform_0(%arg0: i32) -> (i32, i32, i32) {
    %c0_i32 = arith.constant 0 : i32
    %c0_i32_0 = arith.constant 0 : i32
    %c0_i32_1 = arith.constant 0 : i32
    return %c0_i32, %arg0, %c0_i32_0 : i32, i32, i32
  }
  func.func @transform_1(%arg0: i32) -> (i32, i32) {
    %c0_i32 = arith.constant 0 : i32
    %c0_i32_0 = arith.constant 0 : i32
    %c0_i32_1 = arith.constant 0 : i32
    return %c0_i32, %c0_i32_0 : i32, i32
  }
  func.func @transform_2(%arg0: i32) -> (i32, i32) {
    %c0_i32 = arith.constant 0 : i32
    %c0_i32_0 = arith.constant 0 : i32
    %c0_i32_1 = arith.constant 0 : i32
    return %c0_i32, %c0_i32_0 : i32, i32
  }
  func.func @transform_3(%arg0: i32) -> (i32, i32) {
    %c0_i32 = arith.constant 0 : i32
    %c0_i32_0 = arith.constant 0 : i32
    return %arg0, %c0_i32 : i32, i32
  }
  func.func @transform_4(%arg0: i32) -> (i32, i32) {
    %c0_i32 = arith.constant 0 : i32
    %c0_i32_0 = arith.constant 0 : i32
    return %arg0, %c0_i32 : i32, i32
  }
}

module attributes {stable_mosaic.version = 14 : i64} {
  func.func @_t3_body(%arg0: i32, %arg1: memref<2x1000x128xf32, #tpu.memory_space<vmem>>, %arg2: memref<1x128xf32, #tpu.memory_space<vmem>>, %arg3: memref<1000x1xf32, #tpu.memory_space<vmem>>, %arg4: memref<1000x128xf32, #tpu.memory_space<vmem>>) attributes {dimension_semantics = [#tpu.dimension_semantics<arbitrary>], iteration_bounds = array<i64: 10>, scalar_prefetch = 0 : i64, scratch_operands = 0 : i64, tpu.core_type = #tpu.core_type<tc>, window_params = [{transform_indices = @transform_0, window_bounds = array<i64: 2, 1000, 128>}, {pipeline_mode = #tpu.pipeline_mode<synchronous>, transform_indices = @transform_1, window_bounds = array<i64: 1, 128>}, {transform_indices = @transform_2, window_bounds = array<i64: 1000, 1>}, {transform_indices = @transform_3, window_bounds = array<i64: 1000, 128>}]} {
    %get3A = arith.constant 0 : index
    %get3A_0 = arith.constant 0 : index
    %get3A_1 = arith.constant 0 : index
    %get3A_2 = vector.load %arg1[%get3A, %get3A_0, %get3A_1] : memref<2x1000x128xf32, #tpu.memory_space<vmem>>, vector<1x1000x128xf32>
    %get3A_3 = vector.shape_cast %get3A_2 : vector<1x1000x128xf32> to vector<1000x128xf32>
    %get3A_4 = arith.constant 1 : index
    %get3A_5 = arith.constant 0 : index
    %get3A_6 = arith.constant 0 : index
    %get3A_7 = vector.load %arg1[%get3A_4, %get3A_5, %get3A_6] : memref<2x1000x128xf32, #tpu.memory_space<vmem>>, vector<1x1000x128xf32>
    %get3A_8 = vector.shape_cast %get3A_7 : vector<1x1000x128xf32> to vector<1000x128xf32>
    %add3A = arith.addf %get3A_3, %get3A_8 : vector<1000x128xf32>
    %get3A_9 = arith.constant 0 : index
    %get3A_10 = arith.constant 0 : index
    %get3A_11 = vector.load %arg3[%get3A_9, %get3A_10] : memref<1000x1xf32, #tpu.memory_space<vmem>>, vector<1000x1xf32>
    %mul3A = vector.broadcast %get3A_11 : vector<1000x1xf32> to vector<1000x128xf32>
    %mul3A_12 = arith.mulf %add3A, %mul3A : vector<1000x128xf32>
    %get3A_13 = arith.constant 0 : index
    %get3A_14 = arith.constant 0 : index
    %get3A_15 = vector.load %arg2[%get3A_13, %get3A_14] : memref<1x128xf32, #tpu.memory_space<vmem>>, vector<1x128xf32>
    %add3A_16 = vector.broadcast %get3A_15 : vector<1x128xf32> to vector<1000x128xf32>
    %add3A_17 = arith.addf %mul3A_12, %add3A_16 : vector<1000x128xf32>
    %swap3A = arith.constant 0 : index
    %swap3A_18 = arith.constant 0 : index
    %swap3A_19 = vector.load %arg4[%swap3A, %swap3A_18] : memref<1000x128xf32, #tpu.memory_space<vmem>>, vector<1000x128xf32>
    tpu.vector_store %arg4[%swap3A, %swap3A_18], %add3A_17 {strides = array<i32>} : memref<1000x128xf32, #tpu.memory_space<vmem>>, vector<1000x128xf32>,
    return
  }
  func.func @transform_0(%arg0: i32) -> (i32, i32, i32) {
    %c0_i32 = arith.constant 0 : i32
    %c0_i32_0 = arith.constant 0 : i32
    %c0_i32_1 = arith.constant 0 : i32
    return %c0_i32, %arg0, %c0_i32_0 : i32, i32, i32
  }
  func.func @transform_1(%arg0: i32) -> (i32, i32) {
    %c0_i32 = arith.constant 0 : i32
    %c0_i32_0 = arith.constant 0 : i32
    %c0_i32_1 = arith.constant 0 : i32
    return %c0_i32, %c0_i32_0 : i32, i32
  }
  func.func @transform_2(%arg0: i32) -> (i32, i32) {
    %c0_i32 = arith.constant 0 : i32
    %c0_i32_0 = arith.constant 0 : i32
    return %arg0, %c0_i32 : i32, i32
  }
  func.func @transform_3(%arg0: i32) -> (i32, i32) {
    %c0_i32 = arith.constant 0 : i32
    %c0_i32_0 = arith.constant 0 : i32
    return %arg0, %c0_i32 : i32, i32
  }
}

</mosaic_0001>

<sc_bundles>
// kernel: kernel.12.cloned.1.call-start
scs
__scs_entry_jumppad:
0x0: {  	(pc) =	sbr.rel $0x88, $3  }
0x1: {  	(tag) =	ssettag $0x0;
	lr =	simm.s32 $0x1  }
0x2: {  	[smem:$0x3F9A] =	sst lr;
	_ =	strace $0xD0000000  }
0x3: {  	_ = 	snop  }
0x4: {  	_ = 	snop  }
0x5: {  	_ = 	snop  }
0x6: {  	_ = 	snop  }
0x7: {  	_ = 	snop  }
__scs_overlays_trampoline_lowered:
0x8: {  	[smem:$0x3FA9] =	sst s0  }
0x9: {  	[smem:$0x3FAA] =	sst s1  }
0xa: {  	[smem:$0x3FAB] =	sst s2  }
0xb: {  	[smem:$0x3FAC] =	sst s3  }
0xc: {  	[smem:$0x3FAD] =	sst s4  }
0xd: {  	[smem:$0x3FAE] =	sst s5  }
0xe: {  	[smem:$0x3FAF] =	sst s6  }
0xf: {  	[smem:$0x3FB0] =	sst s7  }
0x10: {  	[smem:$0x3FB1] =	sst s8  }
0x11: {  	[smem:$0x3FB2] =	sst s9;
	s0 =	simm.s32 @!p0 $0x0  }
0x12: {  	s1 =	sld [smem:$0x3F98];
	s0 =	simm.s32 @p0 $0x1  }
0x13: {  	[smem:$0x3FB3] =	sst s0;
	s0 =	simm.s32 @!p1 $0x0  }
0x14: {  	s2 =	sld [smem:$0x3F97];
	s0 =	simm.s32 @p1 $0x1  }
0x15: {  	[smem:$0x3FB4] =	sst s0;
	s0 =	simm.s32 @!p2 $0x0  }
0x16: {  	s3 =	sld [smem:$0x3FDB];
	s0 =	simm.s32 @p2 $0x1  }
0x17: {  	s4 =	simm.s32 $0x1BF5;
	[smem:$0x3FB6] =	sst s0  }
0x18: {  	s0 =	sld [smem:$0x3F99];
	_ =	swait.ge [sflag:s4], $0x0  }
0x19: {  	s7 =	sld [smem:$0x3F9A]  }
0x1a: {  	s8 =	sadd.s32 $0xFFFFE003, lr  }
0x1b: {  	s9 =	sadd.s32 $0xFFFFFEF7, lr;
	s5 =	simm.s32 $0xFFFFFFFF;
	p2 =	slt.u32 s8, $0xFFFFF086  }
0x1c: {  	p1 =	slt.u32 s9, $0xF7A;
	s5 =	simm.s32 @!p2 $0x0  }
0x1d: {  	s5 =	simm.s32 @p1 $0x1;
	p0 =	seq.s32 s7, s2  }
0x1e: {  	s7 =	smul.u32 @!p0 $0xF7A, s2;
	p2 =	seq.s32 @!p0 s5, $0x0  }
0x1f: {  	s9 =	smul.u32 $0xF7A, s1;
	s8 =	simm.s32 @!p0 $0x1BF5;
	p2 =	por !p2, p0  }
0x20: {  	[sflag:s8] =	ssyncset.s32 @!p0 $0xFFFFF086;
	s6 =	sadd.s32 @!p0 s3, s7;
	s7 =	simm.s32 @!p0 $0x108  }
0x21: {  	s3 =	sadd.s32 s3, s9;
	s6 =	sadd.s32 @!p0 $0x88, s6;
	s7 =	simm.s32 @p2 $0x1082  }
0x22: {  	[simem:s7], [sflag:s8] =	dma.local @!p0 [hbm:s6], $0xF7A  }
0x23: {  	s9 =	sor.u32 $0xD0000000, s2;
	s6 =	simm.s32 $0x108;
	_ =	swait.ge @!p0 [sflag:s8], $0x0  }
0x24: {  	s3 =	sadd.s32 $0x88, s3;
	s6 =	simm.s32 @!p1 $0x1082;
	[sflag:s4] =	ssyncset.s32 $0xFFFFF086  }
0x25: {  	[simem:s6], [sflag:s4] =	dma.local [hbm:s3], $0xF7A  }
0x26: {  	[smem:$0x3F9A] =	sst s1;
	(tag) =	ssettag s2;
	_ =	strace s9  }
0x27: {  	s1 =	sld [smem:$0x3FAA]  }
0x28: {  	s2 =	sld [smem:$0x3FAB]  }
0x29: {  	s4 =	sld [smem:$0x3FAD]  }
0x2a: {  	p0 =	seq.s32 s5, $0x0;
	s5 =	sld [smem:$0x3FAE]  }
0x2b: {  	s6 =	sld [smem:$0x3FAF]  }
0x2c: {  	s7 =	sld [smem:$0x3FB0]  }
0x2d: {  	s3 =	simm.s32 $0x108;
	s8 =	sld [smem:$0x3FB1]  }
0x2e: {  	s3 =	simm.s32 @!p0 $0x1082;
	s9 =	sld [smem:$0x3FB2]  }
0x2f: {  	lr =	sadd.s32 s0, s3;
	s0 =	sld [smem:$0x3FA9]  }
0x30: {  	s3 =	sld [smem:$0x3FAC]  }
0x31: {  	[smem:$0x3FB5] =	sst s10  }
0x32: {  	s10 =	sld [smem:$0x3FB3];
	_ =	sdelay $0x3  }
0x33: {  	p0 =	seq.s32 s10, $0x1;
	s10 =	sld [smem:$0x3FB5];
	_ =	sdelay $0x3  }
0x34: {  	[smem:$0x3FB5] =	sst s10  }
0x35: {  	s10 =	sld [smem:$0x3FB4];
	_ =	sdelay $0x3  }
0x36: {  	p1 =	seq.s32 s10, $0x1;
	s10 =	sld [smem:$0x3FB5];
	_ =	sdelay $0x3  }
0x37: {  	[smem:$0x3FB5] =	sst s10  }
0x38: {  	s10 =	sld [smem:$0x3FB6]  }
0x39: {  	_ = 	snop;
	(pc) =	sbr.ind lr, $3  }
0x3a: {  	_ = 	snop  }
0x3b: {  	_ = 	snop  }
0x3c: {  	p2 =	seq.s32 s10, $0x1;
	s10 =	sld [smem:$0x3FB5]  }
0x3d: {  	_ =	shalt  }
0x3e: {  	_ =	shalt  }
0x3f: {  	_ =	shalt  }
0x40: {  	_ =	shalt  }
0x41: {  	_ =	shalt  }
0x42: {  	_ =	shalt  }
0x43: {  	_ =	shalt  }
0x44: {  	_ =	shalt  }
0x45: {  	_ =	shalt  }
0x46: {  	_ =	shalt  }
0x47: {  	_ =	shalt  }
0x48: {  	_ =	shalt  }
0x49: {  	_ =	shalt  }
0x4a: {  	_ =	shalt  }
0x4b: {  	_ =	shalt  }
0x4c: {  	_ =	shalt  }
0x4d: {  	_ =	shalt  }
0x4e: {  	_ =	shalt  }
0x4f: {  	_ =	shalt  }
0x50: {  	_ =	shalt  }
0x51: {  	_ =	shalt  }
0x52: {  	_ =	shalt  }
0x53: {  	_ =	shalt  }
0x54: {  	_ =	shalt  }
0x55: {  	_ =	shalt  }
0x56: {  	_ =	shalt  }
0x57: {  	_ =	shalt  }
0x58: {  	_ =	shalt  }
0x59: {  	_ =	shalt  }
0x5a: {  	_ =	shalt  }
0x5b: {  	_ =	shalt  }
0x5c: {  	_ =	shalt  }
0x5d: {  	_ =	shalt  }
0x5e: {  	_ =	shalt  }
0x5f: {  	_ =	shalt  }
0x60: {  	_ =	shalt  }
0x61: {  	_ =	shalt  }
0x62: {  	_ =	shalt  }
0x63: {  	_ =	shalt  }
0x64: {  	_ =	shalt  }
0x65: {  	_ =	shalt  }
0x66: {  	_ =	shalt  }
0x67: {  	_ =	shalt  }
0x68: {  	_ =	shalt  }
0x69: {  	_ =	shalt  }
0x6a: {  	_ =	shalt  }
0x6b: {  	_ =	shalt  }
0x6c: {  	_ =	shalt  }
0x6d: {  	_ =	shalt  }
0x6e: {  	_ =	shalt  }
0x6f: {  	_ =	shalt  }
0x70: {  	_ =	shalt  }
0x71: {  	_ =	shalt  }
0x72: {  	_ =	shalt  }
0x73: {  	_ =	shalt  }
0x74: {  	_ =	shalt  }
0x75: {  	_ =	shalt  }
0x76: {  	_ =	shalt  }
0x77: {  	_ =	shalt  }
0x78: {  	_ =	shalt  }
0x79: {  	_ =	shalt  }
0x7a: {  	_ =	shalt  }
0x7b: {  	_ =	shalt  }
0x7c: {  	_ =	shalt  }
0x7d: {  	_ =	shalt  }
0x7e: {  	_ =	shalt  }
0x7f: {  	_ =	shalt  }
0x80: {  	_ =	shalt  }
0x81: {  	_ =	shalt  }
0x82: {  	_ =	shalt  }
0x83: {  	_ =	shalt  }
0x84: {  	_ =	shalt  }
0x85: {  	_ =	shalt  }
0x86: {  	_ =	shalt  }
0x87: {  	_ =	shalt  }
.Lfunc_end0:
.L_simem_size_0:
called_computation.1_lowered:
.L_overlay_start_0:
0x88: {  	s2 =	sld [smem:$0x3FD9]  }
0x89: {  	s3 =	sld [smem:$0x3FFE];
	_ =	sdelay $0x1  }
0x8a: {  	s1 =	srdreg.scid  }
0x8b: {  	s0 =	sand.u32 $0x1, s1  }
0x8c: {  	s17 =	sshll.u32 s0, $0xA;
	s2 =	sadd.s32 s3, s2  }
0x8d: {  	s2 =	sadd.s32 s2, s17  }
0x8e: {  	[smem:$0x3FC1] =	sst s2  }
0x8f: {  	_ = 	snop  }
0x90: {  	s2 =	sld [smem:$0x3FD0];
	(tm) =	ssettm $0x1  }
0x91: {  	s18 =	sld [smem:$0x3FFB];
	_ =	sdelay $0x3  }
0x92: {  	_ =	strace s18  }
0x93: {  	s3 =	sld [smem:$0x3FFC];
	_ =	sdelay $0x3  }
0x94: {  	_ =	strace s3  }
0x95: {  	s3 =	sld [smem:$0x3FFD];
	_ =	sdelay $0x3  }
0x96: {  	_ =	strace s3  }
0x97: {  	_ =	strace $0x8FFFFFFF  }
0x98: {  	s19 =	sld [smem:$0x3FDB];
	_ =	sdelay $0x1  }
0x99: {  	s4 =	simm.s32 $_scs_section_size  }
0x9a: {  	s5 =	simm.s32 $_size__tile_overlayer_lowered;
	s6 =	simm.s32 $_tile_overlayer_lowered  }
0x9b: {  	s22 =	simm.s32 $0x1BFF;
	s21 =	sshll.u32 s6, $0x1;
	s3 =	sadd.s32 s4, s19  }
0x9c: {  	s7 =	simm.s32 $0x0;
	s20 =	sshll.u32 s5, $0x1;
	s5 =	sadd.s32 s21, s3  }
0x9d: {  	[timem:s7], [sflag:s22] =	dma.local [hbm:s5], s20  }
0x9e: {  	_ =	swait.ge [sflag:s22], s20  }
0x9f: {  	s4 =	ssub.s32 $0x0, s20;
	[sflag:s22] =	ssyncset.done $0x0  }
0xa0: {  	[sflag:s22] =	ssyncadd.s32 s4;
	_ =	sdelay $0x1  }
0xa1: {  	s23 =	simm.s32 $0x1B8B  }
0xa2: {  	_ =	swait.ge [sflag:s23], $0x1  }
0xa3: {  	[sflag:s23] =	ssyncset.done $0x0  }
0xa4: {  	s25 =	simm.s32 $0x1B8E;
	s24 =	sld [smem:$0x3FFE];
	[sflag:s23] =	ssyncadd.s32 $0xFFFFFFFF  }
0xa5: {  	s26 =	simm.s32 $execute0_lowered;
	[smem:$0x3FD2] =	sst s25  }
0xa6: {  	s5 =	sshll.u32 s26, $0x1;
	_ =	strace $0x80000049;
	[dreg:$0x1] =	wrdreg $0xFFFFFFFF  }
0xa7: {  	s28 =	simm.s32 $_size_execute0_lowered;
	s3 =	sadd.s32 s3, s5;
	[dreg:$0x0] =	wrdreg $0x0  }
0xa8: {  	s5 =	sshll.u32 s28, $0x1;
	[dreg:$0x2] =	wrdreg s3  }
0xa9: {  	[dreg:$0x3] =	wrdreg s5  }
0xaa: {  	[dreg:$0x4] =	wrdreg $0xC0  }
0xab: {  	_ =	task [dreg:s7], $0x5FFFF  }
0xac: {  	[dreg:$0x1] =	wrdreg $0xFFFFFFFF  }
0xad: {  	[dreg:$0x0] =	wrdreg $0x60  }
0xae: {  	[dreg:$0x2] =	wrdreg s24  }
0xaf: {  	[dreg:$0x3] =	wrdreg s2  }
0xb0: {  	[dreg:$0x4] =	wrdreg $0x0  }
0xb1: {  	[dreg:$0x5] =	wrdreg $0x9  }
0xb2: {  	_ =	task.clear_ibuf [dreg:s7], $0x6FFFF;
	_ =	strace $0x90000049  }
0xb3: {  	s29 =	simm.s32 $0x9;
	_ =	strace $0x8000004B  }
0xb4: {  	_ =	swait.ge [sflag:s29], $0x1  }
0xb5: {  	[sflag:s29] =	ssyncadd.s32 $0xFFFFFFFF  }
0xb6: {  	_ =	strace $0x9000004B  }
0xb7: {  	_ =	sfence  }
0xb8: {  	s30 =	sld [smem:$0x0];
	_ =	sdelay $0x2  }
0xb9: {  	s31 =	sshll.u32 s1, $0xD;
	s1 =	sshrl.u32 s1, $0x2  }
0xba: {  	s3 =	sand.u32 $0x4000, s31;
	s1 =	sadd.s32 s1, s30  }
0xbb: {  	s0 =	sor.u32 s3, s0;
	s1 =	sshll.u32 s1, $0x11  }
0xbc: {  	s0 =	sor.u32 s1, s0  }
0xbd: {  	s0 =	sadd.s32 $0x8F2B, s0  }
0xbe: {  	[sflag:s0] =	ssyncadd.remote.s32 $0x1  }
0xbf: {  	_ =	sfence.sel $0xFFFF  }
0xc0: {  	[dreg:$0x0] =	wrdreg $0xFFFFFFFF;
	(pc) =	sbr.abs _section_cstart, $3  }
0xc1: {  	[dreg:$0x1] =	wrdreg $0xFFFFFFFF  }
0xc2: {  	_ =	task.clear_ibuf [dreg:s7], $0x2FFFF;
	_ =	strace $0x9FFFFFFF  }
0xc3: {  	(tm) =	ssettm $0x7FFFFFFF  }
tec
execute0_lowered:
.L_overlay_start_1:
0x0: {  	(tag) =	ssettag $0x1  }
0x1: {  	s0 =	rddreg [dreg:$0x0]  }
0x2: {  	s1 =	rddreg [dreg:$0x1]  }
0x3: {  	s2 =	rddreg [dreg:$0x2]  }
0x4: {  	s9 =	simm.s32 $0x0;
	s3 =	srdreg.scid;
	s8 =	stileid.u32  }
0x5: {  	s14 =	simm.s32 $0x7;
	s15 =	simm.s32 $0x14000;
	s28 =	simm.s32 $0x1C080  }
0x6: {  	s29 =	simm.s32 $0x1D480;
	s30 =	simm.s32 $0x2;
	s31 =	simm.s32 $0x4  }
0x7: {  	s11 =	simm.s32 $0x6;
	[smem:$0x7FF] =	sst s9;
	s3 =	sand.u32 $0x1, s3  }
0x8: {  	s5 =	smul.u32 $0x14000, s8;
	s6 =	sadd.s32 $0x2200, s0;
	s17 =	sadd.s32 $0x3AE00, s0  }
0x9: {  	s18 =	sadd.s32 $0x12E00, s0;
	_ =	strace $0x8000004A;
	[dreg:$0x5] =	wrdreg s6  }
0xa: {  	s19 =	sadd.s32 $0x26E00, s0;
	s7 =	smul.u32 $0x50000, s8;
	[dreg:$0x6] =	wrdreg s17  }
0xb: {  	s23 =	sshll.u32 s8, $0x1;
	s25 =	sshll.u32 s8, $0x6;
	[dreg:$0x7] =	wrdreg s18  }
0xc: {  	s4 =	smul.u32 $0x140000, s3;
	[dreg:$0x8] =	wrdreg s19;
	s20 =	ssub.s32 $0x2, s3  }
0xd: {  	s3 =	sor.u32 s3, s23;
	s6 =	sor.u32 $0x1C07, s25;
	s18 =	simm.s32 $0x28  }
0xe: {  	s19 =	simm.s32 $0x17080;
	s23 =	simm.s32 $0x1AC80;
	s25 =	simm.s32 $0x17000  }
0xf: {  	s21 =	sshrl.u32 s20, $0x1;
	s24 =	sshrl.u32 s7, $0x2;
	s10 =	smul.u32 $0x5000, s3  }
0x10: {  	[dreg:$0x9] =	wrdreg s6;
	s4 =	sadd.s32 s5, s4;
	s22 =	ssub.s32 s20, s21  }
0x11: {  	s5 =	sadd.s32 s24, s2;
	s21 =	simm.s32 $0x18480;
	s24 =	simm.s32 $0x1  }
0x12: {  	s4 =	sshrl.u32 s4, $0x3;
	s26 =	smax.u32 s22, $0x1;
	s22 =	simm.s32 $0x19880  }
0x13: {  	s0 =	sadd.s32 s4, s0;
	[dreg:$0xb] =	wrdreg s26;
	s4 =	sshrl.u32 s5, $0x3  }
0x14: {  	s26 =	simm.s32 $0x50;
	s0 =	sadd.s32 $0x4EE00, s0;
	[dreg:$0xc] =	wrdreg s4  }
0x15: {  	s5 =	simm.s32 $0x5;
	[dreg:$0xa] =	wrdreg s0;
	s0 =	simm.s32 $0x3  }
.LBB2_1:
0x16: {  	[dreg:$0x4] =	wrdreg s9  }
0x17: {  	s3 =	rddreg [dreg:$0x5]  }
0x18: {  	[spmem:s4], [sflag:s6] =	dma.local [hbm:s3], $0x2800  }
0x19: {  	_ =	swait.ge [sflag:s14], $0x2800  }
0x1a: {  	[sflag:s14] =	ssyncset.done $0x0  }
0x1b: {  	[sflag:s14] =	ssyncadd.s32 $0xFFFFD800  }
0x1c: {  	s12 =	simm.s32 $0x0;
	[bflag:$0x0] =	sbarrier.arrive $0xFFFF  }
.LBB2_2:
0x1d: {  	s3 =	sshll.u32 s12, $0xC  }
0x1e: {  	s3 =	sadd.s32 s10, s3  }
0x1f: {  	s4 =	rddreg [dreg:$0x6];
	s3 =	sshrl.u32 s3, $0x3  }
0x20: {  	s9 =	simm.s32 $0x0;
	s4 =	sadd.s32 s4, s3  }
0x21: {  	[tilespmem:s15], [sflag:$0x7] =	stream.linear.gather [hbm4b:s4+s9], $0xC80, $0x38;
	[tilespmem:$0x1E880] =	vst v63  }
0x22: {  	_ =	swait.ge [sflag:s14], $0xC80  }
0x23: {  	[sflag:s14] =	ssyncset.done $0x0;
	s13 =	rddreg [dreg:$0x7]  }
0x24: {  	s6 =	simm.s32 $0x15000;
	[sflag:s14] =	ssyncadd.s32 $0xFFFFF380;
	s4 =	sadd.s32 s13, s3  }
0x25: {  	[tilespmem:s6], [sflag:$0x7] =	stream.linear.gather [hbm4b:s4+s9], $0xC80, $0x38;
	[tilespmem:$0x1E880] =	vst v63  }
0x26: {  	_ =	swait.ge [sflag:s14], $0xC80  }
0x27: {  	[sflag:s14] =	ssyncset.done $0x0;
	s16 =	rddreg [dreg:$0x8]  }
0x28: {  	s17 =	simm.s32 $0x16000;
	[sflag:s14] =	ssyncadd.s32 $0xFFFFF380;
	s3 =	sadd.s32 s16, s3  }
0x29: {  	[tilespmem:s17], [sflag:$0x7] =	stream.linear.gather [hbm4b:s3+s9], $0xC80, $0x38;
	[tilespmem:$0x1E880] =	vst v63  }
0x2a: {  	_ =	swait.ge [sflag:s14], $0xC80  }
0x2b: {  	[sflag:s14] =	ssyncset.done $0x0  }
0x2c: {  	[sflag:s14] =	ssyncadd.s32 $0xFFFFF380  }
0x2d: {  	[tilespmem:s19], [sflag:$0x1] =	stream.indirect.gather [hbm4b:s1+s18], $0x80, s15, s18, $0xb8;
	[tilespmem:$0x1E880] =	vst v63  }
0x2e: {  	s20 =	simm.s32 $0x14028;
	s13 =	simm.s32 $0x0  }
0x2f: {  	[tilespmem:s21], [sflag:$0x1] =	stream.indirect.gather [hbm4b:s1+s18], $0x80, s20, s18, $0xb8;
	[tilespmem:$0x1E880] =	vst v63  }
.LBB2_3:
0x30: {  	p0 =	seq.s32 s13, $0x0  }
0x31: {  	s3 =	simm.s32 @!p0 $0x5  }
0x32: {  	s4 =	smul.u32 $0x180, s13;
	_ =	swait.ge @!p0 [sflag:s3], $0x2800  }
0x33: {  	[sflag:s3] =	ssyncset.done @!p0 $0x0  }
0x34: {  	s16 =	sadd.s32 $0x14080, s4;
	[sflag:s3] =	ssyncadd.s32 @!p0 $0xFFFFD800  }
0x35: {  	[tilespmem:s22], [sflag:$0x2] =	stream.indirect.gather [hbm4b:s1+s18], $0x80, s16, s18, $0xb8;
	[tilespmem:$0x1E880] =	vst v63  }
0x36: {  	s17 =	sadd.s32 $0x140A8, s4  }
0x37: {  	[tilespmem:s23], [sflag:$0x2] =	stream.indirect.gather [hbm4b:s1+s18], $0x80, s17, s18, $0xb8;
	[tilespmem:$0x1E880] =	vst v63  }
0x38: {  	_ =	swait.ge [sflag:s24], $0x1400  }
0x39: {  	[sflag:s24] =	ssyncset.done $0x0  }
0x3a: {  	[sflag:s24] =	ssyncadd.s32 $0xFFFFEC00  }
0x3b: {  	_ =	swait.ge [sflag:s24], $0x1400  }
0x3c: {  	[sflag:s24] =	ssyncset.done $0x0  }
0x3d: {  	[sflag:s24] =	ssyncadd.s32 $0xFFFFEC00  }
0x3e: {  	v0 =	vld [tilespmem:s4+$0x16000];
	_ =	sdelay $0x4  }
0x3f: {  	[tilespmem:$0x17000] =	vst v0  }
0x40: {  	v0 =	vld [tilespmem:s4+$0x16010];
	_ =	sdelay $0x4  }
0x41: {  	[tilespmem:$0x17010] =	vst v0  }
0x42: {  	v0 =	vld [tilespmem:s4+$0x16020];
	_ =	sdelay $0x4  }
0x43: {  	[tilespmem:$0x17020] =	vst v0  }
0x44: {  	v0 =	vld [tilespmem:s4+$0x16030];
	_ =	sdelay $0x3  }
0x45: {  	v1 =	vmov s9  }
0x46: {  	[tilespmem:$0x17030] =	vst v0;
	v0 =	vand.u32 $0xFFFFFFFE, v1  }
0x47: {  	v1 =	vld [tilespmem:s4+$0x16040];
	v0 =	vbroadcast v0, $0x0;
	_ =	sdelay $0x4  }
0x48: {  	[tilespmem:$0x17040] =	vst v1  }
0x49: {  	s17 =	simm.s32 $0x17100;
	v1 =	vld.idx.msk [tilespmem:v0+s25+$0x0], $0xffff  }
0x4a: {  	v0 =	vld [tilespmem:s17+$0xFFFFFFF0]  }
0x4b: {  	v2 =	vld [tilespmem:s17+$0xFFFFFF80]  }
0x4c: {  	s20 =	simm.s32 $0x1;
	v5 =	vld [tilespmem:s17+$0xFFFFFF90]  }
0x4d: {  	v6 =	vmov s20;
	v7 =	vld [tilespmem:s17+$0xFFFFFFA0]  }
0x4e: {  	v10 =	vld [tilespmem:s17+$0xFFFFFFB0]  }
0x4f: {  	v4 =	vld [tilespmem:s17+$0xFFFFFFC0]  }
0x50: {  	v3 =	vld [tilespmem:s17+$0xFFFFFFD0];
	v8 =	vmul.f32 v0, v1  }
0x51: {  	v9 =	vmul.f32 v2, v1;
	v2 =	vld [tilespmem:s17+$0xFFFFFFE0]  }
0x52: {  	v0 =	vld.idx.msk [tilespmem:v6+s25+$0x0], $0xffff;
	v5 =	vmul.f32 v5, v1;
	[tilespmem:s17+$0xFFFFFFF0] =	vst v8  }
0x53: {  	s3 =	simm.s32 $0x2;
	v6 =	vld [tilespmem:s17+$0x0];
	[tilespmem:s17+$0xFFFFFF80] =	vst v9;
	v8 =	vmul.f32 v7, v1  }
0x54: {  	s6 =	simm.s32 $0x4;
	s20 =	simm.s32 $0x17100;
	s16 =	sadd.s32 $0x80, s4;
	v9 =	vmov s3;
	[tilespmem:s17+$0xFFFFFF90] =	vst v5;
	v7 =	vmul.f32 v10, v1;
	v5 =	vld [tilespmem:s17+$0x10]  }
.LBB2_4:
0x55: {  	p1 =	slt.u32 s6, $0x4E;
	v9 =	vand.u32 $0xFFFFFFFE, v9;
	s7 =	sadd.s32 $0x1, s3;
	[tilespmem:s17+$0xFFFFFFA0] =	vst v8;
	v4 =	vmul.f32 v4, v1;
	v8 =	vld [tilespmem:s17+$0x20];
	s3 =	smov.u32 s6  }
0x56: {  	v9 =	vbroadcast v9, $0x0;
	v10 =	vmov s7;
	[tilespmem:s17+$0xFFFFFFB0] =	vst v7;
	v3 =	vmul.f32 v3, v1;
	v7 =	vld [tilespmem:s17+$0x30]  }
0x57: {  	[tilespmem:s17+$0xFFFFFFC0] =	vst v4;
	v1 =	vmul.f32 v2, v1;
	v2 =	vld [tilespmem:s17+$0x40]  }
0x58: {  	[tilespmem:s17+$0xFFFFFFD0] =	vst v3;
	v3 =	vmul.f32 v6, v0;
	v4 =	vld [tilespmem:s17+$0x50]  }
0x59: {  	[tilespmem:s17+$0xFFFFFFE0] =	vst v1;
	v1 =	vmul.f32 v5, v0;
	v5 =	vld [tilespmem:s17+$0x60]  }
0x5a: {  	[tilespmem:s17+$0x0] =	vst v3;
	v3 =	vmul.f32 v8, v0;
	v6 =	vld [tilespmem:s17+$0x70]  }
0x5b: {  	v8 =	vld.idx.msk [tilespmem:v10+s25+$0x0], $0xffff;
	[tilespmem:s17+$0x10] =	vst v1;
	v7 =	vmul.f32 v7, v0  }
0x5c: {  	s17 =	sadd.s32 $0x100, s17;
	v1 =	vld.idx.msk [tilespmem:v9+s25+$0x0], $0xffff;
	[tilespmem:s20+$0x20] =	vst v3;
	v2 =	vmul.f32 v2, v0  }
0x5d: {  	v3 =	vld [tilespmem:s17+$0xFFFFFFF0];
	[tilespmem:s20+$0x30] =	vst v7;
	v4 =	vmul.f32 v4, v0  }
0x5e: {  	v7 =	vld [tilespmem:s17+$0xFFFFFF80];
	[tilespmem:s20+$0x40] =	vst v2;
	v2 =	vmul.f32 v5, v0  }
0x5f: {  	v5 =	vld [tilespmem:s17+$0xFFFFFF90];
	[tilespmem:s20+$0x50] =	vst v4;
	v4 =	vmul.f32 v6, v0  }
0x60: {  	v6 =	vld [tilespmem:s17+$0xFFFFFFA0];
	[tilespmem:s20+$0x60] =	vst v2  }
0x61: {  	v0 =	vmov v8;
	v10 =	vld [tilespmem:s17+$0xFFFFFFB0];
	[tilespmem:s20+$0x70] =	vst v4;
	s20 =	smov.u32 s17  }
.Ltmp0:
0x62: {  	v4 =	vld [tilespmem:s17+$0xFFFFFFC0];
	v8 =	vmul.f32 v3, v1;
	(pc) =	sbr.rel @p1 .LBB2_4-.Ltmp0, $4  }
0x63: {  	v7 =	vmul.f32 v7, v1;
	v3 =	vld [tilespmem:s17+$0xFFFFFFD0]  }
0x64: {  	v5 =	vmul.f32 v5, v1;
	v2 =	vld [tilespmem:s17+$0xFFFFFFE0];
	[tilespmem:s17+$0xFFFFFFF0] =	vst v8  }
0x65: {  	[tilespmem:s17+$0xFFFFFF80] =	vst v7;
	v8 =	vmul.f32 v6, v1;
	v6 =	vld [tilespmem:s17+$0x0]  }
0x66: {  	s6 =	sadd.s32 $0x2, s6;
	v9 =	vmov s3;
	[tilespmem:s17+$0xFFFFFF90] =	vst v5;
	v7 =	vmul.f32 v10, v1;
	v5 =	vld [tilespmem:s17+$0x10]  }
0x67: {  	v10 =	vld [tilespmem:s17+$0x20]  }
0x68: {  	v9 =	vand.u32 $0xFFFFFFFE, v9;
	s3 =	sadd.s32 $0x1, s3;
	v11 =	vld [tilespmem:s17+$0x30]  }
0x69: {  	v13 =	vld [tilespmem:s17+$0x40];
	[tilespmem:s17+$0xFFFFFFA0] =	vst v8;
	v4 =	vmul.f32 v4, v1;
	v9 =	vbroadcast v9, $0x0;
	v12 =	vmov s3  }
0x6a: {  	v8 =	vld [tilespmem:s17+$0x50];
	[tilespmem:s17+$0xFFFFFFB0] =	vst v7;
	v3 =	vmul.f32 v3, v1  }
0x6b: {  	v7 =	vld [tilespmem:s17+$0x60];
	[tilespmem:s17+$0xFFFFFFC0] =	vst v4;
	v6 =	vmul.f32 v6, v0  }
0x6c: {  	s8 =	sadd.s32 $0x100, s17;
	v1 =	vmul.f32 v2, v1;
	v2 =	vld [tilespmem:s17+$0x70];
	[tilespmem:s17+$0xFFFFFFD0] =	vst v3  }
0x6d: {  	v3 =	vmul.f32 v5, v0;
	[tilespmem:s17+$0x0] =	vst v6;
	v6 =	vld [tilespmem:s8+$0xFFFFFFF0]  }
0x6e: {  	[tilespmem:s17+$0xFFFFFFE0] =	vst v1;
	v1 =	vmul.f32 v10, v0;
	v4 =	vld.idx.msk [tilespmem:v12+s25+$0x0], $0xffff  }
0x6f: {  	[tilespmem:s17+$0x10] =	vst v3;
	v3 =	vmul.f32 v11, v0;
	v5 =	vld.idx.msk [tilespmem:v9+s25+$0x0], $0xffff  }
0x70: {  	[tilespmem:s20+$0x20] =	vst v1;
	v1 =	vmul.f32 v13, v0;
	v9 =	vld [tilespmem:s8+$0xFFFFFF80]  }
0x71: {  	[tilespmem:s20+$0x30] =	vst v3;
	v3 =	vmul.f32 v8, v0;
	v8 =	vld [tilespmem:s8+$0xFFFFFF90]  }
0x72: {  	[tilespmem:s20+$0x40] =	vst v1;
	v1 =	vmul.f32 v7, v0;
	v7 =	vld [tilespmem:s8+$0xFFFFFFA0]  }
0x73: {  	v0 =	vmul.f32 v2, v0;
	v2 =	vld [tilespmem:s8+$0xFFFFFFB0];
	[tilespmem:s20+$0x50] =	vst v3  }
0x74: {  	[tilespmem:s20+$0x60] =	vst v1;
	v1 =	vld [tilespmem:s8+$0xFFFFFFC0];
	v3 =	vmul.f32 v6, v5  }
0x75: {  	[tilespmem:s20+$0x70] =	vst v0;
	v0 =	vmul.f32 v9, v5;
	v6 =	vld [tilespmem:s8+$0xFFFFFFD0]  }
0x76: {  	v9 =	vld [tilespmem:s8+$0xFFFFFFE0];
	v8 =	vmul.f32 v8, v5;
	[tilespmem:s8+$0xFFFFFFF0] =	vst v3  }
0x77: {  	[tilespmem:s8+$0xFFFFFF80] =	vst v0;
	v0 =	vmul.f32 v7, v5;
	v3 =	vld [tilespmem:s8+$0x0]  }
0x78: {  	v2 =	vmul.f32 v2, v5;
	v7 =	vld [tilespmem:s8+$0x10];
	[tilespmem:s8+$0xFFFFFF90] =	vst v8  }
0x79: {  	[tilespmem:s8+$0xFFFFFFA0] =	vst v0;
	v0 =	vmul.f32 v1, v5;
	v1 =	vld [tilespmem:s8+$0x20]  }
0x7a: {  	[tilespmem:s8+$0xFFFFFFB0] =	vst v2;
	v2 =	vmul.f32 v6, v5;
	v6 =	vld [tilespmem:s8+$0x30]  }
0x7b: {  	[tilespmem:s8+$0xFFFFFFC0] =	vst v0;
	v0 =	vmul.f32 v9, v5;
	v5 =	vld [tilespmem:s8+$0x40]  }
0x7c: {  	[tilespmem:s8+$0xFFFFFFD0] =	vst v2;
	v2 =	vmul.f32 v3, v4;
	v3 =	vld [tilespmem:s8+$0x50]  }
0x7d: {  	[tilespmem:s8+$0xFFFFFFE0] =	vst v0;
	v0 =	vmul.f32 v7, v4;
	v7 =	vld [tilespmem:s8+$0x60]  }
0x7e: {  	[tilespmem:s8+$0x0] =	vst v2;
	v1 =	vmul.f32 v1, v4;
	v2 =	vld [tilespmem:s8+$0x70]  }
0x7f: {  	[tilespmem:s8+$0x10] =	vst v0;
	v0 =	vmul.f32 v6, v4  }
0x80: {  	[tilespmem:s8+$0x20] =	vst v1;
	v1 =	vmul.f32 v5, v4  }
0x81: {  	[tilespmem:s8+$0x30] =	vst v0;
	v0 =	vmul.f32 v3, v4  }
0x82: {  	[tilespmem:s8+$0x40] =	vst v1;
	v1 =	vmul.f32 v7, v4  }
0x83: {  	[tilespmem:s8+$0x50] =	vst v0;
	v0 =	vmul.f32 v2, v4  }
0x84: {  	[tilespmem:s8+$0x60] =	vst v1  }
0x85: {  	s3 =	simm.s32 @!p0 $0x6;
	s20 =	sadd.s32 $0x15000, s4;
	[tilespmem:s8+$0x70] =	vst v0  }
0x86: {  	[spmem:s2] =	stream.indirect.scatter.add.f32 [tilespmem:s19], [sflag:$0x4], $0x80, s20, s26, $0xb8;
	[tilespmem:$0x1E880] =	vst v63  }
0x87: {  	_ =	swait.ge @!p0 [sflag:s3], $0x2800  }
0x88: {  	[sflag:s3] =	ssyncset.done @!p0 $0x0  }
0x89: {  	s6 =	sadd.s32 $0x14100, s4;
	[sflag:s3] =	ssyncadd.s32 @!p0 $0xFFFFD800  }
0x8a: {  	[tilespmem:s28], [sflag:$0x3] =	stream.indirect.gather [hbm4b:s1+s18], $0x80, s6, s18, $0xb8;
	[tilespmem:$0x1E880] =	vst v63  }
0x8b: {  	s7 =	sadd.s32 $0x14128, s4  }
0x8c: {  	[tilespmem:s29], [sflag:$0x3] =	stream.indirect.gather [hbm4b:s1+s18], $0x80, s7, s18, $0xb8;
	[tilespmem:$0x1E880] =	vst v63  }
0x8d: {  	_ =	swait.ge [sflag:s30], $0x1400  }
0x8e: {  	[sflag:s30] =	ssyncset.done $0x0  }
0x8f: {  	[sflag:s30] =	ssyncadd.s32 $0xFFFFEC00  }
0x90: {  	_ =	swait.ge [sflag:s30], $0x1400  }
0x91: {  	[sflag:s30] =	ssyncset.done $0x0  }
0x92: {  	[sflag:s30] =	ssyncadd.s32 $0xFFFFEC00  }
0x93: {  	v0 =	vld [tilespmem:s16+$0x16000];
	_ =	sdelay $0x4  }
0x94: {  	[tilespmem:$0x17000] =	vst v0  }
0x95: {  	v0 =	vld [tilespmem:s4+$0x16090];
	_ =	sdelay $0x4  }
0x96: {  	[tilespmem:$0x17010] =	vst v0  }
0x97: {  	v0 =	vld [tilespmem:s4+$0x160A0];
	_ =	sdelay $0x4  }
0x98: {  	[tilespmem:$0x17020] =	vst v0  }
0x99: {  	v0 =	vld [tilespmem:s4+$0x160B0];
	_ =	sdelay $0x2  }
0x9a: {  	s8 =	simm.s32 $0x0  }
0x9b: {  	v1 =	vmov s8  }
0x9c: {  	[tilespmem:$0x17030] =	vst v0;
	v0 =	vand.u32 $0xFFFFFFFE, v1  }
0x9d: {  	v1 =	vld [tilespmem:s4+$0x160C0];
	v0 =	vbroadcast v0, $0x0;
	_ =	sdelay $0x4  }
0x9e: {  	[tilespmem:$0x17040] =	vst v1  }
0x9f: {  	s20 =	simm.s32 $0x19900;
	v1 =	vld.idx.msk [tilespmem:v0+s25+$0x0], $0xffff  }
0xa0: {  	v0 =	vld [tilespmem:s20+$0xFFFFFFF0]  }
0xa1: {  	v2 =	vld [tilespmem:s20+$0xFFFFFF80]  }
0xa2: {  	s17 =	simm.s32 $0x1;
	v5 =	vld [tilespmem:s20+$0xFFFFFF90]  }
0xa3: {  	v6 =	vmov s17;
	v7 =	vld [tilespmem:s20+$0xFFFFFFA0]  }
0xa4: {  	v10 =	vld [tilespmem:s20+$0xFFFFFFB0]  }
0xa5: {  	v4 =	vld [tilespmem:s20+$0xFFFFFFC0]  }
0xa6: {  	v3 =	vld [tilespmem:s20+$0xFFFFFFD0];
	v8 =	vmul.f32 v0, v1  }
0xa7: {  	v9 =	vmul.f32 v2, v1;
	v2 =	vld [tilespmem:s20+$0xFFFFFFE0]  }
0xa8: {  	v0 =	vld.idx.msk [tilespmem:v6+s25+$0x0], $0xffff;
	v5 =	vmul.f32 v5, v1;
	[tilespmem:s20+$0xFFFFFFF0] =	vst v8  }
0xa9: {  	s6 =	simm.s32 $0x2;
	v6 =	vld [tilespmem:s20+$0x0];
	[tilespmem:s20+$0xFFFFFF80] =	vst v9;
	v8 =	vmul.f32 v7, v1  }
0xaa: {  	s17 =	sadd.s32 $0x100, s4;
	s3 =	simm.s32 $0x19900;
	s7 =	simm.s32 $0x4;
	v9 =	vmov s6;
	[tilespmem:s20+$0xFFFFFF90] =	vst v5;
	v7 =	vmul.f32 v10, v1;
	v5 =	vld [tilespmem:s20+$0x10]  }
.LBB2_6:
0xab: {  	p0 =	slt.u32 s7, $0x4E;
	v9 =	vand.u32 $0xFFFFFFFE, v9;
	s8 =	sadd.s32 $0x1, s6;
	[tilespmem:s20+$0xFFFFFFA0] =	vst v8;
	v4 =	vmul.f32 v4, v1;
	v8 =	vld [tilespmem:s20+$0x20];
	s6 =	smov.u32 s7  }
0xac: {  	v9 =	vbroadcast v9, $0x0;
	v10 =	vmov s8;
	[tilespmem:s20+$0xFFFFFFB0] =	vst v7;
	v3 =	vmul.f32 v3, v1;
	v7 =	vld [tilespmem:s20+$0x30]  }
0xad: {  	[tilespmem:s20+$0xFFFFFFC0] =	vst v4;
	v1 =	vmul.f32 v2, v1;
	v2 =	vld [tilespmem:s20+$0x40]  }
0xae: {  	[tilespmem:s20+$0xFFFFFFD0] =	vst v3;
	v3 =	vmul.f32 v6, v0;
	v4 =	vld [tilespmem:s20+$0x50]  }
0xaf: {  	[tilespmem:s20+$0xFFFFFFE0] =	vst v1;
	v1 =	vmul.f32 v5, v0;
	v5 =	vld [tilespmem:s20+$0x60]  }
0xb0: {  	[tilespmem:s20+$0x0] =	vst v3;
	v3 =	vmul.f32 v8, v0;
	v6 =	vld [tilespmem:s20+$0x70]  }
0xb1: {  	v8 =	vld.idx.msk [tilespmem:v10+s25+$0x0], $0xffff;
	[tilespmem:s20+$0x10] =	vst v1;
	v7 =	vmul.f32 v7, v0  }
0xb2: {  	s20 =	sadd.s32 $0x100, s20;
	v1 =	vld.idx.msk [tilespmem:v9+s25+$0x0], $0xffff;
	[tilespmem:s3+$0x20] =	vst v3;
	v2 =	vmul.f32 v2, v0  }
0xb3: {  	v3 =	vld [tilespmem:s20+$0xFFFFFFF0];
	[tilespmem:s3+$0x30] =	vst v7;
	v4 =	vmul.f32 v4, v0  }
0xb4: {  	v7 =	vld [tilespmem:s20+$0xFFFFFF80];
	[tilespmem:s3+$0x40] =	vst v2;
	v2 =	vmul.f32 v5, v0  }
0xb5: {  	v5 =	vld [tilespmem:s20+$0xFFFFFF90];
	[tilespmem:s3+$0x50] =	vst v4;
	v4 =	vmul.f32 v6, v0  }
0xb6: {  	v6 =	vld [tilespmem:s20+$0xFFFFFFA0];
	[tilespmem:s3+$0x60] =	vst v2  }
0xb7: {  	v0 =	vmov v8;
	v10 =	vld [tilespmem:s20+$0xFFFFFFB0];
	[tilespmem:s3+$0x70] =	vst v4;
	s3 =	smov.u32 s20  }
.Ltmp1:
0xb8: {  	v4 =	vld [tilespmem:s20+$0xFFFFFFC0];
	v8 =	vmul.f32 v3, v1;
	(pc) =	sbr.rel @p0 .LBB2_6-.Ltmp1, $4  }
0xb9: {  	v7 =	vmul.f32 v7, v1;
	v3 =	vld [tilespmem:s20+$0xFFFFFFD0]  }
0xba: {  	v5 =	vmul.f32 v5, v1;
	v2 =	vld [tilespmem:s20+$0xFFFFFFE0];
	[tilespmem:s20+$0xFFFFFFF0] =	vst v8  }
0xbb: {  	[tilespmem:s20+$0xFFFFFF80] =	vst v7;
	v8 =	vmul.f32 v6, v1;
	v6 =	vld [tilespmem:s20+$0x0]  }
0xbc: {  	s7 =	sadd.s32 $0x2, s7;
	v9 =	vmov s6;
	[tilespmem:s20+$0xFFFFFF90] =	vst v5;
	v7 =	vmul.f32 v10, v1;
	v5 =	vld [tilespmem:s20+$0x10]  }
0xbd: {  	v10 =	vld [tilespmem:s20+$0x20]  }
0xbe: {  	v9 =	vand.u32 $0xFFFFFFFE, v9;
	s6 =	sadd.s32 $0x1, s6;
	v11 =	vld [tilespmem:s20+$0x30]  }
0xbf: {  	v13 =	vld [tilespmem:s20+$0x40];
	[tilespmem:s20+$0xFFFFFFA0] =	vst v8;
	v4 =	vmul.f32 v4, v1;
	v9 =	vbroadcast v9, $0x0;
	v12 =	vmov s6  }
0xc0: {  	v8 =	vld [tilespmem:s20+$0x50];
	[tilespmem:s20+$0xFFFFFFB0] =	vst v7;
	v3 =	vmul.f32 v3, v1  }
0xc1: {  	v7 =	vld [tilespmem:s20+$0x60];
	[tilespmem:s20+$0xFFFFFFC0] =	vst v4;
	v6 =	vmul.f32 v6, v0  }
0xc2: {  	s8 =	sadd.s32 $0x100, s20;
	v1 =	vmul.f32 v2, v1;
	v2 =	vld [tilespmem:s20+$0x70];
	[tilespmem:s20+$0xFFFFFFD0] =	vst v3  }
0xc3: {  	v3 =	vmul.f32 v5, v0;
	[tilespmem:s20+$0x0] =	vst v6;
	v6 =	vld [tilespmem:s8+$0xFFFFFFF0]  }
0xc4: {  	[tilespmem:s20+$0xFFFFFFE0] =	vst v1;
	v1 =	vmul.f32 v10, v0;
	v4 =	vld.idx.msk [tilespmem:v12+s25+$0x0], $0xffff  }
0xc5: {  	[tilespmem:s20+$0x10] =	vst v3;
	v3 =	vmul.f32 v11, v0;
	v5 =	vld.idx.msk [tilespmem:v9+s25+$0x0], $0xffff  }
0xc6: {  	[tilespmem:s3+$0x20] =	vst v1;
	v1 =	vmul.f32 v13, v0;
	v9 =	vld [tilespmem:s8+$0xFFFFFF80]  }
0xc7: {  	[tilespmem:s3+$0x30] =	vst v3;
	v3 =	vmul.f32 v8, v0;
	v8 =	vld [tilespmem:s8+$0xFFFFFF90]  }
0xc8: {  	[tilespmem:s3+$0x40] =	vst v1;
	v1 =	vmul.f32 v7, v0;
	v7 =	vld [tilespmem:s8+$0xFFFFFFA0]  }
0xc9: {  	v0 =	vmul.f32 v2, v0;
	v2 =	vld [tilespmem:s8+$0xFFFFFFB0];
	[tilespmem:s3+$0x50] =	vst v3  }
0xca: {  	[tilespmem:s3+$0x60] =	vst v1;
	v1 =	vld [tilespmem:s8+$0xFFFFFFC0];
	v3 =	vmul.f32 v6, v5  }
0xcb: {  	[tilespmem:s3+$0x70] =	vst v0;
	v0 =	vmul.f32 v9, v5;
	v6 =	vld [tilespmem:s8+$0xFFFFFFD0]  }
0xcc: {  	v9 =	vld [tilespmem:s8+$0xFFFFFFE0];
	v8 =	vmul.f32 v8, v5;
	[tilespmem:s8+$0xFFFFFFF0] =	vst v3  }
0xcd: {  	[tilespmem:s8+$0xFFFFFF80] =	vst v0;
	v0 =	vmul.f32 v7, v5;
	v3 =	vld [tilespmem:s8+$0x0]  }
0xce: {  	v2 =	vmul.f32 v2, v5;
	v7 =	vld [tilespmem:s8+$0x10];
	[tilespmem:s8+$0xFFFFFF90] =	vst v8  }
0xcf: {  	[tilespmem:s8+$0xFFFFFFA0] =	vst v0;
	v0 =	vmul.f32 v1, v5;
	v1 =	vld [tilespmem:s8+$0x20]  }
0xd0: {  	[tilespmem:s8+$0xFFFFFFB0] =	vst v2;
	v2 =	vmul.f32 v6, v5;
	v6 =	vld [tilespmem:s8+$0x30]  }
0xd1: {  	[tilespmem:s8+$0xFFFFFFC0] =	vst v0;
	v0 =	vmul.f32 v9, v5;
	v5 =	vld [tilespmem:s8+$0x40]  }
0xd2: {  	[tilespmem:s8+$0xFFFFFFD0] =	vst v2;
	v2 =	vmul.f32 v3, v4;
	v3 =	vld [tilespmem:s8+$0x50]  }
0xd3: {  	[tilespmem:s8+$0xFFFFFFE0] =	vst v0;
	v0 =	vmul.f32 v7, v4;
	v7 =	vld [tilespmem:s8+$0x60]  }
0xd4: {  	[tilespmem:s8+$0x0] =	vst v2;
	v1 =	vmul.f32 v1, v4;
	v2 =	vld [tilespmem:s8+$0x70]  }
0xd5: {  	[tilespmem:s8+$0x10] =	vst v0;
	v0 =	vmul.f32 v6, v4  }
0xd6: {  	[tilespmem:s8+$0x20] =	vst v1;
	v1 =	vmul.f32 v5, v4  }
0xd7: {  	[tilespmem:s8+$0x30] =	vst v0;
	v0 =	vmul.f32 v3, v4  }
0xd8: {  	[tilespmem:s8+$0x40] =	vst v1;
	v1 =	vmul.f32 v7, v4  }
0xd9: {  	[tilespmem:s8+$0x50] =	vst v0;
	v0 =	vmul.f32 v2, v4  }
0xda: {  	[tilespmem:s8+$0x60] =	vst v1  }
0xdb: {  	s6 =	sadd.s32 $0x15000, s16;
	[tilespmem:s8+$0x70] =	vst v0  }
0xdc: {  	[spmem:s2] =	stream.indirect.scatter.add.f32 [tilespmem:s22], [sflag:$0x5], $0x80, s6, s26, $0xb8;
	[tilespmem:$0x1E880] =	vst v63  }
0xdd: {  	_ =	swait.ge [sflag:s31], $0x2800  }
0xde: {  	[sflag:s31] =	ssyncset.done $0x0  }
0xdf: {  	s7 =	sadd.s32 $0x14180, s4;
	[sflag:s31] =	ssyncadd.s32 $0xFFFFD800  }
0xe0: {  	[tilespmem:s19], [sflag:$0x1] =	stream.indirect.gather [hbm4b:s1+s18], $0x80, s7, s18, $0xb8;
	[tilespmem:$0x1E880] =	vst v63  }
0xe1: {  	s8 =	sadd.s32 $0x141A8, s4  }
0xe2: {  	[tilespmem:s21], [sflag:$0x1] =	stream.indirect.gather [hbm4b:s1+s18], $0x80, s8, s18, $0xb8;
	[tilespmem:$0x1E880] =	vst v63  }
0xe3: {  	_ =	swait.ge [sflag:s0], $0x1400  }
0xe4: {  	[sflag:s0] =	ssyncset.done $0x0  }
0xe5: {  	[sflag:s0] =	ssyncadd.s32 $0xFFFFEC00  }
0xe6: {  	_ =	swait.ge [sflag:s0], $0x1400  }
0xe7: {  	[sflag:s0] =	ssyncset.done $0x0  }
0xe8: {  	[sflag:s0] =	ssyncadd.s32 $0xFFFFEC00  }
0xe9: {  	v0 =	vld [tilespmem:s17+$0x16000];
	_ =	sdelay $0x4  }
0xea: {  	[tilespmem:$0x17000] =	vst v0  }
0xeb: {  	v0 =	vld [tilespmem:s4+$0x16110];
	_ =	sdelay $0x4  }
0xec: {  	[tilespmem:$0x17010] =	vst v0  }
0xed: {  	v0 =	vld [tilespmem:s4+$0x16120];
	_ =	sdelay $0x4  }
0xee: {  	[tilespmem:$0x17020] =	vst v0  }
0xef: {  	v0 =	vld [tilespmem:s4+$0x16130];
	_ =	sdelay $0x2  }
0xf0: {  	s16 =	simm.s32 $0x0  }
0xf1: {  	v1 =	vmov s16  }
0xf2: {  	[tilespmem:$0x17030] =	vst v0;
	v0 =	vand.u32 $0xFFFFFFFE, v1  }
0xf3: {  	v1 =	vld [tilespmem:s4+$0x16140];
	v0 =	vbroadcast v0, $0x0;
	_ =	sdelay $0x4  }
0xf4: {  	[tilespmem:$0x17040] =	vst v1  }
0xf5: {  	s4 =	simm.s32 $0x1C100;
	v1 =	vld.idx.msk [tilespmem:v0+s25+$0x0], $0xffff  }
0xf6: {  	v0 =	vld [tilespmem:s4+$0xFFFFFFF0]  }
0xf7: {  	v2 =	vld [tilespmem:s4+$0xFFFFFF80]  }
0xf8: {  	s20 =	simm.s32 $0x1;
	v5 =	vld [tilespmem:s4+$0xFFFFFF90]  }
0xf9: {  	v6 =	vmov s20;
	v7 =	vld [tilespmem:s4+$0xFFFFFFA0]  }
0xfa: {  	v10 =	vld [tilespmem:s4+$0xFFFFFFB0]  }
0xfb: {  	v4 =	vld [tilespmem:s4+$0xFFFFFFC0]  }
0xfc: {  	v3 =	vld [tilespmem:s4+$0xFFFFFFD0];
	v8 =	vmul.f32 v0, v1  }
0xfd: {  	v9 =	vmul.f32 v2, v1;
	v2 =	vld [tilespmem:s4+$0xFFFFFFE0]  }
0xfe: {  	v0 =	vld.idx.msk [tilespmem:v6+s25+$0x0], $0xffff;
	v5 =	vmul.f32 v5, v1;
	[tilespmem:s4+$0xFFFFFFF0] =	vst v8  }
0xff: {  	s6 =	simm.s32 $0x2;
	v6 =	vld [tilespmem:s4+$0x0];
	[tilespmem:s4+$0xFFFFFF80] =	vst v9;
	v8 =	vmul.f32 v7, v1  }
0x100: {  	s3 =	simm.s32 $0x1C100;
	s7 =	simm.s32 $0x4;
	v9 =	vmov s6;
	[tilespmem:s4+$0xFFFFFF90] =	vst v5;
	v7 =	vmul.f32 v10, v1;
	v5 =	vld [tilespmem:s4+$0x10]  }
.LBB2_8:
0x101: {  	p0 =	slt.u32 s7, $0x4E;
	v9 =	vand.u32 $0xFFFFFFFE, v9;
	s8 =	sadd.s32 $0x1, s6;
	[tilespmem:s4+$0xFFFFFFA0] =	vst v8;
	v4 =	vmul.f32 v4, v1;
	v8 =	vld [tilespmem:s4+$0x20];
	s6 =	smov.u32 s7  }
0x102: {  	v9 =	vbroadcast v9, $0x0;
	v10 =	vmov s8;
	[tilespmem:s4+$0xFFFFFFB0] =	vst v7;
	v3 =	vmul.f32 v3, v1;
	v7 =	vld [tilespmem:s4+$0x30]  }
0x103: {  	[tilespmem:s4+$0xFFFFFFC0] =	vst v4;
	v1 =	vmul.f32 v2, v1;
	v2 =	vld [tilespmem:s4+$0x40]  }
0x104: {  	[tilespmem:s4+$0xFFFFFFD0] =	vst v3;
	v3 =	vmul.f32 v6, v0;
	v4 =	vld [tilespmem:s4+$0x50]  }
0x105: {  	[tilespmem:s4+$0xFFFFFFE0] =	vst v1;
	v1 =	vmul.f32 v5, v0;
	v5 =	vld [tilespmem:s4+$0x60]  }
0x106: {  	[tilespmem:s4+$0x0] =	vst v3;
	v3 =	vmul.f32 v8, v0;
	v6 =	vld [tilespmem:s4+$0x70]  }
0x107: {  	v8 =	vld.idx.msk [tilespmem:v10+s25+$0x0], $0xffff;
	[tilespmem:s4+$0x10] =	vst v1;
	v7 =	vmul.f32 v7, v0  }
0x108: {  	s4 =	sadd.s32 $0x100, s4;
	v1 =	vld.idx.msk [tilespmem:v9+s25+$0x0], $0xffff;
	[tilespmem:s3+$0x20] =	vst v3;
	v2 =	vmul.f32 v2, v0  }
0x109: {  	v3 =	vld [tilespmem:s4+$0xFFFFFFF0];
	[tilespmem:s3+$0x30] =	vst v7;
	v4 =	vmul.f32 v4, v0  }
0x10a: {  	v7 =	vld [tilespmem:s4+$0xFFFFFF80];
	[tilespmem:s3+$0x40] =	vst v2;
	v2 =	vmul.f32 v5, v0  }
0x10b: {  	v5 =	vld [tilespmem:s4+$0xFFFFFF90];
	[tilespmem:s3+$0x50] =	vst v4;
	v4 =	vmul.f32 v6, v0  }
0x10c: {  	v6 =	vld [tilespmem:s4+$0xFFFFFFA0];
	[tilespmem:s3+$0x60] =	vst v2  }
0x10d: {  	v0 =	vmov v8;
	v10 =	vld [tilespmem:s4+$0xFFFFFFB0];
	[tilespmem:s3+$0x70] =	vst v4;
	s3 =	smov.u32 s4  }
.Ltmp2:
0x10e: {  	v4 =	vld [tilespmem:s4+$0xFFFFFFC0];
	v8 =	vmul.f32 v3, v1;
	(pc) =	sbr.rel @p0 .LBB2_8-.Ltmp2, $4  }
0x10f: {  	v7 =	vmul.f32 v7, v1;
	v3 =	vld [tilespmem:s4+$0xFFFFFFD0]  }
0x110: {  	v5 =	vmul.f32 v5, v1;
	v2 =	vld [tilespmem:s4+$0xFFFFFFE0];
	[tilespmem:s4+$0xFFFFFFF0] =	vst v8  }
0x111: {  	[tilespmem:s4+$0xFFFFFF80] =	vst v7;
	v8 =	vmul.f32 v6, v1;
	v6 =	vld [tilespmem:s4+$0x0]  }
0x112: {  	s7 =	sadd.s32 $0x2, s7;
	v9 =	vmov s6;
	[tilespmem:s4+$0xFFFFFF90] =	vst v5;
	v7 =	vmul.f32 v10, v1;
	v5 =	vld [tilespmem:s4+$0x10]  }
0x113: {  	v10 =	vld [tilespmem:s4+$0x20]  }
0x114: {  	v11 =	vld [tilespmem:s4+$0x30]  }
0x115: {  	s6 =	sadd.s32 $0x1, s6;
	v13 =	vld [tilespmem:s4+$0x40];
	[tilespmem:s4+$0xFFFFFFA0] =	vst v8;
	v4 =	vmul.f32 v4, v1  }
0x116: {  	v22 =	vld [tilespmem:s4+$0x50];
	v12 =	vmov s6;
	[tilespmem:s4+$0xFFFFFFB0] =	vst v7;
	v3 =	vmul.f32 v3, v1  }
0x117: {  	v23 =	vld [tilespmem:s4+$0x60];
	[tilespmem:s4+$0xFFFFFFC0] =	vst v4;
	v24 =	vmul.f32 v2, v1  }
0x118: {  	v25 =	vld [tilespmem:s4+$0x70];
	s16 =	sadd.s32 $0x100, s4;
	v6 =	vmul.f32 v6, v0;
	[tilespmem:s4+$0xFFFFFFD0] =	vst v3  }
0x119: {  	v31 =	vld [tilespmem:s16+$0xFFFFFFF0];
	v26 =	vmul.f32 v5, v0;
	[tilespmem:s4+$0xFFFFFFE0] =	vst v24  }
0x11a: {  	v46 =	vld [tilespmem:s16+$0x0];
	[tilespmem:s4+$0x0] =	vst v6;
	v28 =	vmul.f32 v10, v0  }
0x11b: {  	v30 =	vmul.f32 v11, v0;
	v27 =	vld.idx.msk [tilespmem:v12+s25+$0x0], $0xffff;
	[tilespmem:s4+$0x10] =	vst v26  }
0x11c: {  	v9 =	vand.u32 $0xFFFFFFFE, v9;
	v47 =	vld [tilespmem:s16+$0x10];
	v32 =	vmul.f32 v13, v0;
	[tilespmem:s3+$0x20] =	vst v28  }
0x11d: {  	v9 =	vbroadcast v9, $0x0;
	v49 =	vld [tilespmem:s16+$0x20];
	v34 =	vmul.f32 v22, v0;
	[tilespmem:s3+$0x30] =	vst v30  }
0x11e: {  	v51 =	vld [tilespmem:s16+$0x30];
	v36 =	vmul.f32 v23, v0;
	[tilespmem:s3+$0x40] =	vst v32  }
0x11f: {  	v53 =	vld [tilespmem:s16+$0x40];
	v38 =	vmul.f32 v25, v0;
	[tilespmem:s3+$0x50] =	vst v34  }
0x120: {  	v55 =	vld [tilespmem:s16+$0x50];
	[tilespmem:s3+$0x60] =	vst v36;
	v54 =	vmul.f32 v46, v27  }
0x121: {  	v57 =	vld [tilespmem:s16+$0x60];
	[tilespmem:s3+$0x70] =	vst v38;
	v56 =	vmul.f32 v47, v27  }
0x122: {  	v58 =	vld [tilespmem:s16+$0x70];
	v1 =	vmul.f32 v49, v27;
	[tilespmem:s16+$0x0] =	vst v54  }
0x123: {  	v29 =	vld.idx.msk [tilespmem:v9+s25+$0x0], $0xffff;
	v59 =	vmul.f32 v51, v27;
	[tilespmem:s16+$0x10] =	vst v56  }
0x124: {  	v33 =	vld [tilespmem:s16+$0xFFFFFF80];
	v60 =	vmul.f32 v53, v27;
	[tilespmem:s16+$0x20] =	vst v1  }
0x125: {  	v35 =	vld [tilespmem:s16+$0xFFFFFF90];
	v61 =	vmul.f32 v55, v27;
	[tilespmem:s16+$0x30] =	vst v59  }
0x126: {  	v37 =	vld [tilespmem:s16+$0xFFFFFFA0];
	v62 =	vmul.f32 v57, v27;
	[tilespmem:s16+$0x40] =	vst v60  }
0x127: {  	v39 =	vld [tilespmem:s16+$0xFFFFFFB0];
	v63 =	vmul.f32 v58, v27;
	[tilespmem:s16+$0x50] =	vst v61  }
0x128: {  	v40 =	vld [tilespmem:s16+$0xFFFFFFC0];
	v41 =	vmul.f32 v31, v29;
	[tilespmem:s16+$0x60] =	vst v62  }
0x129: {  	v43 =	vld [tilespmem:s16+$0xFFFFFFD0];
	v42 =	vmul.f32 v33, v29;
	[tilespmem:s16+$0x70] =	vst v63  }
0x12a: {  	v44 =	vld [tilespmem:s16+$0xFFFFFFE0];
	v8 =	vmul.f32 v35, v29;
	[tilespmem:s16+$0xFFFFFFF0] =	vst v41  }
0x12b: {  	v45 =	vmul.f32 v37, v29;
	[tilespmem:s16+$0xFFFFFF80] =	vst v42  }
0x12c: {  	s13 =	sadd.s32 $0x1, s13;
	v2 =	vmul.f32 v39, v29;
	[tilespmem:s16+$0xFFFFFF90] =	vst v8  }
0x12d: {  	p0 =	sne.s32 s13, $0x8;
	v48 =	vmul.f32 v40, v29;
	[tilespmem:s16+$0xFFFFFFA0] =	vst v45  }
.Ltmp3:
0x12e: {  	v50 =	vmul.f32 v43, v29;
	[tilespmem:s16+$0xFFFFFFB0] =	vst v2;
	(pc) =	sbr.rel @p0 .LBB2_3-.Ltmp3, $4  }
0x12f: {  	v52 =	vmul.f32 v44, v29;
	[tilespmem:s16+$0xFFFFFFC0] =	vst v48  }
0x130: {  	[tilespmem:s16+$0xFFFFFFD0] =	vst v50  }
0x131: {  	s20 =	sadd.s32 $0x15000, s17;
	[tilespmem:s16+$0xFFFFFFE0] =	vst v52  }
0x132: {  	[spmem:s2] =	stream.indirect.scatter.add.f32 [tilespmem:s28], [sflag:$0x6], $0x80, s20, s26, $0xb8;
	[tilespmem:$0x1E880] =	vst v63  }
0x133: {  	_ =	swait.ge [sflag:s24], $0x1400  }
0x134: {  	[sflag:s24] =	ssyncset.done $0x0  }
0x135: {  	[sflag:s24] =	ssyncadd.s32 $0xFFFFEC00  }
0x136: {  	_ =	swait.ge [sflag:s24], $0x1400  }
0x137: {  	[sflag:s24] =	ssyncset.done $0x0  }
0x138: {  	[sflag:s24] =	ssyncadd.s32 $0xFFFFEC00  }
0x139: {  	v0 =	vld [tilespmem:$0x16C00]  }
0x13a: {  	s3 =	simm.s32 $0x0;
	v1 =	vld [tilespmem:$0x16C10]  }
0x13b: {  	v3 =	vmov s3;
	v2 =	vld [tilespmem:$0x16C20]  }
0x13c: {  	v3 =	vand.u32 $0xFFFFFFFE, v3;
	v4 =	vld [tilespmem:$0x16C30]  }
0x13d: {  	v3 =	vbroadcast v3, $0x0;
	v5 =	vld [tilespmem:$0x16C40]  }
0x13e: {  	[tilespmem:$0x17000] =	vst v0  }
0x13f: {  	[tilespmem:$0x17010] =	vst v1  }
0x140: {  	[tilespmem:$0x17020] =	vst v2  }
0x141: {  	[tilespmem:$0x17030] =	vst v4  }
0x142: {  	[tilespmem:$0x17040] =	vst v5  }
0x143: {  	s4 =	simm.s32 $0x17100;
	v1 =	vld.idx.msk [tilespmem:v3+s25+$0x0], $0xffff  }
0x144: {  	v0 =	vld [tilespmem:s4+$0xFFFFFFF0]  }
0x145: {  	v2 =	vld [tilespmem:s4+$0xFFFFFF80]  }
0x146: {  	s20 =	simm.s32 $0x1;
	v5 =	vld [tilespmem:s4+$0xFFFFFF90]  }
0x147: {  	v6 =	vmov s20;
	v7 =	vld [tilespmem:s4+$0xFFFFFFA0]  }
0x148: {  	v10 =	vld [tilespmem:s4+$0xFFFFFFB0]  }
0x149: {  	v4 =	vld [tilespmem:s4+$0xFFFFFFC0]  }
0x14a: {  	v3 =	vld [tilespmem:s4+$0xFFFFFFD0];
	v8 =	vmul.f32 v0, v1  }
0x14b: {  	v9 =	vmul.f32 v2, v1;
	v2 =	vld [tilespmem:s4+$0xFFFFFFE0]  }
0x14c: {  	v0 =	vld.idx.msk [tilespmem:v6+s25+$0x0], $0xffff;
	v5 =	vmul.f32 v5, v1;
	[tilespmem:s4+$0xFFFFFFF0] =	vst v8  }
0x14d: {  	s6 =	simm.s32 $0x2;
	v6 =	vld [tilespmem:s4+$0x0];
	[tilespmem:s4+$0xFFFFFF80] =	vst v9;
	v8 =	vmul.f32 v7, v1  }
0x14e: {  	s7 =	simm.s32 $0x4;
	s3 =	simm.s32 $0x17100;
	v9 =	vmov s6;
	[tilespmem:s4+$0xFFFFFF90] =	vst v5;
	v7 =	vmul.f32 v10, v1;
	v5 =	vld [tilespmem:s4+$0x10]  }
.LBB2_11:
0x14f: {  	p0 =	slt.u32 s7, $0x4E;
	v9 =	vand.u32 $0xFFFFFFFE, v9;
	s8 =	sadd.s32 $0x1, s6;
	[tilespmem:s4+$0xFFFFFFA0] =	vst v8;
	v4 =	vmul.f32 v4, v1;
	v8 =	vld [tilespmem:s4+$0x20];
	s6 =	smov.u32 s7  }
0x150: {  	v9 =	vbroadcast v9, $0x0;
	v10 =	vmov s8;
	[tilespmem:s4+$0xFFFFFFB0] =	vst v7;
	v3 =	vmul.f32 v3, v1;
	v7 =	vld [tilespmem:s4+$0x30]  }
0x151: {  	[tilespmem:s4+$0xFFFFFFC0] =	vst v4;
	v1 =	vmul.f32 v2, v1;
	v2 =	vld [tilespmem:s4+$0x40]  }
0x152: {  	[tilespmem:s4+$0xFFFFFFD0] =	vst v3;
	v3 =	vmul.f32 v6, v0;
	v4 =	vld [tilespmem:s4+$0x50]  }
0x153: {  	[tilespmem:s4+$0xFFFFFFE0] =	vst v1;
	v1 =	vmul.f32 v5, v0;
	v5 =	vld [tilespmem:s4+$0x60]  }
0x154: {  	[tilespmem:s4+$0x0] =	vst v3;
	v3 =	vmul.f32 v8, v0;
	v6 =	vld [tilespmem:s4+$0x70]  }
0x155: {  	v8 =	vld.idx.msk [tilespmem:v10+s25+$0x0], $0xffff;
	[tilespmem:s4+$0x10] =	vst v1;
	v7 =	vmul.f32 v7, v0  }
0x156: {  	s4 =	sadd.s32 $0x100, s4;
	v1 =	vld.idx.msk [tilespmem:v9+s25+$0x0], $0xffff;
	[tilespmem:s3+$0x20] =	vst v3;
	v2 =	vmul.f32 v2, v0  }
0x157: {  	v3 =	vld [tilespmem:s4+$0xFFFFFFF0];
	[tilespmem:s3+$0x30] =	vst v7;
	v4 =	vmul.f32 v4, v0  }
0x158: {  	v7 =	vld [tilespmem:s4+$0xFFFFFF80];
	[tilespmem:s3+$0x40] =	vst v2;
	v2 =	vmul.f32 v5, v0  }
0x159: {  	v5 =	vld [tilespmem:s4+$0xFFFFFF90];
	[tilespmem:s3+$0x50] =	vst v4;
	v4 =	vmul.f32 v6, v0  }
0x15a: {  	v6 =	vld [tilespmem:s4+$0xFFFFFFA0];
	[tilespmem:s3+$0x60] =	vst v2  }
0x15b: {  	v0 =	vmov v8;
	v10 =	vld [tilespmem:s4+$0xFFFFFFB0];
	[tilespmem:s3+$0x70] =	vst v4;
	s3 =	smov.u32 s4  }
.Ltmp4:
0x15c: {  	v4 =	vld [tilespmem:s4+$0xFFFFFFC0];
	v8 =	vmul.f32 v3, v1;
	(pc) =	sbr.rel @p0 .LBB2_11-.Ltmp4, $4  }
0x15d: {  	v7 =	vmul.f32 v7, v1;
	v3 =	vld [tilespmem:s4+$0xFFFFFFD0]  }
0x15e: {  	v5 =	vmul.f32 v5, v1;
	v2 =	vld [tilespmem:s4+$0xFFFFFFE0];
	[tilespmem:s4+$0xFFFFFFF0] =	vst v8  }
0x15f: {  	[tilespmem:s4+$0xFFFFFF80] =	vst v7;
	v8 =	vmul.f32 v6, v1;
	v6 =	vld [tilespmem:s4+$0x0]  }
0x160: {  	s7 =	sadd.s32 $0x2, s7;
	v9 =	vmov s6;
	[tilespmem:s4+$0xFFFFFF90] =	vst v5;
	v7 =	vmul.f32 v10, v1;
	v5 =	vld [tilespmem:s4+$0x10]  }
0x161: {  	v10 =	vld [tilespmem:s4+$0x20]  }
0x162: {  	v11 =	vld [tilespmem:s4+$0x30]  }
0x163: {  	s6 =	sadd.s32 $0x1, s6;
	v13 =	vld [tilespmem:s4+$0x40];
	[tilespmem:s4+$0xFFFFFFA0] =	vst v8;
	v4 =	vmul.f32 v4, v1  }
0x164: {  	v22 =	vld [tilespmem:s4+$0x50];
	v12 =	vmov s6;
	[tilespmem:s4+$0xFFFFFFB0] =	vst v7;
	v3 =	vmul.f32 v3, v1  }
0x165: {  	v23 =	vld [tilespmem:s4+$0x60];
	[tilespmem:s4+$0xFFFFFFC0] =	vst v4;
	v24 =	vmul.f32 v2, v1  }
0x166: {  	v25 =	vld [tilespmem:s4+$0x70];
	s17 =	sadd.s32 $0x100, s4;
	v6 =	vmul.f32 v6, v0;
	[tilespmem:s4+$0xFFFFFFD0] =	vst v3  }
0x167: {  	v31 =	vld [tilespmem:s17+$0xFFFFFFF0];
	v26 =	vmul.f32 v5, v0;
	[tilespmem:s4+$0xFFFFFFE0] =	vst v24  }
0x168: {  	v46 =	vld [tilespmem:s17+$0x0];
	[tilespmem:s4+$0x0] =	vst v6;
	v28 =	vmul.f32 v10, v0  }
0x169: {  	v30 =	vmul.f32 v11, v0;
	v27 =	vld.idx.msk [tilespmem:v12+s25+$0x0], $0xffff;
	[tilespmem:s4+$0x10] =	vst v26  }
0x16a: {  	v9 =	vand.u32 $0xFFFFFFFE, v9;
	v47 =	vld [tilespmem:s17+$0x10];
	v32 =	vmul.f32 v13, v0;
	[tilespmem:s3+$0x20] =	vst v28  }
0x16b: {  	v9 =	vbroadcast v9, $0x0;
	v49 =	vld [tilespmem:s17+$0x20];
	v34 =	vmul.f32 v22, v0;
	[tilespmem:s3+$0x30] =	vst v30  }
0x16c: {  	v51 =	vld [tilespmem:s17+$0x30];
	v36 =	vmul.f32 v23, v0;
	[tilespmem:s3+$0x40] =	vst v32  }
0x16d: {  	v53 =	vld [tilespmem:s17+$0x40];
	v38 =	vmul.f32 v25, v0;
	[tilespmem:s3+$0x50] =	vst v34  }
0x16e: {  	v55 =	vld [tilespmem:s17+$0x50];
	[tilespmem:s3+$0x60] =	vst v36;
	v54 =	vmul.f32 v46, v27  }
0x16f: {  	v57 =	vld [tilespmem:s17+$0x60];
	[tilespmem:s3+$0x70] =	vst v38;
	v56 =	vmul.f32 v47, v27  }
0x170: {  	v58 =	vld [tilespmem:s17+$0x70];
	v1 =	vmul.f32 v49, v27;
	[tilespmem:s17+$0x0] =	vst v54  }
0x171: {  	v29 =	vld.idx.msk [tilespmem:v9+s25+$0x0], $0xffff;
	v59 =	vmul.f32 v51, v27;
	[tilespmem:s17+$0x10] =	vst v56  }
0x172: {  	v33 =	vld [tilespmem:s17+$0xFFFFFF80];
	v60 =	vmul.f32 v53, v27;
	[tilespmem:s17+$0x20] =	vst v1  }
0x173: {  	v35 =	vld [tilespmem:s17+$0xFFFFFF90];
	v61 =	vmul.f32 v55, v27;
	[tilespmem:s17+$0x30] =	vst v59  }
0x174: {  	v37 =	vld [tilespmem:s17+$0xFFFFFFA0];
	v62 =	vmul.f32 v57, v27;
	[tilespmem:s17+$0x40] =	vst v60  }
0x175: {  	v39 =	vld [tilespmem:s17+$0xFFFFFFB0];
	v63 =	vmul.f32 v58, v27;
	[tilespmem:s17+$0x50] =	vst v61  }
0x176: {  	v40 =	vld [tilespmem:s17+$0xFFFFFFC0];
	v41 =	vmul.f32 v31, v29;
	[tilespmem:s17+$0x60] =	vst v62  }
0x177: {  	v43 =	vld [tilespmem:s17+$0xFFFFFFD0];
	v42 =	vmul.f32 v33, v29;
	[tilespmem:s17+$0x70] =	vst v63  }
0x178: {  	v44 =	vld [tilespmem:s17+$0xFFFFFFE0];
	v8 =	vmul.f32 v35, v29;
	[tilespmem:s17+$0xFFFFFFF0] =	vst v41  }
0x179: {  	v45 =	vmul.f32 v37, v29;
	[tilespmem:s17+$0xFFFFFF80] =	vst v42  }
0x17a: {  	v2 =	vmul.f32 v39, v29;
	[tilespmem:s17+$0xFFFFFF90] =	vst v8  }
0x17b: {  	v48 =	vmul.f32 v40, v29;
	[tilespmem:s17+$0xFFFFFFA0] =	vst v45  }
0x17c: {  	v50 =	vmul.f32 v43, v29;
	[tilespmem:s17+$0xFFFFFFB0] =	vst v2  }
0x17d: {  	v52 =	vmul.f32 v44, v29;
	[tilespmem:s17+$0xFFFFFFC0] =	vst v48  }
0x17e: {  	[tilespmem:s17+$0xFFFFFFD0] =	vst v50  }
0x17f: {  	s20 =	simm.s32 $0x15C00;
	[tilespmem:s17+$0xFFFFFFE0] =	vst v52  }
0x180: {  	[spmem:s2] =	stream.indirect.scatter.add.f32 [tilespmem:s19], [sflag:$0x4], $0x80, s20, s26, $0xb8;
	[tilespmem:$0x1E880] =	vst v63  }
0x181: {  	_ =	swait.ge [sflag:s5], $0x2800  }
0x182: {  	[sflag:s5] =	ssyncset.done $0x0  }
0x183: {  	s12 =	sadd.s32 $0x1, s12;
	[sflag:s5] =	ssyncadd.s32 $0xFFFFD800  }
0x184: {  	p0 =	sne.s32 s12, $0x5;
	_ =	swait.ge [sflag:s11], $0x2800  }
.Ltmp5:
0x185: {  	[sflag:s11] =	ssyncset.done $0x0;
	(pc) =	sbr.rel @p0 .LBB2_2-.Ltmp5, $4  }
0x186: {  	[sflag:s11] =	ssyncadd.s32 $0xFFFFD800  }
0x187: {  	_ =	swait.ge [sflag:s31], $0x2800  }
0x188: {  	[sflag:s31] =	ssyncset.done $0x0  }
0x189: {  	[sflag:s31] =	ssyncadd.s32 $0xFFFFD800  }
0x18a: {  	[bflag:$0x0] =	sbarrier.arrive $0xFFFF  }
0x18b: {  	s6 =	rddreg [dreg:$0x9]  }
0x18c: {  	s3 =	rddreg [dreg:$0xa]  }
0x18d: {  	s4 =	rddreg [dreg:$0xc]  }
0x18e: {  	[hbm:s3], [sflag:s6] =	dma.local [spmem:s4], $0x2800  }
0x18f: {  	_ =	swait.ge [sflag:s14], $0x2800  }
0x190: {  	s9 =	rddreg [dreg:$0x4]  }
0x191: {  	s20 =	rddreg [dreg:$0xb];
	s9 =	sadd.s32 $0x1, s9  }
0x192: {  	p0 =	sne.s32 s9, s20  }
.Ltmp6:
0x193: {  	_ = 	snop;
	(pc) =	sbr.rel @p0 .LBB2_1-.Ltmp6, $3  }
0x194: {  	_ =	sdelay $0x1  }
0x195: {  	[sflag:s14] =	ssyncset.done $0x0  }
0x196: {  	[sflag:s14] =	ssyncadd.s32 $0xFFFFD800  }
0x197: {  	_ =	sfence.sel $0x180000  }
0x198: {  	[bflag:$0x0] =	sbarrier.arrive $0xFFFF  }
0x199: {  	_ =	strace $0x9000004A  }
0x19a: {  	s0 =	stileid.u32;
	[bflag:$0x2] =	sbarrier.arrive $0xFFFF  }
0x19b: {  	p0 =	sne.s32 s0, $0x0;
	s0 =	rddreg [dreg:$0x3]  }
0x19c: {  	s0 =	sadd.s32 @!p0 $0x100000, s0  }
0x19d: {  	[sflag:s0] =	ssyncadd.tile.s32 @!p0 $0x1;
	_ =	shalt  }
.Lfunc_end2:
_tile_overlayer_lowered:
.L_overlay_start_2:
0x19e: {  	(tag) =	ssettag $0x2  }
0x19f: {  	s0 =	rddreg [dreg:$0x0];
	s2 =	stileid.u32  }
0x1a0: {  	s1 =	rddreg [dreg:$0x1];
	p0 =	sne.s32 s2, $0x0  }
0x1a1: {  	s3 =	rddreg [dreg:$0x2];
	[bflag:$0x3] =	sbarrier.arrive $0xFFFF;
	s2 =	simm.s32 @!p0 $0x1C07  }
0x1a2: {  	[timem:s3], [sflag:s2] =	dma.local @!p0 [hbm:s0], s1  }
0x1a3: {  	s0 =	simm.s32 @!p0 $0x7  }
0x1a4: {  	_ =	swait.ge @!p0 [sflag:s0], s1  }
0x1a5: {  	s1 =	ssub.s32 @!p0 $0x0, s1;
	[sflag:s0] =	ssyncset.done @!p0 $0x0  }
0x1a6: {  	[sflag:s0] =	ssyncadd.s32 @!p0 s1  }
0x1a7: {  	[bflag:$0x3] =	sbarrier.arrive $0xFFFF  }
0x1a8: {  	_ =	shalt  }

// kernel: kernel.15.cloned.1.call-start
scs
__scs_entry_jumppad:
0x0: {  	(pc) =	sbr.rel $0x88, $3  }
0x1: {  	(tag) =	ssettag $0x0;
	lr =	simm.s32 $0x1  }
0x2: {  	[smem:$0x3F9A] =	sst lr;
	_ =	strace $0xD0000000  }
0x3: {  	_ = 	snop  }
0x4: {  	_ = 	snop  }
0x5: {  	_ = 	snop  }
0x6: {  	_ = 	snop  }
0x7: {  	_ = 	snop  }
__scs_overlays_trampoline_lowered:
0x8: {  	[smem:$0x3FA9] =	sst s0  }
0x9: {  	[smem:$0x3FAA] =	sst s1  }
0xa: {  	[smem:$0x3FAB] =	sst s2  }
0xb: {  	[smem:$0x3FAC] =	sst s3  }
0xc: {  	[smem:$0x3FAD] =	sst s4  }
0xd: {  	[smem:$0x3FAE] =	sst s5  }
0xe: {  	[smem:$0x3FAF] =	sst s6  }
0xf: {  	[smem:$0x3FB0] =	sst s7  }
0x10: {  	[smem:$0x3FB1] =	sst s8  }
0x11: {  	[smem:$0x3FB2] =	sst s9;
	s0 =	simm.s32 @!p0 $0x0  }
0x12: {  	s1 =	sld [smem:$0x3F98];
	s0 =	simm.s32 @p0 $0x1  }
0x13: {  	[smem:$0x3FB3] =	sst s0;
	s0 =	simm.s32 @!p1 $0x0  }
0x14: {  	s2 =	sld [smem:$0x3F97];
	s0 =	simm.s32 @p1 $0x1  }
0x15: {  	[smem:$0x3FB4] =	sst s0;
	s0 =	simm.s32 @!p2 $0x0  }
0x16: {  	s3 =	sld [smem:$0x3FDB];
	s0 =	simm.s32 @p2 $0x1  }
0x17: {  	s4 =	simm.s32 $0x1BF5;
	[smem:$0x3FB6] =	sst s0  }
0x18: {  	s0 =	sld [smem:$0x3F99];
	_ =	swait.ge [sflag:s4], $0x0  }
0x19: {  	s7 =	sld [smem:$0x3F9A]  }
0x1a: {  	s8 =	sadd.s32 $0xFFFFE003, lr  }
0x1b: {  	s9 =	sadd.s32 $0xFFFFFEF7, lr;
	s5 =	simm.s32 $0xFFFFFFFF;
	p2 =	slt.u32 s8, $0xFFFFF086  }
0x1c: {  	p1 =	slt.u32 s9, $0xF7A;
	s5 =	simm.s32 @!p2 $0x0  }
0x1d: {  	s5 =	simm.s32 @p1 $0x1;
	p0 =	seq.s32 s7, s2  }
0x1e: {  	s7 =	smul.u32 @!p0 $0xF7A, s2;
	p2 =	seq.s32 @!p0 s5, $0x0  }
0x1f: {  	s9 =	smul.u32 $0xF7A, s1;
	s8 =	simm.s32 @!p0 $0x1BF5;
	p2 =	por !p2, p0  }
0x20: {  	[sflag:s8] =	ssyncset.s32 @!p0 $0xFFFFF086;
	s6 =	sadd.s32 @!p0 s3, s7;
	s7 =	simm.s32 @!p0 $0x108  }
0x21: {  	s3 =	sadd.s32 s3, s9;
	s6 =	sadd.s32 @!p0 $0x88, s6;
	s7 =	simm.s32 @p2 $0x1082  }
0x22: {  	[simem:s7], [sflag:s8] =	dma.local @!p0 [hbm:s6], $0xF7A  }
0x23: {  	s9 =	sor.u32 $0xD0000000, s2;
	s6 =	simm.s32 $0x108;
	_ =	swait.ge @!p0 [sflag:s8], $0x0  }
0x24: {  	s3 =	sadd.s32 $0x88, s3;
	s6 =	simm.s32 @!p1 $0x1082;
	[sflag:s4] =	ssyncset.s32 $0xFFFFF086  }
0x25: {  	[simem:s6], [sflag:s4] =	dma.local [hbm:s3], $0xF7A  }
0x26: {  	[smem:$0x3F9A] =	sst s1;
	(tag) =	ssettag s2;
	_ =	strace s9  }
0x27: {  	s1 =	sld [smem:$0x3FAA]  }
0x28: {  	s2 =	sld [smem:$0x3FAB]  }
0x29: {  	s4 =	sld [smem:$0x3FAD]  }
0x2a: {  	p0 =	seq.s32 s5, $0x0;
	s5 =	sld [smem:$0x3FAE]  }
0x2b: {  	s6 =	sld [smem:$0x3FAF]  }
0x2c: {  	s7 =	sld [smem:$0x3FB0]  }
0x2d: {  	s3 =	simm.s32 $0x108;
	s8 =	sld [smem:$0x3FB1]  }
0x2e: {  	s3 =	simm.s32 @!p0 $0x1082;
	s9 =	sld [smem:$0x3FB2]  }
0x2f: {  	lr =	sadd.s32 s0, s3;
	s0 =	sld [smem:$0x3FA9]  }
0x30: {  	s3 =	sld [smem:$0x3FAC]  }
0x31: {  	[smem:$0x3FB5] =	sst s10  }
0x32: {  	s10 =	sld [smem:$0x3FB3];
	_ =	sdelay $0x3  }
0x33: {  	p0 =	seq.s32 s10, $0x1;
	s10 =	sld [smem:$0x3FB5];
	_ =	sdelay $0x3  }
0x34: {  	[smem:$0x3FB5] =	sst s10  }
0x35: {  	s10 =	sld [smem:$0x3FB4];
	_ =	sdelay $0x3  }
0x36: {  	p1 =	seq.s32 s10, $0x1;
	s10 =	sld [smem:$0x3FB5];
	_ =	sdelay $0x3  }
0x37: {  	[smem:$0x3FB5] =	sst s10  }
0x38: {  	s10 =	sld [smem:$0x3FB6]  }
0x39: {  	_ = 	snop;
	(pc) =	sbr.ind lr, $3  }
0x3a: {  	_ = 	snop  }
0x3b: {  	_ = 	snop  }
0x3c: {  	p2 =	seq.s32 s10, $0x1;
	s10 =	sld [smem:$0x3FB5]  }
0x3d: {  	_ =	shalt  }
0x3e: {  	_ =	shalt  }
0x3f: {  	_ =	shalt  }
0x40: {  	_ =	shalt  }
0x41: {  	_ =	shalt  }
0x42: {  	_ =	shalt  }
0x43: {  	_ =	shalt  }
0x44: {  	_ =	shalt  }
0x45: {  	_ =	shalt  }
0x46: {  	_ =	shalt  }
0x47: {  	_ =	shalt  }
0x48: {  	_ =	shalt  }
0x49: {  	_ =	shalt  }
0x4a: {  	_ =	shalt  }
0x4b: {  	_ =	shalt  }
0x4c: {  	_ =	shalt  }
0x4d: {  	_ =	shalt  }
0x4e: {  	_ =	shalt  }
0x4f: {  	_ =	shalt  }
0x50: {  	_ =	shalt  }
0x51: {  	_ =	shalt  }
0x52: {  	_ =	shalt  }
0x53: {  	_ =	shalt  }
0x54: {  	_ =	shalt  }
0x55: {  	_ =	shalt  }
0x56: {  	_ =	shalt  }
0x57: {  	_ =	shalt  }
0x58: {  	_ =	shalt  }
0x59: {  	_ =	shalt  }
0x5a: {  	_ =	shalt  }
0x5b: {  	_ =	shalt  }
0x5c: {  	_ =	shalt  }
0x5d: {  	_ =	shalt  }
0x5e: {  	_ =	shalt  }
0x5f: {  	_ =	shalt  }
0x60: {  	_ =	shalt  }
0x61: {  	_ =	shalt  }
0x62: {  	_ =	shalt  }
0x63: {  	_ =	shalt  }
0x64: {  	_ =	shalt  }
0x65: {  	_ =	shalt  }
0x66: {  	_ =	shalt  }
0x67: {  	_ =	shalt  }
0x68: {  	_ =	shalt  }
0x69: {  	_ =	shalt  }
0x6a: {  	_ =	shalt  }
0x6b: {  	_ =	shalt  }
0x6c: {  	_ =	shalt  }
0x6d: {  	_ =	shalt  }
0x6e: {  	_ =	shalt  }
0x6f: {  	_ =	shalt  }
0x70: {  	_ =	shalt  }
0x71: {  	_ =	shalt  }
0x72: {  	_ =	shalt  }
0x73: {  	_ =	shalt  }
0x74: {  	_ =	shalt  }
0x75: {  	_ =	shalt  }
0x76: {  	_ =	shalt  }
0x77: {  	_ =	shalt  }
0x78: {  	_ =	shalt  }
0x79: {  	_ =	shalt  }
0x7a: {  	_ =	shalt  }
0x7b: {  	_ =	shalt  }
0x7c: {  	_ =	shalt  }
0x7d: {  	_ =	shalt  }
0x7e: {  	_ =	shalt  }
0x7f: {  	_ =	shalt  }
0x80: {  	_ =	shalt  }
0x81: {  	_ =	shalt  }
0x82: {  	_ =	shalt  }
0x83: {  	_ =	shalt  }
0x84: {  	_ =	shalt  }
0x85: {  	_ =	shalt  }
0x86: {  	_ =	shalt  }
0x87: {  	_ =	shalt  }
.Lfunc_end0:
.L_simem_size_0:
called_computation.2_lowered:
.L_overlay_start_0:
0x88: {  	s2 =	sld [smem:$0x3FD9]  }
0x89: {  	s3 =	sld [smem:$0x3FFE];
	_ =	sdelay $0x1  }
0x8a: {  	s1 =	srdreg.scid  }
0x8b: {  	s0 =	sand.u32 $0x1, s1  }
0x8c: {  	s17 =	sshll.u32 s0, $0xA;
	s2 =	sadd.s32 s3, s2  }
0x8d: {  	s2 =	sadd.s32 s2, s17  }
0x8e: {  	[smem:$0x3FC1] =	sst s2  }
0x8f: {  	_ = 	snop  }
0x90: {  	s2 =	sld [smem:$0x3FD0];
	(tm) =	ssettm $0x1  }
0x91: {  	s18 =	sld [smem:$0x3FFB];
	_ =	sdelay $0x3  }
0x92: {  	_ =	strace s18  }
0x93: {  	s3 =	sld [smem:$0x3FFC];
	_ =	sdelay $0x3  }
0x94: {  	_ =	strace s3  }
0x95: {  	s3 =	sld [smem:$0x3FFD];
	_ =	sdelay $0x3  }
0x96: {  	_ =	strace s3  }
0x97: {  	_ =	strace $0x8FFFFFFF  }
0x98: {  	s19 =	sld [smem:$0x3FDB];
	_ =	sdelay $0x1  }
0x99: {  	s4 =	simm.s32 $_scs_section_size  }
0x9a: {  	s5 =	simm.s32 $_size__tile_overlayer_lowered;
	s6 =	simm.s32 $_tile_overlayer_lowered  }
0x9b: {  	s22 =	simm.s32 $0x1BFF;
	s21 =	sshll.u32 s6, $0x1;
	s3 =	sadd.s32 s4, s19  }
0x9c: {  	s7 =	simm.s32 $0x0;
	s20 =	sshll.u32 s5, $0x1;
	s5 =	sadd.s32 s21, s3  }
0x9d: {  	[timem:s7], [sflag:s22] =	dma.local [hbm:s5], s20  }
0x9e: {  	_ =	swait.ge [sflag:s22], s20  }
0x9f: {  	s4 =	ssub.s32 $0x0, s20;
	[sflag:s22] =	ssyncset.done $0x0  }
0xa0: {  	[sflag:s22] =	ssyncadd.s32 s4;
	_ =	sdelay $0x1  }
0xa1: {  	s23 =	simm.s32 $0x1B8B  }
0xa2: {  	_ =	swait.ge [sflag:s23], $0x1  }
0xa3: {  	[sflag:s23] =	ssyncset.done $0x0  }
0xa4: {  	s25 =	simm.s32 $0x1B8E;
	s24 =	sld [smem:$0x3FFE];
	[sflag:s23] =	ssyncadd.s32 $0xFFFFFFFF  }
0xa5: {  	s26 =	simm.s32 $execute0_lowered;
	[smem:$0x3FD2] =	sst s25  }
0xa6: {  	s5 =	sshll.u32 s26, $0x1;
	_ =	strace $0x8000004C;
	[dreg:$0x1] =	wrdreg $0xFFFFFFFF  }
0xa7: {  	s28 =	simm.s32 $_size_execute0_lowered;
	s3 =	sadd.s32 s3, s5;
	[dreg:$0x0] =	wrdreg $0x0  }
0xa8: {  	s5 =	sshll.u32 s28, $0x1;
	[dreg:$0x2] =	wrdreg s3  }
0xa9: {  	[dreg:$0x3] =	wrdreg s5  }
0xaa: {  	[dreg:$0x4] =	wrdreg $0xC0  }
0xab: {  	_ =	task [dreg:s7], $0x5FFFF  }
0xac: {  	[dreg:$0x1] =	wrdreg $0xFFFFFFFF  }
0xad: {  	[dreg:$0x0] =	wrdreg $0x60  }
0xae: {  	[dreg:$0x2] =	wrdreg s24  }
0xaf: {  	[dreg:$0x3] =	wrdreg s2  }
0xb0: {  	[dreg:$0x4] =	wrdreg $0x0  }
0xb1: {  	[dreg:$0x5] =	wrdreg $0x9  }
0xb2: {  	_ =	task.clear_ibuf [dreg:s7], $0x6FFFF;
	_ =	strace $0x9000004C  }
0xb3: {  	s29 =	simm.s32 $0x9;
	_ =	strace $0x8000004E  }
0xb4: {  	_ =	swait.ge [sflag:s29], $0x1  }
0xb5: {  	[sflag:s29] =	ssyncadd.s32 $0xFFFFFFFF  }
0xb6: {  	_ =	strace $0x9000004E  }
0xb7: {  	_ =	sfence  }
0xb8: {  	s30 =	sld [smem:$0x0];
	_ =	sdelay $0x2  }
0xb9: {  	s31 =	sshll.u32 s1, $0xD;
	s1 =	sshrl.u32 s1, $0x2  }
0xba: {  	s3 =	sand.u32 $0x4000, s31;
	s1 =	sadd.s32 s1, s30  }
0xbb: {  	s0 =	sor.u32 s3, s0;
	s1 =	sshll.u32 s1, $0x11  }
0xbc: {  	s0 =	sor.u32 s1, s0  }
0xbd: {  	s0 =	sadd.s32 $0x8F2B, s0  }
0xbe: {  	[sflag:s0] =	ssyncadd.remote.s32 $0x1  }
0xbf: {  	_ =	sfence.sel $0xFFFF  }
0xc0: {  	[dreg:$0x0] =	wrdreg $0xFFFFFFFF;
	(pc) =	sbr.abs _section_cstart, $3  }
0xc1: {  	[dreg:$0x1] =	wrdreg $0xFFFFFFFF  }
0xc2: {  	_ =	task.clear_ibuf [dreg:s7], $0x2FFFF;
	_ =	strace $0x9FFFFFFF  }
0xc3: {  	(tm) =	ssettm $0x7FFFFFFF  }
tec
execute0_lowered:
.L_overlay_start_1:
0x0: {  	(tag) =	ssettag $0x1  }
0x1: {  	s0 =	rddreg [dreg:$0x0]  }
0x2: {  	s1 =	rddreg [dreg:$0x1]  }
0x3: {  	s2 =	rddreg [dreg:$0x2]  }
0x4: {  	s9 =	simm.s32 $0x0;
	s3 =	srdreg.scid;
	s8 =	stileid.u32  }
0x5: {  	s14 =	simm.s32 $0x7;
	s15 =	simm.s32 $0x14000;
	s28 =	simm.s32 $0x1C080  }
0x6: {  	s29 =	simm.s32 $0x1D480;
	s30 =	simm.s32 $0x2;
	s31 =	simm.s32 $0x4  }
0x7: {  	s11 =	simm.s32 $0x6;
	[smem:$0x7FF] =	sst s9;
	s3 =	sand.u32 $0x1, s3  }
0x8: {  	s5 =	smul.u32 $0x14000, s8;
	s6 =	sadd.s32 $0x2200, s0;
	s17 =	sadd.s32 $0x3AE00, s0  }
0x9: {  	s18 =	sadd.s32 $0x12E00, s0;
	_ =	strace $0x8000004D;
	[dreg:$0x5] =	wrdreg s6  }
0xa: {  	s19 =	sadd.s32 $0x26E00, s0;
	s7 =	smul.u32 $0x50000, s8;
	[dreg:$0x6] =	wrdreg s17  }
0xb: {  	s23 =	sshll.u32 s8, $0x1;
	s25 =	sshll.u32 s8, $0x6;
	[dreg:$0x7] =	wrdreg s18  }
0xc: {  	s4 =	smul.u32 $0x140000, s3;
	[dreg:$0x8] =	wrdreg s19;
	s20 =	ssub.s32 $0x2, s3  }
0xd: {  	s3 =	sor.u32 s3, s23;
	s6 =	sor.u32 $0x1C07, s25;
	s18 =	simm.s32 $0x28  }
0xe: {  	s19 =	simm.s32 $0x17080;
	s23 =	simm.s32 $0x1AC80;
	s25 =	simm.s32 $0x17000  }
0xf: {  	s21 =	sshrl.u32 s20, $0x1;
	s24 =	sshrl.u32 s7, $0x2;
	s10 =	smul.u32 $0x5000, s3  }
0x10: {  	[dreg:$0x9] =	wrdreg s6;
	s4 =	sadd.s32 s5, s4;
	s22 =	ssub.s32 s20, s21  }
0x11: {  	s5 =	sadd.s32 s24, s2;
	s21 =	simm.s32 $0x18480;
	s24 =	simm.s32 $0x1  }
0x12: {  	s4 =	sshrl.u32 s4, $0x3;
	s26 =	smax.u32 s22, $0x1;
	s22 =	simm.s32 $0x19880  }
0x13: {  	s0 =	sadd.s32 s4, s0;
	[dreg:$0xb] =	wrdreg s26;
	s4 =	sshrl.u32 s5, $0x3  }
0x14: {  	s26 =	simm.s32 $0x50;
	s0 =	sadd.s32 $0x4EE00, s0;
	[dreg:$0xc] =	wrdreg s4  }
0x15: {  	s5 =	simm.s32 $0x5;
	[dreg:$0xa] =	wrdreg s0;
	s0 =	simm.s32 $0x3  }
.LBB2_1:
0x16: {  	[dreg:$0x4] =	wrdreg s9  }
0x17: {  	s3 =	rddreg [dreg:$0x5]  }
0x18: {  	[spmem:s4], [sflag:s6] =	dma.local [hbm:s3], $0x2800  }
0x19: {  	_ =	swait.ge [sflag:s14], $0x2800  }
0x1a: {  	[sflag:s14] =	ssyncset.done $0x0  }
0x1b: {  	[sflag:s14] =	ssyncadd.s32 $0xFFFFD800  }
0x1c: {  	s12 =	simm.s32 $0x0;
	[bflag:$0x0] =	sbarrier.arrive $0xFFFF  }
.LBB2_2:
0x1d: {  	s3 =	sshll.u32 s12, $0xC  }
0x1e: {  	s3 =	sadd.s32 s10, s3  }
0x1f: {  	s4 =	rddreg [dreg:$0x6];
	s3 =	sshrl.u32 s3, $0x3  }
0x20: {  	s9 =	simm.s32 $0x0;
	s4 =	sadd.s32 s4, s3  }
0x21: {  	[tilespmem:s15], [sflag:$0x7] =	stream.linear.gather [hbm4b:s4+s9], $0xC80, $0x38;
	[tilespmem:$0x1E880] =	vst v63  }
0x22: {  	_ =	swait.ge [sflag:s14], $0xC80  }
0x23: {  	[sflag:s14] =	ssyncset.done $0x0;
	s13 =	rddreg [dreg:$0x7]  }
0x24: {  	s6 =	simm.s32 $0x15000;
	[sflag:s14] =	ssyncadd.s32 $0xFFFFF380;
	s4 =	sadd.s32 s13, s3  }
0x25: {  	[tilespmem:s6], [sflag:$0x7] =	stream.linear.gather [hbm4b:s4+s9], $0xC80, $0x38;
	[tilespmem:$0x1E880] =	vst v63  }
0x26: {  	_ =	swait.ge [sflag:s14], $0xC80  }
0x27: {  	[sflag:s14] =	ssyncset.done $0x0;
	s16 =	rddreg [dreg:$0x8]  }
0x28: {  	s17 =	simm.s32 $0x16000;
	[sflag:s14] =	ssyncadd.s32 $0xFFFFF380;
	s3 =	sadd.s32 s16, s3  }
0x29: {  	[tilespmem:s17], [sflag:$0x7] =	stream.linear.gather [hbm4b:s3+s9], $0xC80, $0x38;
	[tilespmem:$0x1E880] =	vst v63  }
0x2a: {  	_ =	swait.ge [sflag:s14], $0xC80  }
0x2b: {  	[sflag:s14] =	ssyncset.done $0x0  }
0x2c: {  	[sflag:s14] =	ssyncadd.s32 $0xFFFFF380  }
0x2d: {  	[tilespmem:s19], [sflag:$0x1] =	stream.indirect.gather [hbm4b:s1+s18], $0x80, s15, s18, $0xb8;
	[tilespmem:$0x1E880] =	vst v63  }
0x2e: {  	s20 =	simm.s32 $0x14028;
	s13 =	simm.s32 $0x0  }
0x2f: {  	[tilespmem:s21], [sflag:$0x1] =	stream.indirect.gather [hbm4b:s1+s18], $0x80, s20, s18, $0xb8;
	[tilespmem:$0x1E880] =	vst v63  }
.LBB2_3:
0x30: {  	p0 =	seq.s32 s13, $0x0  }
0x31: {  	s3 =	simm.s32 @!p0 $0x5  }
0x32: {  	s4 =	smul.u32 $0x180, s13;
	_ =	swait.ge @!p0 [sflag:s3], $0x2800  }
0x33: {  	[sflag:s3] =	ssyncset.done @!p0 $0x0  }
0x34: {  	s16 =	sadd.s32 $0x14080, s4;
	[sflag:s3] =	ssyncadd.s32 @!p0 $0xFFFFD800  }
0x35: {  	[tilespmem:s22], [sflag:$0x2] =	stream.indirect.gather [hbm4b:s1+s18], $0x80, s16, s18, $0xb8;
	[tilespmem:$0x1E880] =	vst v63  }
0x36: {  	s17 =	sadd.s32 $0x140A8, s4  }
0x37: {  	[tilespmem:s23], [sflag:$0x2] =	stream.indirect.gather [hbm4b:s1+s18], $0x80, s17, s18, $0xb8;
	[tilespmem:$0x1E880] =	vst v63  }
0x38: {  	_ =	swait.ge [sflag:s24], $0x1400  }
0x39: {  	[sflag:s24] =	ssyncset.done $0x0  }
0x3a: {  	[sflag:s24] =	ssyncadd.s32 $0xFFFFEC00  }
0x3b: {  	_ =	swait.ge [sflag:s24], $0x1400  }
0x3c: {  	[sflag:s24] =	ssyncset.done $0x0  }
0x3d: {  	[sflag:s24] =	ssyncadd.s32 $0xFFFFEC00  }
0x3e: {  	v0 =	vld [tilespmem:s4+$0x16000];
	_ =	sdelay $0x4  }
0x3f: {  	[tilespmem:$0x17000] =	vst v0  }
0x40: {  	v0 =	vld [tilespmem:s4+$0x16010];
	_ =	sdelay $0x4  }
0x41: {  	[tilespmem:$0x17010] =	vst v0  }
0x42: {  	v0 =	vld [tilespmem:s4+$0x16020];
	_ =	sdelay $0x4  }
0x43: {  	[tilespmem:$0x17020] =	vst v0  }
0x44: {  	v0 =	vld [tilespmem:s4+$0x16030];
	_ =	sdelay $0x3  }
0x45: {  	v1 =	vmov s9  }
0x46: {  	[tilespmem:$0x17030] =	vst v0;
	v0 =	vand.u32 $0xFFFFFFFE, v1  }
0x47: {  	v1 =	vld [tilespmem:s4+$0x16040];
	v0 =	vbroadcast v0, $0x0;
	_ =	sdelay $0x4  }
0x48: {  	[tilespmem:$0x17040] =	vst v1  }
0x49: {  	s17 =	simm.s32 $0x17100;
	v1 =	vld.idx.msk [tilespmem:v0+s25+$0x0], $0xffff  }
0x4a: {  	v0 =	vld [tilespmem:s17+$0xFFFFFFF0]  }
0x4b: {  	v2 =	vld [tilespmem:s17+$0xFFFFFF80]  }
0x4c: {  	s20 =	simm.s32 $0x1;
	v5 =	vld [tilespmem:s17+$0xFFFFFF90]  }
0x4d: {  	v6 =	vmov s20;
	v7 =	vld [tilespmem:s17+$0xFFFFFFA0]  }
0x4e: {  	v10 =	vld [tilespmem:s17+$0xFFFFFFB0]  }
0x4f: {  	v4 =	vld [tilespmem:s17+$0xFFFFFFC0]  }
0x50: {  	v3 =	vld [tilespmem:s17+$0xFFFFFFD0];
	v8 =	vmul.f32 v0, v1  }
0x51: {  	v9 =	vmul.f32 v2, v1;
	v2 =	vld [tilespmem:s17+$0xFFFFFFE0]  }
0x52: {  	v0 =	vld.idx.msk [tilespmem:v6+s25+$0x0], $0xffff;
	v5 =	vmul.f32 v5, v1;
	[tilespmem:s17+$0xFFFFFFF0] =	vst v8  }
0x53: {  	s3 =	simm.s32 $0x2;
	v6 =	vld [tilespmem:s17+$0x0];
	[tilespmem:s17+$0xFFFFFF80] =	vst v9;
	v8 =	vmul.f32 v7, v1  }
0x54: {  	s6 =	simm.s32 $0x4;
	s20 =	simm.s32 $0x17100;
	s16 =	sadd.s32 $0x80, s4;
	v9 =	vmov s3;
	[tilespmem:s17+$0xFFFFFF90] =	vst v5;
	v7 =	vmul.f32 v10, v1;
	v5 =	vld [tilespmem:s17+$0x10]  }
.LBB2_4:
0x55: {  	p1 =	slt.u32 s6, $0x4E;
	v9 =	vand.u32 $0xFFFFFFFE, v9;
	s7 =	sadd.s32 $0x1, s3;
	[tilespmem:s17+$0xFFFFFFA0] =	vst v8;
	v4 =	vmul.f32 v4, v1;
	v8 =	vld [tilespmem:s17+$0x20];
	s3 =	smov.u32 s6  }
0x56: {  	v9 =	vbroadcast v9, $0x0;
	v10 =	vmov s7;
	[tilespmem:s17+$0xFFFFFFB0] =	vst v7;
	v3 =	vmul.f32 v3, v1;
	v7 =	vld [tilespmem:s17+$0x30]  }
0x57: {  	[tilespmem:s17+$0xFFFFFFC0] =	vst v4;
	v1 =	vmul.f32 v2, v1;
	v2 =	vld [tilespmem:s17+$0x40]  }
0x58: {  	[tilespmem:s17+$0xFFFFFFD0] =	vst v3;
	v3 =	vmul.f32 v6, v0;
	v4 =	vld [tilespmem:s17+$0x50]  }
0x59: {  	[tilespmem:s17+$0xFFFFFFE0] =	vst v1;
	v1 =	vmul.f32 v5, v0;
	v5 =	vld [tilespmem:s17+$0x60]  }
0x5a: {  	[tilespmem:s17+$0x0] =	vst v3;
	v3 =	vmul.f32 v8, v0;
	v6 =	vld [tilespmem:s17+$0x70]  }
0x5b: {  	v8 =	vld.idx.msk [tilespmem:v10+s25+$0x0], $0xffff;
	[tilespmem:s17+$0x10] =	vst v1;
	v7 =	vmul.f32 v7, v0  }
0x5c: {  	s17 =	sadd.s32 $0x100, s17;
	v1 =	vld.idx.msk [tilespmem:v9+s25+$0x0], $0xffff;
	[tilespmem:s20+$0x20] =	vst v3;
	v2 =	vmul.f32 v2, v0  }
0x5d: {  	v3 =	vld [tilespmem:s17+$0xFFFFFFF0];
	[tilespmem:s20+$0x30] =	vst v7;
	v4 =	vmul.f32 v4, v0  }
0x5e: {  	v7 =	vld [tilespmem:s17+$0xFFFFFF80];
	[tilespmem:s20+$0x40] =	vst v2;
	v2 =	vmul.f32 v5, v0  }
0x5f: {  	v5 =	vld [tilespmem:s17+$0xFFFFFF90];
	[tilespmem:s20+$0x50] =	vst v4;
	v4 =	vmul.f32 v6, v0  }
0x60: {  	v6 =	vld [tilespmem:s17+$0xFFFFFFA0];
	[tilespmem:s20+$0x60] =	vst v2  }
0x61: {  	v0 =	vmov v8;
	v10 =	vld [tilespmem:s17+$0xFFFFFFB0];
	[tilespmem:s20+$0x70] =	vst v4;
	s20 =	smov.u32 s17  }
.Ltmp0:
0x62: {  	v4 =	vld [tilespmem:s17+$0xFFFFFFC0];
	v8 =	vmul.f32 v3, v1;
	(pc) =	sbr.rel @p1 .LBB2_4-.Ltmp0, $4  }
0x63: {  	v7 =	vmul.f32 v7, v1;
	v3 =	vld [tilespmem:s17+$0xFFFFFFD0]  }
0x64: {  	v5 =	vmul.f32 v5, v1;
	v2 =	vld [tilespmem:s17+$0xFFFFFFE0];
	[tilespmem:s17+$0xFFFFFFF0] =	vst v8  }
0x65: {  	[tilespmem:s17+$0xFFFFFF80] =	vst v7;
	v8 =	vmul.f32 v6, v1;
	v6 =	vld [tilespmem:s17+$0x0]  }
0x66: {  	s6 =	sadd.s32 $0x2, s6;
	v9 =	vmov s3;
	[tilespmem:s17+$0xFFFFFF90] =	vst v5;
	v7 =	vmul.f32 v10, v1;
	v5 =	vld [tilespmem:s17+$0x10]  }
0x67: {  	v10 =	vld [tilespmem:s17+$0x20]  }
0x68: {  	v9 =	vand.u32 $0xFFFFFFFE, v9;
	s3 =	sadd.s32 $0x1, s3;
	v11 =	vld [tilespmem:s17+$0x30]  }
0x69: {  	v13 =	vld [tilespmem:s17+$0x40];
	[tilespmem:s17+$0xFFFFFFA0] =	vst v8;
	v4 =	vmul.f32 v4, v1;
	v9 =	vbroadcast v9, $0x0;
	v12 =	vmov s3  }
0x6a: {  	v8 =	vld [tilespmem:s17+$0x50];
	[tilespmem:s17+$0xFFFFFFB0] =	vst v7;
	v3 =	vmul.f32 v3, v1  }
0x6b: {  	v7 =	vld [tilespmem:s17+$0x60];
	[tilespmem:s17+$0xFFFFFFC0] =	vst v4;
	v6 =	vmul.f32 v6, v0  }
0x6c: {  	s8 =	sadd.s32 $0x100, s17;
	v1 =	vmul.f32 v2, v1;
	v2 =	vld [tilespmem:s17+$0x70];
	[tilespmem:s17+$0xFFFFFFD0] =	vst v3  }
0x6d: {  	v3 =	vmul.f32 v5, v0;
	[tilespmem:s17+$0x0] =	vst v6;
	v6 =	vld [tilespmem:s8+$0xFFFFFFF0]  }
0x6e: {  	[tilespmem:s17+$0xFFFFFFE0] =	vst v1;
	v1 =	vmul.f32 v10, v0;
	v4 =	vld.idx.msk [tilespmem:v12+s25+$0x0], $0xffff  }
0x6f: {  	[tilespmem:s17+$0x10] =	vst v3;
	v3 =	vmul.f32 v11, v0;
	v5 =	vld.idx.msk [tilespmem:v9+s25+$0x0], $0xffff  }
0x70: {  	[tilespmem:s20+$0x20] =	vst v1;
	v1 =	vmul.f32 v13, v0;
	v9 =	vld [tilespmem:s8+$0xFFFFFF80]  }
0x71: {  	[tilespmem:s20+$0x30] =	vst v3;
	v3 =	vmul.f32 v8, v0;
	v8 =	vld [tilespmem:s8+$0xFFFFFF90]  }
0x72: {  	[tilespmem:s20+$0x40] =	vst v1;
	v1 =	vmul.f32 v7, v0;
	v7 =	vld [tilespmem:s8+$0xFFFFFFA0]  }
0x73: {  	v0 =	vmul.f32 v2, v0;
	v2 =	vld [tilespmem:s8+$0xFFFFFFB0];
	[tilespmem:s20+$0x50] =	vst v3  }
0x74: {  	[tilespmem:s20+$0x60] =	vst v1;
	v1 =	vld [tilespmem:s8+$0xFFFFFFC0];
	v3 =	vmul.f32 v6, v5  }
0x75: {  	[tilespmem:s20+$0x70] =	vst v0;
	v0 =	vmul.f32 v9, v5;
	v6 =	vld [tilespmem:s8+$0xFFFFFFD0]  }
0x76: {  	v9 =	vld [tilespmem:s8+$0xFFFFFFE0];
	v8 =	vmul.f32 v8, v5;
	[tilespmem:s8+$0xFFFFFFF0] =	vst v3  }
0x77: {  	[tilespmem:s8+$0xFFFFFF80] =	vst v0;
	v0 =	vmul.f32 v7, v5;
	v3 =	vld [tilespmem:s8+$0x0]  }
0x78: {  	v2 =	vmul.f32 v2, v5;
	v7 =	vld [tilespmem:s8+$0x10];
	[tilespmem:s8+$0xFFFFFF90] =	vst v8  }
0x79: {  	[tilespmem:s8+$0xFFFFFFA0] =	vst v0;
	v0 =	vmul.f32 v1, v5;
	v1 =	vld [tilespmem:s8+$0x20]  }
0x7a: {  	[tilespmem:s8+$0xFFFFFFB0] =	vst v2;
	v2 =	vmul.f32 v6, v5;
	v6 =	vld [tilespmem:s8+$0x30]  }
0x7b: {  	[tilespmem:s8+$0xFFFFFFC0] =	vst v0;
	v0 =	vmul.f32 v9, v5;
	v5 =	vld [tilespmem:s8+$0x40]  }
0x7c: {  	[tilespmem:s8+$0xFFFFFFD0] =	vst v2;
	v2 =	vmul.f32 v3, v4;
	v3 =	vld [tilespmem:s8+$0x50]  }
0x7d: {  	[tilespmem:s8+$0xFFFFFFE0] =	vst v0;
	v0 =	vmul.f32 v7, v4;
	v7 =	vld [tilespmem:s8+$0x60]  }
0x7e: {  	[tilespmem:s8+$0x0] =	vst v2;
	v1 =	vmul.f32 v1, v4;
	v2 =	vld [tilespmem:s8+$0x70]  }
0x7f: {  	[tilespmem:s8+$0x10] =	vst v0;
	v0 =	vmul.f32 v6, v4  }
0x80: {  	[tilespmem:s8+$0x20] =	vst v1;
	v1 =	vmul.f32 v5, v4  }
0x81: {  	[tilespmem:s8+$0x30] =	vst v0;
	v0 =	vmul.f32 v3, v4  }
0x82: {  	[tilespmem:s8+$0x40] =	vst v1;
	v1 =	vmul.f32 v7, v4  }
0x83: {  	[tilespmem:s8+$0x50] =	vst v0;
	v0 =	vmul.f32 v2, v4  }
0x84: {  	[tilespmem:s8+$0x60] =	vst v1  }
0x85: {  	s3 =	simm.s32 @!p0 $0x6;
	s20 =	sadd.s32 $0x15000, s4;
	[tilespmem:s8+$0x70] =	vst v0  }
0x86: {  	[spmem:s2] =	stream.indirect.scatter.add.f32 [tilespmem:s19], [sflag:$0x4], $0x80, s20, s26, $0xb8;
	[tilespmem:$0x1E880] =	vst v63  }
0x87: {  	_ =	swait.ge @!p0 [sflag:s3], $0x2800  }
0x88: {  	[sflag:s3] =	ssyncset.done @!p0 $0x0  }
0x89: {  	s6 =	sadd.s32 $0x14100, s4;
	[sflag:s3] =	ssyncadd.s32 @!p0 $0xFFFFD800  }
0x8a: {  	[tilespmem:s28], [sflag:$0x3] =	stream.indirect.gather [hbm4b:s1+s18], $0x80, s6, s18, $0xb8;
	[tilespmem:$0x1E880] =	vst v63  }
0x8b: {  	s7 =	sadd.s32 $0x14128, s4  }
0x8c: {  	[tilespmem:s29], [sflag:$0x3] =	stream.indirect.gather [hbm4b:s1+s18], $0x80, s7, s18, $0xb8;
	[tilespmem:$0x1E880] =	vst v63  }
0x8d: {  	_ =	swait.ge [sflag:s30], $0x1400  }
0x8e: {  	[sflag:s30] =	ssyncset.done $0x0  }
0x8f: {  	[sflag:s30] =	ssyncadd.s32 $0xFFFFEC00  }
0x90: {  	_ =	swait.ge [sflag:s30], $0x1400  }
0x91: {  	[sflag:s30] =	ssyncset.done $0x0  }
0x92: {  	[sflag:s30] =	ssyncadd.s32 $0xFFFFEC00  }
0x93: {  	v0 =	vld [tilespmem:s16+$0x16000];
	_ =	sdelay $0x4  }
0x94: {  	[tilespmem:$0x17000] =	vst v0  }
0x95: {  	v0 =	vld [tilespmem:s4+$0x16090];
	_ =	sdelay $0x4  }
0x96: {  	[tilespmem:$0x17010] =	vst v0  }
0x97: {  	v0 =	vld [tilespmem:s4+$0x160A0];
	_ =	sdelay $0x4  }
0x98: {  	[tilespmem:$0x17020] =	vst v0  }
0x99: {  	v0 =	vld [tilespmem:s4+$0x160B0];
	_ =	sdelay $0x2  }
0x9a: {  	s8 =	simm.s32 $0x0  }
0x9b: {  	v1 =	vmov s8  }
0x9c: {  	[tilespmem:$0x17030] =	vst v0;
	v0 =	vand.u32 $0xFFFFFFFE, v1  }
0x9d: {  	v1 =	vld [tilespmem:s4+$0x160C0];
	v0 =	vbroadcast v0, $0x0;
	_ =	sdelay $0x4  }
0x9e: {  	[tilespmem:$0x17040] =	vst v1  }
0x9f: {  	s20 =	simm.s32 $0x19900;
	v1 =	vld.idx.msk [tilespmem:v0+s25+$0x0], $0xffff  }
0xa0: {  	v0 =	vld [tilespmem:s20+$0xFFFFFFF0]  }
0xa1: {  	v2 =	vld [tilespmem:s20+$0xFFFFFF80]  }
0xa2: {  	s17 =	simm.s32 $0x1;
	v5 =	vld [tilespmem:s20+$0xFFFFFF90]  }
0xa3: {  	v6 =	vmov s17;
	v7 =	vld [tilespmem:s20+$0xFFFFFFA0]  }
0xa4: {  	v10 =	vld [tilespmem:s20+$0xFFFFFFB0]  }
0xa5: {  	v4 =	vld [tilespmem:s20+$0xFFFFFFC0]  }
0xa6: {  	v3 =	vld [tilespmem:s20+$0xFFFFFFD0];
	v8 =	vmul.f32 v0, v1  }
0xa7: {  	v9 =	vmul.f32 v2, v1;
	v2 =	vld [tilespmem:s20+$0xFFFFFFE0]  }
0xa8: {  	v0 =	vld.idx.msk [tilespmem:v6+s25+$0x0], $0xffff;
	v5 =	vmul.f32 v5, v1;
	[tilespmem:s20+$0xFFFFFFF0] =	vst v8  }
0xa9: {  	s6 =	simm.s32 $0x2;
	v6 =	vld [tilespmem:s20+$0x0];
	[tilespmem:s20+$0xFFFFFF80] =	vst v9;
	v8 =	vmul.f32 v7, v1  }
0xaa: {  	s17 =	sadd.s32 $0x100, s4;
	s3 =	simm.s32 $0x19900;
	s7 =	simm.s32 $0x4;
	v9 =	vmov s6;
	[tilespmem:s20+$0xFFFFFF90] =	vst v5;
	v7 =	vmul.f32 v10, v1;
	v5 =	vld [tilespmem:s20+$0x10]  }
.LBB2_6:
0xab: {  	p0 =	slt.u32 s7, $0x4E;
	v9 =	vand.u32 $0xFFFFFFFE, v9;
	s8 =	sadd.s32 $0x1, s6;
	[tilespmem:s20+$0xFFFFFFA0] =	vst v8;
	v4 =	vmul.f32 v4, v1;
	v8 =	vld [tilespmem:s20+$0x20];
	s6 =	smov.u32 s7  }
0xac: {  	v9 =	vbroadcast v9, $0x0;
	v10 =	vmov s8;
	[tilespmem:s20+$0xFFFFFFB0] =	vst v7;
	v3 =	vmul.f32 v3, v1;
	v7 =	vld [tilespmem:s20+$0x30]  }
0xad: {  	[tilespmem:s20+$0xFFFFFFC0] =	vst v4;
	v1 =	vmul.f32 v2, v1;
	v2 =	vld [tilespmem:s20+$0x40]  }
0xae: {  	[tilespmem:s20+$0xFFFFFFD0] =	vst v3;
	v3 =	vmul.f32 v6, v0;
	v4 =	vld [tilespmem:s20+$0x50]  }
0xaf: {  	[tilespmem:s20+$0xFFFFFFE0] =	vst v1;
	v1 =	vmul.f32 v5, v0;
	v5 =	vld [tilespmem:s20+$0x60]  }
0xb0: {  	[tilespmem:s20+$0x0] =	vst v3;
	v3 =	vmul.f32 v8, v0;
	v6 =	vld [tilespmem:s20+$0x70]  }
0xb1: {  	v8 =	vld.idx.msk [tilespmem:v10+s25+$0x0], $0xffff;
	[tilespmem:s20+$0x10] =	vst v1;
	v7 =	vmul.f32 v7, v0  }
0xb2: {  	s20 =	sadd.s32 $0x100, s20;
	v1 =	vld.idx.msk [tilespmem:v9+s25+$0x0], $0xffff;
	[tilespmem:s3+$0x20] =	vst v3;
	v2 =	vmul.f32 v2, v0  }
0xb3: {  	v3 =	vld [tilespmem:s20+$0xFFFFFFF0];
	[tilespmem:s3+$0x30] =	vst v7;
	v4 =	vmul.f32 v4, v0  }
0xb4: {  	v7 =	vld [tilespmem:s20+$0xFFFFFF80];
	[tilespmem:s3+$0x40] =	vst v2;
	v2 =	vmul.f32 v5, v0  }
0xb5: {  	v5 =	vld [tilespmem:s20+$0xFFFFFF90];
	[tilespmem:s3+$0x50] =	vst v4;
	v4 =	vmul.f32 v6, v0  }
0xb6: {  	v6 =	vld [tilespmem:s20+$0xFFFFFFA0];
	[tilespmem:s3+$0x60] =	vst v2  }
0xb7: {  	v0 =	vmov v8;
	v10 =	vld [tilespmem:s20+$0xFFFFFFB0];
	[tilespmem:s3+$0x70] =	vst v4;
	s3 =	smov.u32 s20  }
.Ltmp1:
0xb8: {  	v4 =	vld [tilespmem:s20+$0xFFFFFFC0];
	v8 =	vmul.f32 v3, v1;
	(pc) =	sbr.rel @p0 .LBB2_6-.Ltmp1, $4  }
0xb9: {  	v7 =	vmul.f32 v7, v1;
	v3 =	vld [tilespmem:s20+$0xFFFFFFD0]  }
0xba: {  	v5 =	vmul.f32 v5, v1;
	v2 =	vld [tilespmem:s20+$0xFFFFFFE0];
	[tilespmem:s20+$0xFFFFFFF0] =	vst v8  }
0xbb: {  	[tilespmem:s20+$0xFFFFFF80] =	vst v7;
	v8 =	vmul.f32 v6, v1;
	v6 =	vld [tilespmem:s20+$0x0]  }
0xbc: {  	s7 =	sadd.s32 $0x2, s7;
	v9 =	vmov s6;
	[tilespmem:s20+$0xFFFFFF90] =	vst v5;
	v7 =	vmul.f32 v10, v1;
	v5 =	vld [tilespmem:s20+$0x10]  }
0xbd: {  	v10 =	vld [tilespmem:s20+$0x20]  }
0xbe: {  	v9 =	vand.u32 $0xFFFFFFFE, v9;
	s6 =	sadd.s32 $0x1, s6;
	v11 =	vld [tilespmem:s20+$0x30]  }
0xbf: {  	v13 =	vld [tilespmem:s20+$0x40];
	[tilespmem:s20+$0xFFFFFFA0] =	vst v8;
	v4 =	vmul.f32 v4, v1;
	v9 =	vbroadcast v9, $0x0;
	v12 =	vmov s6  }
0xc0: {  	v8 =	vld [tilespmem:s20+$0x50];
	[tilespmem:s20+$0xFFFFFFB0] =	vst v7;
	v3 =	vmul.f32 v3, v1  }
0xc1: {  	v7 =	vld [tilespmem:s20+$0x60];
	[tilespmem:s20+$0xFFFFFFC0] =	vst v4;
	v6 =	vmul.f32 v6, v0  }
0xc2: {  	s8 =	sadd.s32 $0x100, s20;
	v1 =	vmul.f32 v2, v1;
	v2 =	vld [tilespmem:s20+$0x70];
	[tilespmem:s20+$0xFFFFFFD0] =	vst v3  }
0xc3: {  	v3 =	vmul.f32 v5, v0;
	[tilespmem:s20+$0x0] =	vst v6;
	v6 =	vld [tilespmem:s8+$0xFFFFFFF0]  }
0xc4: {  	[tilespmem:s20+$0xFFFFFFE0] =	vst v1;
	v1 =	vmul.f32 v10, v0;
	v4 =	vld.idx.msk [tilespmem:v12+s25+$0x0], $0xffff  }
0xc5: {  	[tilespmem:s20+$0x10] =	vst v3;
	v3 =	vmul.f32 v11, v0;
	v5 =	vld.idx.msk [tilespmem:v9+s25+$0x0], $0xffff  }
0xc6: {  	[tilespmem:s3+$0x20] =	vst v1;
	v1 =	vmul.f32 v13, v0;
	v9 =	vld [tilespmem:s8+$0xFFFFFF80]  }
0xc7: {  	[tilespmem:s3+$0x30] =	vst v3;
	v3 =	vmul.f32 v8, v0;
	v8 =	vld [tilespmem:s8+$0xFFFFFF90]  }
0xc8: {  	[tilespmem:s3+$0x40] =	vst v1;
	v1 =	vmul.f32 v7, v0;
	v7 =	vld [tilespmem:s8+$0xFFFFFFA0]  }
0xc9: {  	v0 =	vmul.f32 v2, v0;
	v2 =	vld [tilespmem:s8+$0xFFFFFFB0];
	[tilespmem:s3+$0x50] =	vst v3  }
0xca: {  	[tilespmem:s3+$0x60] =	vst v1;
	v1 =	vld [tilespmem:s8+$0xFFFFFFC0];
	v3 =	vmul.f32 v6, v5  }
0xcb: {  	[tilespmem:s3+$0x70] =	vst v0;
	v0 =	vmul.f32 v9, v5;
	v6 =	vld [tilespmem:s8+$0xFFFFFFD0]  }
0xcc: {  	v9 =	vld [tilespmem:s8+$0xFFFFFFE0];
	v8 =	vmul.f32 v8, v5;
	[tilespmem:s8+$0xFFFFFFF0] =	vst v3  }
0xcd: {  	[tilespmem:s8+$0xFFFFFF80] =	vst v0;
	v0 =	vmul.f32 v7, v5;
	v3 =	vld [tilespmem:s8+$0x0]  }
0xce: {  	v2 =	vmul.f32 v2, v5;
	v7 =	vld [tilespmem:s8+$0x10];
	[tilespmem:s8+$0xFFFFFF90] =	vst v8  }
0xcf: {  	[tilespmem:s8+$0xFFFFFFA0] =	vst v0;
	v0 =	vmul.f32 v1, v5;
	v1 =	vld [tilespmem:s8+$0x20]  }
0xd0: {  	[tilespmem:s8+$0xFFFFFFB0] =	vst v2;
	v2 =	vmul.f32 v6, v5;
	v6 =	vld [tilespmem:s8+$0x30]  }
0xd1: {  	[tilespmem:s8+$0xFFFFFFC0] =	vst v0;
	v0 =	vmul.f32 v9, v5;
	v5 =	vld [tilespmem:s8+$0x40]  }
0xd2: {  	[tilespmem:s8+$0xFFFFFFD0] =	vst v2;
	v2 =	vmul.f32 v3, v4;
	v3 =	vld [tilespmem:s8+$0x50]  }
0xd3: {  	[tilespmem:s8+$0xFFFFFFE0] =	vst v0;
	v0 =	vmul.f32 v7, v4;
	v7 =	vld [tilespmem:s8+$0x60]  }
0xd4: {  	[tilespmem:s8+$0x0] =	vst v2;
	v1 =	vmul.f32 v1, v4;
	v2 =	vld [tilespmem:s8+$0x70]  }
0xd5: {  	[tilespmem:s8+$0x10] =	vst v0;
	v0 =	vmul.f32 v6, v4  }
0xd6: {  	[tilespmem:s8+$0x20] =	vst v1;
	v1 =	vmul.f32 v5, v4  }
0xd7: {  	[tilespmem:s8+$0x30] =	vst v0;
	v0 =	vmul.f32 v3, v4  }
0xd8: {  	[tilespmem:s8+$0x40] =	vst v1;
	v1 =	vmul.f32 v7, v4  }
0xd9: {  	[tilespmem:s8+$0x50] =	vst v0;
	v0 =	vmul.f32 v2, v4  }
0xda: {  	[tilespmem:s8+$0x60] =	vst v1  }
0xdb: {  	s6 =	sadd.s32 $0x15000, s16;
	[tilespmem:s8+$0x70] =	vst v0  }
0xdc: {  	[spmem:s2] =	stream.indirect.scatter.add.f32 [tilespmem:s22], [sflag:$0x5], $0x80, s6, s26, $0xb8;
	[tilespmem:$0x1E880] =	vst v63  }
0xdd: {  	_ =	swait.ge [sflag:s31], $0x2800  }
0xde: {  	[sflag:s31] =	ssyncset.done $0x0  }
0xdf: {  	s7 =	sadd.s32 $0x14180, s4;
	[sflag:s31] =	ssyncadd.s32 $0xFFFFD800  }
0xe0: {  	[tilespmem:s19], [sflag:$0x1] =	stream.indirect.gather [hbm4b:s1+s18], $0x80, s7, s18, $0xb8;
	[tilespmem:$0x1E880] =	vst v63  }
0xe1: {  	s8 =	sadd.s32 $0x141A8, s4  }
0xe2: {  	[tilespmem:s21], [sflag:$0x1] =	stream.indirect.gather [hbm4b:s1+s18], $0x80, s8, s18, $0xb8;
	[tilespmem:$0x1E880] =	vst v63  }
0xe3: {  	_ =	swait.ge [sflag:s0], $0x1400  }
0xe4: {  	[sflag:s0] =	ssyncset.done $0x0  }
0xe5: {  	[sflag:s0] =	ssyncadd.s32 $0xFFFFEC00  }
0xe6: {  	_ =	swait.ge [sflag:s0], $0x1400  }
0xe7: {  	[sflag:s0] =	ssyncset.done $0x0  }
0xe8: {  	[sflag:s0] =	ssyncadd.s32 $0xFFFFEC00  }
0xe9: {  	v0 =	vld [tilespmem:s17+$0x16000];
	_ =	sdelay $0x4  }
0xea: {  	[tilespmem:$0x17000] =	vst v0  }
0xeb: {  	v0 =	vld [tilespmem:s4+$0x16110];
	_ =	sdelay $0x4  }
0xec: {  	[tilespmem:$0x17010] =	vst v0  }
0xed: {  	v0 =	vld [tilespmem:s4+$0x16120];
	_ =	sdelay $0x4  }
0xee: {  	[tilespmem:$0x17020] =	vst v0  }
0xef: {  	v0 =	vld [tilespmem:s4+$0x16130];
	_ =	sdelay $0x2  }
0xf0: {  	s16 =	simm.s32 $0x0  }
0xf1: {  	v1 =	vmov s16  }
0xf2: {  	[tilespmem:$0x17030] =	vst v0;
	v0 =	vand.u32 $0xFFFFFFFE, v1  }
0xf3: {  	v1 =	vld [tilespmem:s4+$0x16140];
	v0 =	vbroadcast v0, $0x0;
	_ =	sdelay $0x4  }
0xf4: {  	[tilespmem:$0x17040] =	vst v1  }
0xf5: {  	s4 =	simm.s32 $0x1C100;
	v1 =	vld.idx.msk [tilespmem:v0+s25+$0x0], $0xffff  }
0xf6: {  	v0 =	vld [tilespmem:s4+$0xFFFFFFF0]  }
0xf7: {  	v2 =	vld [tilespmem:s4+$0xFFFFFF80]  }
0xf8: {  	s20 =	simm.s32 $0x1;
	v5 =	vld [tilespmem:s4+$0xFFFFFF90]  }
0xf9: {  	v6 =	vmov s20;
	v7 =	vld [tilespmem:s4+$0xFFFFFFA0]  }
0xfa: {  	v10 =	vld [tilespmem:s4+$0xFFFFFFB0]  }
0xfb: {  	v4 =	vld [tilespmem:s4+$0xFFFFFFC0]  }
0xfc: {  	v3 =	vld [tilespmem:s4+$0xFFFFFFD0];
	v8 =	vmul.f32 v0, v1  }
0xfd: {  	v9 =	vmul.f32 v2, v1;
	v2 =	vld [tilespmem:s4+$0xFFFFFFE0]  }
0xfe: {  	v0 =	vld.idx.msk [tilespmem:v6+s25+$0x0], $0xffff;
	v5 =	vmul.f32 v5, v1;
	[tilespmem:s4+$0xFFFFFFF0] =	vst v8  }
0xff: {  	s6 =	simm.s32 $0x2;
	v6 =	vld [tilespmem:s4+$0x0];
	[tilespmem:s4+$0xFFFFFF80] =	vst v9;
	v8 =	vmul.f32 v7, v1  }
0x100: {  	s3 =	simm.s32 $0x1C100;
	s7 =	simm.s32 $0x4;
	v9 =	vmov s6;
	[tilespmem:s4+$0xFFFFFF90] =	vst v5;
	v7 =	vmul.f32 v10, v1;
	v5 =	vld [tilespmem:s4+$0x10]  }
.LBB2_8:
0x101: {  	p0 =	slt.u32 s7, $0x4E;
	v9 =	vand.u32 $0xFFFFFFFE, v9;
	s8 =	sadd.s32 $0x1, s6;
	[tilespmem:s4+$0xFFFFFFA0] =	vst v8;
	v4 =	vmul.f32 v4, v1;
	v8 =	vld [tilespmem:s4+$0x20];
	s6 =	smov.u32 s7  }
0x102: {  	v9 =	vbroadcast v9, $0x0;
	v10 =	vmov s8;
	[tilespmem:s4+$0xFFFFFFB0] =	vst v7;
	v3 =	vmul.f32 v3, v1;
	v7 =	vld [tilespmem:s4+$0x30]  }
0x103: {  	[tilespmem:s4+$0xFFFFFFC0] =	vst v4;
	v1 =	vmul.f32 v2, v1;
	v2 =	vld [tilespmem:s4+$0x40]  }
0x104: {  	[tilespmem:s4+$0xFFFFFFD0] =	vst v3;
	v3 =	vmul.f32 v6, v0;
	v4 =	vld [tilespmem:s4+$0x50]  }
0x105: {  	[tilespmem:s4+$0xFFFFFFE0] =	vst v1;
	v1 =	vmul.f32 v5, v0;
	v5 =	vld [tilespmem:s4+$0x60]  }
0x106: {  	[tilespmem:s4+$0x0] =	vst v3;
	v3 =	vmul.f32 v8, v0;
	v6 =	vld [tilespmem:s4+$0x70]  }
0x107: {  	v8 =	vld.idx.msk [tilespmem:v10+s25+$0x0], $0xffff;
	[tilespmem:s4+$0x10] =	vst v1;
	v7 =	vmul.f32 v7, v0  }
0x108: {  	s4 =	sadd.s32 $0x100, s4;
	v1 =	vld.idx.msk [tilespmem:v9+s25+$0x0], $0xffff;
	[tilespmem:s3+$0x20] =	vst v3;
	v2 =	vmul.f32 v2, v0  }
0x109: {  	v3 =	vld [tilespmem:s4+$0xFFFFFFF0];
	[tilespmem:s3+$0x30] =	vst v7;
	v4 =	vmul.f32 v4, v0  }
0x10a: {  	v7 =	vld [tilespmem:s4+$0xFFFFFF80];
	[tilespmem:s3+$0x40] =	vst v2;
	v2 =	vmul.f32 v5, v0  }
0x10b: {  	v5 =	vld [tilespmem:s4+$0xFFFFFF90];
	[tilespmem:s3+$0x50] =	vst v4;
	v4 =	vmul.f32 v6, v0  }
0x10c: {  	v6 =	vld [tilespmem:s4+$0xFFFFFFA0];
	[tilespmem:s3+$0x60] =	vst v2  }
0x10d: {  	v0 =	vmov v8;
	v10 =	vld [tilespmem:s4+$0xFFFFFFB0];
	[tilespmem:s3+$0x70] =	vst v4;
	s3 =	smov.u32 s4  }
.Ltmp2:
0x10e: {  	v4 =	vld [tilespmem:s4+$0xFFFFFFC0];
	v8 =	vmul.f32 v3, v1;
	(pc) =	sbr.rel @p0 .LBB2_8-.Ltmp2, $4  }
0x10f: {  	v7 =	vmul.f32 v7, v1;
	v3 =	vld [tilespmem:s4+$0xFFFFFFD0]  }
0x110: {  	v5 =	vmul.f32 v5, v1;
	v2 =	vld [tilespmem:s4+$0xFFFFFFE0];
	[tilespmem:s4+$0xFFFFFFF0] =	vst v8  }
0x111: {  	[tilespmem:s4+$0xFFFFFF80] =	vst v7;
	v8 =	vmul.f32 v6, v1;
	v6 =	vld [tilespmem:s4+$0x0]  }
0x112: {  	s7 =	sadd.s32 $0x2, s7;
	v9 =	vmov s6;
	[tilespmem:s4+$0xFFFFFF90] =	vst v5;
	v7 =	vmul.f32 v10, v1;
	v5 =	vld [tilespmem:s4+$0x10]  }
0x113: {  	v10 =	vld [tilespmem:s4+$0x20]  }
0x114: {  	v11 =	vld [tilespmem:s4+$0x30]  }
0x115: {  	s6 =	sadd.s32 $0x1, s6;
	v13 =	vld [tilespmem:s4+$0x40];
	[tilespmem:s4+$0xFFFFFFA0] =	vst v8;
	v4 =	vmul.f32 v4, v1  }
0x116: {  	v22 =	vld [tilespmem:s4+$0x50];
	v12 =	vmov s6;
	[tilespmem:s4+$0xFFFFFFB0] =	vst v7;
	v3 =	vmul.f32 v3, v1  }
0x117: {  	v23 =	vld [tilespmem:s4+$0x60];
	[tilespmem:s4+$0xFFFFFFC0] =	vst v4;
	v24 =	vmul.f32 v2, v1  }
0x118: {  	v25 =	vld [tilespmem:s4+$0x70];
	s16 =	sadd.s32 $0x100, s4;
	v6 =	vmul.f32 v6, v0;
	[tilespmem:s4+$0xFFFFFFD0] =	vst v3  }
0x119: {  	v31 =	vld [tilespmem:s16+$0xFFFFFFF0];
	v26 =	vmul.f32 v5, v0;
	[tilespmem:s4+$0xFFFFFFE0] =	vst v24  }
0x11a: {  	v46 =	vld [tilespmem:s16+$0x0];
	[tilespmem:s4+$0x0] =	vst v6;
	v28 =	vmul.f32 v10, v0  }
0x11b: {  	v30 =	vmul.f32 v11, v0;
	v27 =	vld.idx.msk [tilespmem:v12+s25+$0x0], $0xffff;
	[tilespmem:s4+$0x10] =	vst v26  }
0x11c: {  	v9 =	vand.u32 $0xFFFFFFFE, v9;
	v47 =	vld [tilespmem:s16+$0x10];
	v32 =	vmul.f32 v13, v0;
	[tilespmem:s3+$0x20] =	vst v28  }
0x11d: {  	v9 =	vbroadcast v9, $0x0;
	v49 =	vld [tilespmem:s16+$0x20];
	v34 =	vmul.f32 v22, v0;
	[tilespmem:s3+$0x30] =	vst v30  }
0x11e: {  	v51 =	vld [tilespmem:s16+$0x30];
	v36 =	vmul.f32 v23, v0;
	[tilespmem:s3+$0x40] =	vst v32  }
0x11f: {  	v53 =	vld [tilespmem:s16+$0x40];
	v38 =	vmul.f32 v25, v0;
	[tilespmem:s3+$0x50] =	vst v34  }
0x120: {  	v55 =	vld [tilespmem:s16+$0x50];
	[tilespmem:s3+$0x60] =	vst v36;
	v54 =	vmul.f32 v46, v27  }
0x121: {  	v57 =	vld [tilespmem:s16+$0x60];
	[tilespmem:s3+$0x70] =	vst v38;
	v56 =	vmul.f32 v47, v27  }
0x122: {  	v58 =	vld [tilespmem:s16+$0x70];
	v1 =	vmul.f32 v49, v27;
	[tilespmem:s16+$0x0] =	vst v54  }
0x123: {  	v29 =	vld.idx.msk [tilespmem:v9+s25+$0x0], $0xffff;
	v59 =	vmul.f32 v51, v27;
	[tilespmem:s16+$0x10] =	vst v56  }
0x124: {  	v33 =	vld [tilespmem:s16+$0xFFFFFF80];
	v60 =	vmul.f32 v53, v27;
	[tilespmem:s16+$0x20] =	vst v1  }
0x125: {  	v35 =	vld [tilespmem:s16+$0xFFFFFF90];
	v61 =	vmul.f32 v55, v27;
	[tilespmem:s16+$0x30] =	vst v59  }
0x126: {  	v37 =	vld [tilespmem:s16+$0xFFFFFFA0];
	v62 =	vmul.f32 v57, v27;
	[tilespmem:s16+$0x40] =	vst v60  }
0x127: {  	v39 =	vld [tilespmem:s16+$0xFFFFFFB0];
	v63 =	vmul.f32 v58, v27;
	[tilespmem:s16+$0x50] =	vst v61  }
0x128: {  	v40 =	vld [tilespmem:s16+$0xFFFFFFC0];
	v41 =	vmul.f32 v31, v29;
	[tilespmem:s16+$0x60] =	vst v62  }
0x129: {  	v43 =	vld [tilespmem:s16+$0xFFFFFFD0];
	v42 =	vmul.f32 v33, v29;
	[tilespmem:s16+$0x70] =	vst v63  }
0x12a: {  	v44 =	vld [tilespmem:s16+$0xFFFFFFE0];
	v8 =	vmul.f32 v35, v29;
	[tilespmem:s16+$0xFFFFFFF0] =	vst v41  }
0x12b: {  	v45 =	vmul.f32 v37, v29;
	[tilespmem:s16+$0xFFFFFF80] =	vst v42  }
0x12c: {  	s13 =	sadd.s32 $0x1, s13;
	v2 =	vmul.f32 v39, v29;
	[tilespmem:s16+$0xFFFFFF90] =	vst v8  }
0x12d: {  	p0 =	sne.s32 s13, $0x8;
	v48 =	vmul.f32 v40, v29;
	[tilespmem:s16+$0xFFFFFFA0] =	vst v45  }
.Ltmp3:
0x12e: {  	v50 =	vmul.f32 v43, v29;
	[tilespmem:s16+$0xFFFFFFB0] =	vst v2;
	(pc) =	sbr.rel @p0 .LBB2_3-.Ltmp3, $4  }
0x12f: {  	v52 =	vmul.f32 v44, v29;
	[tilespmem:s16+$0xFFFFFFC0] =	vst v48  }
0x130: {  	[tilespmem:s16+$0xFFFFFFD0] =	vst v50  }
0x131: {  	s20 =	sadd.s32 $0x15000, s17;
	[tilespmem:s16+$0xFFFFFFE0] =	vst v52  }
0x132: {  	[spmem:s2] =	stream.indirect.scatter.add.f32 [tilespmem:s28], [sflag:$0x6], $0x80, s20, s26, $0xb8;
	[tilespmem:$0x1E880] =	vst v63  }
0x133: {  	_ =	swait.ge [sflag:s24], $0x1400  }
0x134: {  	[sflag:s24] =	ssyncset.done $0x0  }
0x135: {  	[sflag:s24] =	ssyncadd.s32 $0xFFFFEC00  }
0x136: {  	_ =	swait.ge [sflag:s24], $0x1400  }
0x137: {  	[sflag:s24] =	ssyncset.done $0x0  }
0x138: {  	[sflag:s24] =	ssyncadd.s32 $0xFFFFEC00  }
0x139: {  	v0 =	vld [tilespmem:$0x16C00]  }
0x13a: {  	s3 =	simm.s32 $0x0;
	v1 =	vld [tilespmem:$0x16C10]  }
0x13b: {  	v3 =	vmov s3;
	v2 =	vld [tilespmem:$0x16C20]  }
0x13c: {  	v3 =	vand.u32 $0xFFFFFFFE, v3;
	v4 =	vld [tilespmem:$0x16C30]  }
0x13d: {  	v3 =	vbroadcast v3, $0x0;
	v5 =	vld [tilespmem:$0x16C40]  }
0x13e: {  	[tilespmem:$0x17000] =	vst v0  }
0x13f: {  	[tilespmem:$0x17010] =	vst v1  }
0x140: {  	[tilespmem:$0x17020] =	vst v2  }
0x141: {  	[tilespmem:$0x17030] =	vst v4  }
0x142: {  	[tilespmem:$0x17040] =	vst v5  }
0x143: {  	s4 =	simm.s32 $0x17100;
	v1 =	vld.idx.msk [tilespmem:v3+s25+$0x0], $0xffff  }
0x144: {  	v0 =	vld [tilespmem:s4+$0xFFFFFFF0]  }
0x145: {  	v2 =	vld [tilespmem:s4+$0xFFFFFF80]  }
0x146: {  	s20 =	simm.s32 $0x1;
	v5 =	vld [tilespmem:s4+$0xFFFFFF90]  }
0x147: {  	v6 =	vmov s20;
	v7 =	vld [tilespmem:s4+$0xFFFFFFA0]  }
0x148: {  	v10 =	vld [tilespmem:s4+$0xFFFFFFB0]  }
0x149: {  	v4 =	vld [tilespmem:s4+$0xFFFFFFC0]  }
0x14a: {  	v3 =	vld [tilespmem:s4+$0xFFFFFFD0];
	v8 =	vmul.f32 v0, v1  }
0x14b: {  	v9 =	vmul.f32 v2, v1;
	v2 =	vld [tilespmem:s4+$0xFFFFFFE0]  }
0x14c: {  	v0 =	vld.idx.msk [tilespmem:v6+s25+$0x0], $0xffff;
	v5 =	vmul.f32 v5, v1;
	[tilespmem:s4+$0xFFFFFFF0] =	vst v8  }
0x14d: {  	s6 =	simm.s32 $0x2;
	v6 =	vld [tilespmem:s4+$0x0];
	[tilespmem:s4+$0xFFFFFF80] =	vst v9;
	v8 =	vmul.f32 v7, v1  }
0x14e: {  	s7 =	simm.s32 $0x4;
	s3 =	simm.s32 $0x17100;
	v9 =	vmov s6;
	[tilespmem:s4+$0xFFFFFF90] =	vst v5;
	v7 =	vmul.f32 v10, v1;
	v5 =	vld [tilespmem:s4+$0x10]  }
.LBB2_11:
0x14f: {  	p0 =	slt.u32 s7, $0x4E;
	v9 =	vand.u32 $0xFFFFFFFE, v9;
	s8 =	sadd.s32 $0x1, s6;
	[tilespmem:s4+$0xFFFFFFA0] =	vst v8;
	v4 =	vmul.f32 v4, v1;
	v8 =	vld [tilespmem:s4+$0x20];
	s6 =	smov.u32 s7  }
0x150: {  	v9 =	vbroadcast v9, $0x0;
	v10 =	vmov s8;
	[tilespmem:s4+$0xFFFFFFB0] =	vst v7;
	v3 =	vmul.f32 v3, v1;
	v7 =	vld [tilespmem:s4+$0x30]  }
0x151: {  	[tilespmem:s4+$0xFFFFFFC0] =	vst v4;
	v1 =	vmul.f32 v2, v1;
	v2 =	vld [tilespmem:s4+$0x40]  }
0x152: {  	[tilespmem:s4+$0xFFFFFFD0] =	vst v3;
	v3 =	vmul.f32 v6, v0;
	v4 =	vld [tilespmem:s4+$0x50]  }
0x153: {  	[tilespmem:s4+$0xFFFFFFE0] =	vst v1;
	v1 =	vmul.f32 v5, v0;
	v5 =	vld [tilespmem:s4+$0x60]  }
0x154: {  	[tilespmem:s4+$0x0] =	vst v3;
	v3 =	vmul.f32 v8, v0;
	v6 =	vld [tilespmem:s4+$0x70]  }
0x155: {  	v8 =	vld.idx.msk [tilespmem:v10+s25+$0x0], $0xffff;
	[tilespmem:s4+$0x10] =	vst v1;
	v7 =	vmul.f32 v7, v0  }
0x156: {  	s4 =	sadd.s32 $0x100, s4;
	v1 =	vld.idx.msk [tilespmem:v9+s25+$0x0], $0xffff;
	[tilespmem:s3+$0x20] =	vst v3;
	v2 =	vmul.f32 v2, v0  }
0x157: {  	v3 =	vld [tilespmem:s4+$0xFFFFFFF0];
	[tilespmem:s3+$0x30] =	vst v7;
	v4 =	vmul.f32 v4, v0  }
0x158: {  	v7 =	vld [tilespmem:s4+$0xFFFFFF80];
	[tilespmem:s3+$0x40] =	vst v2;
	v2 =	vmul.f32 v5, v0  }
0x159: {  	v5 =	vld [tilespmem:s4+$0xFFFFFF90];
	[tilespmem:s3+$0x50] =	vst v4;
	v4 =	vmul.f32 v6, v0  }
0x15a: {  	v6 =	vld [tilespmem:s4+$0xFFFFFFA0];
	[tilespmem:s3+$0x60] =	vst v2  }
0x15b: {  	v0 =	vmov v8;
	v10 =	vld [tilespmem:s4+$0xFFFFFFB0];
	[tilespmem:s3+$0x70] =	vst v4;
	s3 =	smov.u32 s4  }
.Ltmp4:
0x15c: {  	v4 =	vld [tilespmem:s4+$0xFFFFFFC0];
	v8 =	vmul.f32 v3, v1;
	(pc) =	sbr.rel @p0 .LBB2_11-.Ltmp4, $4  }
0x15d: {  	v7 =	vmul.f32 v7, v1;
	v3 =	vld [tilespmem:s4+$0xFFFFFFD0]  }
0x15e: {  	v5 =	vmul.f32 v5, v1;
	v2 =	vld [tilespmem:s4+$0xFFFFFFE0];
	[tilespmem:s4+$0xFFFFFFF0] =	vst v8  }
0x15f: {  	[tilespmem:s4+$0xFFFFFF80] =	vst v7;
	v8 =	vmul.f32 v6, v1;
	v6 =	vld [tilespmem:s4+$0x0]  }
0x160: {  	s7 =	sadd.s32 $0x2, s7;
	v9 =	vmov s6;
	[tilespmem:s4+$0xFFFFFF90] =	vst v5;
	v7 =	vmul.f32 v10, v1;
	v5 =	vld [tilespmem:s4+$0x10]  }
0x161: {  	v10 =	vld [tilespmem:s4+$0x20]  }
0x162: {  	v11 =	vld [tilespmem:s4+$0x30]  }
0x163: {  	s6 =	sadd.s32 $0x1, s6;
	v13 =	vld [tilespmem:s4+$0x40];
	[tilespmem:s4+$0xFFFFFFA0] =	vst v8;
	v4 =	vmul.f32 v4, v1  }
0x164: {  	v22 =	vld [tilespmem:s4+$0x50];
	v12 =	vmov s6;
	[tilespmem:s4+$0xFFFFFFB0] =	vst v7;
	v3 =	vmul.f32 v3, v1  }
0x165: {  	v23 =	vld [tilespmem:s4+$0x60];
	[tilespmem:s4+$0xFFFFFFC0] =	vst v4;
	v24 =	vmul.f32 v2, v1  }
0x166: {  	v25 =	vld [tilespmem:s4+$0x70];
	s17 =	sadd.s32 $0x100, s4;
	v6 =	vmul.f32 v6, v0;
	[tilespmem:s4+$0xFFFFFFD0] =	vst v3  }
0x167: {  	v31 =	vld [tilespmem:s17+$0xFFFFFFF0];
	v26 =	vmul.f32 v5, v0;
	[tilespmem:s4+$0xFFFFFFE0] =	vst v24  }
0x168: {  	v46 =	vld [tilespmem:s17+$0x0];
	[tilespmem:s4+$0x0] =	vst v6;
	v28 =	vmul.f32 v10, v0  }
0x169: {  	v30 =	vmul.f32 v11, v0;
	v27 =	vld.idx.msk [tilespmem:v12+s25+$0x0], $0xffff;
	[tilespmem:s4+$0x10] =	vst v26  }
0x16a: {  	v9 =	vand.u32 $0xFFFFFFFE, v9;
	v47 =	vld [tilespmem:s17+$0x10];
	v32 =	vmul.f32 v13, v0;
	[tilespmem:s3+$0x20] =	vst v28  }
0x16b: {  	v9 =	vbroadcast v9, $0x0;
	v49 =	vld [tilespmem:s17+$0x20];
	v34 =	vmul.f32 v22, v0;
	[tilespmem:s3+$0x30] =	vst v30  }
0x16c: {  	v51 =	vld [tilespmem:s17+$0x30];
	v36 =	vmul.f32 v23, v0;
	[tilespmem:s3+$0x40] =	vst v32  }
0x16d: {  	v53 =	vld [tilespmem:s17+$0x40];
	v38 =	vmul.f32 v25, v0;
	[tilespmem:s3+$0x50] =	vst v34  }
0x16e: {  	v55 =	vld [tilespmem:s17+$0x50];
	[tilespmem:s3+$0x60] =	vst v36;
	v54 =	vmul.f32 v46, v27  }
0x16f: {  	v57 =	vld [tilespmem:s17+$0x60];
	[tilespmem:s3+$0x70] =	vst v38;
	v56 =	vmul.f32 v47, v27  }
0x170: {  	v58 =	vld [tilespmem:s17+$0x70];
	v1 =	vmul.f32 v49, v27;
	[tilespmem:s17+$0x0] =	vst v54  }
0x171: {  	v29 =	vld.idx.msk [tilespmem:v9+s25+$0x0], $0xffff;
	v59 =	vmul.f32 v51, v27;
	[tilespmem:s17+$0x10] =	vst v56  }
0x172: {  	v33 =	vld [tilespmem:s17+$0xFFFFFF80];
	v60 =	vmul.f32 v53, v27;
	[tilespmem:s17+$0x20] =	vst v1  }
0x173: {  	v35 =	vld [tilespmem:s17+$0xFFFFFF90];
	v61 =	vmul.f32 v55, v27;
	[tilespmem:s17+$0x30] =	vst v59  }
0x174: {  	v37 =	vld [tilespmem:s17+$0xFFFFFFA0];
	v62 =	vmul.f32 v57, v27;
	[tilespmem:s17+$0x40] =	vst v60  }
0x175: {  	v39 =	vld [tilespmem:s17+$0xFFFFFFB0];
	v63 =	vmul.f32 v58, v27;
	[tilespmem:s17+$0x50] =	vst v61  }
0x176: {  	v40 =	vld [tilespmem:s17+$0xFFFFFFC0];
	v41 =	vmul.f32 v31, v29;
	[tilespmem:s17+$0x60] =	vst v62  }
0x177: {  	v43 =	vld [tilespmem:s17+$0xFFFFFFD0];
	v42 =	vmul.f32 v33, v29;
	[tilespmem:s17+$0x70] =	vst v63  }
0x178: {  	v44 =	vld [tilespmem:s17+$0xFFFFFFE0];
	v8 =	vmul.f32 v35, v29;
	[tilespmem:s17+$0xFFFFFFF0] =	vst v41  }
0x179: {  	v45 =	vmul.f32 v37, v29;
	[tilespmem:s17+$0xFFFFFF80] =	vst v42  }
0x17a: {  	v2 =	vmul.f32 v39, v29;
	[tilespmem:s17+$0xFFFFFF90] =	vst v8  }
0x17b: {  	v48 =	vmul.f32 v40, v29;
	[tilespmem:s17+$0xFFFFFFA0] =	vst v45  }
0x17c: {  	v50 =	vmul.f32 v43, v29;
	[tilespmem:s17+$0xFFFFFFB0] =	vst v2  }
0x17d: {  	v52 =	vmul.f32 v44, v29;
	[tilespmem:s17+$0xFFFFFFC0] =	vst v48  }
0x17e: {  	[tilespmem:s17+$0xFFFFFFD0] =	vst v50  }
0x17f: {  	s20 =	simm.s32 $0x15C00;
	[tilespmem:s17+$0xFFFFFFE0] =	vst v52  }
0x180: {  	[spmem:s2] =	stream.indirect.scatter.add.f32 [tilespmem:s19], [sflag:$0x4], $0x80, s20, s26, $0xb8;
	[tilespmem:$0x1E880] =	vst v63  }
0x181: {  	_ =	swait.ge [sflag:s5], $0x2800  }
0x182: {  	[sflag:s5] =	ssyncset.done $0x0  }
0x183: {  	s12 =	sadd.s32 $0x1, s12;
	[sflag:s5] =	ssyncadd.s32 $0xFFFFD800  }
0x184: {  	p0 =	sne.s32 s12, $0x5;
	_ =	swait.ge [sflag:s11], $0x2800  }
.Ltmp5:
0x185: {  	[sflag:s11] =	ssyncset.done $0x0;
	(pc) =	sbr.rel @p0 .LBB2_2-.Ltmp5, $4  }
0x186: {  	[sflag:s11] =	ssyncadd.s32 $0xFFFFD800  }
0x187: {  	_ =	swait.ge [sflag:s31], $0x2800  }
0x188: {  	[sflag:s31] =	ssyncset.done $0x0  }
0x189: {  	[sflag:s31] =	ssyncadd.s32 $0xFFFFD800  }
0x18a: {  	[bflag:$0x0] =	sbarrier.arrive $0xFFFF  }
0x18b: {  	s6 =	rddreg [dreg:$0x9]  }
0x18c: {  	s3 =	rddreg [dreg:$0xa]  }
0x18d: {  	s4 =	rddreg [dreg:$0xc]  }
0x18e: {  	[hbm:s3], [sflag:s6] =	dma.local [spmem:s4], $0x2800  }
0x18f: {  	_ =	swait.ge [sflag:s14], $0x2800  }
0x190: {  	s9 =	rddreg [dreg:$0x4]  }
0x191: {  	s20 =	rddreg [dreg:$0xb];
	s9 =	sadd.s32 $0x1, s9  }
0x192: {  	p0 =	sne.s32 s9, s20  }
.Ltmp6:
0x193: {  	_ = 	snop;
	(pc) =	sbr.rel @p0 .LBB2_1-.Ltmp6, $3  }
0x194: {  	_ =	sdelay $0x1  }
0x195: {  	[sflag:s14] =	ssyncset.done $0x0  }
0x196: {  	[sflag:s14] =	ssyncadd.s32 $0xFFFFD800  }
0x197: {  	_ =	sfence.sel $0x180000  }
0x198: {  	[bflag:$0x0] =	sbarrier.arrive $0xFFFF  }
0x199: {  	_ =	strace $0x9000004D  }
0x19a: {  	s0 =	stileid.u32;
	[bflag:$0x2] =	sbarrier.arrive $0xFFFF  }
0x19b: {  	p0 =	sne.s32 s0, $0x0;
	s0 =	rddreg [dreg:$0x3]  }
0x19c: {  	s0 =	sadd.s32 @!p0 $0x100000, s0  }
0x19d: {  	[sflag:s0] =	ssyncadd.tile.s32 @!p0 $0x1;
	_ =	shalt  }
.Lfunc_end2:
_tile_overlayer_lowered:
.L_overlay_start_2:
0x19e: {  	(tag) =	ssettag $0x2  }
0x19f: {  	s0 =	rddreg [dreg:$0x0];
	s2 =	stileid.u32  }
0x1a0: {  	s1 =	rddreg [dreg:$0x1];
	p0 =	sne.s32 s2, $0x0  }
0x1a1: {  	s3 =	rddreg [dreg:$0x2];
	[bflag:$0x3] =	sbarrier.arrive $0xFFFF;
	s2 =	simm.s32 @!p0 $0x1C07  }
0x1a2: {  	[timem:s3], [sflag:s2] =	dma.local @!p0 [hbm:s0], s1  }
0x1a3: {  	s0 =	simm.s32 @!p0 $0x7  }
0x1a4: {  	_ =	swait.ge @!p0 [sflag:s0], s1  }
0x1a5: {  	s1 =	ssub.s32 @!p0 $0x0, s1;
	[sflag:s0] =	ssyncset.done @!p0 $0x0  }
0x1a6: {  	[sflag:s0] =	ssyncadd.s32 @!p0 s1  }
0x1a7: {  	[bflag:$0x3] =	sbarrier.arrive $0xFFFF  }
0x1a8: {  	_ =	shalt  }

// kernel: kernel.9.cloned.1.call-start
scs
__scs_entry_jumppad:
0x0: {  	(pc) =	sbr.rel $0x88, $3  }
0x1: {  	(tag) =	ssettag $0x0;
	lr =	simm.s32 $0x1  }
0x2: {  	[smem:$0x3F9A] =	sst lr;
	_ =	strace $0xD0000000  }
0x3: {  	_ = 	snop  }
0x4: {  	_ = 	snop  }
0x5: {  	_ = 	snop  }
0x6: {  	_ = 	snop  }
0x7: {  	_ = 	snop  }
__scs_overlays_trampoline_lowered:
0x8: {  	[smem:$0x3FA9] =	sst s0  }
0x9: {  	[smem:$0x3FAA] =	sst s1  }
0xa: {  	[smem:$0x3FAB] =	sst s2  }
0xb: {  	[smem:$0x3FAC] =	sst s3  }
0xc: {  	[smem:$0x3FAD] =	sst s4  }
0xd: {  	[smem:$0x3FAE] =	sst s5  }
0xe: {  	[smem:$0x3FAF] =	sst s6  }
0xf: {  	[smem:$0x3FB0] =	sst s7  }
0x10: {  	[smem:$0x3FB1] =	sst s8  }
0x11: {  	[smem:$0x3FB2] =	sst s9;
	s0 =	simm.s32 @!p0 $0x0  }
0x12: {  	s1 =	sld [smem:$0x3F98];
	s0 =	simm.s32 @p0 $0x1  }
0x13: {  	[smem:$0x3FB3] =	sst s0;
	s0 =	simm.s32 @!p1 $0x0  }
0x14: {  	s2 =	sld [smem:$0x3F97];
	s0 =	simm.s32 @p1 $0x1  }
0x15: {  	[smem:$0x3FB4] =	sst s0;
	s0 =	simm.s32 @!p2 $0x0  }
0x16: {  	s3 =	sld [smem:$0x3FDB];
	s0 =	simm.s32 @p2 $0x1  }
0x17: {  	s4 =	simm.s32 $0x1BF5;
	[smem:$0x3FB6] =	sst s0  }
0x18: {  	s0 =	sld [smem:$0x3F99];
	_ =	swait.ge [sflag:s4], $0x0  }
0x19: {  	s7 =	sld [smem:$0x3F9A]  }
0x1a: {  	s8 =	sadd.s32 $0xFFFFE003, lr  }
0x1b: {  	s9 =	sadd.s32 $0xFFFFFEF7, lr;
	s5 =	simm.s32 $0xFFFFFFFF;
	p2 =	slt.u32 s8, $0xFFFFF086  }
0x1c: {  	p1 =	slt.u32 s9, $0xF7A;
	s5 =	simm.s32 @!p2 $0x0  }
0x1d: {  	s5 =	simm.s32 @p1 $0x1;
	p0 =	seq.s32 s7, s2  }
0x1e: {  	s7 =	smul.u32 @!p0 $0xF7A, s2;
	p2 =	seq.s32 @!p0 s5, $0x0  }
0x1f: {  	s9 =	smul.u32 $0xF7A, s1;
	s8 =	simm.s32 @!p0 $0x1BF5;
	p2 =	por !p2, p0  }
0x20: {  	[sflag:s8] =	ssyncset.s32 @!p0 $0xFFFFF086;
	s6 =	sadd.s32 @!p0 s3, s7;
	s7 =	simm.s32 @!p0 $0x108  }
0x21: {  	s3 =	sadd.s32 s3, s9;
	s6 =	sadd.s32 @!p0 $0x88, s6;
	s7 =	simm.s32 @p2 $0x1082  }
0x22: {  	[simem:s7], [sflag:s8] =	dma.local @!p0 [hbm:s6], $0xF7A  }
0x23: {  	s9 =	sor.u32 $0xD0000000, s2;
	s6 =	simm.s32 $0x108;
	_ =	swait.ge @!p0 [sflag:s8], $0x0  }
0x24: {  	s3 =	sadd.s32 $0x88, s3;
	s6 =	simm.s32 @!p1 $0x1082;
	[sflag:s4] =	ssyncset.s32 $0xFFFFF086  }
0x25: {  	[simem:s6], [sflag:s4] =	dma.local [hbm:s3], $0xF7A  }
0x26: {  	[smem:$0x3F9A] =	sst s1;
	(tag) =	ssettag s2;
	_ =	strace s9  }
0x27: {  	s1 =	sld [smem:$0x3FAA]  }
0x28: {  	s2 =	sld [smem:$0x3FAB]  }
0x29: {  	s4 =	sld [smem:$0x3FAD]  }
0x2a: {  	p0 =	seq.s32 s5, $0x0;
	s5 =	sld [smem:$0x3FAE]  }
0x2b: {  	s6 =	sld [smem:$0x3FAF]  }
0x2c: {  	s7 =	sld [smem:$0x3FB0]  }
0x2d: {  	s3 =	simm.s32 $0x108;
	s8 =	sld [smem:$0x3FB1]  }
0x2e: {  	s3 =	simm.s32 @!p0 $0x1082;
	s9 =	sld [smem:$0x3FB2]  }
0x2f: {  	lr =	sadd.s32 s0, s3;
	s0 =	sld [smem:$0x3FA9]  }
0x30: {  	s3 =	sld [smem:$0x3FAC]  }
0x31: {  	[smem:$0x3FB5] =	sst s10  }
0x32: {  	s10 =	sld [smem:$0x3FB3];
	_ =	sdelay $0x3  }
0x33: {  	p0 =	seq.s32 s10, $0x1;
	s10 =	sld [smem:$0x3FB5];
	_ =	sdelay $0x3  }
0x34: {  	[smem:$0x3FB5] =	sst s10  }
0x35: {  	s10 =	sld [smem:$0x3FB4];
	_ =	sdelay $0x3  }
0x36: {  	p1 =	seq.s32 s10, $0x1;
	s10 =	sld [smem:$0x3FB5];
	_ =	sdelay $0x3  }
0x37: {  	[smem:$0x3FB5] =	sst s10  }
0x38: {  	s10 =	sld [smem:$0x3FB6]  }
0x39: {  	_ = 	snop;
	(pc) =	sbr.ind lr, $3  }
0x3a: {  	_ = 	snop  }
0x3b: {  	_ = 	snop  }
0x3c: {  	p2 =	seq.s32 s10, $0x1;
	s10 =	sld [smem:$0x3FB5]  }
0x3d: {  	_ =	shalt  }
0x3e: {  	_ =	shalt  }
0x3f: {  	_ =	shalt  }
0x40: {  	_ =	shalt  }
0x41: {  	_ =	shalt  }
0x42: {  	_ =	shalt  }
0x43: {  	_ =	shalt  }
0x44: {  	_ =	shalt  }
0x45: {  	_ =	shalt  }
0x46: {  	_ =	shalt  }
0x47: {  	_ =	shalt  }
0x48: {  	_ =	shalt  }
0x49: {  	_ =	shalt  }
0x4a: {  	_ =	shalt  }
0x4b: {  	_ =	shalt  }
0x4c: {  	_ =	shalt  }
0x4d: {  	_ =	shalt  }
0x4e: {  	_ =	shalt  }
0x4f: {  	_ =	shalt  }
0x50: {  	_ =	shalt  }
0x51: {  	_ =	shalt  }
0x52: {  	_ =	shalt  }
0x53: {  	_ =	shalt  }
0x54: {  	_ =	shalt  }
0x55: {  	_ =	shalt  }
0x56: {  	_ =	shalt  }
0x57: {  	_ =	shalt  }
0x58: {  	_ =	shalt  }
0x59: {  	_ =	shalt  }
0x5a: {  	_ =	shalt  }
0x5b: {  	_ =	shalt  }
0x5c: {  	_ =	shalt  }
0x5d: {  	_ =	shalt  }
0x5e: {  	_ =	shalt  }
0x5f: {  	_ =	shalt  }
0x60: {  	_ =	shalt  }
0x61: {  	_ =	shalt  }
0x62: {  	_ =	shalt  }
0x63: {  	_ =	shalt  }
0x64: {  	_ =	shalt  }
0x65: {  	_ =	shalt  }
0x66: {  	_ =	shalt  }
0x67: {  	_ =	shalt  }
0x68: {  	_ =	shalt  }
0x69: {  	_ =	shalt  }
0x6a: {  	_ =	shalt  }
0x6b: {  	_ =	shalt  }
0x6c: {  	_ =	shalt  }
0x6d: {  	_ =	shalt  }
0x6e: {  	_ =	shalt  }
0x6f: {  	_ =	shalt  }
0x70: {  	_ =	shalt  }
0x71: {  	_ =	shalt  }
0x72: {  	_ =	shalt  }
0x73: {  	_ =	shalt  }
0x74: {  	_ =	shalt  }
0x75: {  	_ =	shalt  }
0x76: {  	_ =	shalt  }
0x77: {  	_ =	shalt  }
0x78: {  	_ =	shalt  }
0x79: {  	_ =	shalt  }
0x7a: {  	_ =	shalt  }
0x7b: {  	_ =	shalt  }
0x7c: {  	_ =	shalt  }
0x7d: {  	_ =	shalt  }
0x7e: {  	_ =	shalt  }
0x7f: {  	_ =	shalt  }
0x80: {  	_ =	shalt  }
0x81: {  	_ =	shalt  }
0x82: {  	_ =	shalt  }
0x83: {  	_ =	shalt  }
0x84: {  	_ =	shalt  }
0x85: {  	_ =	shalt  }
0x86: {  	_ =	shalt  }
0x87: {  	_ =	shalt  }
.Lfunc_end0:
.L_simem_size_0:
called_computation_lowered:
.L_overlay_start_0:
0x88: {  	s2 =	sld [smem:$0x3FD9]  }
0x89: {  	s3 =	sld [smem:$0x3FFE];
	_ =	sdelay $0x1  }
0x8a: {  	s1 =	srdreg.scid  }
0x8b: {  	s0 =	sand.u32 $0x1, s1  }
0x8c: {  	s17 =	sshll.u32 s0, $0xA;
	s2 =	sadd.s32 s3, s2  }
0x8d: {  	s2 =	sadd.s32 s2, s17  }
0x8e: {  	[smem:$0x3FC1] =	sst s2  }
0x8f: {  	_ = 	snop  }
0x90: {  	s2 =	sld [smem:$0x3FD0];
	(tm) =	ssettm $0x1  }
0x91: {  	s18 =	sld [smem:$0x3FFB];
	_ =	sdelay $0x3  }
0x92: {  	_ =	strace s18  }
0x93: {  	s3 =	sld [smem:$0x3FFC];
	_ =	sdelay $0x3  }
0x94: {  	_ =	strace s3  }
0x95: {  	s3 =	sld [smem:$0x3FFD];
	_ =	sdelay $0x3  }
0x96: {  	_ =	strace s3  }
0x97: {  	_ =	strace $0x8FFFFFFF  }
0x98: {  	s19 =	sld [smem:$0x3FDB];
	_ =	sdelay $0x1  }
0x99: {  	s4 =	simm.s32 $_scs_section_size  }
0x9a: {  	s5 =	simm.s32 $_size__tile_overlayer_lowered;
	s6 =	simm.s32 $_tile_overlayer_lowered  }
0x9b: {  	s22 =	simm.s32 $0x1BFF;
	s21 =	sshll.u32 s6, $0x1;
	s3 =	sadd.s32 s4, s19  }
0x9c: {  	s7 =	simm.s32 $0x0;
	s20 =	sshll.u32 s5, $0x1;
	s5 =	sadd.s32 s21, s3  }
0x9d: {  	[timem:s7], [sflag:s22] =	dma.local [hbm:s5], s20  }
0x9e: {  	_ =	swait.ge [sflag:s22], s20  }
0x9f: {  	s4 =	ssub.s32 $0x0, s20;
	[sflag:s22] =	ssyncset.done $0x0  }
0xa0: {  	[sflag:s22] =	ssyncadd.s32 s4;
	_ =	sdelay $0x1  }
0xa1: {  	s23 =	simm.s32 $0x1B8B  }
0xa2: {  	_ =	swait.ge [sflag:s23], $0x1  }
0xa3: {  	[sflag:s23] =	ssyncset.done $0x0  }
0xa4: {  	s25 =	simm.s32 $0x1B8E;
	s24 =	sld [smem:$0x3FFE];
	[sflag:s23] =	ssyncadd.s32 $0xFFFFFFFF  }
0xa5: {  	s26 =	simm.s32 $execute0_lowered;
	[smem:$0x3FD2] =	sst s25  }
0xa6: {  	s5 =	sshll.u32 s26, $0x1;
	_ =	strace $0x80000046;
	[dreg:$0x1] =	wrdreg $0xFFFFFFFF  }
0xa7: {  	s28 =	simm.s32 $_size_execute0_lowered;
	s3 =	sadd.s32 s3, s5;
	[dreg:$0x0] =	wrdreg $0x0  }
0xa8: {  	s5 =	sshll.u32 s28, $0x1;
	[dreg:$0x2] =	wrdreg s3  }
0xa9: {  	[dreg:$0x3] =	wrdreg s5  }
0xaa: {  	[dreg:$0x4] =	wrdreg $0xC0  }
0xab: {  	_ =	task [dreg:s7], $0x5FFFF  }
0xac: {  	[dreg:$0x1] =	wrdreg $0xFFFFFFFF  }
0xad: {  	[dreg:$0x0] =	wrdreg $0x60  }
0xae: {  	[dreg:$0x2] =	wrdreg s24  }
0xaf: {  	[dreg:$0x3] =	wrdreg s2  }
0xb0: {  	[dreg:$0x4] =	wrdreg $0x0  }
0xb1: {  	[dreg:$0x5] =	wrdreg $0x9  }
0xb2: {  	_ =	task.clear_ibuf [dreg:s7], $0x6FFFF;
	_ =	strace $0x90000046  }
0xb3: {  	s29 =	simm.s32 $0x9;
	_ =	strace $0x80000048  }
0xb4: {  	_ =	swait.ge [sflag:s29], $0x1  }
0xb5: {  	[sflag:s29] =	ssyncadd.s32 $0xFFFFFFFF  }
0xb6: {  	_ =	strace $0x90000048  }
0xb7: {  	_ =	sfence  }
0xb8: {  	s30 =	sld [smem:$0x0];
	_ =	sdelay $0x2  }
0xb9: {  	s31 =	sshll.u32 s1, $0xD;
	s1 =	sshrl.u32 s1, $0x2  }
0xba: {  	s3 =	sand.u32 $0x4000, s31;
	s1 =	sadd.s32 s1, s30  }
0xbb: {  	s0 =	sor.u32 s3, s0;
	s1 =	sshll.u32 s1, $0x11  }
0xbc: {  	s0 =	sor.u32 s1, s0  }
0xbd: {  	s0 =	sadd.s32 $0x8F2B, s0  }
0xbe: {  	[sflag:s0] =	ssyncadd.remote.s32 $0x1  }
0xbf: {  	_ =	sfence.sel $0xFFFF  }
0xc0: {  	[dreg:$0x0] =	wrdreg $0xFFFFFFFF;
	(pc) =	sbr.abs _section_cstart, $3  }
0xc1: {  	[dreg:$0x1] =	wrdreg $0xFFFFFFFF  }
0xc2: {  	_ =	task.clear_ibuf [dreg:s7], $0x2FFFF;
	_ =	strace $0x9FFFFFFF  }
0xc3: {  	(tm) =	ssettm $0x7FFFFFFF  }
tec
execute0_lowered:
.L_overlay_start_1:
0x0: {  	(tag) =	ssettag $0x1  }
0x1: {  	s5 =	rddreg [dreg:$0x0]  }
0x2: {  	s6 =	rddreg [dreg:$0x1]  }
0x3: {  	s2 =	rddreg [dreg:$0x2]  }
0x4: {  	s0 =	rddreg [dreg:$0x3];
	s3 =	simm.s32 $0x0;
	s4 =	srdreg.scid  }
0x5: {  	s1 =	stileid.u32;
	s14 =	simm.s32 $0x50;
	s15 =	simm.s32 $0x0  }
0x6: {  	[smem:$0x7FF] =	sst s3;
	s7 =	sand.u32 $0x1, s4;
	s8 =	smul.u32 $0x280, s1  }
0x7: {  	s4 =	sadd.s32 $0x12200, s5;
	s10 =	sshll.u32 s1, $0xC;
	s31 =	sshll.u32 s1, $0x6  }
0x8: {  	s9 =	smul.u32 $0x2800, s7;
	s11 =	sshll.u32 s7, $0xB;
	s7 =	ssub.s32 $0x2, s7  }
0x9: {  	_ =	strace $0x80000047;
	s10 =	sor.u32 s11, s10;
	s12 =	sshrl.u32 s7, $0x1  }
0xa: {  	s13 =	sadd.s32 s8, s2;
	s9 =	sadd.s32 s8, s9;
	s11 =	sadd.s32 s10, s5  }
0xb: {  	s12 =	ssub.s32 s7, s12;
	s6 =	sadd.s32 s6, s10;
	s10 =	sshrl.u32 s13, $0x3  }
0xc: {  	s13 =	simm.s32 $0x4280;
	s9 =	sshrl.u32 s9, $0x3;
	s7 =	sadd.s32 $0x2200, s11  }
0xd: {  	s11 =	simm.s32 $0x1;
	s9 =	sadd.s32 s9, s5;
	s5 =	sor.u32 $0x1C01, s31  }
0xe: {  	s8 =	sadd.s32 $0x12400, s9;
	s9 =	smax.u32 s12, $0x1;
	s12 =	simm.s32 $0x280  }
.LBB2_1:
0xf: {  	[spmem:s10], [sflag:s5] =	dma.local [hbm:s4], $0x50  }
0x10: {  	_ =	swait.ge [sflag:s11], $0x50  }
0x11: {  	[sflag:s11] =	ssyncset.done $0x0  }
0x12: {  	[sflag:s11] =	ssyncadd.s32 $0xFFFFFFB0  }
0x13: {  	[tilespmem:s12], [sflag:$0x1] =	stream.linear.gather [hbm4b:s6+s3], $0x3E80, $0x38;
	[tilespmem:$0x8280] =	vst v63  }
0x14: {  	_ =	swait.ge [sflag:s11], $0x3E80  }
0x15: {  	[sflag:s11] =	ssyncset.done $0x0  }
0x16: {  	[sflag:s11] =	ssyncadd.s32 $0xFFFFC180  }
0x17: {  	[tilespmem:s13], [sflag:$0x1] =	stream.linear.gather [hbm4b:s7+s3], $0x3E80, $0x38;
	[tilespmem:$0x8280] =	vst v63  }
0x18: {  	_ =	swait.ge [sflag:s11], $0x3E80  }
0x19: {  	[sflag:s11] =	ssyncset.done $0x0  }
0x1a: {  	[sflag:s11] =	ssyncadd.s32 $0xFFFFC180  }
0x1b: {  	s16 =	simm.s32 $0x4280;
	s17 =	simm.s32 $0x280;
	[bflag:$0x0] =	sbarrier.arrive $0xFFFF  }
0x1c: {  	[spmem:s2] =	stream.indirect.scatter.add.f32 [tilespmem:s16], [sflag:$0x1], $0x1, s17, s14, $0xb8;
	[tilespmem:$0x8280] =	vst v63  }
0x1d: {  	s16 =	simm.s32 $0x200;
	_ =	swait.ge [sflag:s11], $0x50  }
.LBB2_2:
0x1e: {  	s17 =	sshra.s32 s16, $0x2  }
0x1f: {  	[sflag:s11] =	ssyncset.done $0x0;
	p0 =	sne.s32 s16, $0xF800;
	s18 =	sadd.s32 $0x4280, s17  }
.Ltmp0:
0x20: {  	s17 =	sadd.s32 $0x280, s17;
	[sflag:s11] =	ssyncadd.s32 $0xFFFFFFB0;
	(pc) =	sbr.rel @p0 .LBB2_2-.Ltmp0, $3  }
0x21: {  	[spmem:s2] =	stream.indirect.scatter.add.f32 [tilespmem:s18], [sflag:$0x1], $0x1, s17, s14, $0xb8;
	[tilespmem:$0x8280] =	vst v63  }
0x22: {  	s16 =	sadd.s32 $0x200, s16;
	_ =	sdelay $0x1  }
0x23: {  	_ =	swait.ge [sflag:s11], $0x50  }
0x24: {  	[sflag:s11] =	ssyncset.done $0x0;
	s15 =	sadd.s32 $0x1, s15  }
0x25: {  	[sflag:s11] =	ssyncadd.s32 $0xFFFFFFB0;
	p0 =	sne.s32 s15, s9  }
.Ltmp1:
0x26: {  	[bflag:$0x0] =	sbarrier.arrive $0xFFFF;
	(pc) =	sbr.rel @p0 .LBB2_1-.Ltmp1, $4  }
0x27: {  	[hbm:s8], [sflag:s5] =	dma.local [spmem:s10], $0x50  }
0x28: {  	_ =	swait.ge [sflag:s11], $0x50  }
0x29: {  	[sflag:s11] =	ssyncset.done $0x0  }
0x2a: {  	[sflag:s11] =	ssyncadd.s32 $0xFFFFFFB0  }
0x2b: {  	_ =	sfence.sel $0x180000  }
0x2c: {  	[bflag:$0x0] =	sbarrier.arrive $0xFFFF  }
0x2d: {  	p0 =	sne.s32 s1, $0x0;
	_ =	strace $0x90000047  }
0x2e: {  	s0 =	sadd.s32 @!p0 $0x100000, s0;
	[bflag:$0x2] =	sbarrier.arrive $0xFFFF  }
0x2f: {  	[sflag:s0] =	ssyncadd.tile.s32 @!p0 $0x1;
	_ =	shalt  }
.Lfunc_end2:
_tile_overlayer_lowered:
.L_overlay_start_2:
0x30: {  	(tag) =	ssettag $0x2  }
0x31: {  	s0 =	rddreg [dreg:$0x0];
	s2 =	stileid.u32  }
0x32: {  	s1 =	rddreg [dreg:$0x1];
	p0 =	sne.s32 s2, $0x0  }
0x33: {  	s3 =	rddreg [dreg:$0x2];
	[bflag:$0x3] =	sbarrier.arrive $0xFFFF;
	s2 =	simm.s32 @!p0 $0x1C01  }
0x34: {  	[timem:s3], [sflag:s2] =	dma.local @!p0 [hbm:s0], s1  }
0x35: {  	s0 =	simm.s32 @!p0 $0x1  }
0x36: {  	_ =	swait.ge @!p0 [sflag:s0], s1  }
0x37: {  	s1 =	ssub.s32 @!p0 $0x0, s1;
	[sflag:s0] =	ssyncset.done @!p0 $0x0  }
0x38: {  	[sflag:s0] =	ssyncadd.s32 @!p0 s1  }
0x39: {  	[bflag:$0x3] =	sbarrier.arrive $0xFFFF  }
0x3a: {  	_ =	shalt  }

</sc_bundles>
